<compile_context>
chip_gen: v7x
topology: tpu7x:2x2x1
jax: 0.10.2.dev20260603
libtpu: 0.0.44.dev20260713+nightly
codegen_flags: <defaults>
</compile_context>

<pallas_src>
import functools

import jax
import jax.numpy as jnp
from jax import lax
from jax.experimental import pallas as pl
from jax.experimental.pallas import tpu as pltpu
from jax.experimental.pallas import tpu_sc as plsc

N = 10000
E = 160000
R = 200
H = 4
DK = 32
ALPHA = 0.2
INP = 384
KP = 10112
RP = 224
NC = 2
NS = 16
NW = NC * NS
CB = 128
NBLK = E // CB
_f32 = jnp.float32
_i32 = jnp.int32


def _nblk_of(wid):
    return jnp.where(wid < NBLK % NW, NBLK // NW + 1, NBLK // NW)



def _proj_mm(ent_pad, wcat, bcat8):
    def body(x_ref, w_ref, b_ref, o_ref):
        o_ref[...] = jnp.dot(x_ref[...], w_ref[...],
                             preferred_element_type=_f32) + b_ref[...][0:1, :]
    return pl.pallas_call(
        body,
        grid=(10,),
        in_specs=[
            pl.BlockSpec((N // 10, INP), lambda i: (i, 0)),
            pl.BlockSpec((INP, 640), lambda i: (0, 0)),
            pl.BlockSpec((8, 640), lambda i: (0, 0)),
        ],
        out_specs=pl.BlockSpec((N // 10, 640), lambda i: (i, 0)),
        out_shape=jax.ShapeDtypeStruct((N, 640), _f32),
    )(ent_pad, wcat, bcat8)


def _rel_mm(r_head_p, r_tail_p, pmat_p, hs128, ts128):
    steps = KP // 128

    def body(rh_ref, rt_ref, p_ref, hs_ref, ts_ref, o_ref, acc_ref):
        k = pl.program_id(0)

        @pl.when(k == 0)
        def _():
            acc_ref[...] = jnp.zeros_like(acc_ref)

        p = p_ref[...]
        acc_ref[:, :128] += jnp.dot(rh_ref[...], p[:, :128],
                                    preferred_element_type=_f32)
        acc_ref[:, 128:] += jnp.dot(rt_ref[...], p[:, 128:],
                                    preferred_element_type=_f32)

        @pl.when(k == steps - 1)
        def _():
            scale = jnp.concatenate([hs_ref[...], ts_ref[...]], axis=1)
            o_ref[...] = jnp.maximum(acc_ref[...] * scale, 0.0)

    return pl.pallas_call(
        body,
        grid=(steps,),
        in_specs=[
            pl.BlockSpec((R, 128), lambda k: (0, k)),
            pl.BlockSpec((R, 128), lambda k: (0, k)),
            pl.BlockSpec((128, 256), lambda k: (k, 0)),
            pl.BlockSpec((R, 128), lambda k: (0, 0)),
            pl.BlockSpec((R, 128), lambda k: (0, 0)),
        ],
        out_specs=pl.BlockSpec((R, 256), lambda k: (0, 0)),
        out_shape=jax.ShapeDtypeStruct((R, 256), _f32),
        scratch_shapes=[pltpu.VMEM((R, 256), _f32)],
    )(r_head_p, r_tail_p, pmat_p, hs128, ts128)


def _st_mm(kq, ms, mt):
    def body(kq_ref, ms_ref, mt_ref, s_ref, t_ref):
        kqv = kq_ref[...]
        s_ref[...] = jnp.dot(kqv[:, :128], ms_ref[...],
                             preferred_element_type=_f32)
        t_ref[...] = jnp.dot(kqv[:, 128:], mt_ref[...],
                             preferred_element_type=_f32)
    return pl.pallas_call(
        body,
        grid=(10,),
        in_specs=[
            pl.BlockSpec((N // 10, 256), lambda i: (i, 0)),
            pl.BlockSpec((128, RP * H), lambda i: (0, 0)),
            pl.BlockSpec((128, RP * H), lambda i: (0, 0)),
        ],
        out_specs=[
            pl.BlockSpec((N // 10, RP * H), lambda i: (i, 0)),
            pl.BlockSpec((N // 10, RP * H), lambda i: (i, 0)),
        ],
        out_shape=[jax.ShapeDtypeStruct((N, RP * H), _f32),
                   jax.ShapeDtypeStruct((N, RP * H), _f32)],
    )(kq, ms, mt)


def _eidx_mm(src2, dst2, et2):
    def body(s_ref, d_ref, t_ref, si_ref, di_ref):
        t = t_ref[...]
        si_ref[...] = s_ref[...] * RP + t
        di_ref[...] = d_ref[...] * RP + t
    rows = E // 128
    return pl.pallas_call(
        body,
        grid=(1,),
        in_specs=[pl.BlockSpec((rows, 128), lambda i: (0, 0))] * 3,
        out_specs=[pl.BlockSpec((rows, 128), lambda i: (0, 0))] * 2,
        out_shape=[jax.ShapeDtypeStruct((rows, 128), _i32)] * 2,
    )(src2, dst2, et2)


def _final_mm(ar0, ar1, den0, den1, av0, av1, ent, ov, orr, outb8, exp4, exp8,
              a2):
    def body(r0_ref, r1_ref, d0_ref, d1_ref, a0_ref, a1_ref, e_ref, ov_ref,
             or_ref, ob_ref, e4_ref, e8_ref, sa_ref, o_ref):
        denom = d0_ref[...][:, 0:4] + d1_ref[...][:, 0:4]
        inv = 1.0 / (denom + 1e-16)
        inv128 = jnp.dot(inv, e4_ref[...][0:4, :], preferred_element_type=_f32)
        inv256 = jnp.dot(inv, e8_ref[...][0:4, :], preferred_element_type=_f32)
        av = a0_ref[...] + a1_ref[...]
        zv = jnp.maximum(av * inv128, 0.0)
        ar = jnp.concatenate([r0_ref[...], r1_ref[...]], axis=1)
        zr = jnp.maximum(ar * inv256, 0.0)
        out = (jnp.dot(zv, ov_ref[...], preferred_element_type=_f32)
               + jnp.dot(zr, or_ref[...], preferred_element_type=_f32)
               + ob_ref[...][0:1, :])
        a = sa_ref[0, 0]
        o_ref[...] = out * a + e_ref[...] * (1.0 - a)

    BN = N // 10
    return pl.pallas_call(
        body,
        grid=(10,),
        in_specs=[
            pl.BlockSpec((BN, 128), lambda i: (i, 0)),
            pl.BlockSpec((BN, 128), lambda i: (i, 0)),
            pl.BlockSpec((BN, 128), lambda i: (i, 0)),
            pl.BlockSpec((BN, 128), lambda i: (i, 0)),
            pl.BlockSpec((BN, 128), lambda i: (i, 0)),
            pl.BlockSpec((BN, 128), lambda i: (i, 0)),
            pl.BlockSpec((BN, 128), lambda i: (i, 0)),
            pl.BlockSpec((128, 128), lambda i: (0, 0)),
            pl.BlockSpec((256, 128), lambda i: (0, 0)),
            pl.BlockSpec((8, 128), lambda i: (0, 0)),
            pl.BlockSpec((8, 128), lambda i: (0, 0)),
            pl.BlockSpec((8, 256), lambda i: (0, 0)),
            pl.BlockSpec(memory_space=pltpu.SMEM),
        ],
        out_specs=pl.BlockSpec((BN, 128), lambda i: (i, 0)),
        out_shape=jax.ShapeDtypeStruct((N, 128), _f32),
    )(ar0, ar1, den0, den1, av0, av1, ent, ov, orr, outb8, exp4, exp8, a2)



_MESH = plsc.VectorSubcoreMesh(core_axis_name="c", subcore_axis_name="s")
_SC_PARAMS = pltpu.CompilerParams(needs_layout_passes=False,
                                  use_tc_tiling_on_sc=False)
_INV_SQRT = 1.0 / (DK ** 0.5)


@functools.partial(
    pl.kernel,
    out_type=[jax.ShapeDtypeStruct((E * H,), _f32),
              jax.ShapeDtypeStruct((NW * 16,), _f32)],
    mesh=_MESH,
    compiler_params=_SC_PARAMS,
    scratch_types=[
        pltpu.VMEM((CB,), _i32),
        pltpu.VMEM((CB,), _i32),
        pltpu.VMEM((CB, H), _f32),
        pltpu.VMEM((CB, H), _f32),
        pltpu.VMEM((CB * H,), _f32),
        pltpu.VMEM((16,), _f32),
        pltpu.SemaphoreType.DMA,
        pltpu.SemaphoreType.DMA,
    ],
)
def _sweep1(srcidx, dstidx, s_tab, t_tab, att_out, tmax_out,
            ia, ib, sbuf, tbuf, attbuf, maxbuf, sem_a, sem_b):
    wid = lax.axis_index("s") * NC + lax.axis_index("c")
    nblk = _nblk_of(wid)
    io16 = lax.iota(_i32, 16)

    def blk(i, m):
        b = wid + NW * i
        ca = pltpu.async_copy(srcidx.at[pl.ds(b * CB, CB)], ia, sem_a)
        cb = pltpu.async_copy(dstidx.at[pl.ds(b * CB, CB)], ib, sem_b)
        ca.wait()
        cb.wait()
        cs = pltpu.async_copy(s_tab.at[ia], sbuf, sem_a)
        ct = pltpu.async_copy(t_tab.at[ib], tbuf, sem_b)
        cs.wait()
        ct.wait()

        def vec(j, mm):
            fl = j * 16 + io16
            r = fl >> 2
            cc = fl & 3
            sv = plsc.load_gather(sbuf, [r, cc])
            tv = plsc.load_gather(tbuf, [r, cc])
            x = (sv + tv) * _INV_SQRT
            att = -jnp.where(x >= 0, x, ALPHA * x)
            attbuf[pl.ds(j * 16, 16)] = att
            return jnp.maximum(mm, att)

        m = pl.loop(0, CB * H // 16, init_carry=m)(vec)
        pltpu.sync_copy(attbuf, att_out.at[pl.ds(b * CB * H, CB * H)])
        return m

    m = pl.loop(0, nblk, init_carry=jnp.full((16,), -3.4e38, _f32))(blk)
    maxbuf[...] = m
    m = jnp.maximum(m, plsc.load_gather(maxbuf, [(io16 + 8) & 15]))
    maxbuf[...] = m
    m = jnp.maximum(m, plsc.load_gather(maxbuf, [(io16 + 4) & 15]))
    maxbuf[...] = m
    pltpu.sync_copy(maxbuf, tmax_out.at[pl.ds(wid * 16, 16)])


@functools.partial(
    pl.kernel,
    out_type=[jax.ShapeDtypeStruct((E * H,), _f32),
              jax.ShapeDtypeStruct((NC, N, 128), _f32)],
    mesh=_MESH,
    compiler_params=_SC_PARAMS,
    scratch_types=[
        pltpu.VMEM((NW * 16,), _f32),
        pltpu.VMEM((CB * H,), _f32),
        pltpu.VMEM((CB * H,), _f32),
        pltpu.VMEM((CB,), _i32),
        pltpu.VMEM((CB,), _i32),
        pltpu.VMEM((CB, 128), _f32),
        pltpu.VMEM_SHARED((N, 128), _f32),
        pltpu.SemaphoreType.DMA,
        pltpu.SemaphoreType.DMA,
        pltpu.SemaphoreType.DMA,
        pltpu.SemaphoreType.DMA,
    ],
)
def _sweep2(att_in, tmax_in, src, dst, v_tab, e_out, av_out,
            tmaxv, attbuf, ebuf, sidx, didx, vrows, av_sh,
            sem_a, sem_s, sem_d, sem_g):
    c = lax.axis_index("c")
    s = lax.axis_index("s")
    wid = s * NC + c
    nblk = _nblk_of(wid)

    pltpu.sync_copy(tmax_in, tmaxv)
    cvec = jnp.full((16,), -3.4e38, _f32)
    for j in range(NW):
        cvec = jnp.maximum(cvec, tmaxv[pl.ds(j * 16, 16)])

    def zr(j):
        vrows[j >> 3, pl.ds((j & 7) * 16, 16)] = jnp.zeros((16,), _f32)
    pl.loop(0, CB * 8)(zr)
    base = s * (N // NS)
    for tt in range(4):
        pltpu.sync_copy(vrows, av_sh.at[pl.ds(base + tt * CB, CB)])
    pltpu.sync_copy(vrows.at[pl.ds(0, N // NS - 4 * CB)],
                    av_sh.at[pl.ds(base + 4 * CB, N // NS - 4 * CB)])
    plsc.subcore_barrier()

    def blk(i, _):
        b = wid + NW * i
        ca = pltpu.async_copy(att_in.at[pl.ds(b * CB * H, CB * H)], attbuf,
                              sem_a)
        cs = pltpu.async_copy(src.at[pl.ds(b * CB, CB)], sidx, sem_s)
        cd = pltpu.async_copy(dst.at[pl.ds(b * CB, CB)], didx, sem_d)
        cs.wait()
        cg = pltpu.async_copy(v_tab.at[sidx], vrows, sem_g)
        ca.wait()
        for j in range(CB * H // 16):
            ebuf[pl.ds(j * 16, 16)] = jnp.exp(attbuf[pl.ds(j * 16, 16)] - cvec)
        pltpu.sync_copy(ebuf, e_out.at[pl.ds(b * CB * H, CB * H)])
        cg.wait()

        def scale(j):
            r = j >> 3
            cc = j & 7
            ei = r * H + (cc >> 1)
            ev = plsc.load_gather(ebuf, [jnp.broadcast_to(ei, (16,))])
            vrows[r, pl.ds(cc * 16, 16)] = vrows[r, pl.ds(cc * 16, 16)] * ev
        pl.loop(0, CB * 8)(scale)
        cd.wait()
        pltpu.sync_copy(vrows, av_sh.at[didx], add=True)
        return 0

    pl.loop(0, nblk, init_carry=0)(blk)
    plsc.subcore_barrier()
    for tt in range(4):
        pltpu.sync_copy(av_sh.at[pl.ds(base + tt * CB, CB)],
                        av_out.at[c, pl.ds(base + tt * CB, CB)])
    pltpu.sync_copy(av_sh.at[pl.ds(base + 4 * CB, N // NS - 4 * CB)],
                    av_out.at[c, pl.ds(base + 4 * CB, N // NS - 4 * CB)])


@functools.partial(
    pl.kernel,
    out_type=jax.ShapeDtypeStruct((NC, N, 128), _f32),
    mesh=_MESH,
    compiler_params=_SC_PARAMS,
    scratch_types=[
        pltpu.VMEM((CB * H,), _f32),
        pltpu.VMEM((CB,), _i32),
        pltpu.VMEM((CB,), _i32),
        pltpu.VMEM((CB,), _i32),
        pltpu.VMEM((CB, 128), _f32),
        pltpu.VMEM_SHARED((N, 128), _f32),
        pltpu.SemaphoreType.DMA,
        pltpu.SemaphoreType.DMA,
        pltpu.SemaphoreType.DMA,
        pltpu.SemaphoreType.DMA,
    ],
)
def _sweep3(e_in, et_in, dst, tt_tab, ar_out, ebuf, etb, gidx, didx, rrows,
            ar_sh, sem_a, sem_b, sem_d, sem_g):
    c = lax.axis_index("c")
    s = lax.axis_index("s")
    nblk = jnp.where(s < NBLK % NS, NBLK // NS + 1, NBLK // NS)

    def zr(j):
        rrows[j >> 3, pl.ds((j & 7) * 16, 16)] = jnp.zeros((16,), _f32)
    pl.loop(0, CB * 8)(zr)
    base = s * (N // NS)
    for tt in range(4):
        pltpu.sync_copy(rrows, ar_sh.at[pl.ds(base + tt * CB, CB)])
    pltpu.sync_copy(rrows.at[pl.ds(0, N // NS - 4 * CB)],
                    ar_sh.at[pl.ds(base + 4 * CB, N // NS - 4 * CB)])
    plsc.subcore_barrier()

    def blk(i, _):
        b = s + NS * i
        ca = pltpu.async_copy(e_in.at[pl.ds(b * CB * H, CB * H)], ebuf, sem_a)
        cb = pltpu.async_copy(et_in.at[pl.ds(b * CB, CB)], etb, sem_b)
        cd = pltpu.async_copy(dst.at[pl.ds(b * CB, CB)], didx, sem_d)
        cb.wait()
        for j in range(CB // 16):
            gidx[pl.ds(j * 16, 16)] = etb[pl.ds(j * 16, 16)] + c * R
        cg = pltpu.async_copy(tt_tab.at[gidx], rrows, sem_g)
        ca.wait()
        cg.wait()

        def scale(j):
            r = j >> 3
            cc = j & 7
            ei = r * H + c * 2 + (cc >> 2)
            ev = plsc.load_gather(ebuf, [jnp.broadcast_to(ei, (16,))])
            rrows[r, pl.ds(cc * 16, 16)] = rrows[r, pl.ds(cc * 16, 16)] * ev
        pl.loop(0, CB * 8)(scale)
        cd.wait()
        pltpu.sync_copy(rrows, ar_sh.at[didx], add=True)
        return 0

    pl.loop(0, nblk, init_carry=0)(blk)
    plsc.subcore_barrier()
    for tt in range(4):
        pltpu.sync_copy(ar_sh.at[pl.ds(base + tt * CB, CB)],
                        ar_out.at[c, pl.ds(base + tt * CB, CB)])
    pltpu.sync_copy(ar_sh.at[pl.ds(base + 4 * CB, N // NS - 4 * CB)],
                    ar_out.at[c, pl.ds(base + 4 * CB, N // NS - 4 * CB)])


@functools.partial(
    pl.kernel,
    out_type=jax.ShapeDtypeStruct((NC, N, 128), _f32),
    mesh=_MESH,
    compiler_params=_SC_PARAMS,
    scratch_types=[
        pltpu.VMEM((CB * H,), _f32),
        pltpu.VMEM((CB,), _i32),
        pltpu.VMEM((CB, 128), _f32),
        pltpu.VMEM_SHARED((N, 128), _f32),
        pltpu.SemaphoreType.DMA,
        pltpu.SemaphoreType.DMA,
        pltpu.SemaphoreType.DMA,
    ],
)
def _sweep4(e_in, dst, den_out, ebuf, didx, srows, den_sh,
            sem_a, sem_d, sem_g):
    c = lax.axis_index("c")
    s = lax.axis_index("s")
    wid = s * NC + c
    nblk = _nblk_of(wid)
    io16 = lax.iota(_i32, 16)

    def zr(j):
        srows[j >> 3, pl.ds((j & 7) * 16, 16)] = jnp.zeros((16,), _f32)
    pl.loop(0, CB * 8)(zr)
    base = s * (N // NS)
    for tt in range(4):
        pltpu.sync_copy(srows, den_sh.at[pl.ds(base + tt * CB, CB)])
    pltpu.sync_copy(srows.at[pl.ds(0, N // NS - 4 * CB)],
                    den_sh.at[pl.ds(base + 4 * CB, N // NS - 4 * CB)])
    plsc.subcore_barrier()

    def blk(i, _):
        b = wid + NW * i
        ca = pltpu.async_copy(e_in.at[pl.ds(b * CB * H, CB * H)], ebuf, sem_a)
        cd = pltpu.async_copy(dst.at[pl.ds(b * CB, CB)], didx, sem_d)
        ca.wait()
        for j in range(CB * H // 16):
            fl = j * 16 + io16
            plsc.store_scatter(srows, [fl >> 2, fl & 3],
                               ebuf[pl.ds(j * 16, 16)])
        cd.wait()
        pltpu.sync_copy(srows, den_sh.at[didx], add=True)
        for j in range(CB * H // 16):
            fl = j * 16 + io16
            plsc.store_scatter(srows, [fl >> 2, fl & 3],
                               jnp.zeros((16,), _f32))
        return 0

    pl.loop(0, nblk, init_carry=0)(blk)
    plsc.subcore_barrier()
    for tt in range(4):
        pltpu.sync_copy(den_sh.at[pl.ds(base + tt * CB, CB)],
                        den_out.at[c, pl.ds(base + tt * CB, CB)])
    pltpu.sync_copy(den_sh.at[pl.ds(base + 4 * CB, N // NS - 4 * CB)],
                    den_out.at[c, pl.ds(base + 4 * CB, N // NS - 4 * CB)])




def kernel(ent_name, ent_embed_in, edge_index, edge_type_r, r_head, r_head_sum,
           r_tail, r_tail_sum, kW, kb, qW, qb, vW, vb, outW, outb, attr_r,
           relL, relR, rel_skip_w):
    src = edge_index[0].astype(_i32)
    dst = edge_index[1].astype(_i32)
    et = edge_type_r.astype(_i32)

    def t(x):
        return x.transpose(1, 0, 2).reshape(x.shape[1], H * DK)
    wcat = jnp.concatenate([t(kW), t(qW), t(vW), t(relL), t(relR)], axis=1)
    wcat = jnp.pad(wcat, ((0, INP - 300), (0, 0)))
    bcat = jnp.concatenate([kb.reshape(-1), qb.reshape(-1), vb.reshape(-1),
                            jnp.zeros((256,), _f32)]).reshape(1, 640)
    bcat8 = jnp.broadcast_to(bcat, (8, 640))
    ent_pad = jnp.pad(ent_name, ((0, 0), (0, INP - 300)))

    proj = _proj_mm(ent_pad, wcat, bcat8)
    rel = _rel_mm(jnp.pad(r_head, ((0, 0), (0, KP - N))),
                  jnp.pad(r_tail, ((0, 0), (0, KP - N))),
                  jnp.pad(proj[:, 384:640], ((0, KP - N), (0, 0))),
                  jnp.broadcast_to(r_head_sum, (R, 128)),
                  jnp.broadcast_to(r_tail_sum, (R, 128)))

    eye4 = jnp.eye(H, dtype=_f32)
    rel_a = rel[:, :128].reshape(R, H, DK) * attr_r[None, :, :DK, 0]
    rel_b = rel[:, 128:].reshape(R, H, DK) * attr_r[None, :, DK:, 0]
    ms = jnp.pad((rel_a.transpose(1, 2, 0)[:, :, :, None]
                  * eye4[:, None, None, :]).reshape(H * DK, R, H),
                 ((0, 0), (0, RP - R), (0, 0))).reshape(H * DK, RP * H)
    mt = jnp.pad((rel_b.transpose(1, 2, 0)[:, :, :, None]
                  * eye4[:, None, None, :]).reshape(H * DK, R, H),
                 ((0, 0), (0, RP - R), (0, 0))).reshape(H * DK, RP * H)
    s_mat, t_mat = _st_mm(proj[:, :256], ms, mt)

    si2, di2 = _eidx_mm(src.reshape(E // 128, 128),
                        dst.reshape(E // 128, 128),
                        et.reshape(E // 128, 128))
    srcidx = si2.reshape(E)
    dstidx = di2.reshape(E)

    att_flat, tmax = _sweep1(srcidx, dstidx,
                             s_mat.reshape(N * RP, H), t_mat.reshape(N * RP, H))
    e_flat, av2 = _sweep2(att_flat, tmax, src, dst, proj[:, 256:384])

    relfull = jnp.concatenate([rel[:, :128].reshape(R, H, DK),
                               rel[:, 128:].reshape(R, H, DK)], axis=-1)
    tt_tab = relfull.reshape(R, 2, 128).transpose(1, 0, 2).reshape(2 * R, 128)
    ar2 = _sweep3(e_flat, et, dst, tt_tab)
    den2 = _sweep4(e_flat, dst)

    ov = (outW[:, :DK, :][:, :, None, :]
          * eye4[:, None, :, None]).reshape(H * DK, H * DK)
    orr = (outW[:, DK:, :][:, :, None, :]
           * eye4[:, None, :, None]).reshape(H * 2 * DK, H * DK)
    exp4 = jnp.pad(jnp.repeat(eye4, DK, axis=1), ((0, 4), (0, 0)))
    exp8 = jnp.pad(jnp.repeat(eye4, 2 * DK, axis=1), ((0, 4), (0, 0)))
    outb8 = jnp.broadcast_to(outb.reshape(1, H * DK), (8, H * DK))
    a2 = jax.nn.sigmoid(rel_skip_w).reshape(1, 1)

    return _final_mm(ar2[0], ar2[1], den2[0], den2[1], av2[0], av2[1],
                     ent_embed_in, ov, orr, outb8, exp4, exp8, a2)

# --- scband reference (transcript-rebuilt; emitter-appended) ---
"""Pipeline reference for scband-multi-htrans-layer-62904091018242 (READ-ONLY COPY).

The authoritative reference and input builder live on the scoring server;
editing this copy changes nothing except your own understanding.
"""

import jax, jax.numpy as jnp
import numpy as np

N = 10000
E = 160000
R = 200
H = 4
IN_DIM = 300
DK = 32
ALPHA = 0.2


def setup_inputs(seed: int = 0):
    key = jax.random.key(seed)
    ks = jax.random.split(key, 16)
    src = jax.random.randint(ks[0], (E,), 0, N)
    dst = jax.random.randint(ks[1], (E,), 0, N)
    edge_index = jnp.stack([src, dst])
    edge_type_r = jax.random.randint(ks[2], (E,), 0, R)
    r_head = jnp.zeros((R, N), jnp.float32).at[edge_type_r, src].add(1.0)
    r_tail = jnp.zeros((R, N), jnp.float32).at[edge_type_r, dst].add(1.0)
    hs = jnp.sum(r_head, axis=-1, keepdims=True)
    r_head_sum = jnp.where(hs == 0, 0.0, 1.0 / jnp.maximum(hs, 1e-12))
    ts = jnp.sum(r_tail, axis=-1, keepdims=True)
    r_tail_sum = jnp.where(ts == 0, 0.0, 1.0 / jnp.maximum(ts, 1e-12))
    ent_name = jax.random.normal(ks[3], (N, IN_DIM), jnp.float32) * 0.1
    ent_embed_in = jax.random.normal(ks[4], (N, H * DK), jnp.float32) * 0.1
    def p(k, shape):
        return jax.random.normal(k, shape, jnp.float32) * 0.05
    return {
        'ent_name': ent_name,
        'ent_embed_in': ent_embed_in,
        'edge_index': edge_index,
        'edge_type_r': edge_type_r,
        'r_head': r_head,
        'r_head_sum': r_head_sum,
        'r_tail': r_tail,
        'r_tail_sum': r_tail_sum,
        'kW': p(ks[5], (H, IN_DIM, DK)),
        'kb': jnp.zeros((H, DK), jnp.float32),
        'qW': p(ks[6], (H, IN_DIM, DK)),
        'qb': jnp.zeros((H, DK), jnp.float32),
        'vW': p(ks[7], (H, IN_DIM, DK)),
        'vb': jnp.zeros((H, DK), jnp.float32),
        'outW': p(ks[8], (H, 3 * DK, DK)),
        'outb': jnp.zeros((H, DK), jnp.float32),
        'attr_r': jnp.ones((H, 2 * DK, 1), jnp.float32),
        'relL': p(ks[9], (H, IN_DIM, DK)),
        'relR': p(ks[10], (H, IN_DIM, DK)),
        'rel_skip_w': jnp.ones((1,), jnp.float32),
    }


def _edge_softmax(att, dst, n):
    amax = jax.ops.segment_max(att, dst, num_segments=n)
    amax = jnp.where(jnp.isfinite(amax), amax, 0.0)
    e = jnp.exp(att - amax[dst])
    denom = jax.ops.segment_sum(e, dst, num_segments=n)
    return e / (denom[dst] + 1e-16)


def reference(ent_name, ent_embed_in, edge_index, edge_type_r, r_head, r_head_sum, r_tail, r_tail_sum, kW, kb, qW, qb, vW, vb, outW, outb, attr_r, relL, relR, rel_skip_w):
    src = edge_index[0]
    dst = edge_index[1]
    n = ent_name.shape[0]
    sqrt_dk = jnp.sqrt(jnp.float32(DK))
    x_j = ent_name[src]
    x_i = ent_name[dst]
    heads = []
    for h in range(H):
        L_r = (r_head @ (ent_name @ relL[h])) * r_head_sum
        R_r = (r_tail @ (ent_name @ relR[h])) * r_tail_sum
        rel_embed = jax.nn.relu(jnp.concatenate([L_r, R_r], axis=-1))
        k_mat = x_j @ kW[h] + kb[h]
        q_mat = x_i @ qW[h] + qb[h]
        kq = jnp.concatenate([k_mat, q_mat], axis=-1)
        r_mat = rel_embed[edge_type_r]
        att = (kq * r_mat) @ attr_r[h] / sqrt_dk
        att = -jax.nn.leaky_relu(att, negative_slope=ALPHA)
        v_mat = x_j @ vW[h] + vb[h]
        msg = jnp.concatenate([v_mat, r_mat], axis=-1)
        att = _edge_softmax(att, dst, n)
        aggr = jax.ops.segment_sum(att * msg, dst, num_segments=n)
        heads.append(jax.nn.relu(aggr) @ outW[h] + outb[h])
    ent_out_head = jnp.concatenate(heads, axis=-1)
    a = jax.nn.sigmoid(rel_skip_w[0])
    return ent_out_head * a + ent_embed_in * (1.0 - a)

if __name__ == "__main__":
    import jax
    _d = setup_inputs()
    print(jax.jit(kernel)(*tuple(_d.values())))

</pallas_src>

<mosaic_0001>
#map = affine_map<(d0, d1) -> (0)>
#map1 = affine_map<(d0, d1) -> (0, 0)>
#map2 = affine_map<(d0, d1) -> (0, 0, 0)>
module attributes {stable_mosaic.version = 14 : i64} {
  func.func @_sweep2(%arg0: i32, %arg1: i32, %arg2: memref<640000xf32, #tpu.memory_space<hbm>>, %arg3: memref<512xf32, #tpu.memory_space<hbm>>, %arg4: memref<160000xi32, #tpu.memory_space<hbm>>, %arg5: memref<160000xi32, #tpu.memory_space<hbm>>, %arg6: memref<10000x128xf32, #tpu.memory_space<hbm>>, %arg7: memref<640000xf32, #tpu.memory_space<hbm>>, %arg8: memref<2x10000x128xf32, #tpu.memory_space<hbm>>, %arg9: memref<512xf32, #tpu.memory_space<vmem>>, %arg10: memref<512xf32, #tpu.memory_space<vmem>>, %arg11: memref<512xf32, #tpu.memory_space<vmem>>, %arg12: memref<128xi32, #tpu.memory_space<vmem>>, %arg13: memref<128xi32, #tpu.memory_space<vmem>>, %arg14: memref<128x128xf32, #tpu.memory_space<vmem>>, %arg15: memref<10000x128xf32, #tpu.memory_space<vmem_shared>>, %arg16: memref<!tpu.dma_semaphore, #tpu.memory_space<semaphore_mem>>, %arg17: memref<!tpu.dma_semaphore, #tpu.memory_space<semaphore_mem>>, %arg18: memref<!tpu.dma_semaphore, #tpu.memory_space<semaphore_mem>>, %arg19: memref<!tpu.dma_semaphore, #tpu.memory_space<semaphore_mem>>) attributes {dimension_semantics = [#tpu.dimension_semantics<core_parallel>, #tpu.dimension_semantics<subcore_parallel>], iteration_bounds = array<i64: 2, 16>, scalar_prefetch = 0 : i64, scratch_operands = 11 : i64, tpu.core_type = #tpu.core_type<sc_vector_subcore>, window_params = [{transform_indices = #map}, {transform_indices = #map}, {transform_indices = #map}, {transform_indices = #map}, {transform_indices = #map1}, {transform_indices = #map}, {transform_indices = #map2}]} {
    %mul3A = arith.constant 2 : i32
    %mul3A_0 = arith.muli %arg1, %mul3A : i32
    %add3A = arith.addi %mul3A_0, %arg0 : i32
    %lt3A = arith.constant 2 : i32
    %lt3A_1 = arith.cmpi slt, %add3A, %lt3A : i32
    %jit3A = arith.constant 40 : i32
    %jit3A_2 = arith.constant 39 : i32
    %select_n3A = arith.select %lt3A_1, %jit3A, %jit3A_2 : i32
    "tpu.region"() ({
      %run_scoped3A = tpu.sem_alloc : memref<!tpu.dma_semaphore, #tpu.memory_space<semaphore_mem>>
      tpu.enqueue_dma source(%arg3 : memref<512xf32, #tpu.memory_space<hbm>>) target(%arg9 : memref<512xf32, #tpu.memory_space<vmem>>) target_semaphore(%run_scoped3A : memref<!tpu.dma_semaphore, #tpu.memory_space<semaphore_mem>>)
      tpu.wait_dma2 semaphore(%run_scoped3A : memref<!tpu.dma_semaphore, #tpu.memory_space<semaphore_mem>>) src(%arg3 : memref<512xf32, #tpu.memory_space<hbm>>) dst(%arg9 : memref<512xf32, #tpu.memory_space<vmem>>)
      tpu.yield
    }) : () -> ()
    %broadcast_in_dim3A = arith.constant -3.400000e+38 : f32
    %broadcast_in_dim3A_3 = vector.broadcast %broadcast_in_dim3A : f32 to vector<16xf32>
    %get3A = arith.constant 0 : index
    %get3A_4 = tpu.vector_load %arg9[%get3A] {strides = array<i32>} : memref<512xf32, #tpu.memory_space<vmem>>, vector<16xf32>,
    %max3A = arith.maximumf %broadcast_in_dim3A_3, %get3A_4 : vector<16xf32>
    %get3A_5 = arith.constant 16 : index
    %get3A_6 = tpu.vector_load %arg9[%get3A_5] {strides = array<i32>} : memref<512xf32, #tpu.memory_space<vmem>>, vector<16xf32>,
    %max3A_7 = arith.maximumf %max3A, %get3A_6 : vector<16xf32>
    %get3A_8 = arith.constant 32 : index
    %get3A_9 = tpu.vector_load %arg9[%get3A_8] {strides = array<i32>} : memref<512xf32, #tpu.memory_space<vmem>>, vector<16xf32>,
    %max3A_10 = arith.maximumf %max3A_7, %get3A_9 : vector<16xf32>
    %get3A_11 = arith.constant 48 : index
    %get3A_12 = tpu.vector_load %arg9[%get3A_11] {strides = array<i32>} : memref<512xf32, #tpu.memory_space<vmem>>, vector<16xf32>,
    %max3A_13 = arith.maximumf %max3A_10, %get3A_12 : vector<16xf32>
    %get3A_14 = arith.constant 64 : index
    %get3A_15 = tpu.vector_load %arg9[%get3A_14] {strides = array<i32>} : memref<512xf32, #tpu.memory_space<vmem>>, vector<16xf32>,
    %max3A_16 = arith.maximumf %max3A_13, %get3A_15 : vector<16xf32>
    %get3A_17 = arith.constant 80 : index
    %get3A_18 = tpu.vector_load %arg9[%get3A_17] {strides = array<i32>} : memref<512xf32, #tpu.memory_space<vmem>>, vector<16xf32>,
    %max3A_19 = arith.maximumf %max3A_16, %get3A_18 : vector<16xf32>
    %get3A_20 = arith.constant 96 : index
    %get3A_21 = tpu.vector_load %arg9[%get3A_20] {strides = array<i32>} : memref<512xf32, #tpu.memory_space<vmem>>, vector<16xf32>,
    %max3A_22 = arith.maximumf %max3A_19, %get3A_21 : vector<16xf32>
    %get3A_23 = arith.constant 112 : index
    %get3A_24 = tpu.vector_load %arg9[%get3A_23] {strides = array<i32>} : memref<512xf32, #tpu.memory_space<vmem>>, vector<16xf32>,
    %max3A_25 = arith.maximumf %max3A_22, %get3A_24 : vector<16xf32>
    %get3A_26 = arith.constant 128 : index
    %get3A_27 = tpu.vector_load %arg9[%get3A_26] {strides = array<i32>} : memref<512xf32, #tpu.memory_space<vmem>>, vector<16xf32>,
    %max3A_28 = arith.maximumf %max3A_25, %get3A_27 : vector<16xf32>
    %get3A_29 = arith.constant 144 : index
    %get3A_30 = tpu.vector_load %arg9[%get3A_29] {strides = array<i32>} : memref<512xf32, #tpu.memory_space<vmem>>, vector<16xf32>,
    %max3A_31 = arith.maximumf %max3A_28, %get3A_30 : vector<16xf32>
    %get3A_32 = arith.constant 160 : index
    %get3A_33 = tpu.vector_load %arg9[%get3A_32] {strides = array<i32>} : memref<512xf32, #tpu.memory_space<vmem>>, vector<16xf32>,
    %max3A_34 = arith.maximumf %max3A_31, %get3A_33 : vector<16xf32>
    %get3A_35 = arith.constant 176 : index
    %get3A_36 = tpu.vector_load %arg9[%get3A_35] {strides = array<i32>} : memref<512xf32, #tpu.memory_space<vmem>>, vector<16xf32>,
    %max3A_37 = arith.maximumf %max3A_34, %get3A_36 : vector<16xf32>
    %get3A_38 = arith.constant 192 : index
    %get3A_39 = tpu.vector_load %arg9[%get3A_38] {strides = array<i32>} : memref<512xf32, #tpu.memory_space<vmem>>, vector<16xf32>,
    %max3A_40 = arith.maximumf %max3A_37, %get3A_39 : vector<16xf32>
    %get3A_41 = arith.constant 208 : index
    %get3A_42 = tpu.vector_load %arg9[%get3A_41] {strides = array<i32>} : memref<512xf32, #tpu.memory_space<vmem>>, vector<16xf32>,
    %max3A_43 = arith.maximumf %max3A_40, %get3A_42 : vector<16xf32>
    %get3A_44 = arith.constant 224 : index
    %get3A_45 = tpu.vector_load %arg9[%get3A_44] {strides = array<i32>} : memref<512xf32, #tpu.memory_space<vmem>>, vector<16xf32>,
    %max3A_46 = arith.maximumf %max3A_43, %get3A_45 : vector<16xf32>
    %get3A_47 = arith.constant 240 : index
    %get3A_48 = tpu.vector_load %arg9[%get3A_47] {strides = array<i32>} : memref<512xf32, #tpu.memory_space<vmem>>, vector<16xf32>,
    %max3A_49 = arith.maximumf %max3A_46, %get3A_48 : vector<16xf32>
    %get3A_50 = arith.constant 256 : index
    %get3A_51 = tpu.vector_load %arg9[%get3A_50] {strides = array<i32>} : memref<512xf32, #tpu.memory_space<vmem>>, vector<16xf32>,
    %max3A_52 = arith.maximumf %max3A_49, %get3A_51 : vector<16xf32>
    %get3A_53 = arith.constant 272 : index
    %get3A_54 = tpu.vector_load %arg9[%get3A_53] {strides = array<i32>} : memref<512xf32, #tpu.memory_space<vmem>>, vector<16xf32>,
    %max3A_55 = arith.maximumf %max3A_52, %get3A_54 : vector<16xf32>
    %get3A_56 = arith.constant 288 : index
    %get3A_57 = tpu.vector_load %arg9[%get3A_56] {strides = array<i32>} : memref<512xf32, #tpu.memory_space<vmem>>, vector<16xf32>,
    %max3A_58 = arith.maximumf %max3A_55, %get3A_57 : vector<16xf32>
    %get3A_59 = arith.constant 304 : index
    %get3A_60 = tpu.vector_load %arg9[%get3A_59] {strides = array<i32>} : memref<512xf32, #tpu.memory_space<vmem>>, vector<16xf32>,
    %max3A_61 = arith.maximumf %max3A_58, %get3A_60 : vector<16xf32>
    %get3A_62 = arith.constant 320 : index
    %get3A_63 = tpu.vector_load %arg9[%get3A_62] {strides = array<i32>} : memref<512xf32, #tpu.memory_space<vmem>>, vector<16xf32>,
    %max3A_64 = arith.maximumf %max3A_61, %get3A_63 : vector<16xf32>
    %get3A_65 = arith.constant 336 : index
    %get3A_66 = tpu.vector_load %arg9[%get3A_65] {strides = array<i32>} : memref<512xf32, #tpu.memory_space<vmem>>, vector<16xf32>,
    %max3A_67 = arith.maximumf %max3A_64, %get3A_66 : vector<16xf32>
    %get3A_68 = arith.constant 352 : index
    %get3A_69 = tpu.vector_load %arg9[%get3A_68] {strides = array<i32>} : memref<512xf32, #tpu.memory_space<vmem>>, vector<16xf32>,
    %max3A_70 = arith.maximumf %max3A_67, %get3A_69 : vector<16xf32>
    %get3A_71 = arith.constant 368 : index
    %get3A_72 = tpu.vector_load %arg9[%get3A_71] {strides = array<i32>} : memref<512xf32, #tpu.memory_space<vmem>>, vector<16xf32>,
    %max3A_73 = arith.maximumf %max3A_70, %get3A_72 : vector<16xf32>
    %get3A_74 = arith.constant 384 : index
    %get3A_75 = tpu.vector_load %arg9[%get3A_74] {strides = array<i32>} : memref<512xf32, #tpu.memory_space<vmem>>, vector<16xf32>,
    %max3A_76 = arith.maximumf %max3A_73, %get3A_75 : vector<16xf32>
    %get3A_77 = arith.constant 400 : index
    %get3A_78 = tpu.vector_load %arg9[%get3A_77] {strides = array<i32>} : memref<512xf32, #tpu.memory_space<vmem>>, vector<16xf32>,
    %max3A_79 = arith.maximumf %max3A_76, %get3A_78 : vector<16xf32>
    %get3A_80 = arith.constant 416 : index
    %get3A_81 = tpu.vector_load %arg9[%get3A_80] {strides = array<i32>} : memref<512xf32, #tpu.memory_space<vmem>>, vector<16xf32>,
    %max3A_82 = arith.maximumf %max3A_79, %get3A_81 : vector<16xf32>
    %get3A_83 = arith.constant 432 : index
    %get3A_84 = tpu.vector_load %arg9[%get3A_83] {strides = array<i32>} : memref<512xf32, #tpu.memory_space<vmem>>, vector<16xf32>,
    %max3A_85 = arith.maximumf %max3A_82, %get3A_84 : vector<16xf32>
    %get3A_86 = arith.constant 448 : index
    %get3A_87 = tpu.vector_load %arg9[%get3A_86] {strides = array<i32>} : memref<512xf32, #tpu.memory_space<vmem>>, vector<16xf32>,
    %max3A_88 = arith.maximumf %max3A_85, %get3A_87 : vector<16xf32>
    %get3A_89 = arith.constant 464 : index
    %get3A_90 = tpu.vector_load %arg9[%get3A_89] {strides = array<i32>} : memref<512xf32, #tpu.memory_space<vmem>>, vector<16xf32>,
    %max3A_91 = arith.maximumf %max3A_88, %get3A_90 : vector<16xf32>
    %get3A_92 = arith.constant 480 : index
    %get3A_93 = tpu.vector_load %arg9[%get3A_92] {strides = array<i32>} : memref<512xf32, #tpu.memory_space<vmem>>, vector<16xf32>,
    %max3A_94 = arith.maximumf %max3A_91, %get3A_93 : vector<16xf32>
    %get3A_95 = arith.constant 496 : index
    %get3A_96 = tpu.vector_load %arg9[%get3A_95] {strides = array<i32>} : memref<512xf32, #tpu.memory_space<vmem>>, vector<16xf32>,
    %max3A_97 = arith.maximumf %max3A_94, %get3A_96 : vector<16xf32>
    %scan3A = arith.constant 0 : i32
    %scan3A_98 = arith.constant 1024 : i32
    %scan3A_99 = arith.addi %scan3A, %scan3A_98 : i32
    %scan3A_100 = arith.constant 1 : i32
    scf.for %scan3A_154 = %scan3A to %scan3A_99 step %scan3A_100  : i32 {
      %mul3A_155 = arith.constant 1 : i32
      %mul3A_156 = arith.muli %scan3A_154, %mul3A_155 : i32
      %add3A_157 = arith.constant 0 : i32
      %add3A_158 = arith.addi %add3A_157, %mul3A_156 : i32
      %broadcast_in_dim3A_159 = arith.constant 0.000000e+00 : f32
      %broadcast_in_dim3A_160 = vector.broadcast %broadcast_in_dim3A_159 : f32 to vector<16xf32>
      %shift_right_arithmetic3A = arith.constant 3 : i32
      %shift_right_arithmetic3A_161 = arith.shrsi %add3A_158, %shift_right_arithmetic3A : i32
      %and3A = arith.constant 7 : i32
      %and3A_162 = arith.andi %add3A_158, %and3A : i32
      %mul3A_163 = arith.constant 16 : i32
      %mul3A_164 = arith.muli %and3A_162, %mul3A_163 : i32
      %swap3A = arith.index_cast %shift_right_arithmetic3A_161 : i32 to index
      %swap3A_165 = arith.index_cast %mul3A_164 : i32 to index
      %swap3A_166 = tpu.vector_load %arg14[%swap3A, %swap3A_165] {strides = array<i32>} : memref<128x128xf32, #tpu.memory_space<vmem>>, vector<16xf32>,
      tpu.vector_store %arg14[%swap3A, %swap3A_165], %broadcast_in_dim3A_160 {strides = array<i32>} : memref<128x128xf32, #tpu.memory_space<vmem>>, vector<16xf32>,
    }
    %scan3A_101 = arith.constant 1024 : i32
    %mul3A_102 = arith.constant 625 : i32
    %mul3A_103 = arith.muli %arg1, %mul3A_102 : i32
    %add3A_104 = arith.constant 0 : i32
    %add3A_105 = arith.addi %mul3A_103, %add3A_104 : i32
    "tpu.region"() ({
      %run_scoped3A = tpu.sem_alloc : memref<!tpu.dma_semaphore, #tpu.memory_space<semaphore_mem>>
      %dma_start3A = arith.constant 0 : i32
      %dma_start3A_154 = tpu.memref_slice %arg15[%add3A_105, %dma_start3A] : memref<10000x128xf32, #tpu.memory_space<vmem_shared>> -> memref<128x128xf32, #tpu.memory_space<vmem_shared>>
      %dma_start3A_155 = arith.constant 0 : i32
      %dma_start3A_156 = tpu.memref_slice %arg15[%add3A_105, %dma_start3A_155] : memref<10000x128xf32, #tpu.memory_space<vmem_shared>> -> memref<128x128xf32, #tpu.memory_space<vmem_shared>>
      tpu.enqueue_dma source(%arg14 : memref<128x128xf32, #tpu.memory_space<vmem>>) target(%dma_start3A_156 : memref<128x128xf32, #tpu.memory_space<vmem_shared>>) target_semaphore(%run_scoped3A : memref<!tpu.dma_semaphore, #tpu.memory_space<semaphore_mem>>)
      %dma_wait3A = arith.constant 0 : i32
      %dma_wait3A_157 = tpu.memref_slice %arg15[%add3A_105, %dma_wait3A] : memref<10000x128xf32, #tpu.memory_space<vmem_shared>> -> memref<128x128xf32, #tpu.memory_space<vmem_shared>>
      %dma_wait3A_158 = arith.constant 0 : i32
      %dma_wait3A_159 = tpu.memref_slice %arg15[%add3A_105, %dma_wait3A_158] : memref<10000x128xf32, #tpu.memory_space<vmem_shared>> -> memref<128x128xf32, #tpu.memory_space<vmem_shared>>
      tpu.wait_dma2 semaphore(%run_scoped3A : memref<!tpu.dma_semaphore, #tpu.memory_space<semaphore_mem>>) src(%arg14 : memref<128x128xf32, #tpu.memory_space<vmem>>) dst(%dma_wait3A_159 : memref<128x128xf32, #tpu.memory_space<vmem_shared>>)
      tpu.yield
    }) : () -> ()
    %add3A_106 = arith.constant 128 : i32
    %add3A_107 = arith.addi %mul3A_103, %add3A_106 : i32
    "tpu.region"() ({
      %run_scoped3A = tpu.sem_alloc : memref<!tpu.dma_semaphore, #tpu.memory_space<semaphore_mem>>
      %dma_start3A = arith.constant 0 : i32
      %dma_start3A_154 = tpu.memref_slice %arg15[%add3A_107, %dma_start3A] : memref<10000x128xf32, #tpu.memory_space<vmem_shared>> -> memref<128x128xf32, #tpu.memory_space<vmem_shared>>
      %dma_start3A_155 = arith.constant 0 : i32
      %dma_start3A_156 = tpu.memref_slice %arg15[%add3A_107, %dma_start3A_155] : memref<10000x128xf32, #tpu.memory_space<vmem_shared>> -> memref<128x128xf32, #tpu.memory_space<vmem_shared>>
      tpu.enqueue_dma source(%arg14 : memref<128x128xf32, #tpu.memory_space<vmem>>) target(%dma_start3A_156 : memref<128x128xf32, #tpu.memory_space<vmem_shared>>) target_semaphore(%run_scoped3A : memref<!tpu.dma_semaphore, #tpu.memory_space<semaphore_mem>>)
      %dma_wait3A = arith.constant 0 : i32
      %dma_wait3A_157 = tpu.memref_slice %arg15[%add3A_107, %dma_wait3A] : memref<10000x128xf32, #tpu.memory_space<vmem_shared>> -> memref<128x128xf32, #tpu.memory_space<vmem_shared>>
      %dma_wait3A_158 = arith.constant 0 : i32
      %dma_wait3A_159 = tpu.memref_slice %arg15[%add3A_107, %dma_wait3A_158] : memref<10000x128xf32, #tpu.memory_space<vmem_shared>> -> memref<128x128xf32, #tpu.memory_space<vmem_shared>>
      tpu.wait_dma2 semaphore(%run_scoped3A : memref<!tpu.dma_semaphore, #tpu.memory_space<semaphore_mem>>) src(%arg14 : memref<128x128xf32, #tpu.memory_space<vmem>>) dst(%dma_wait3A_159 : memref<128x128xf32, #tpu.memory_space<vmem_shared>>)
      tpu.yield
    }) : () -> ()
    %add3A_108 = arith.constant 256 : i32
    %add3A_109 = arith.addi %mul3A_103, %add3A_108 : i32
    "tpu.region"() ({
      %run_scoped3A = tpu.sem_alloc : memref<!tpu.dma_semaphore, #tpu.memory_space<semaphore_mem>>
      %dma_start3A = arith.constant 0 : i32
      %dma_start3A_154 = tpu.memref_slice %arg15[%add3A_109, %dma_start3A] : memref<10000x128xf32, #tpu.memory_space<vmem_shared>> -> memref<128x128xf32, #tpu.memory_space<vmem_shared>>
      %dma_start3A_155 = arith.constant 0 : i32
      %dma_start3A_156 = tpu.memref_slice %arg15[%add3A_109, %dma_start3A_155] : memref<10000x128xf32, #tpu.memory_space<vmem_shared>> -> memref<128x128xf32, #tpu.memory_space<vmem_shared>>
      tpu.enqueue_dma source(%arg14 : memref<128x128xf32, #tpu.memory_space<vmem>>) target(%dma_start3A_156 : memref<128x128xf32, #tpu.memory_space<vmem_shared>>) target_semaphore(%run_scoped3A : memref<!tpu.dma_semaphore, #tpu.memory_space<semaphore_mem>>)
      %dma_wait3A = arith.constant 0 : i32
      %dma_wait3A_157 = tpu.memref_slice %arg15[%add3A_109, %dma_wait3A] : memref<10000x128xf32, #tpu.memory_space<vmem_shared>> -> memref<128x128xf32, #tpu.memory_space<vmem_shared>>
      %dma_wait3A_158 = arith.constant 0 : i32
      %dma_wait3A_159 = tpu.memref_slice %arg15[%add3A_109, %dma_wait3A_158] : memref<10000x128xf32, #tpu.memory_space<vmem_shared>> -> memref<128x128xf32, #tpu.memory_space<vmem_shared>>
      tpu.wait_dma2 semaphore(%run_scoped3A : memref<!tpu.dma_semaphore, #tpu.memory_space<semaphore_mem>>) src(%arg14 : memref<128x128xf32, #tpu.memory_space<vmem>>) dst(%dma_wait3A_159 : memref<128x128xf32, #tpu.memory_space<vmem_shared>>)
      tpu.yield
    }) : () -> ()
    %add3A_110 = arith.constant 384 : i32
    %add3A_111 = arith.addi %mul3A_103, %add3A_110 : i32
    "tpu.region"() ({
      %run_scoped3A = tpu.sem_alloc : memref<!tpu.dma_semaphore, #tpu.memory_space<semaphore_mem>>
      %dma_start3A = arith.constant 0 : i32
      %dma_start3A_154 = tpu.memref_slice %arg15[%add3A_111, %dma_start3A] : memref<10000x128xf32, #tpu.memory_space<vmem_shared>> -> memref<128x128xf32, #tpu.memory_space<vmem_shared>>
      %dma_start3A_155 = arith.constant 0 : i32
      %dma_start3A_156 = tpu.memref_slice %arg15[%add3A_111, %dma_start3A_155] : memref<10000x128xf32, #tpu.memory_space<vmem_shared>> -> memref<128x128xf32, #tpu.memory_space<vmem_shared>>
      tpu.enqueue_dma source(%arg14 : memref<128x128xf32, #tpu.memory_space<vmem>>) target(%dma_start3A_156 : memref<128x128xf32, #tpu.memory_space<vmem_shared>>) target_semaphore(%run_scoped3A : memref<!tpu.dma_semaphore, #tpu.memory_space<semaphore_mem>>)
      %dma_wait3A = arith.constant 0 : i32
      %dma_wait3A_157 = tpu.memref_slice %arg15[%add3A_111, %dma_wait3A] : memref<10000x128xf32, #tpu.memory_space<vmem_shared>> -> memref<128x128xf32, #tpu.memory_space<vmem_shared>>
      %dma_wait3A_158 = arith.constant 0 : i32
      %dma_wait3A_159 = tpu.memref_slice %arg15[%add3A_111, %dma_wait3A_158] : memref<10000x128xf32, #tpu.memory_space<vmem_shared>> -> memref<128x128xf32, #tpu.memory_space<vmem_shared>>
      tpu.wait_dma2 semaphore(%run_scoped3A : memref<!tpu.dma_semaphore, #tpu.memory_space<semaphore_mem>>) src(%arg14 : memref<128x128xf32, #tpu.memory_space<vmem>>) dst(%dma_wait3A_159 : memref<128x128xf32, #tpu.memory_space<vmem_shared>>)
      tpu.yield
    }) : () -> ()
    %add3A_112 = arith.constant 512 : i32
    %add3A_113 = arith.addi %mul3A_103, %add3A_112 : i32
    "tpu.region"() ({
      %run_scoped3A = tpu.sem_alloc : memref<!tpu.dma_semaphore, #tpu.memory_space<semaphore_mem>>
      %dma_start3A = arith.constant 0 : i32
      %dma_start3A_154 = arith.constant 0 : i32
      %dma_start3A_155 = tpu.memref_slice %arg14[%dma_start3A, %dma_start3A_154] : memref<128x128xf32, #tpu.memory_space<vmem>> -> memref<113x128xf32, #tpu.memory_space<vmem>>
      %dma_start3A_156 = arith.constant 0 : i32
      %dma_start3A_157 = tpu.memref_slice %arg15[%add3A_113, %dma_start3A_156] : memref<10000x128xf32, #tpu.memory_space<vmem_shared>> -> memref<113x128xf32, #tpu.memory_space<vmem_shared>>
      %dma_start3A_158 = arith.constant 0 : i32
      %dma_start3A_159 = tpu.memref_slice %arg15[%add3A_113, %dma_start3A_158] : memref<10000x128xf32, #tpu.memory_space<vmem_shared>> -> memref<113x128xf32, #tpu.memory_space<vmem_shared>>
      %dma_start3A_160 = arith.constant 0 : i32
      %dma_start3A_161 = arith.constant 0 : i32
      %dma_start3A_162 = tpu.memref_slice %arg14[%dma_start3A_160, %dma_start3A_161] : memref<128x128xf32, #tpu.memory_space<vmem>> -> memref<113x128xf32, #tpu.memory_space<vmem>>
      tpu.enqueue_dma source(%dma_start3A_162 : memref<113x128xf32, #tpu.memory_space<vmem>>) target(%dma_start3A_159 : memref<113x128xf32, #tpu.memory_space<vmem_shared>>) target_semaphore(%run_scoped3A : memref<!tpu.dma_semaphore, #tpu.memory_space<semaphore_mem>>)
      %dma_wait3A = arith.constant 0 : i32
      %dma_wait3A_163 = arith.constant 0 : i32
      %dma_wait3A_164 = tpu.memref_slice %arg14[%dma_wait3A, %dma_wait3A_163] : memref<128x128xf32, #tpu.memory_space<vmem>> -> memref<113x128xf32, #tpu.memory_space<vmem>>
      %dma_wait3A_165 = arith.constant 0 : i32
      %dma_wait3A_166 = tpu.memref_slice %arg15[%add3A_113, %dma_wait3A_165] : memref<10000x128xf32, #tpu.memory_space<vmem_shared>> -> memref<113x128xf32, #tpu.memory_space<vmem_shared>>
      %dma_wait3A_167 = arith.constant 0 : i32
      %dma_wait3A_168 = tpu.memref_slice %arg15[%add3A_113, %dma_wait3A_167] : memref<10000x128xf32, #tpu.memory_space<vmem_shared>> -> memref<113x128xf32, #tpu.memory_space<vmem_shared>>
      %dma_wait3A_169 = arith.constant 0 : i32
      %dma_wait3A_170 = arith.constant 0 : i32
      %dma_wait3A_171 = tpu.memref_slice %arg14[%dma_wait3A_169, %dma_wait3A_170] : memref<128x128xf32, #tpu.memory_space<vmem>> -> memref<113x128xf32, #tpu.memory_space<vmem>>
      tpu.wait_dma2 semaphore(%run_scoped3A : memref<!tpu.dma_semaphore, #tpu.memory_space<semaphore_mem>>) src(%dma_wait3A_171 : memref<113x128xf32, #tpu.memory_space<vmem>>) dst(%dma_wait3A_168 : memref<113x128xf32, #tpu.memory_space<vmem_shared>>)
      tpu.yield
    }) : () -> ()
    %barrier3A = arith.constant 0 : index
    tpu.barrier barrier_id(%barrier3A)
    %sub3A = arith.constant 0 : i32
    %sub3A_114 = arith.subi %select_n3A, %sub3A : i32
    %sub3A_115 = arith.constant 1 : i32
    %sub3A_116 = arith.constant 1 : i32
    %sub3A_117 = arith.subi %sub3A_115, %sub3A_116 : i32
    %add3A_118 = arith.addi %sub3A_114, %sub3A_117 : i32
    %div3A = arith.constant 1 : i32
    %div3A_119 = arith.divsi %add3A_118, %div3A : i32
    %while3A = arith.constant 1 : i32
    %while3A_120 = arith.constant 0 : i32
    %while3A_121 = arith.constant 0 : i32
    %while3A_122 = arith.constant 0 : i32
    %while3A_123 = arith.subi %div3A_119, %while3A_121 : i32
    %while3A_124 = arith.addi %while3A_121, %while3A_123 : i32
    %while3A_125 = arith.constant 1 : i32
    %while3A_126 = arith.divsi %while3A_123, %while3A_125 : i32
    %while3A_127 = arith.muli %while3A_126, %while3A_125 : i32
    %while3A_128 = arith.addi %while3A_121, %while3A_127 : i32
    %while3A_129 = arith.constant 1 : i32
    %while3A_130 = scf.for %while3A_154 = %while3A_121 to %while3A_128 step %while3A_129 iter_args(%while3A_155 = %while3A_122) -> (i32)  : i32 {
      %mul3A_156 = arith.muli %while3A_154, %while3A : i32
      %add3A_157 = arith.addi %while3A_120, %mul3A_156 : i32
      %mul3A_158 = arith.constant 32 : i32
      %mul3A_159 = arith.muli %mul3A_158, %add3A_157 : i32
      %add3A_160 = arith.addi %add3A, %mul3A_159 : i32
      %mul3A_161 = arith.constant 128 : i32
      %mul3A_162 = arith.muli %add3A_160, %mul3A_161 : i32
      %mul3A_163 = arith.constant 4 : i32
      %mul3A_164 = arith.muli %mul3A_162, %mul3A_163 : i32
      %dma_start3A = tpu.memref_slice %arg2[%mul3A_164] : memref<640000xf32, #tpu.memory_space<hbm>> -> memref<512xf32, #tpu.memory_space<hbm>>
      %dma_start3A_165 = tpu.memref_slice %arg2[%mul3A_164] : memref<640000xf32, #tpu.memory_space<hbm>> -> memref<512xf32, #tpu.memory_space<hbm>>
      tpu.enqueue_dma source(%dma_start3A_165 : memref<512xf32, #tpu.memory_space<hbm>>) target(%arg10 : memref<512xf32, #tpu.memory_space<vmem>>) target_semaphore(%arg16 : memref<!tpu.dma_semaphore, #tpu.memory_space<semaphore_mem>>)
      %mul3A_166 = arith.constant 128 : i32
      %mul3A_167 = arith.muli %add3A_160, %mul3A_166 : i32
      %dma_start3A_168 = tpu.memref_slice %arg4[%mul3A_167] : memref<160000xi32, #tpu.memory_space<hbm>> -> memref<128xi32, #tpu.memory_space<hbm>>
      %dma_start3A_169 = tpu.memref_slice %arg4[%mul3A_167] : memref<160000xi32, #tpu.memory_space<hbm>> -> memref<128xi32, #tpu.memory_space<hbm>>
      tpu.enqueue_dma source(%dma_start3A_169 : memref<128xi32, #tpu.memory_space<hbm>>) target(%arg12 : memref<128xi32, #tpu.memory_space<vmem>>) target_semaphore(%arg17 : memref<!tpu.dma_semaphore, #tpu.memory_space<semaphore_mem>>)
      %mul3A_170 = arith.constant 128 : i32
      %mul3A_171 = arith.muli %add3A_160, %mul3A_170 : i32
      %dma_start3A_172 = tpu.memref_slice %arg5[%mul3A_171] : memref<160000xi32, #tpu.memory_space<hbm>> -> memref<128xi32, #tpu.memory_space<hbm>>
      %dma_start3A_173 = tpu.memref_slice %arg5[%mul3A_171] : memref<160000xi32, #tpu.memory_space<hbm>> -> memref<128xi32, #tpu.memory_space<hbm>>
      tpu.enqueue_dma source(%dma_start3A_173 : memref<128xi32, #tpu.memory_space<hbm>>) target(%arg13 : memref<128xi32, #tpu.memory_space<vmem>>) target_semaphore(%arg18 : memref<!tpu.dma_semaphore, #tpu.memory_space<semaphore_mem>>)
      %dma_wait3A = tpu.memref_slice %arg4[%mul3A_167] : memref<160000xi32, #tpu.memory_space<hbm>> -> memref<128xi32, #tpu.memory_space<hbm>>
      %dma_wait3A_174 = tpu.memref_slice %arg4[%mul3A_167] : memref<160000xi32, #tpu.memory_space<hbm>> -> memref<128xi32, #tpu.memory_space<hbm>>
      tpu.wait_dma2 semaphore(%arg17 : memref<!tpu.dma_semaphore, #tpu.memory_space<semaphore_mem>>) src(%dma_wait3A_174 : memref<128xi32, #tpu.memory_space<hbm>>) dst(%arg12 : memref<128xi32, #tpu.memory_space<vmem>>)
      %dma_start3A_175 = arith.constant 0 : i32
      %dma_start3A_176 = arith.constant 0 : i32
      %dma_start3A_177 = tpu.memref_slice %arg6[%dma_start3A_175, %dma_start3A_176] : memref<10000x128xf32, #tpu.memory_space<hbm>> -> memref<10000x128xf32, #tpu.memory_space<hbm>>
      tpu.enqueue_indirect_dma source(%dma_start3A_177 : memref<10000x128xf32, #tpu.memory_space<hbm>>) target(%arg14 : memref<128x128xf32, #tpu.memory_space<vmem>>) offsets(%arg12 : memref<128xi32, #tpu.memory_space<vmem>>) semaphore(%arg19 : memref<!tpu.dma_semaphore, #tpu.memory_space<semaphore_mem>>)
      %dma_wait3A_178 = tpu.memref_slice %arg2[%mul3A_164] : memref<640000xf32, #tpu.memory_space<hbm>> -> memref<512xf32, #tpu.memory_space<hbm>>
      %dma_wait3A_179 = tpu.memref_slice %arg2[%mul3A_164] : memref<640000xf32, #tpu.memory_space<hbm>> -> memref<512xf32, #tpu.memory_space<hbm>>
      tpu.wait_dma2 semaphore(%arg16 : memref<!tpu.dma_semaphore, #tpu.memory_space<semaphore_mem>>) src(%dma_wait3A_179 : memref<512xf32, #tpu.memory_space<hbm>>) dst(%arg10 : memref<512xf32, #tpu.memory_space<vmem>>)
      %get3A_180 = arith.constant 0 : index
      %get3A_181 = tpu.vector_load %arg10[%get3A_180] {strides = array<i32>} : memref<512xf32, #tpu.memory_space<vmem>>, vector<16xf32>,
      %sub3A_182 = arith.subf %get3A_181, %max3A_97 : vector<16xf32>
      %exp3A = math.exp %sub3A_182 : vector<16xf32>
      %swap3A = arith.constant 0 : index
      %swap3A_183 = tpu.vector_load %arg11[%swap3A] {strides = array<i32>} : memref<512xf32, #tpu.memory_space<vmem>>, vector<16xf32>,
      tpu.vector_store %arg11[%swap3A], %exp3A {strides = array<i32>} : memref<512xf32, #tpu.memory_space<vmem>>, vector<16xf32>,
      %get3A_184 = arith.constant 16 : index
      %get3A_185 = tpu.vector_load %arg10[%get3A_184] {strides = array<i32>} : memref<512xf32, #tpu.memory_space<vmem>>, vector<16xf32>,
      %sub3A_186 = arith.subf %get3A_185, %max3A_97 : vector<16xf32>
      %exp3A_187 = math.exp %sub3A_186 : vector<16xf32>
      %swap3A_188 = arith.constant 16 : index
      %swap3A_189 = tpu.vector_load %arg11[%swap3A_188] {strides = array<i32>} : memref<512xf32, #tpu.memory_space<vmem>>, vector<16xf32>,
      tpu.vector_store %arg11[%swap3A_188], %exp3A_187 {strides = array<i32>} : memref<512xf32, #tpu.memory_space<vmem>>, vector<16xf32>,
      %get3A_190 = arith.constant 32 : index
      %get3A_191 = tpu.vector_load %arg10[%get3A_190] {strides = array<i32>} : memref<512xf32, #tpu.memory_space<vmem>>, vector<16xf32>,
      %sub3A_192 = arith.subf %get3A_191, %max3A_97 : vector<16xf32>
      %exp3A_193 = math.exp %sub3A_192 : vector<16xf32>
      %swap3A_194 = arith.constant 32 : index
      %swap3A_195 = tpu.vector_load %arg11[%swap3A_194] {strides = array<i32>} : memref<512xf32, #tpu.memory_space<vmem>>, vector<16xf32>,
      tpu.vector_store %arg11[%swap3A_194], %exp3A_193 {strides = array<i32>} : memref<512xf32, #tpu.memory_space<vmem>>, vector<16xf32>,
      %get3A_196 = arith.constant 48 : index
      %get3A_197 = tpu.vector_load %arg10[%get3A_196] {strides = array<i32>} : memref<512xf32, #tpu.memory_space<vmem>>, vector<16xf32>,
      %sub3A_198 = arith.subf %get3A_197, %max3A_97 : vector<16xf32>
      %exp3A_199 = math.exp %sub3A_198 : vector<16xf32>
      %swap3A_200 = arith.constant 48 : index
      %swap3A_201 = tpu.vector_load %arg11[%swap3A_200] {strides = array<i32>} : memref<512xf32, #tpu.memory_space<vmem>>, vector<16xf32>,
      tpu.vector_store %arg11[%swap3A_200], %exp3A_199 {strides = array<i32>} : memref<512xf32, #tpu.memory_space<vmem>>, vector<16xf32>,
      %get3A_202 = arith.constant 64 : index
      %get3A_203 = tpu.vector_load %arg10[%get3A_202] {strides = array<i32>} : memref<512xf32, #tpu.memory_space<vmem>>, vector<16xf32>,
      %sub3A_204 = arith.subf %get3A_203, %max3A_97 : vector<16xf32>
      %exp3A_205 = math.exp %sub3A_204 : vector<16xf32>
      %swap3A_206 = arith.constant 64 : index
      %swap3A_207 = tpu.vector_load %arg11[%swap3A_206] {strides = array<i32>} : memref<512xf32, #tpu.memory_space<vmem>>, vector<16xf32>,
      tpu.vector_store %arg11[%swap3A_206], %exp3A_205 {strides = array<i32>} : memref<512xf32, #tpu.memory_space<vmem>>, vector<16xf32>,
      %get3A_208 = arith.constant 80 : index
      %get3A_209 = tpu.vector_load %arg10[%get3A_208] {strides = array<i32>} : memref<512xf32, #tpu.memory_space<vmem>>, vector<16xf32>,
      %sub3A_210 = arith.subf %get3A_209, %max3A_97 : vector<16xf32>
      %exp3A_211 = math.exp %sub3A_210 : vector<16xf32>
      %swap3A_212 = arith.constant 80 : index
      %swap3A_213 = tpu.vector_load %arg11[%swap3A_212] {strides = array<i32>} : memref<512xf32, #tpu.memory_space<vmem>>, vector<16xf32>,
      tpu.vector_store %arg11[%swap3A_212], %exp3A_211 {strides = array<i32>} : memref<512xf32, #tpu.memory_space<vmem>>, vector<16xf32>,
      %get3A_214 = arith.constant 96 : index
      %get3A_215 = tpu.vector_load %arg10[%get3A_214] {strides = array<i32>} : memref<512xf32, #tpu.memory_space<vmem>>, vector<16xf32>,
      %sub3A_216 = arith.subf %get3A_215, %max3A_97 : vector<16xf32>
      %exp3A_217 = math.exp %sub3A_216 : vector<16xf32>
      %swap3A_218 = arith.constant 96 : index
      %swap3A_219 = tpu.vector_load %arg11[%swap3A_218] {strides = array<i32>} : memref<512xf32, #tpu.memory_space<vmem>>, vector<16xf32>,
      tpu.vector_store %arg11[%swap3A_218], %exp3A_217 {strides = array<i32>} : memref<512xf32, #tpu.memory_space<vmem>>, vector<16xf32>,
      %get3A_220 = arith.constant 112 : index
      %get3A_221 = tpu.vector_load %arg10[%get3A_220] {strides = array<i32>} : memref<512xf32, #tpu.memory_space<vmem>>, vector<16xf32>,
      %sub3A_222 = arith.subf %get3A_221, %max3A_97 : vector<16xf32>
      %exp3A_223 = math.exp %sub3A_222 : vector<16xf32>
      %swap3A_224 = arith.constant 112 : index
      %swap3A_225 = tpu.vector_load %arg11[%swap3A_224] {strides = array<i32>} : memref<512xf32, #tpu.memory_space<vmem>>, vector<16xf32>,
      tpu.vector_store %arg11[%swap3A_224], %exp3A_223 {strides = array<i32>} : memref<512xf32, #tpu.memory_space<vmem>>, vector<16xf32>,
      %get3A_226 = arith.constant 128 : index
      %get3A_227 = tpu.vector_load %arg10[%get3A_226] {strides = array<i32>} : memref<512xf32, #tpu.memory_space<vmem>>, vector<16xf32>,
      %sub3A_228 = arith.subf %get3A_227, %max3A_97 : vector<16xf32>
      %exp3A_229 = math.exp %sub3A_228 : vector<16xf32>
      %swap3A_230 = arith.constant 128 : index
      %swap3A_231 = tpu.vector_load %arg11[%swap3A_230] {strides = array<i32>} : memref<512xf32, #tpu.memory_space<vmem>>, vector<16xf32>,
      tpu.vector_store %arg11[%swap3A_230], %exp3A_229 {strides = array<i32>} : memref<512xf32, #tpu.memory_space<vmem>>, vector<16xf32>,
      %get3A_232 = arith.constant 144 : index
      %get3A_233 = tpu.vector_load %arg10[%get3A_232] {strides = array<i32>} : memref<512xf32, #tpu.memory_space<vmem>>, vector<16xf32>,
      %sub3A_234 = arith.subf %get3A_233, %max3A_97 : vector<16xf32>
      %exp3A_235 = math.exp %sub3A_234 : vector<16xf32>
      %swap3A_236 = arith.constant 144 : index
      %swap3A_237 = tpu.vector_load %arg11[%swap3A_236] {strides = array<i32>} : memref<512xf32, #tpu.memory_space<vmem>>, vector<16xf32>,
      tpu.vector_store %arg11[%swap3A_236], %exp3A_235 {strides = array<i32>} : memref<512xf32, #tpu.memory_space<vmem>>, vector<16xf32>,
      %get3A_238 = arith.constant 160 : index
      %get3A_239 = tpu.vector_load %arg10[%get3A_238] {strides = array<i32>} : memref<512xf32, #tpu.memory_space<vmem>>, vector<16xf32>,
      %sub3A_240 = arith.subf %get3A_239, %max3A_97 : vector<16xf32>
      %exp3A_241 = math.exp %sub3A_240 : vector<16xf32>
      %swap3A_242 = arith.constant 160 : index
      %swap3A_243 = tpu.vector_load %arg11[%swap3A_242] {strides = array<i32>} : memref<512xf32, #tpu.memory_space<vmem>>, vector<16xf32>,
      tpu.vector_store %arg11[%swap3A_242], %exp3A_241 {strides = array<i32>} : memref<512xf32, #tpu.memory_space<vmem>>, vector<16xf32>,
      %get3A_244 = arith.constant 176 : index
      %get3A_245 = tpu.vector_load %arg10[%get3A_244] {strides = array<i32>} : memref<512xf32, #tpu.memory_space<vmem>>, vector<16xf32>,
      %sub3A_246 = arith.subf %get3A_245, %max3A_97 : vector<16xf32>
      %exp3A_247 = math.exp %sub3A_246 : vector<16xf32>
      %swap3A_248 = arith.constant 176 : index
      %swap3A_249 = tpu.vector_load %arg11[%swap3A_248] {strides = array<i32>} : memref<512xf32, #tpu.memory_space<vmem>>, vector<16xf32>,
      tpu.vector_store %arg11[%swap3A_248], %exp3A_247 {strides = array<i32>} : memref<512xf32, #tpu.memory_space<vmem>>, vector<16xf32>,
      %get3A_250 = arith.constant 192 : index
      %get3A_251 = tpu.vector_load %arg10[%get3A_250] {strides = array<i32>} : memref<512xf32, #tpu.memory_space<vmem>>, vector<16xf32>,
      %sub3A_252 = arith.subf %get3A_251, %max3A_97 : vector<16xf32>
      %exp3A_253 = math.exp %sub3A_252 : vector<16xf32>
      %swap3A_254 = arith.constant 192 : index
      %swap3A_255 = tpu.vector_load %arg11[%swap3A_254] {strides = array<i32>} : memref<512xf32, #tpu.memory_space<vmem>>, vector<16xf32>,
      tpu.vector_store %arg11[%swap3A_254], %exp3A_253 {strides = array<i32>} : memref<512xf32, #tpu.memory_space<vmem>>, vector<16xf32>,
      %get3A_256 = arith.constant 208 : index
      %get3A_257 = tpu.vector_load %arg10[%get3A_256] {strides = array<i32>} : memref<512xf32, #tpu.memory_space<vmem>>, vector<16xf32>,
      %sub3A_258 = arith.subf %get3A_257, %max3A_97 : vector<16xf32>
      %exp3A_259 = math.exp %sub3A_258 : vector<16xf32>
      %swap3A_260 = arith.constant 208 : index
      %swap3A_261 = tpu.vector_load %arg11[%swap3A_260] {strides = array<i32>} : memref<512xf32, #tpu.memory_space<vmem>>, vector<16xf32>,
      tpu.vector_store %arg11[%swap3A_260], %exp3A_259 {strides = array<i32>} : memref<512xf32, #tpu.memory_space<vmem>>, vector<16xf32>,
      %get3A_262 = arith.constant 224 : index
      %get3A_263 = tpu.vector_load %arg10[%get3A_262] {strides = array<i32>} : memref<512xf32, #tpu.memory_space<vmem>>, vector<16xf32>,
      %sub3A_264 = arith.subf %get3A_263, %max3A_97 : vector<16xf32>
      %exp3A_265 = math.exp %sub3A_264 : vector<16xf32>
      %swap3A_266 = arith.constant 224 : index
      %swap3A_267 = tpu.vector_load %arg11[%swap3A_266] {strides = array<i32>} : memref<512xf32, #tpu.memory_space<vmem>>, vector<16xf32>,
      tpu.vector_store %arg11[%swap3A_266], %exp3A_265 {strides = array<i32>} : memref<512xf32, #tpu.memory_space<vmem>>, vector<16xf32>,
      %get3A_268 = arith.constant 240 : index
      %get3A_269 = tpu.vector_load %arg10[%get3A_268] {strides = array<i32>} : memref<512xf32, #tpu.memory_space<vmem>>, vector<16xf32>,
      %sub3A_270 = arith.subf %get3A_269, %max3A_97 : vector<16xf32>
      %exp3A_271 = math.exp %sub3A_270 : vector<16xf32>
      %swap3A_272 = arith.constant 240 : index
      %swap3A_273 = tpu.vector_load %arg11[%swap3A_272] {strides = array<i32>} : memref<512xf32, #tpu.memory_space<vmem>>, vector<16xf32>,
      tpu.vector_store %arg11[%swap3A_272], %exp3A_271 {strides = array<i32>} : memref<512xf32, #tpu.memory_space<vmem>>, vector<16xf32>,
      %get3A_274 = arith.constant 256 : index
      %get3A_275 = tpu.vector_load %arg10[%get3A_274] {strides = array<i32>} : memref<512xf32, #tpu.memory_space<vmem>>, vector<16xf32>,
      %sub3A_276 = arith.subf %get3A_275, %max3A_97 : vector<16xf32>
      %exp3A_277 = math.exp %sub3A_276 : vector<16xf32>
      %swap3A_278 = arith.constant 256 : index
      %swap3A_279 = tpu.vector_load %arg11[%swap3A_278] {strides = array<i32>} : memref<512xf32, #tpu.memory_space<vmem>>, vector<16xf32>,
      tpu.vector_store %arg11[%swap3A_278], %exp3A_277 {strides = array<i32>} : memref<512xf32, #tpu.memory_space<vmem>>, vector<16xf32>,
      %get3A_280 = arith.constant 272 : index
      %get3A_281 = tpu.vector_load %arg10[%get3A_280] {strides = array<i32>} : memref<512xf32, #tpu.memory_space<vmem>>, vector<16xf32>,
      %sub3A_282 = arith.subf %get3A_281, %max3A_97 : vector<16xf32>
      %exp3A_283 = math.exp %sub3A_282 : vector<16xf32>
      %swap3A_284 = arith.constant 272 : index
      %swap3A_285 = tpu.vector_load %arg11[%swap3A_284] {strides = array<i32>} : memref<512xf32, #tpu.memory_space<vmem>>, vector<16xf32>,
      tpu.vector_store %arg11[%swap3A_284], %exp3A_283 {strides = array<i32>} : memref<512xf32, #tpu.memory_space<vmem>>, vector<16xf32>,
      %get3A_286 = arith.constant 288 : index
      %get3A_287 = tpu.vector_load %arg10[%get3A_286] {strides = array<i32>} : memref<512xf32, #tpu.memory_space<vmem>>, vector<16xf32>,
      %sub3A_288 = arith.subf %get3A_287, %max3A_97 : vector<16xf32>
      %exp3A_289 = math.exp %sub3A_288 : vector<16xf32>
      %swap3A_290 = arith.constant 288 : index
      %swap3A_291 = tpu.vector_load %arg11[%swap3A_290] {strides = array<i32>} : memref<512xf32, #tpu.memory_space<vmem>>, vector<16xf32>,
      tpu.vector_store %arg11[%swap3A_290], %exp3A_289 {strides = array<i32>} : memref<512xf32, #tpu.memory_space<vmem>>, vector<16xf32>,
      %get3A_292 = arith.constant 304 : index
      %get3A_293 = tpu.vector_load %arg10[%get3A_292] {strides = array<i32>} : memref<512xf32, #tpu.memory_space<vmem>>, vector<16xf32>,
      %sub3A_294 = arith.subf %get3A_293, %max3A_97 : vector<16xf32>
      %exp3A_295 = math.exp %sub3A_294 : vector<16xf32>
      %swap3A_296 = arith.constant 304 : index
      %swap3A_297 = tpu.vector_load %arg11[%swap3A_296] {strides = array<i32>} : memref<512xf32, #tpu.memory_space<vmem>>, vector<16xf32>,
      tpu.vector_store %arg11[%swap3A_296], %exp3A_295 {strides = array<i32>} : memref<512xf32, #tpu.memory_space<vmem>>, vector<16xf32>,
      %get3A_298 = arith.constant 320 : index
      %get3A_299 = tpu.vector_load %arg10[%get3A_298] {strides = array<i32>} : memref<512xf32, #tpu.memory_space<vmem>>, vector<16xf32>,
      %sub3A_300 = arith.subf %get3A_299, %max3A_97 : vector<16xf32>
      %exp3A_301 = math.exp %sub3A_300 : vector<16xf32>
      %swap3A_302 = arith.constant 320 : index
      %swap3A_303 = tpu.vector_load %arg11[%swap3A_302] {strides = array<i32>} : memref<512xf32, #tpu.memory_space<vmem>>, vector<16xf32>,
      tpu.vector_store %arg11[%swap3A_302], %exp3A_301 {strides = array<i32>} : memref<512xf32, #tpu.memory_space<vmem>>, vector<16xf32>,
      %get3A_304 = arith.constant 336 : index
      %get3A_305 = tpu.vector_load %arg10[%get3A_304] {strides = array<i32>} : memref<512xf32, #tpu.memory_space<vmem>>, vector<16xf32>,
      %sub3A_306 = arith.subf %get3A_305, %max3A_97 : vector<16xf32>
      %exp3A_307 = math.exp %sub3A_306 : vector<16xf32>
      %swap3A_308 = arith.constant 336 : index
      %swap3A_309 = tpu.vector_load %arg11[%swap3A_308] {strides = array<i32>} : memref<512xf32, #tpu.memory_space<vmem>>, vector<16xf32>,
      tpu.vector_store %arg11[%swap3A_308], %exp3A_307 {strides = array<i32>} : memref<512xf32, #tpu.memory_space<vmem>>, vector<16xf32>,
      %get3A_310 = arith.constant 352 : index
      %get3A_311 = tpu.vector_load %arg10[%get3A_310] {strides = array<i32>} : memref<512xf32, #tpu.memory_space<vmem>>, vector<16xf32>,
      %sub3A_312 = arith.subf %get3A_311, %max3A_97 : vector<16xf32>
      %exp3A_313 = math.exp %sub3A_312 : vector<16xf32>
      %swap3A_314 = arith.constant 352 : index
      %swap3A_315 = tpu.vector_load %arg11[%swap3A_314] {strides = array<i32>} : memref<512xf32, #tpu.memory_space<vmem>>, vector<16xf32>,
      tpu.vector_store %arg11[%swap3A_314], %exp3A_313 {strides = array<i32>} : memref<512xf32, #tpu.memory_space<vmem>>, vector<16xf32>,
      %get3A_316 = arith.constant 368 : index
      %get3A_317 = tpu.vector_load %arg10[%get3A_316] {strides = array<i32>} : memref<512xf32, #tpu.memory_space<vmem>>, vector<16xf32>,
      %sub3A_318 = arith.subf %get3A_317, %max3A_97 : vector<16xf32>
      %exp3A_319 = math.exp %sub3A_318 : vector<16xf32>
      %swap3A_320 = arith.constant 368 : index
      %swap3A_321 = tpu.vector_load %arg11[%swap3A_320] {strides = array<i32>} : memref<512xf32, #tpu.memory_space<vmem>>, vector<16xf32>,
      tpu.vector_store %arg11[%swap3A_320], %exp3A_319 {strides = array<i32>} : memref<512xf32, #tpu.memory_space<vmem>>, vector<16xf32>,
      %get3A_322 = arith.constant 384 : index
      %get3A_323 = tpu.vector_load %arg10[%get3A_322] {strides = array<i32>} : memref<512xf32, #tpu.memory_space<vmem>>, vector<16xf32>,
      %sub3A_324 = arith.subf %get3A_323, %max3A_97 : vector<16xf32>
      %exp3A_325 = math.exp %sub3A_324 : vector<16xf32>
      %swap3A_326 = arith.constant 384 : index
      %swap3A_327 = tpu.vector_load %arg11[%swap3A_326] {strides = array<i32>} : memref<512xf32, #tpu.memory_space<vmem>>, vector<16xf32>,
      tpu.vector_store %arg11[%swap3A_326], %exp3A_325 {strides = array<i32>} : memref<512xf32, #tpu.memory_space<vmem>>, vector<16xf32>,
      %get3A_328 = arith.constant 400 : index
      %get3A_329 = tpu.vector_load %arg10[%get3A_328] {strides = array<i32>} : memref<512xf32, #tpu.memory_space<vmem>>, vector<16xf32>,
      %sub3A_330 = arith.subf %get3A_329, %max3A_97 : vector<16xf32>
      %exp3A_331 = math.exp %sub3A_330 : vector<16xf32>
      %swap3A_332 = arith.constant 400 : index
      %swap3A_333 = tpu.vector_load %arg11[%swap3A_332] {strides = array<i32>} : memref<512xf32, #tpu.memory_space<vmem>>, vector<16xf32>,
      tpu.vector_store %arg11[%swap3A_332], %exp3A_331 {strides = array<i32>} : memref<512xf32, #tpu.memory_space<vmem>>, vector<16xf32>,
      %get3A_334 = arith.constant 416 : index
      %get3A_335 = tpu.vector_load %arg10[%get3A_334] {strides = array<i32>} : memref<512xf32, #tpu.memory_space<vmem>>, vector<16xf32>,
      %sub3A_336 = arith.subf %get3A_335, %max3A_97 : vector<16xf32>
      %exp3A_337 = math.exp %sub3A_336 : vector<16xf32>
      %swap3A_338 = arith.constant 416 : index
      %swap3A_339 = tpu.vector_load %arg11[%swap3A_338] {strides = array<i32>} : memref<512xf32, #tpu.memory_space<vmem>>, vector<16xf32>,
      tpu.vector_store %arg11[%swap3A_338], %exp3A_337 {strides = array<i32>} : memref<512xf32, #tpu.memory_space<vmem>>, vector<16xf32>,
      %get3A_340 = arith.constant 432 : index
      %get3A_341 = tpu.vector_load %arg10[%get3A_340] {strides = array<i32>} : memref<512xf32, #tpu.memory_space<vmem>>, vector<16xf32>,
      %sub3A_342 = arith.subf %get3A_341, %max3A_97 : vector<16xf32>
      %exp3A_343 = math.exp %sub3A_342 : vector<16xf32>
      %swap3A_344 = arith.constant 432 : index
      %swap3A_345 = tpu.vector_load %arg11[%swap3A_344] {strides = array<i32>} : memref<512xf32, #tpu.memory_space<vmem>>, vector<16xf32>,
      tpu.vector_store %arg11[%swap3A_344], %exp3A_343 {strides = array<i32>} : memref<512xf32, #tpu.memory_space<vmem>>, vector<16xf32>,
      %get3A_346 = arith.constant 448 : index
      %get3A_347 = tpu.vector_load %arg10[%get3A_346] {strides = array<i32>} : memref<512xf32, #tpu.memory_space<vmem>>, vector<16xf32>,
      %sub3A_348 = arith.subf %get3A_347, %max3A_97 : vector<16xf32>
      %exp3A_349 = math.exp %sub3A_348 : vector<16xf32>
      %swap3A_350 = arith.constant 448 : index
      %swap3A_351 = tpu.vector_load %arg11[%swap3A_350] {strides = array<i32>} : memref<512xf32, #tpu.memory_space<vmem>>, vector<16xf32>,
      tpu.vector_store %arg11[%swap3A_350], %exp3A_349 {strides = array<i32>} : memref<512xf32, #tpu.memory_space<vmem>>, vector<16xf32>,
      %get3A_352 = arith.constant 464 : index
      %get3A_353 = tpu.vector_load %arg10[%get3A_352] {strides = array<i32>} : memref<512xf32, #tpu.memory_space<vmem>>, vector<16xf32>,
      %sub3A_354 = arith.subf %get3A_353, %max3A_97 : vector<16xf32>
      %exp3A_355 = math.exp %sub3A_354 : vector<16xf32>
      %swap3A_356 = arith.constant 464 : index
      %swap3A_357 = tpu.vector_load %arg11[%swap3A_356] {strides = array<i32>} : memref<512xf32, #tpu.memory_space<vmem>>, vector<16xf32>,
      tpu.vector_store %arg11[%swap3A_356], %exp3A_355 {strides = array<i32>} : memref<512xf32, #tpu.memory_space<vmem>>, vector<16xf32>,
      %get3A_358 = arith.constant 480 : index
      %get3A_359 = tpu.vector_load %arg10[%get3A_358] {strides = array<i32>} : memref<512xf32, #tpu.memory_space<vmem>>, vector<16xf32>,
      %sub3A_360 = arith.subf %get3A_359, %max3A_97 : vector<16xf32>
      %exp3A_361 = math.exp %sub3A_360 : vector<16xf32>
      %swap3A_362 = arith.constant 480 : index
      %swap3A_363 = tpu.vector_load %arg11[%swap3A_362] {strides = array<i32>} : memref<512xf32, #tpu.memory_space<vmem>>, vector<16xf32>,
      tpu.vector_store %arg11[%swap3A_362], %exp3A_361 {strides = array<i32>} : memref<512xf32, #tpu.memory_space<vmem>>, vector<16xf32>,
      %get3A_364 = arith.constant 496 : index
      %get3A_365 = tpu.vector_load %arg10[%get3A_364] {strides = array<i32>} : memref<512xf32, #tpu.memory_space<vmem>>, vector<16xf32>,
      %sub3A_366 = arith.subf %get3A_365, %max3A_97 : vector<16xf32>
      %exp3A_367 = math.exp %sub3A_366 : vector<16xf32>
      %swap3A_368 = arith.constant 496 : index
      %swap3A_369 = tpu.vector_load %arg11[%swap3A_368] {strides = array<i32>} : memref<512xf32, #tpu.memory_space<vmem>>, vector<16xf32>,
      tpu.vector_store %arg11[%swap3A_368], %exp3A_367 {strides = array<i32>} : memref<512xf32, #tpu.memory_space<vmem>>, vector<16xf32>,
      %mul3A_370 = arith.constant 128 : i32
      %mul3A_371 = arith.muli %add3A_160, %mul3A_370 : i32
      %mul3A_372 = arith.constant 4 : i32
      %mul3A_373 = arith.muli %mul3A_371, %mul3A_372 : i32
      "tpu.region"() ({
        %run_scoped3A = tpu.sem_alloc : memref<!tpu.dma_semaphore, #tpu.memory_space<semaphore_mem>>
        %dma_start3A_385 = tpu.memref_slice %arg7[%mul3A_373] : memref<640000xf32, #tpu.memory_space<hbm>> -> memref<512xf32, #tpu.memory_space<hbm>>
        %dma_start3A_386 = tpu.memref_slice %arg7[%mul3A_373] : memref<640000xf32, #tpu.memory_space<hbm>> -> memref<512xf32, #tpu.memory_space<hbm>>
        tpu.enqueue_dma source(%arg11 : memref<512xf32, #tpu.memory_space<vmem>>) target(%dma_start3A_386 : memref<512xf32, #tpu.memory_space<hbm>>) target_semaphore(%run_scoped3A : memref<!tpu.dma_semaphore, #tpu.memory_space<semaphore_mem>>)
        %dma_wait3A_387 = tpu.memref_slice %arg7[%mul3A_373] : memref<640000xf32, #tpu.memory_space<hbm>> -> memref<512xf32, #tpu.memory_space<hbm>>
        %dma_wait3A_388 = tpu.memref_slice %arg7[%mul3A_373] : memref<640000xf32, #tpu.memory_space<hbm>> -> memref<512xf32, #tpu.memory_space<hbm>>
        tpu.wait_dma2 semaphore(%run_scoped3A : memref<!tpu.dma_semaphore, #tpu.memory_space<semaphore_mem>>) src(%arg11 : memref<512xf32, #tpu.memory_space<vmem>>) dst(%dma_wait3A_388 : memref<512xf32, #tpu.memory_space<hbm>>)
        tpu.yield
      }) : () -> ()
      %dma_wait3A_374 = arith.constant 0 : i32
      %dma_wait3A_375 = arith.constant 0 : i32
      %dma_wait3A_376 = tpu.memref_slice %arg6[%dma_wait3A_374, %dma_wait3A_375] : memref<10000x128xf32, #tpu.memory_space<hbm>> -> memref<10000x128xf32, #tpu.memory_space<hbm>>
      tpu.wait_indirect_dma semaphore(%arg19 : memref<!tpu.dma_semaphore, #tpu.memory_space<semaphore_mem>>) src(%dma_wait3A_376 : memref<10000x128xf32, #tpu.memory_space<hbm>>) dst(%arg14 : memref<128x128xf32, #tpu.memory_space<vmem>>)
      %scan3A_377 = arith.constant 0 : i32
      %scan3A_378 = arith.constant 1024 : i32
      %scan3A_379 = arith.addi %scan3A_377, %scan3A_378 : i32
      %scan3A_380 = arith.constant 1 : i32
      scf.for %scan3A_385 = %scan3A_377 to %scan3A_379 step %scan3A_380  : i32 {
        %mul3A_386 = arith.constant 1 : i32
        %mul3A_387 = arith.muli %scan3A_385, %mul3A_386 : i32
        %add3A_388 = arith.constant 0 : i32
        %add3A_389 = arith.addi %add3A_388, %mul3A_387 : i32
        %shift_right_arithmetic3A = arith.constant 3 : i32
        %shift_right_arithmetic3A_390 = arith.shrsi %add3A_389, %shift_right_arithmetic3A : i32
        %and3A = arith.constant 7 : i32
        %and3A_391 = arith.andi %add3A_389, %and3A : i32
        %mul3A_392 = arith.constant 4 : i32
        %mul3A_393 = arith.muli %shift_right_arithmetic3A_390, %mul3A_392 : i32
        %shift_right_arithmetic3A_394 = arith.constant 1 : i32
        %shift_right_arithmetic3A_395 = arith.shrsi %and3A_391, %shift_right_arithmetic3A_394 : i32
        %add3A_396 = arith.addi %mul3A_393, %shift_right_arithmetic3A_395 : i32
        %broadcast_in_dim3A_397 = vector.broadcast %add3A_396 : i32 to vector<16xi32>
        %gather3A = tpu.vector_load_idx %arg11[%broadcast_in_dim3A_397] : memref<512xf32, #tpu.memory_space<vmem>>[vector<16xi32>], vector<16xf32>,
        %mul3A_398 = arith.constant 16 : i32
        %mul3A_399 = arith.muli %and3A_391, %mul3A_398 : i32
        %get3A_400 = arith.index_cast %shift_right_arithmetic3A_390 : i32 to index
        %get3A_401 = arith.index_cast %mul3A_399 : i32 to index
        %get3A_402 = tpu.vector_load %arg14[%get3A_400, %get3A_401] {strides = array<i32>} : memref<128x128xf32, #tpu.memory_space<vmem>>, vector<16xf32>,
        %mul3A_403 = arith.mulf %get3A_402, %gather3A : vector<16xf32>
        %mul3A_404 = arith.constant 16 : i32
        %mul3A_405 = arith.muli %and3A_391, %mul3A_404 : i32
        %swap3A_406 = arith.index_cast %shift_right_arithmetic3A_390 : i32 to index
        %swap3A_407 = arith.index_cast %mul3A_405 : i32 to index
        %swap3A_408 = tpu.vector_load %arg14[%swap3A_406, %swap3A_407] {strides = array<i32>} : memref<128x128xf32, #tpu.memory_space<vmem>>, vector<16xf32>,
        tpu.vector_store %arg14[%swap3A_406, %swap3A_407], %mul3A_403 {strides = array<i32>} : memref<128x128xf32, #tpu.memory_space<vmem>>, vector<16xf32>,
      }
      %scan3A_381 = arith.constant 1024 : i32
      %dma_wait3A_382 = tpu.memref_slice %arg5[%mul3A_171] : memref<160000xi32, #tpu.memory_space<hbm>> -> memref<128xi32, #tpu.memory_space<hbm>>
      %dma_wait3A_383 = tpu.memref_slice %arg5[%mul3A_171] : memref<160000xi32, #tpu.memory_space<hbm>> -> memref<128xi32, #tpu.memory_space<hbm>>
      tpu.wait_dma2 semaphore(%arg18 : memref<!tpu.dma_semaphore, #tpu.memory_space<semaphore_mem>>) src(%dma_wait3A_383 : memref<128xi32, #tpu.memory_space<hbm>>) dst(%arg13 : memref<128xi32, #tpu.memory_space<vmem>>)
      "tpu.region"() ({
        %run_scoped3A = tpu.sem_alloc : memref<!tpu.dma_semaphore, #tpu.memory_space<semaphore_mem>>
        %dma_start3A_385 = arith.constant 0 : i32
        %dma_start3A_386 = arith.constant 0 : i32
        %dma_start3A_387 = tpu.memref_slice %arg15[%dma_start3A_385, %dma_start3A_386] : memref<10000x128xf32, #tpu.memory_space<vmem_shared>> -> memref<10000x128xf32, #tpu.memory_space<vmem_shared>>
        tpu.enqueue_indirect_dma source(%arg14 : memref<128x128xf32, #tpu.memory_space<vmem>>) target(%dma_start3A_387 : memref<10000x128xf32, #tpu.memory_space<vmem_shared>>) offsets(%arg13 : memref<128xi32, #tpu.memory_space<vmem>>) semaphore(%run_scoped3A : memref<!tpu.dma_semaphore, #tpu.memory_space<semaphore_mem>>) {add = true}
        %dma_wait3A_388 = arith.constant 0 : i32
        %dma_wait3A_389 = arith.constant 0 : i32
        %dma_wait3A_390 = tpu.memref_slice %arg15[%dma_wait3A_388, %dma_wait3A_389] : memref<10000x128xf32, #tpu.memory_space<vmem_shared>> -> memref<10000x128xf32, #tpu.memory_space<vmem_shared>>
        tpu.wait_indirect_dma semaphore(%run_scoped3A : memref<!tpu.dma_semaphore, #tpu.memory_space<semaphore_mem>>) src(%arg14 : memref<128x128xf32, #tpu.memory_space<vmem>>) dst(%dma_wait3A_390 : memref<10000x128xf32, #tpu.memory_space<vmem_shared>>)
        tpu.yield
      }) : () -> ()
      %while3A_384 = arith.constant 0 : i32
      scf.yield %while3A_384 : i32
    }
    %while3A_131 = arith.constant 1 : i32
    %while3A_132 = scf.for %while3A_154 = %while3A_128 to %while3A_124 step %while3A_131 iter_args(%while3A_155 = %while3A_130) -> (i32)  : i32 {
      %mul3A_156 = arith.muli %while3A_154, %while3A : i32
      %add3A_157 = arith.addi %while3A_120, %mul3A_156 : i32
      %mul3A_158 = arith.constant 32 : i32
      %mul3A_159 = arith.muli %mul3A_158, %add3A_157 : i32
      %add3A_160 = arith.addi %add3A, %mul3A_159 : i32
      %mul3A_161 = arith.constant 128 : i32
      %mul3A_162 = arith.muli %add3A_160, %mul3A_161 : i32
      %mul3A_163 = arith.constant 4 : i32
      %mul3A_164 = arith.muli %mul3A_162, %mul3A_163 : i32
      %dma_start3A = tpu.memref_slice %arg2[%mul3A_164] : memref<640000xf32, #tpu.memory_space<hbm>> -> memref<512xf32, #tpu.memory_space<hbm>>
      %dma_start3A_165 = tpu.memref_slice %arg2[%mul3A_164] : memref<640000xf32, #tpu.memory_space<hbm>> -> memref<512xf32, #tpu.memory_space<hbm>>
      tpu.enqueue_dma source(%dma_start3A_165 : memref<512xf32, #tpu.memory_space<hbm>>) target(%arg10 : memref<512xf32, #tpu.memory_space<vmem>>) target_semaphore(%arg16 : memref<!tpu.dma_semaphore, #tpu.memory_space<semaphore_mem>>)
      %mul3A_166 = arith.constant 128 : i32
      %mul3A_167 = arith.muli %add3A_160, %mul3A_166 : i32
      %dma_start3A_168 = tpu.memref_slice %arg4[%mul3A_167] : memref<160000xi32, #tpu.memory_space<hbm>> -> memref<128xi32, #tpu.memory_space<hbm>>
      %dma_start3A_169 = tpu.memref_slice %arg4[%mul3A_167] : memref<160000xi32, #tpu.memory_space<hbm>> -> memref<128xi32, #tpu.memory_space<hbm>>
      tpu.enqueue_dma source(%dma_start3A_169 : memref<128xi32, #tpu.memory_space<hbm>>) target(%arg12 : memref<128xi32, #tpu.memory_space<vmem>>) target_semaphore(%arg17 : memref<!tpu.dma_semaphore, #tpu.memory_space<semaphore_mem>>)
      %mul3A_170 = arith.constant 128 : i32
      %mul3A_171 = arith.muli %add3A_160, %mul3A_170 : i32
      %dma_start3A_172 = tpu.memref_slice %arg5[%mul3A_171] : memref<160000xi32, #tpu.memory_space<hbm>> -> memref<128xi32, #tpu.memory_space<hbm>>
      %dma_start3A_173 = tpu.memref_slice %arg5[%mul3A_171] : memref<160000xi32, #tpu.memory_space<hbm>> -> memref<128xi32, #tpu.memory_space<hbm>>
      tpu.enqueue_dma source(%dma_start3A_173 : memref<128xi32, #tpu.memory_space<hbm>>) target(%arg13 : memref<128xi32, #tpu.memory_space<vmem>>) target_semaphore(%arg18 : memref<!tpu.dma_semaphore, #tpu.memory_space<semaphore_mem>>)
      %dma_wait3A = tpu.memref_slice %arg4[%mul3A_167] : memref<160000xi32, #tpu.memory_space<hbm>> -> memref<128xi32, #tpu.memory_space<hbm>>
      %dma_wait3A_174 = tpu.memref_slice %arg4[%mul3A_167] : memref<160000xi32, #tpu.memory_space<hbm>> -> memref<128xi32, #tpu.memory_space<hbm>>
      tpu.wait_dma2 semaphore(%arg17 : memref<!tpu.dma_semaphore, #tpu.memory_space<semaphore_mem>>) src(%dma_wait3A_174 : memref<128xi32, #tpu.memory_space<hbm>>) dst(%arg12 : memref<128xi32, #tpu.memory_space<vmem>>)
      %dma_start3A_175 = arith.constant 0 : i32
      %dma_start3A_176 = arith.constant 0 : i32
      %dma_start3A_177 = tpu.memref_slice %arg6[%dma_start3A_175, %dma_start3A_176] : memref<10000x128xf32, #tpu.memory_space<hbm>> -> memref<10000x128xf32, #tpu.memory_space<hbm>>
      tpu.enqueue_indirect_dma source(%dma_start3A_177 : memref<10000x128xf32, #tpu.memory_space<hbm>>) target(%arg14 : memref<128x128xf32, #tpu.memory_space<vmem>>) offsets(%arg12 : memref<128xi32, #tpu.memory_space<vmem>>) semaphore(%arg19 : memref<!tpu.dma_semaphore, #tpu.memory_space<semaphore_mem>>)
      %dma_wait3A_178 = tpu.memref_slice %arg2[%mul3A_164] : memref<640000xf32, #tpu.memory_space<hbm>> -> memref<512xf32, #tpu.memory_space<hbm>>
      %dma_wait3A_179 = tpu.memref_slice %arg2[%mul3A_164] : memref<640000xf32, #tpu.memory_space<hbm>> -> memref<512xf32, #tpu.memory_space<hbm>>
      tpu.wait_dma2 semaphore(%arg16 : memref<!tpu.dma_semaphore, #tpu.memory_space<semaphore_mem>>) src(%dma_wait3A_179 : memref<512xf32, #tpu.memory_space<hbm>>) dst(%arg10 : memref<512xf32, #tpu.memory_space<vmem>>)
      %get3A_180 = arith.constant 0 : index
      %get3A_181 = tpu.vector_load %arg10[%get3A_180] {strides = array<i32>} : memref<512xf32, #tpu.memory_space<vmem>>, vector<16xf32>,
      %sub3A_182 = arith.subf %get3A_181, %max3A_97 : vector<16xf32>
      %exp3A = math.exp %sub3A_182 : vector<16xf32>
      %swap3A = arith.constant 0 : index
      %swap3A_183 = tpu.vector_load %arg11[%swap3A] {strides = array<i32>} : memref<512xf32, #tpu.memory_space<vmem>>, vector<16xf32>,
      tpu.vector_store %arg11[%swap3A], %exp3A {strides = array<i32>} : memref<512xf32, #tpu.memory_space<vmem>>, vector<16xf32>,
      %get3A_184 = arith.constant 16 : index
      %get3A_185 = tpu.vector_load %arg10[%get3A_184] {strides = array<i32>} : memref<512xf32, #tpu.memory_space<vmem>>, vector<16xf32>,
      %sub3A_186 = arith.subf %get3A_185, %max3A_97 : vector<16xf32>
      %exp3A_187 = math.exp %sub3A_186 : vector<16xf32>
      %swap3A_188 = arith.constant 16 : index
      %swap3A_189 = tpu.vector_load %arg11[%swap3A_188] {strides = array<i32>} : memref<512xf32, #tpu.memory_space<vmem>>, vector<16xf32>,
      tpu.vector_store %arg11[%swap3A_188], %exp3A_187 {strides = array<i32>} : memref<512xf32, #tpu.memory_space<vmem>>, vector<16xf32>,
      %get3A_190 = arith.constant 32 : index
      %get3A_191 = tpu.vector_load %arg10[%get3A_190] {strides = array<i32>} : memref<512xf32, #tpu.memory_space<vmem>>, vector<16xf32>,
      %sub3A_192 = arith.subf %get3A_191, %max3A_97 : vector<16xf32>
      %exp3A_193 = math.exp %sub3A_192 : vector<16xf32>
      %swap3A_194 = arith.constant 32 : index
      %swap3A_195 = tpu.vector_load %arg11[%swap3A_194] {strides = array<i32>} : memref<512xf32, #tpu.memory_space<vmem>>, vector<16xf32>,
      tpu.vector_store %arg11[%swap3A_194], %exp3A_193 {strides = array<i32>} : memref<512xf32, #tpu.memory_space<vmem>>, vector<16xf32>,
      %get3A_196 = arith.constant 48 : index
      %get3A_197 = tpu.vector_load %arg10[%get3A_196] {strides = array<i32>} : memref<512xf32, #tpu.memory_space<vmem>>, vector<16xf32>,
      %sub3A_198 = arith.subf %get3A_197, %max3A_97 : vector<16xf32>
      %exp3A_199 = math.exp %sub3A_198 : vector<16xf32>
      %swap3A_200 = arith.constant 48 : index
      %swap3A_201 = tpu.vector_load %arg11[%swap3A_200] {strides = array<i32>} : memref<512xf32, #tpu.memory_space<vmem>>, vector<16xf32>,
      tpu.vector_store %arg11[%swap3A_200], %exp3A_199 {strides = array<i32>} : memref<512xf32, #tpu.memory_space<vmem>>, vector<16xf32>,
      %get3A_202 = arith.constant 64 : index
      %get3A_203 = tpu.vector_load %arg10[%get3A_202] {strides = array<i32>} : memref<512xf32, #tpu.memory_space<vmem>>, vector<16xf32>,
      %sub3A_204 = arith.subf %get3A_203, %max3A_97 : vector<16xf32>
      %exp3A_205 = math.exp %sub3A_204 : vector<16xf32>
      %swap3A_206 = arith.constant 64 : index
      %swap3A_207 = tpu.vector_load %arg11[%swap3A_206] {strides = array<i32>} : memref<512xf32, #tpu.memory_space<vmem>>, vector<16xf32>,
      tpu.vector_store %arg11[%swap3A_206], %exp3A_205 {strides = array<i32>} : memref<512xf32, #tpu.memory_space<vmem>>, vector<16xf32>,
      %get3A_208 = arith.constant 80 : index
      %get3A_209 = tpu.vector_load %arg10[%get3A_208] {strides = array<i32>} : memref<512xf32, #tpu.memory_space<vmem>>, vector<16xf32>,
      %sub3A_210 = arith.subf %get3A_209, %max3A_97 : vector<16xf32>
      %exp3A_211 = math.exp %sub3A_210 : vector<16xf32>
      %swap3A_212 = arith.constant 80 : index
      %swap3A_213 = tpu.vector_load %arg11[%swap3A_212] {strides = array<i32>} : memref<512xf32, #tpu.memory_space<vmem>>, vector<16xf32>,
      tpu.vector_store %arg11[%swap3A_212], %exp3A_211 {strides = array<i32>} : memref<512xf32, #tpu.memory_space<vmem>>, vector<16xf32>,
      %get3A_214 = arith.constant 96 : index
      %get3A_215 = tpu.vector_load %arg10[%get3A_214] {strides = array<i32>} : memref<512xf32, #tpu.memory_space<vmem>>, vector<16xf32>,
      %sub3A_216 = arith.subf %get3A_215, %max3A_97 : vector<16xf32>
      %exp3A_217 = math.exp %sub3A_216 : vector<16xf32>
      %swap3A_218 = arith.constant 96 : index
      %swap3A_219 = tpu.vector_load %arg11[%swap3A_218] {strides = array<i32>} : memref<512xf32, #tpu.memory_space<vmem>>, vector<16xf32>,
      tpu.vector_store %arg11[%swap3A_218], %exp3A_217 {strides = array<i32>} : memref<512xf32, #tpu.memory_space<vmem>>, vector<16xf32>,
      %get3A_220 = arith.constant 112 : index
      %get3A_221 = tpu.vector_load %arg10[%get3A_220] {strides = array<i32>} : memref<512xf32, #tpu.memory_space<vmem>>, vector<16xf32>,
      %sub3A_222 = arith.subf %get3A_221, %max3A_97 : vector<16xf32>
      %exp3A_223 = math.exp %sub3A_222 : vector<16xf32>
      %swap3A_224 = arith.constant 112 : index
      %swap3A_225 = tpu.vector_load %arg11[%swap3A_224] {strides = array<i32>} : memref<512xf32, #tpu.memory_space<vmem>>, vector<16xf32>,
      tpu.vector_store %arg11[%swap3A_224], %exp3A_223 {strides = array<i32>} : memref<512xf32, #tpu.memory_space<vmem>>, vector<16xf32>,
      %get3A_226 = arith.constant 128 : index
      %get3A_227 = tpu.vector_load %arg10[%get3A_226] {strides = array<i32>} : memref<512xf32, #tpu.memory_space<vmem>>, vector<16xf32>,
      %sub3A_228 = arith.subf %get3A_227, %max3A_97 : vector<16xf32>
      %exp3A_229 = math.exp %sub3A_228 : vector<16xf32>
      %swap3A_230 = arith.constant 128 : index
      %swap3A_231 = tpu.vector_load %arg11[%swap3A_230] {strides = array<i32>} : memref<512xf32, #tpu.memory_space<vmem>>, vector<16xf32>,
      tpu.vector_store %arg11[%swap3A_230], %exp3A_229 {strides = array<i32>} : memref<512xf32, #tpu.memory_space<vmem>>, vector<16xf32>,
      %get3A_232 = arith.constant 144 : index
      %get3A_233 = tpu.vector_load %arg10[%get3A_232] {strides = array<i32>} : memref<512xf32, #tpu.memory_space<vmem>>, vector<16xf32>,
      %sub3A_234 = arith.subf %get3A_233, %max3A_97 : vector<16xf32>
      %exp3A_235 = math.exp %sub3A_234 : vector<16xf32>
      %swap3A_236 = arith.constant 144 : index
      %swap3A_237 = tpu.vector_load %arg11[%swap3A_236] {strides = array<i32>} : memref<512xf32, #tpu.memory_space<vmem>>, vector<16xf32>,
      tpu.vector_store %arg11[%swap3A_236], %exp3A_235 {strides = array<i32>} : memref<512xf32, #tpu.memory_space<vmem>>, vector<16xf32>,
      %get3A_238 = arith.constant 160 : index
      %get3A_239 = tpu.vector_load %arg10[%get3A_238] {strides = array<i32>} : memref<512xf32, #tpu.memory_space<vmem>>, vector<16xf32>,
      %sub3A_240 = arith.subf %get3A_239, %max3A_97 : vector<16xf32>
      %exp3A_241 = math.exp %sub3A_240 : vector<16xf32>
      %swap3A_242 = arith.constant 160 : index
      %swap3A_243 = tpu.vector_load %arg11[%swap3A_242] {strides = array<i32>} : memref<512xf32, #tpu.memory_space<vmem>>, vector<16xf32>,
      tpu.vector_store %arg11[%swap3A_242], %exp3A_241 {strides = array<i32>} : memref<512xf32, #tpu.memory_space<vmem>>, vector<16xf32>,
      %get3A_244 = arith.constant 176 : index
      %get3A_245 = tpu.vector_load %arg10[%get3A_244] {strides = array<i32>} : memref<512xf32, #tpu.memory_space<vmem>>, vector<16xf32>,
      %sub3A_246 = arith.subf %get3A_245, %max3A_97 : vector<16xf32>
      %exp3A_247 = math.exp %sub3A_246 : vector<16xf32>
      %swap3A_248 = arith.constant 176 : index
      %swap3A_249 = tpu.vector_load %arg11[%swap3A_248] {strides = array<i32>} : memref<512xf32, #tpu.memory_space<vmem>>, vector<16xf32>,
      tpu.vector_store %arg11[%swap3A_248], %exp3A_247 {strides = array<i32>} : memref<512xf32, #tpu.memory_space<vmem>>, vector<16xf32>,
      %get3A_250 = arith.constant 192 : index
      %get3A_251 = tpu.vector_load %arg10[%get3A_250] {strides = array<i32>} : memref<512xf32, #tpu.memory_space<vmem>>, vector<16xf32>,
      %sub3A_252 = arith.subf %get3A_251, %max3A_97 : vector<16xf32>
      %exp3A_253 = math.exp %sub3A_252 : vector<16xf32>
      %swap3A_254 = arith.constant 192 : index
      %swap3A_255 = tpu.vector_load %arg11[%swap3A_254] {strides = array<i32>} : memref<512xf32, #tpu.memory_space<vmem>>, vector<16xf32>,
      tpu.vector_store %arg11[%swap3A_254], %exp3A_253 {strides = array<i32>} : memref<512xf32, #tpu.memory_space<vmem>>, vector<16xf32>,
      %get3A_256 = arith.constant 208 : index
      %get3A_257 = tpu.vector_load %arg10[%get3A_256] {strides = array<i32>} : memref<512xf32, #tpu.memory_space<vmem>>, vector<16xf32>,
      %sub3A_258 = arith.subf %get3A_257, %max3A_97 : vector<16xf32>
      %exp3A_259 = math.exp %sub3A_258 : vector<16xf32>
      %swap3A_260 = arith.constant 208 : index
      %swap3A_261 = tpu.vector_load %arg11[%swap3A_260] {strides = array<i32>} : memref<512xf32, #tpu.memory_space<vmem>>, vector<16xf32>,
      tpu.vector_store %arg11[%swap3A_260], %exp3A_259 {strides = array<i32>} : memref<512xf32, #tpu.memory_space<vmem>>, vector<16xf32>,
      %get3A_262 = arith.constant 224 : index
      %get3A_263 = tpu.vector_load %arg10[%get3A_262] {strides = array<i32>} : memref<512xf32, #tpu.memory_space<vmem>>, vector<16xf32>,
      %sub3A_264 = arith.subf %get3A_263, %max3A_97 : vector<16xf32>
      %exp3A_265 = math.exp %sub3A_264 : vector<16xf32>
      %swap3A_266 = arith.constant 224 : index
      %swap3A_267 = tpu.vector_load %arg11[%swap3A_266] {strides = array<i32>} : memref<512xf32, #tpu.memory_space<vmem>>, vector<16xf32>,
      tpu.vector_store %arg11[%swap3A_266], %exp3A_265 {strides = array<i32>} : memref<512xf32, #tpu.memory_space<vmem>>, vector<16xf32>,
      %get3A_268 = arith.constant 240 : index
      %get3A_269 = tpu.vector_load %arg10[%get3A_268] {strides = array<i32>} : memref<512xf32, #tpu.memory_space<vmem>>, vector<16xf32>,
      %sub3A_270 = arith.subf %get3A_269, %max3A_97 : vector<16xf32>
      %exp3A_271 = math.exp %sub3A_270 : vector<16xf32>
      %swap3A_272 = arith.constant 240 : index
      %swap3A_273 = tpu.vector_load %arg11[%swap3A_272] {strides = array<i32>} : memref<512xf32, #tpu.memory_space<vmem>>, vector<16xf32>,
      tpu.vector_store %arg11[%swap3A_272], %exp3A_271 {strides = array<i32>} : memref<512xf32, #tpu.memory_space<vmem>>, vector<16xf32>,
      %get3A_274 = arith.constant 256 : index
      %get3A_275 = tpu.vector_load %arg10[%get3A_274] {strides = array<i32>} : memref<512xf32, #tpu.memory_space<vmem>>, vector<16xf32>,
      %sub3A_276 = arith.subf %get3A_275, %max3A_97 : vector<16xf32>
      %exp3A_277 = math.exp %sub3A_276 : vector<16xf32>
      %swap3A_278 = arith.constant 256 : index
      %swap3A_279 = tpu.vector_load %arg11[%swap3A_278] {strides = array<i32>} : memref<512xf32, #tpu.memory_space<vmem>>, vector<16xf32>,
      tpu.vector_store %arg11[%swap3A_278], %exp3A_277 {strides = array<i32>} : memref<512xf32, #tpu.memory_space<vmem>>, vector<16xf32>,
      %get3A_280 = arith.constant 272 : index
      %get3A_281 = tpu.vector_load %arg10[%get3A_280] {strides = array<i32>} : memref<512xf32, #tpu.memory_space<vmem>>, vector<16xf32>,
      %sub3A_282 = arith.subf %get3A_281, %max3A_97 : vector<16xf32>
      %exp3A_283 = math.exp %sub3A_282 : vector<16xf32>
      %swap3A_284 = arith.constant 272 : index
      %swap3A_285 = tpu.vector_load %arg11[%swap3A_284] {strides = array<i32>} : memref<512xf32, #tpu.memory_space<vmem>>, vector<16xf32>,
      tpu.vector_store %arg11[%swap3A_284], %exp3A_283 {strides = array<i32>} : memref<512xf32, #tpu.memory_space<vmem>>, vector<16xf32>,
      %get3A_286 = arith.constant 288 : index
      %get3A_287 = tpu.vector_load %arg10[%get3A_286] {strides = array<i32>} : memref<512xf32, #tpu.memory_space<vmem>>, vector<16xf32>,
      %sub3A_288 = arith.subf %get3A_287, %max3A_97 : vector<16xf32>
      %exp3A_289 = math.exp %sub3A_288 : vector<16xf32>
      %swap3A_290 = arith.constant 288 : index
      %swap3A_291 = tpu.vector_load %arg11[%swap3A_290] {strides = array<i32>} : memref<512xf32, #tpu.memory_space<vmem>>, vector<16xf32>,
      tpu.vector_store %arg11[%swap3A_290], %exp3A_289 {strides = array<i32>} : memref<512xf32, #tpu.memory_space<vmem>>, vector<16xf32>,
      %get3A_292 = arith.constant 304 : index
      %get3A_293 = tpu.vector_load %arg10[%get3A_292] {strides = array<i32>} : memref<512xf32, #tpu.memory_space<vmem>>, vector<16xf32>,
      %sub3A_294 = arith.subf %get3A_293, %max3A_97 : vector<16xf32>
      %exp3A_295 = math.exp %sub3A_294 : vector<16xf32>
      %swap3A_296 = arith.constant 304 : index
      %swap3A_297 = tpu.vector_load %arg11[%swap3A_296] {strides = array<i32>} : memref<512xf32, #tpu.memory_space<vmem>>, vector<16xf32>,
      tpu.vector_store %arg11[%swap3A_296], %exp3A_295 {strides = array<i32>} : memref<512xf32, #tpu.memory_space<vmem>>, vector<16xf32>,
      %get3A_298 = arith.constant 320 : index
      %get3A_299 = tpu.vector_load %arg10[%get3A_298] {strides = array<i32>} : memref<512xf32, #tpu.memory_space<vmem>>, vector<16xf32>,
      %sub3A_300 = arith.subf %get3A_299, %max3A_97 : vector<16xf32>
      %exp3A_301 = math.exp %sub3A_300 : vector<16xf32>
      %swap3A_302 = arith.constant 320 : index
      %swap3A_303 = tpu.vector_load %arg11[%swap3A_302] {strides = array<i32>} : memref<512xf32, #tpu.memory_space<vmem>>, vector<16xf32>,
      tpu.vector_store %arg11[%swap3A_302], %exp3A_301 {strides = array<i32>} : memref<512xf32, #tpu.memory_space<vmem>>, vector<16xf32>,
      %get3A_304 = arith.constant 336 : index
      %get3A_305 = tpu.vector_load %arg10[%get3A_304] {strides = array<i32>} : memref<512xf32, #tpu.memory_space<vmem>>, vector<16xf32>,
      %sub3A_306 = arith.subf %get3A_305, %max3A_97 : vector<16xf32>
      %exp3A_307 = math.exp %sub3A_306 : vector<16xf32>
      %swap3A_308 = arith.constant 336 : index
      %swap3A_309 = tpu.vector_load %arg11[%swap3A_308] {strides = array<i32>} : memref<512xf32, #tpu.memory_space<vmem>>, vector<16xf32>,
      tpu.vector_store %arg11[%swap3A_308], %exp3A_307 {strides = array<i32>} : memref<512xf32, #tpu.memory_space<vmem>>, vector<16xf32>,
      %get3A_310 = arith.constant 352 : index
      %get3A_311 = tpu.vector_load %arg10[%get3A_310] {strides = array<i32>} : memref<512xf32, #tpu.memory_space<vmem>>, vector<16xf32>,
      %sub3A_312 = arith.subf %get3A_311, %max3A_97 : vector<16xf32>
      %exp3A_313 = math.exp %sub3A_312 : vector<16xf32>
      %swap3A_314 = arith.constant 352 : index
      %swap3A_315 = tpu.vector_load %arg11[%swap3A_314] {strides = array<i32>} : memref<512xf32, #tpu.memory_space<vmem>>, vector<16xf32>,
      tpu.vector_store %arg11[%swap3A_314], %exp3A_313 {strides = array<i32>} : memref<512xf32, #tpu.memory_space<vmem>>, vector<16xf32>,
      %get3A_316 = arith.constant 368 : index
      %get3A_317 = tpu.vector_load %arg10[%get3A_316] {strides = array<i32>} : memref<512xf32, #tpu.memory_space<vmem>>, vector<16xf32>,
      %sub3A_318 = arith.subf %get3A_317, %max3A_97 : vector<16xf32>
      %exp3A_319 = math.exp %sub3A_318 : vector<16xf32>
      %swap3A_320 = arith.constant 368 : index
      %swap3A_321 = tpu.vector_load %arg11[%swap3A_320] {strides = array<i32>} : memref<512xf32, #tpu.memory_space<vmem>>, vector<16xf32>,
      tpu.vector_store %arg11[%swap3A_320], %exp3A_319 {strides = array<i32>} : memref<512xf32, #tpu.memory_space<vmem>>, vector<16xf32>,
      %get3A_322 = arith.constant 384 : index
      %get3A_323 = tpu.vector_load %arg10[%get3A_322] {strides = array<i32>} : memref<512xf32, #tpu.memory_space<vmem>>, vector<16xf32>,
      %sub3A_324 = arith.subf %get3A_323, %max3A_97 : vector<16xf32>
      %exp3A_325 = math.exp %sub3A_324 : vector<16xf32>
      %swap3A_326 = arith.constant 384 : index
      %swap3A_327 = tpu.vector_load %arg11[%swap3A_326] {strides = array<i32>} : memref<512xf32, #tpu.memory_space<vmem>>, vector<16xf32>,
      tpu.vector_store %arg11[%swap3A_326], %exp3A_325 {strides = array<i32>} : memref<512xf32, #tpu.memory_space<vmem>>, vector<16xf32>,
      %get3A_328 = arith.constant 400 : index
      %get3A_329 = tpu.vector_load %arg10[%get3A_328] {strides = array<i32>} : memref<512xf32, #tpu.memory_space<vmem>>, vector<16xf32>,
      %sub3A_330 = arith.subf %get3A_329, %max3A_97 : vector<16xf32>
      %exp3A_331 = math.exp %sub3A_330 : vector<16xf32>
      %swap3A_332 = arith.constant 400 : index
      %swap3A_333 = tpu.vector_load %arg11[%swap3A_332] {strides = array<i32>} : memref<512xf32, #tpu.memory_space<vmem>>, vector<16xf32>,
      tpu.vector_store %arg11[%swap3A_332], %exp3A_331 {strides = array<i32>} : memref<512xf32, #tpu.memory_space<vmem>>, vector<16xf32>,
      %get3A_334 = arith.constant 416 : index
      %get3A_335 = tpu.vector_load %arg10[%get3A_334] {strides = array<i32>} : memref<512xf32, #tpu.memory_space<vmem>>, vector<16xf32>,
      %sub3A_336 = arith.subf %get3A_335, %max3A_97 : vector<16xf32>
      %exp3A_337 = math.exp %sub3A_336 : vector<16xf32>
      %swap3A_338 = arith.constant 416 : index
      %swap3A_339 = tpu.vector_load %arg11[%swap3A_338] {strides = array<i32>} : memref<512xf32, #tpu.memory_space<vmem>>, vector<16xf32>,
      tpu.vector_store %arg11[%swap3A_338], %exp3A_337 {strides = array<i32>} : memref<512xf32, #tpu.memory_space<vmem>>, vector<16xf32>,
      %get3A_340 = arith.constant 432 : index
      %get3A_341 = tpu.vector_load %arg10[%get3A_340] {strides = array<i32>} : memref<512xf32, #tpu.memory_space<vmem>>, vector<16xf32>,
      %sub3A_342 = arith.subf %get3A_341, %max3A_97 : vector<16xf32>
      %exp3A_343 = math.exp %sub3A_342 : vector<16xf32>
      %swap3A_344 = arith.constant 432 : index
      %swap3A_345 = tpu.vector_load %arg11[%swap3A_344] {strides = array<i32>} : memref<512xf32, #tpu.memory_space<vmem>>, vector<16xf32>,
      tpu.vector_store %arg11[%swap3A_344], %exp3A_343 {strides = array<i32>} : memref<512xf32, #tpu.memory_space<vmem>>, vector<16xf32>,
      %get3A_346 = arith.constant 448 : index
      %get3A_347 = tpu.vector_load %arg10[%get3A_346] {strides = array<i32>} : memref<512xf32, #tpu.memory_space<vmem>>, vector<16xf32>,
      %sub3A_348 = arith.subf %get3A_347, %max3A_97 : vector<16xf32>
      %exp3A_349 = math.exp %sub3A_348 : vector<16xf32>
      %swap3A_350 = arith.constant 448 : index
      %swap3A_351 = tpu.vector_load %arg11[%swap3A_350] {strides = array<i32>} : memref<512xf32, #tpu.memory_space<vmem>>, vector<16xf32>,
      tpu.vector_store %arg11[%swap3A_350], %exp3A_349 {strides = array<i32>} : memref<512xf32, #tpu.memory_space<vmem>>, vector<16xf32>,
      %get3A_352 = arith.constant 464 : index
      %get3A_353 = tpu.vector_load %arg10[%get3A_352] {strides = array<i32>} : memref<512xf32, #tpu.memory_space<vmem>>, vector<16xf32>,
      %sub3A_354 = arith.subf %get3A_353, %max3A_97 : vector<16xf32>
      %exp3A_355 = math.exp %sub3A_354 : vector<16xf32>
      %swap3A_356 = arith.constant 464 : index
      %swap3A_357 = tpu.vector_load %arg11[%swap3A_356] {strides = array<i32>} : memref<512xf32, #tpu.memory_space<vmem>>, vector<16xf32>,
      tpu.vector_store %arg11[%swap3A_356], %exp3A_355 {strides = array<i32>} : memref<512xf32, #tpu.memory_space<vmem>>, vector<16xf32>,
      %get3A_358 = arith.constant 480 : index
      %get3A_359 = tpu.vector_load %arg10[%get3A_358] {strides = array<i32>} : memref<512xf32, #tpu.memory_space<vmem>>, vector<16xf32>,
      %sub3A_360 = arith.subf %get3A_359, %max3A_97 : vector<16xf32>
      %exp3A_361 = math.exp %sub3A_360 : vector<16xf32>
      %swap3A_362 = arith.constant 480 : index
      %swap3A_363 = tpu.vector_load %arg11[%swap3A_362] {strides = array<i32>} : memref<512xf32, #tpu.memory_space<vmem>>, vector<16xf32>,
      tpu.vector_store %arg11[%swap3A_362], %exp3A_361 {strides = array<i32>} : memref<512xf32, #tpu.memory_space<vmem>>, vector<16xf32>,
      %get3A_364 = arith.constant 496 : index
      %get3A_365 = tpu.vector_load %arg10[%get3A_364] {strides = array<i32>} : memref<512xf32, #tpu.memory_space<vmem>>, vector<16xf32>,
      %sub3A_366 = arith.subf %get3A_365, %max3A_97 : vector<16xf32>
      %exp3A_367 = math.exp %sub3A_366 : vector<16xf32>
      %swap3A_368 = arith.constant 496 : index
      %swap3A_369 = tpu.vector_load %arg11[%swap3A_368] {strides = array<i32>} : memref<512xf32, #tpu.memory_space<vmem>>, vector<16xf32>,
      tpu.vector_store %arg11[%swap3A_368], %exp3A_367 {strides = array<i32>} : memref<512xf32, #tpu.memory_space<vmem>>, vector<16xf32>,
      %mul3A_370 = arith.constant 128 : i32
      %mul3A_371 = arith.muli %add3A_160, %mul3A_370 : i32
      %mul3A_372 = arith.constant 4 : i32
      %mul3A_373 = arith.muli %mul3A_371, %mul3A_372 : i32
      "tpu.region"() ({
        %run_scoped3A = tpu.sem_alloc : memref<!tpu.dma_semaphore, #tpu.memory_space<semaphore_mem>>
        %dma_start3A_385 = tpu.memref_slice %arg7[%mul3A_373] : memref<640000xf32, #tpu.memory_space<hbm>> -> memref<512xf32, #tpu.memory_space<hbm>>
        %dma_start3A_386 = tpu.memref_slice %arg7[%mul3A_373] : memref<640000xf32, #tpu.memory_space<hbm>> -> memref<512xf32, #tpu.memory_space<hbm>>
        tpu.enqueue_dma source(%arg11 : memref<512xf32, #tpu.memory_space<vmem>>) target(%dma_start3A_386 : memref<512xf32, #tpu.memory_space<hbm>>) target_semaphore(%run_scoped3A : memref<!tpu.dma_semaphore, #tpu.memory_space<semaphore_mem>>)
        %dma_wait3A_387 = tpu.memref_slice %arg7[%mul3A_373] : memref<640000xf32, #tpu.memory_space<hbm>> -> memref<512xf32, #tpu.memory_space<hbm>>
        %dma_wait3A_388 = tpu.memref_slice %arg7[%mul3A_373] : memref<640000xf32, #tpu.memory_space<hbm>> -> memref<512xf32, #tpu.memory_space<hbm>>
        tpu.wait_dma2 semaphore(%run_scoped3A : memref<!tpu.dma_semaphore, #tpu.memory_space<semaphore_mem>>) src(%arg11 : memref<512xf32, #tpu.memory_space<vmem>>) dst(%dma_wait3A_388 : memref<512xf32, #tpu.memory_space<hbm>>)
        tpu.yield
      }) : () -> ()
      %dma_wait3A_374 = arith.constant 0 : i32
      %dma_wait3A_375 = arith.constant 0 : i32
      %dma_wait3A_376 = tpu.memref_slice %arg6[%dma_wait3A_374, %dma_wait3A_375] : memref<10000x128xf32, #tpu.memory_space<hbm>> -> memref<10000x128xf32, #tpu.memory_space<hbm>>
      tpu.wait_indirect_dma semaphore(%arg19 : memref<!tpu.dma_semaphore, #tpu.memory_space<semaphore_mem>>) src(%dma_wait3A_376 : memref<10000x128xf32, #tpu.memory_space<hbm>>) dst(%arg14 : memref<128x128xf32, #tpu.memory_space<vmem>>)
      %scan3A_377 = arith.constant 0 : i32
      %scan3A_378 = arith.constant 1024 : i32
      %scan3A_379 = arith.addi %scan3A_377, %scan3A_378 : i32
      %scan3A_380 = arith.constant 1 : i32
      scf.for %scan3A_385 = %scan3A_377 to %scan3A_379 step %scan3A_380  : i32 {
        %mul3A_386 = arith.constant 1 : i32
        %mul3A_387 = arith.muli %scan3A_385, %mul3A_386 : i32
        %add3A_388 = arith.constant 0 : i32
        %add3A_389 = arith.addi %add3A_388, %mul3A_387 : i32
        %shift_right_arithmetic3A = arith.constant 3 : i32
        %shift_right_arithmetic3A_390 = arith.shrsi %add3A_389, %shift_right_arithmetic3A : i32
        %and3A = arith.constant 7 : i32
        %and3A_391 = arith.andi %add3A_389, %and3A : i32
        %mul3A_392 = arith.constant 4 : i32
        %mul3A_393 = arith.muli %shift_right_arithmetic3A_390, %mul3A_392 : i32
        %shift_right_arithmetic3A_394 = arith.constant 1 : i32
        %shift_right_arithmetic3A_395 = arith.shrsi %and3A_391, %shift_right_arithmetic3A_394 : i32
        %add3A_396 = arith.addi %mul3A_393, %shift_right_arithmetic3A_395 : i32
        %broadcast_in_dim3A_397 = vector.broadcast %add3A_396 : i32 to vector<16xi32>
        %gather3A = tpu.vector_load_idx %arg11[%broadcast_in_dim3A_397] : memref<512xf32, #tpu.memory_space<vmem>>[vector<16xi32>], vector<16xf32>,
        %mul3A_398 = arith.constant 16 : i32
        %mul3A_399 = arith.muli %and3A_391, %mul3A_398 : i32
        %get3A_400 = arith.index_cast %shift_right_arithmetic3A_390 : i32 to index
        %get3A_401 = arith.index_cast %mul3A_399 : i32 to index
        %get3A_402 = tpu.vector_load %arg14[%get3A_400, %get3A_401] {strides = array<i32>} : memref<128x128xf32, #tpu.memory_space<vmem>>, vector<16xf32>,
        %mul3A_403 = arith.mulf %get3A_402, %gather3A : vector<16xf32>
        %mul3A_404 = arith.constant 16 : i32
        %mul3A_405 = arith.muli %and3A_391, %mul3A_404 : i32
        %swap3A_406 = arith.index_cast %shift_right_arithmetic3A_390 : i32 to index
        %swap3A_407 = arith.index_cast %mul3A_405 : i32 to index
        %swap3A_408 = tpu.vector_load %arg14[%swap3A_406, %swap3A_407] {strides = array<i32>} : memref<128x128xf32, #tpu.memory_space<vmem>>, vector<16xf32>,
        tpu.vector_store %arg14[%swap3A_406, %swap3A_407], %mul3A_403 {strides = array<i32>} : memref<128x128xf32, #tpu.memory_space<vmem>>, vector<16xf32>,
      }
      %scan3A_381 = arith.constant 1024 : i32
      %dma_wait3A_382 = tpu.memref_slice %arg5[%mul3A_171] : memref<160000xi32, #tpu.memory_space<hbm>> -> memref<128xi32, #tpu.memory_space<hbm>>
      %dma_wait3A_383 = tpu.memref_slice %arg5[%mul3A_171] : memref<160000xi32, #tpu.memory_space<hbm>> -> memref<128xi32, #tpu.memory_space<hbm>>
      tpu.wait_dma2 semaphore(%arg18 : memref<!tpu.dma_semaphore, #tpu.memory_space<semaphore_mem>>) src(%dma_wait3A_383 : memref<128xi32, #tpu.memory_space<hbm>>) dst(%arg13 : memref<128xi32, #tpu.memory_space<vmem>>)
      "tpu.region"() ({
        %run_scoped3A = tpu.sem_alloc : memref<!tpu.dma_semaphore, #tpu.memory_space<semaphore_mem>>
        %dma_start3A_385 = arith.constant 0 : i32
        %dma_start3A_386 = arith.constant 0 : i32
        %dma_start3A_387 = tpu.memref_slice %arg15[%dma_start3A_385, %dma_start3A_386] : memref<10000x128xf32, #tpu.memory_space<vmem_shared>> -> memref<10000x128xf32, #tpu.memory_space<vmem_shared>>
        tpu.enqueue_indirect_dma source(%arg14 : memref<128x128xf32, #tpu.memory_space<vmem>>) target(%dma_start3A_387 : memref<10000x128xf32, #tpu.memory_space<vmem_shared>>) offsets(%arg13 : memref<128xi32, #tpu.memory_space<vmem>>) semaphore(%run_scoped3A : memref<!tpu.dma_semaphore, #tpu.memory_space<semaphore_mem>>) {add = true}
        %dma_wait3A_388 = arith.constant 0 : i32
        %dma_wait3A_389 = arith.constant 0 : i32
        %dma_wait3A_390 = tpu.memref_slice %arg15[%dma_wait3A_388, %dma_wait3A_389] : memref<10000x128xf32, #tpu.memory_space<vmem_shared>> -> memref<10000x128xf32, #tpu.memory_space<vmem_shared>>
        tpu.wait_indirect_dma semaphore(%run_scoped3A : memref<!tpu.dma_semaphore, #tpu.memory_space<semaphore_mem>>) src(%arg14 : memref<128x128xf32, #tpu.memory_space<vmem>>) dst(%dma_wait3A_390 : memref<10000x128xf32, #tpu.memory_space<vmem_shared>>)
        tpu.yield
      }) : () -> ()
      %while3A_384 = arith.constant 0 : i32
      scf.yield %while3A_384 : i32
    }
    %barrier3A_133 = arith.constant 0 : index
    tpu.barrier barrier_id(%barrier3A_133)
    %add3A_134 = arith.constant 0 : i32
    %add3A_135 = arith.addi %mul3A_103, %add3A_134 : i32
    %add3A_136 = arith.constant 0 : i32
    %add3A_137 = arith.addi %mul3A_103, %add3A_136 : i32
    "tpu.region"() ({
      %run_scoped3A = tpu.sem_alloc : memref<!tpu.dma_semaphore, #tpu.memory_space<semaphore_mem>>
      %dma_start3A = arith.constant 0 : i32
      %dma_start3A_154 = tpu.memref_slice %arg8[%arg0, %add3A_137, %dma_start3A] : memref<2x10000x128xf32, #tpu.memory_space<hbm>> -> memref<1x128x128xf32, #tpu.memory_space<hbm>>
      %dma_start3A_155 = tpu.memref_squeeze %dma_start3A_154 : memref<1x128x128xf32, #tpu.memory_space<hbm>> -> memref<128x128xf32, #tpu.memory_space<hbm>>
      %dma_start3A_156 = arith.constant 0 : i32
      %dma_start3A_157 = tpu.memref_slice %arg15[%add3A_135, %dma_start3A_156] : memref<10000x128xf32, #tpu.memory_space<vmem_shared>> -> memref<128x128xf32, #tpu.memory_space<vmem_shared>>
      tpu.enqueue_dma source(%dma_start3A_157 : memref<128x128xf32, #tpu.memory_space<vmem_shared>>) target(%dma_start3A_155 : memref<128x128xf32, #tpu.memory_space<hbm>>) target_semaphore(%run_scoped3A : memref<!tpu.dma_semaphore, #tpu.memory_space<semaphore_mem>>)
      %dma_wait3A = arith.constant 0 : i32
      %dma_wait3A_158 = tpu.memref_slice %arg8[%arg0, %add3A_137, %dma_wait3A] : memref<2x10000x128xf32, #tpu.memory_space<hbm>> -> memref<1x128x128xf32, #tpu.memory_space<hbm>>
      %dma_wait3A_159 = tpu.memref_squeeze %dma_wait3A_158 : memref<1x128x128xf32, #tpu.memory_space<hbm>> -> memref<128x128xf32, #tpu.memory_space<hbm>>
      %dma_wait3A_160 = arith.constant 0 : i32
      %dma_wait3A_161 = tpu.memref_slice %arg15[%add3A_135, %dma_wait3A_160] : memref<10000x128xf32, #tpu.memory_space<vmem_shared>> -> memref<128x128xf32, #tpu.memory_space<vmem_shared>>
      tpu.wait_dma2 semaphore(%run_scoped3A : memref<!tpu.dma_semaphore, #tpu.memory_space<semaphore_mem>>) src(%dma_wait3A_161 : memref<128x128xf32, #tpu.memory_space<vmem_shared>>) dst(%dma_wait3A_159 : memref<128x128xf32, #tpu.memory_space<hbm>>)
      tpu.yield
    }) : () -> ()
    %add3A_138 = arith.constant 128 : i32
    %add3A_139 = arith.addi %mul3A_103, %add3A_138 : i32
    %add3A_140 = arith.constant 128 : i32
    %add3A_141 = arith.addi %mul3A_103, %add3A_140 : i32
    "tpu.region"() ({
      %run_scoped3A = tpu.sem_alloc : memref<!tpu.dma_semaphore, #tpu.memory_space<semaphore_mem>>
      %dma_start3A = arith.constant 0 : i32
      %dma_start3A_154 = tpu.memref_slice %arg8[%arg0, %add3A_141, %dma_start3A] : memref<2x10000x128xf32, #tpu.memory_space<hbm>> -> memref<1x128x128xf32, #tpu.memory_space<hbm>>
      %dma_start3A_155 = tpu.memref_squeeze %dma_start3A_154 : memref<1x128x128xf32, #tpu.memory_space<hbm>> -> memref<128x128xf32, #tpu.memory_space<hbm>>
      %dma_start3A_156 = arith.constant 0 : i32
      %dma_start3A_157 = tpu.memref_slice %arg15[%add3A_139, %dma_start3A_156] : memref<10000x128xf32, #tpu.memory_space<vmem_shared>> -> memref<128x128xf32, #tpu.memory_space<vmem_shared>>
      tpu.enqueue_dma source(%dma_start3A_157 : memref<128x128xf32, #tpu.memory_space<vmem_shared>>) target(%dma_start3A_155 : memref<128x128xf32, #tpu.memory_space<hbm>>) target_semaphore(%run_scoped3A : memref<!tpu.dma_semaphore, #tpu.memory_space<semaphore_mem>>)
      %dma_wait3A = arith.constant 0 : i32
      %dma_wait3A_158 = tpu.memref_slice %arg8[%arg0, %add3A_141, %dma_wait3A] : memref<2x10000x128xf32, #tpu.memory_space<hbm>> -> memref<1x128x128xf32, #tpu.memory_space<hbm>>
      %dma_wait3A_159 = tpu.memref_squeeze %dma_wait3A_158 : memref<1x128x128xf32, #tpu.memory_space<hbm>> -> memref<128x128xf32, #tpu.memory_space<hbm>>
      %dma_wait3A_160 = arith.constant 0 : i32
      %dma_wait3A_161 = tpu.memref_slice %arg15[%add3A_139, %dma_wait3A_160] : memref<10000x128xf32, #tpu.memory_space<vmem_shared>> -> memref<128x128xf32, #tpu.memory_space<vmem_shared>>
      tpu.wait_dma2 semaphore(%run_scoped3A : memref<!tpu.dma_semaphore, #tpu.memory_space<semaphore_mem>>) src(%dma_wait3A_161 : memref<128x128xf32, #tpu.memory_space<vmem_shared>>) dst(%dma_wait3A_159 : memref<128x128xf32, #tpu.memory_space<hbm>>)
      tpu.yield
    }) : () -> ()
    %add3A_142 = arith.constant 256 : i32
    %add3A_143 = arith.addi %mul3A_103, %add3A_142 : i32
    %add3A_144 = arith.constant 256 : i32
    %add3A_145 = arith.addi %mul3A_103, %add3A_144 : i32
    "tpu.region"() ({
      %run_scoped3A = tpu.sem_alloc : memref<!tpu.dma_semaphore, #tpu.memory_space<semaphore_mem>>
      %dma_start3A = arith.constant 0 : i32
      %dma_start3A_154 = tpu.memref_slice %arg8[%arg0, %add3A_145, %dma_start3A] : memref<2x10000x128xf32, #tpu.memory_space<hbm>> -> memref<1x128x128xf32, #tpu.memory_space<hbm>>
      %dma_start3A_155 = tpu.memref_squeeze %dma_start3A_154 : memref<1x128x128xf32, #tpu.memory_space<hbm>> -> memref<128x128xf32, #tpu.memory_space<hbm>>
      %dma_start3A_156 = arith.constant 0 : i32
      %dma_start3A_157 = tpu.memref_slice %arg15[%add3A_143, %dma_start3A_156] : memref<10000x128xf32, #tpu.memory_space<vmem_shared>> -> memref<128x128xf32, #tpu.memory_space<vmem_shared>>
      tpu.enqueue_dma source(%dma_start3A_157 : memref<128x128xf32, #tpu.memory_space<vmem_shared>>) target(%dma_start3A_155 : memref<128x128xf32, #tpu.memory_space<hbm>>) target_semaphore(%run_scoped3A : memref<!tpu.dma_semaphore, #tpu.memory_space<semaphore_mem>>)
      %dma_wait3A = arith.constant 0 : i32
      %dma_wait3A_158 = tpu.memref_slice %arg8[%arg0, %add3A_145, %dma_wait3A] : memref<2x10000x128xf32, #tpu.memory_space<hbm>> -> memref<1x128x128xf32, #tpu.memory_space<hbm>>
      %dma_wait3A_159 = tpu.memref_squeeze %dma_wait3A_158 : memref<1x128x128xf32, #tpu.memory_space<hbm>> -> memref<128x128xf32, #tpu.memory_space<hbm>>
      %dma_wait3A_160 = arith.constant 0 : i32
      %dma_wait3A_161 = tpu.memref_slice %arg15[%add3A_143, %dma_wait3A_160] : memref<10000x128xf32, #tpu.memory_space<vmem_shared>> -> memref<128x128xf32, #tpu.memory_space<vmem_shared>>
      tpu.wait_dma2 semaphore(%run_scoped3A : memref<!tpu.dma_semaphore, #tpu.memory_space<semaphore_mem>>) src(%dma_wait3A_161 : memref<128x128xf32, #tpu.memory_space<vmem_shared>>) dst(%dma_wait3A_159 : memref<128x128xf32, #tpu.memory_space<hbm>>)
      tpu.yield
    }) : () -> ()
    %add3A_146 = arith.constant 384 : i32
    %add3A_147 = arith.addi %mul3A_103, %add3A_146 : i32
    %add3A_148 = arith.constant 384 : i32
    %add3A_149 = arith.addi %mul3A_103, %add3A_148 : i32
    "tpu.region"() ({
      %run_scoped3A = tpu.sem_alloc : memref<!tpu.dma_semaphore, #tpu.memory_space<semaphore_mem>>
      %dma_start3A = arith.constant 0 : i32
      %dma_start3A_154 = tpu.memref_slice %arg8[%arg0, %add3A_149, %dma_start3A] : memref<2x10000x128xf32, #tpu.memory_space<hbm>> -> memref<1x128x128xf32, #tpu.memory_space<hbm>>
      %dma_start3A_155 = tpu.memref_squeeze %dma_start3A_154 : memref<1x128x128xf32, #tpu.memory_space<hbm>> -> memref<128x128xf32, #tpu.memory_space<hbm>>
      %dma_start3A_156 = arith.constant 0 : i32
      %dma_start3A_157 = tpu.memref_slice %arg15[%add3A_147, %dma_start3A_156] : memref<10000x128xf32, #tpu.memory_space<vmem_shared>> -> memref<128x128xf32, #tpu.memory_space<vmem_shared>>
      tpu.enqueue_dma source(%dma_start3A_157 : memref<128x128xf32, #tpu.memory_space<vmem_shared>>) target(%dma_start3A_155 : memref<128x128xf32, #tpu.memory_space<hbm>>) target_semaphore(%run_scoped3A : memref<!tpu.dma_semaphore, #tpu.memory_space<semaphore_mem>>)
      %dma_wait3A = arith.constant 0 : i32
      %dma_wait3A_158 = tpu.memref_slice %arg8[%arg0, %add3A_149, %dma_wait3A] : memref<2x10000x128xf32, #tpu.memory_space<hbm>> -> memref<1x128x128xf32, #tpu.memory_space<hbm>>
      %dma_wait3A_159 = tpu.memref_squeeze %dma_wait3A_158 : memref<1x128x128xf32, #tpu.memory_space<hbm>> -> memref<128x128xf32, #tpu.memory_space<hbm>>
      %dma_wait3A_160 = arith.constant 0 : i32
      %dma_wait3A_161 = tpu.memref_slice %arg15[%add3A_147, %dma_wait3A_160] : memref<10000x128xf32, #tpu.memory_space<vmem_shared>> -> memref<128x128xf32, #tpu.memory_space<vmem_shared>>
      tpu.wait_dma2 semaphore(%run_scoped3A : memref<!tpu.dma_semaphore, #tpu.memory_space<semaphore_mem>>) src(%dma_wait3A_161 : memref<128x128xf32, #tpu.memory_space<vmem_shared>>) dst(%dma_wait3A_159 : memref<128x128xf32, #tpu.memory_space<hbm>>)
      tpu.yield
    }) : () -> ()
    %add3A_150 = arith.constant 512 : i32
    %add3A_151 = arith.addi %mul3A_103, %add3A_150 : i32
    %add3A_152 = arith.constant 512 : i32
    %add3A_153 = arith.addi %mul3A_103, %add3A_152 : i32
    "tpu.region"() ({
      %run_scoped3A = tpu.sem_alloc : memref<!tpu.dma_semaphore, #tpu.memory_space<semaphore_mem>>
      %dma_start3A = arith.constant 0 : i32
      %dma_start3A_154 = tpu.memref_slice %arg8[%arg0, %add3A_153, %dma_start3A] : memref<2x10000x128xf32, #tpu.memory_space<hbm>> -> memref<1x113x128xf32, #tpu.memory_space<hbm>>
      %dma_start3A_155 = tpu.memref_squeeze %dma_start3A_154 : memref<1x113x128xf32, #tpu.memory_space<hbm>> -> memref<113x128xf32, #tpu.memory_space<hbm>>
      %dma_start3A_156 = arith.constant 0 : i32
      %dma_start3A_157 = tpu.memref_slice %arg15[%add3A_151, %dma_start3A_156] : memref<10000x128xf32, #tpu.memory_space<vmem_shared>> -> memref<113x128xf32, #tpu.memory_space<vmem_shared>>
      tpu.enqueue_dma source(%dma_start3A_157 : memref<113x128xf32, #tpu.memory_space<vmem_shared>>) target(%dma_start3A_155 : memref<113x128xf32, #tpu.memory_space<hbm>>) target_semaphore(%run_scoped3A : memref<!tpu.dma_semaphore, #tpu.memory_space<semaphore_mem>>)
      %dma_wait3A = arith.constant 0 : i32
      %dma_wait3A_158 = tpu.memref_slice %arg8[%arg0, %add3A_153, %dma_wait3A] : memref<2x10000x128xf32, #tpu.memory_space<hbm>> -> memref<1x113x128xf32, #tpu.memory_space<hbm>>
      %dma_wait3A_159 = tpu.memref_squeeze %dma_wait3A_158 : memref<1x113x128xf32, #tpu.memory_space<hbm>> -> memref<113x128xf32, #tpu.memory_space<hbm>>
      %dma_wait3A_160 = arith.constant 0 : i32
      %dma_wait3A_161 = tpu.memref_slice %arg15[%add3A_151, %dma_wait3A_160] : memref<10000x128xf32, #tpu.memory_space<vmem_shared>> -> memref<113x128xf32, #tpu.memory_space<vmem_shared>>
      tpu.wait_dma2 semaphore(%run_scoped3A : memref<!tpu.dma_semaphore, #tpu.memory_space<semaphore_mem>>) src(%dma_wait3A_161 : memref<113x128xf32, #tpu.memory_space<vmem_shared>>) dst(%dma_wait3A_159 : memref<113x128xf32, #tpu.memory_space<hbm>>)
      tpu.yield
    }) : () -> ()
    return
  }
}

#map = affine_map<(d0, d1) -> (0)>
#map1 = affine_map<(d0, d1) -> (0, 0)>
#map2 = affine_map<(d0, d1) -> (0, 0, 0)>
module attributes {stable_mosaic.version = 14 : i64} {
  func.func @_sweep3(%arg0: i32, %arg1: i32, %arg2: memref<640000xf32, #tpu.memory_space<hbm>>, %arg3: memref<160000xi32, #tpu.memory_space<hbm>>, %arg4: memref<160000xi32, #tpu.memory_space<hbm>>, %arg5: memref<400x128xf32, #tpu.memory_space<hbm>>, %arg6: memref<2x10000x128xf32, #tpu.memory_space<hbm>>, %arg7: memref<512xf32, #tpu.memory_space<vmem>>, %arg8: memref<128xi32, #tpu.memory_space<vmem>>, %arg9: memref<128xi32, #tpu.memory_space<vmem>>, %arg10: memref<128xi32, #tpu.memory_space<vmem>>, %arg11: memref<128x128xf32, #tpu.memory_space<vmem>>, %arg12: memref<10000x128xf32, #tpu.memory_space<vmem_shared>>, %arg13: memref<!tpu.dma_semaphore, #tpu.memory_space<semaphore_mem>>, %arg14: memref<!tpu.dma_semaphore, #tpu.memory_space<semaphore_mem>>, %arg15: memref<!tpu.dma_semaphore, #tpu.memory_space<semaphore_mem>>, %arg16: memref<!tpu.dma_semaphore, #tpu.memory_space<semaphore_mem>>) attributes {dimension_semantics = [#tpu.dimension_semantics<core_parallel>, #tpu.dimension_semantics<subcore_parallel>], iteration_bounds = array<i64: 2, 16>, scalar_prefetch = 0 : i64, scratch_operands = 10 : i64, tpu.core_type = #tpu.core_type<sc_vector_subcore>, window_params = [{transform_indices = #map}, {transform_indices = #map}, {transform_indices = #map}, {transform_indices = #map1}, {transform_indices = #map2}]} {
    %lt3A = arith.constant 2 : i32
    %lt3A_0 = arith.cmpi slt, %arg1, %lt3A : i32
    %jit3A = arith.constant 79 : i32
    %jit3A_1 = arith.constant 78 : i32
    %select_n3A = arith.select %lt3A_0, %jit3A, %jit3A_1 : i32
    %scan3A = arith.constant 0 : i32
    %scan3A_2 = arith.constant 1024 : i32
    %scan3A_3 = arith.addi %scan3A, %scan3A_2 : i32
    %scan3A_4 = arith.constant 1 : i32
    scf.for %scan3A_56 = %scan3A to %scan3A_3 step %scan3A_4  : i32 {
      %mul3A_57 = arith.constant 1 : i32
      %mul3A_58 = arith.muli %scan3A_56, %mul3A_57 : i32
      %add3A_59 = arith.constant 0 : i32
      %add3A_60 = arith.addi %add3A_59, %mul3A_58 : i32
      %broadcast_in_dim3A = arith.constant 0.000000e+00 : f32
      %broadcast_in_dim3A_61 = vector.broadcast %broadcast_in_dim3A : f32 to vector<16xf32>
      %shift_right_arithmetic3A = arith.constant 3 : i32
      %shift_right_arithmetic3A_62 = arith.shrsi %add3A_60, %shift_right_arithmetic3A : i32
      %and3A = arith.constant 7 : i32
      %and3A_63 = arith.andi %add3A_60, %and3A : i32
      %mul3A_64 = arith.constant 16 : i32
      %mul3A_65 = arith.muli %and3A_63, %mul3A_64 : i32
      %swap3A = arith.index_cast %shift_right_arithmetic3A_62 : i32 to index
      %swap3A_66 = arith.index_cast %mul3A_65 : i32 to index
      %swap3A_67 = tpu.vector_load %arg11[%swap3A, %swap3A_66] {strides = array<i32>} : memref<128x128xf32, #tpu.memory_space<vmem>>, vector<16xf32>,
      tpu.vector_store %arg11[%swap3A, %swap3A_66], %broadcast_in_dim3A_61 {strides = array<i32>} : memref<128x128xf32, #tpu.memory_space<vmem>>, vector<16xf32>,
    }
    %scan3A_5 = arith.constant 1024 : i32
    %mul3A = arith.constant 625 : i32
    %mul3A_6 = arith.muli %arg1, %mul3A : i32
    %add3A = arith.constant 0 : i32
    %add3A_7 = arith.addi %mul3A_6, %add3A : i32
    "tpu.region"() ({
      %run_scoped3A = tpu.sem_alloc : memref<!tpu.dma_semaphore, #tpu.memory_space<semaphore_mem>>
      %dma_start3A = arith.constant 0 : i32
      %dma_start3A_56 = tpu.memref_slice %arg12[%add3A_7, %dma_start3A] : memref<10000x128xf32, #tpu.memory_space<vmem_shared>> -> memref<128x128xf32, #tpu.memory_space<vmem_shared>>
      %dma_start3A_57 = arith.constant 0 : i32
      %dma_start3A_58 = tpu.memref_slice %arg12[%add3A_7, %dma_start3A_57] : memref<10000x128xf32, #tpu.memory_space<vmem_shared>> -> memref<128x128xf32, #tpu.memory_space<vmem_shared>>
      tpu.enqueue_dma source(%arg11 : memref<128x128xf32, #tpu.memory_space<vmem>>) target(%dma_start3A_58 : memref<128x128xf32, #tpu.memory_space<vmem_shared>>) target_semaphore(%run_scoped3A : memref<!tpu.dma_semaphore, #tpu.memory_space<semaphore_mem>>)
      %dma_wait3A = arith.constant 0 : i32
      %dma_wait3A_59 = tpu.memref_slice %arg12[%add3A_7, %dma_wait3A] : memref<10000x128xf32, #tpu.memory_space<vmem_shared>> -> memref<128x128xf32, #tpu.memory_space<vmem_shared>>
      %dma_wait3A_60 = arith.constant 0 : i32
      %dma_wait3A_61 = tpu.memref_slice %arg12[%add3A_7, %dma_wait3A_60] : memref<10000x128xf32, #tpu.memory_space<vmem_shared>> -> memref<128x128xf32, #tpu.memory_space<vmem_shared>>
      tpu.wait_dma2 semaphore(%run_scoped3A : memref<!tpu.dma_semaphore, #tpu.memory_space<semaphore_mem>>) src(%arg11 : memref<128x128xf32, #tpu.memory_space<vmem>>) dst(%dma_wait3A_61 : memref<128x128xf32, #tpu.memory_space<vmem_shared>>)
      tpu.yield
    }) : () -> ()
    %add3A_8 = arith.constant 128 : i32
    %add3A_9 = arith.addi %mul3A_6, %add3A_8 : i32
    "tpu.region"() ({
      %run_scoped3A = tpu.sem_alloc : memref<!tpu.dma_semaphore, #tpu.memory_space<semaphore_mem>>
      %dma_start3A = arith.constant 0 : i32
      %dma_start3A_56 = tpu.memref_slice %arg12[%add3A_9, %dma_start3A] : memref<10000x128xf32, #tpu.memory_space<vmem_shared>> -> memref<128x128xf32, #tpu.memory_space<vmem_shared>>
      %dma_start3A_57 = arith.constant 0 : i32
      %dma_start3A_58 = tpu.memref_slice %arg12[%add3A_9, %dma_start3A_57] : memref<10000x128xf32, #tpu.memory_space<vmem_shared>> -> memref<128x128xf32, #tpu.memory_space<vmem_shared>>
      tpu.enqueue_dma source(%arg11 : memref<128x128xf32, #tpu.memory_space<vmem>>) target(%dma_start3A_58 : memref<128x128xf32, #tpu.memory_space<vmem_shared>>) target_semaphore(%run_scoped3A : memref<!tpu.dma_semaphore, #tpu.memory_space<semaphore_mem>>)
      %dma_wait3A = arith.constant 0 : i32
      %dma_wait3A_59 = tpu.memref_slice %arg12[%add3A_9, %dma_wait3A] : memref<10000x128xf32, #tpu.memory_space<vmem_shared>> -> memref<128x128xf32, #tpu.memory_space<vmem_shared>>
      %dma_wait3A_60 = arith.constant 0 : i32
      %dma_wait3A_61 = tpu.memref_slice %arg12[%add3A_9, %dma_wait3A_60] : memref<10000x128xf32, #tpu.memory_space<vmem_shared>> -> memref<128x128xf32, #tpu.memory_space<vmem_shared>>
      tpu.wait_dma2 semaphore(%run_scoped3A : memref<!tpu.dma_semaphore, #tpu.memory_space<semaphore_mem>>) src(%arg11 : memref<128x128xf32, #tpu.memory_space<vmem>>) dst(%dma_wait3A_61 : memref<128x128xf32, #tpu.memory_space<vmem_shared>>)
      tpu.yield
    }) : () -> ()
    %add3A_10 = arith.constant 256 : i32
    %add3A_11 = arith.addi %mul3A_6, %add3A_10 : i32
    "tpu.region"() ({
      %run_scoped3A = tpu.sem_alloc : memref<!tpu.dma_semaphore, #tpu.memory_space<semaphore_mem>>
      %dma_start3A = arith.constant 0 : i32
      %dma_start3A_56 = tpu.memref_slice %arg12[%add3A_11, %dma_start3A] : memref<10000x128xf32, #tpu.memory_space<vmem_shared>> -> memref<128x128xf32, #tpu.memory_space<vmem_shared>>
      %dma_start3A_57 = arith.constant 0 : i32
      %dma_start3A_58 = tpu.memref_slice %arg12[%add3A_11, %dma_start3A_57] : memref<10000x128xf32, #tpu.memory_space<vmem_shared>> -> memref<128x128xf32, #tpu.memory_space<vmem_shared>>
      tpu.enqueue_dma source(%arg11 : memref<128x128xf32, #tpu.memory_space<vmem>>) target(%dma_start3A_58 : memref<128x128xf32, #tpu.memory_space<vmem_shared>>) target_semaphore(%run_scoped3A : memref<!tpu.dma_semaphore, #tpu.memory_space<semaphore_mem>>)
      %dma_wait3A = arith.constant 0 : i32
      %dma_wait3A_59 = tpu.memref_slice %arg12[%add3A_11, %dma_wait3A] : memref<10000x128xf32, #tpu.memory_space<vmem_shared>> -> memref<128x128xf32, #tpu.memory_space<vmem_shared>>
      %dma_wait3A_60 = arith.constant 0 : i32
      %dma_wait3A_61 = tpu.memref_slice %arg12[%add3A_11, %dma_wait3A_60] : memref<10000x128xf32, #tpu.memory_space<vmem_shared>> -> memref<128x128xf32, #tpu.memory_space<vmem_shared>>
      tpu.wait_dma2 semaphore(%run_scoped3A : memref<!tpu.dma_semaphore, #tpu.memory_space<semaphore_mem>>) src(%arg11 : memref<128x128xf32, #tpu.memory_space<vmem>>) dst(%dma_wait3A_61 : memref<128x128xf32, #tpu.memory_space<vmem_shared>>)
      tpu.yield
    }) : () -> ()
    %add3A_12 = arith.constant 384 : i32
    %add3A_13 = arith.addi %mul3A_6, %add3A_12 : i32
    "tpu.region"() ({
      %run_scoped3A = tpu.sem_alloc : memref<!tpu.dma_semaphore, #tpu.memory_space<semaphore_mem>>
      %dma_start3A = arith.constant 0 : i32
      %dma_start3A_56 = tpu.memref_slice %arg12[%add3A_13, %dma_start3A] : memref<10000x128xf32, #tpu.memory_space<vmem_shared>> -> memref<128x128xf32, #tpu.memory_space<vmem_shared>>
      %dma_start3A_57 = arith.constant 0 : i32
      %dma_start3A_58 = tpu.memref_slice %arg12[%add3A_13, %dma_start3A_57] : memref<10000x128xf32, #tpu.memory_space<vmem_shared>> -> memref<128x128xf32, #tpu.memory_space<vmem_shared>>
      tpu.enqueue_dma source(%arg11 : memref<128x128xf32, #tpu.memory_space<vmem>>) target(%dma_start3A_58 : memref<128x128xf32, #tpu.memory_space<vmem_shared>>) target_semaphore(%run_scoped3A : memref<!tpu.dma_semaphore, #tpu.memory_space<semaphore_mem>>)
      %dma_wait3A = arith.constant 0 : i32
      %dma_wait3A_59 = tpu.memref_slice %arg12[%add3A_13, %dma_wait3A] : memref<10000x128xf32, #tpu.memory_space<vmem_shared>> -> memref<128x128xf32, #tpu.memory_space<vmem_shared>>
      %dma_wait3A_60 = arith.constant 0 : i32
      %dma_wait3A_61 = tpu.memref_slice %arg12[%add3A_13, %dma_wait3A_60] : memref<10000x128xf32, #tpu.memory_space<vmem_shared>> -> memref<128x128xf32, #tpu.memory_space<vmem_shared>>
      tpu.wait_dma2 semaphore(%run_scoped3A : memref<!tpu.dma_semaphore, #tpu.memory_space<semaphore_mem>>) src(%arg11 : memref<128x128xf32, #tpu.memory_space<vmem>>) dst(%dma_wait3A_61 : memref<128x128xf32, #tpu.memory_space<vmem_shared>>)
      tpu.yield
    }) : () -> ()
    %add3A_14 = arith.constant 512 : i32
    %add3A_15 = arith.addi %mul3A_6, %add3A_14 : i32
    "tpu.region"() ({
      %run_scoped3A = tpu.sem_alloc : memref<!tpu.dma_semaphore, #tpu.memory_space<semaphore_mem>>
      %dma_start3A = arith.constant 0 : i32
      %dma_start3A_56 = arith.constant 0 : i32
      %dma_start3A_57 = tpu.memref_slice %arg11[%dma_start3A, %dma_start3A_56] : memref<128x128xf32, #tpu.memory_space<vmem>> -> memref<113x128xf32, #tpu.memory_space<vmem>>
      %dma_start3A_58 = arith.constant 0 : i32
      %dma_start3A_59 = tpu.memref_slice %arg12[%add3A_15, %dma_start3A_58] : memref<10000x128xf32, #tpu.memory_space<vmem_shared>> -> memref<113x128xf32, #tpu.memory_space<vmem_shared>>
      %dma_start3A_60 = arith.constant 0 : i32
      %dma_start3A_61 = tpu.memref_slice %arg12[%add3A_15, %dma_start3A_60] : memref<10000x128xf32, #tpu.memory_space<vmem_shared>> -> memref<113x128xf32, #tpu.memory_space<vmem_shared>>
      %dma_start3A_62 = arith.constant 0 : i32
      %dma_start3A_63 = arith.constant 0 : i32
      %dma_start3A_64 = tpu.memref_slice %arg11[%dma_start3A_62, %dma_start3A_63] : memref<128x128xf32, #tpu.memory_space<vmem>> -> memref<113x128xf32, #tpu.memory_space<vmem>>
      tpu.enqueue_dma source(%dma_start3A_64 : memref<113x128xf32, #tpu.memory_space<vmem>>) target(%dma_start3A_61 : memref<113x128xf32, #tpu.memory_space<vmem_shared>>) target_semaphore(%run_scoped3A : memref<!tpu.dma_semaphore, #tpu.memory_space<semaphore_mem>>)
      %dma_wait3A = arith.constant 0 : i32
      %dma_wait3A_65 = arith.constant 0 : i32
      %dma_wait3A_66 = tpu.memref_slice %arg11[%dma_wait3A, %dma_wait3A_65] : memref<128x128xf32, #tpu.memory_space<vmem>> -> memref<113x128xf32, #tpu.memory_space<vmem>>
      %dma_wait3A_67 = arith.constant 0 : i32
      %dma_wait3A_68 = tpu.memref_slice %arg12[%add3A_15, %dma_wait3A_67] : memref<10000x128xf32, #tpu.memory_space<vmem_shared>> -> memref<113x128xf32, #tpu.memory_space<vmem_shared>>
      %dma_wait3A_69 = arith.constant 0 : i32
      %dma_wait3A_70 = tpu.memref_slice %arg12[%add3A_15, %dma_wait3A_69] : memref<10000x128xf32, #tpu.memory_space<vmem_shared>> -> memref<113x128xf32, #tpu.memory_space<vmem_shared>>
      %dma_wait3A_71 = arith.constant 0 : i32
      %dma_wait3A_72 = arith.constant 0 : i32
      %dma_wait3A_73 = tpu.memref_slice %arg11[%dma_wait3A_71, %dma_wait3A_72] : memref<128x128xf32, #tpu.memory_space<vmem>> -> memref<113x128xf32, #tpu.memory_space<vmem>>
      tpu.wait_dma2 semaphore(%run_scoped3A : memref<!tpu.dma_semaphore, #tpu.memory_space<semaphore_mem>>) src(%dma_wait3A_73 : memref<113x128xf32, #tpu.memory_space<vmem>>) dst(%dma_wait3A_70 : memref<113x128xf32, #tpu.memory_space<vmem_shared>>)
      tpu.yield
    }) : () -> ()
    %barrier3A = arith.constant 0 : index
    tpu.barrier barrier_id(%barrier3A)
    %sub3A = arith.constant 0 : i32
    %sub3A_16 = arith.subi %select_n3A, %sub3A : i32
    %sub3A_17 = arith.constant 1 : i32
    %sub3A_18 = arith.constant 1 : i32
    %sub3A_19 = arith.subi %sub3A_17, %sub3A_18 : i32
    %add3A_20 = arith.addi %sub3A_16, %sub3A_19 : i32
    %div3A = arith.constant 1 : i32
    %div3A_21 = arith.divsi %add3A_20, %div3A : i32
    %while3A = arith.constant 1 : i32
    %while3A_22 = arith.constant 0 : i32
    %while3A_23 = arith.constant 0 : i32
    %while3A_24 = arith.constant 0 : i32
    %while3A_25 = arith.subi %div3A_21, %while3A_23 : i32
    %while3A_26 = arith.addi %while3A_23, %while3A_25 : i32
    %while3A_27 = arith.constant 1 : i32
    %while3A_28 = arith.divsi %while3A_25, %while3A_27 : i32
    %while3A_29 = arith.muli %while3A_28, %while3A_27 : i32
    %while3A_30 = arith.addi %while3A_23, %while3A_29 : i32
    %while3A_31 = arith.constant 1 : i32
    %while3A_32 = scf.for %while3A_56 = %while3A_23 to %while3A_30 step %while3A_31 iter_args(%while3A_57 = %while3A_24) -> (i32)  : i32 {
      %mul3A_58 = arith.muli %while3A_56, %while3A : i32
      %add3A_59 = arith.addi %while3A_22, %mul3A_58 : i32
      %mul3A_60 = arith.constant 16 : i32
      %mul3A_61 = arith.muli %mul3A_60, %add3A_59 : i32
      %add3A_62 = arith.addi %arg1, %mul3A_61 : i32
      %mul3A_63 = arith.constant 128 : i32
      %mul3A_64 = arith.muli %add3A_62, %mul3A_63 : i32
      %mul3A_65 = arith.constant 4 : i32
      %mul3A_66 = arith.muli %mul3A_64, %mul3A_65 : i32
      %dma_start3A = tpu.memref_slice %arg2[%mul3A_66] : memref<640000xf32, #tpu.memory_space<hbm>> -> memref<512xf32, #tpu.memory_space<hbm>>
      %dma_start3A_67 = tpu.memref_slice %arg2[%mul3A_66] : memref<640000xf32, #tpu.memory_space<hbm>> -> memref<512xf32, #tpu.memory_space<hbm>>
      tpu.enqueue_dma source(%dma_start3A_67 : memref<512xf32, #tpu.memory_space<hbm>>) target(%arg7 : memref<512xf32, #tpu.memory_space<vmem>>) target_semaphore(%arg13 : memref<!tpu.dma_semaphore, #tpu.memory_space<semaphore_mem>>)
      %mul3A_68 = arith.constant 128 : i32
      %mul3A_69 = arith.muli %add3A_62, %mul3A_68 : i32
      %dma_start3A_70 = tpu.memref_slice %arg3[%mul3A_69] : memref<160000xi32, #tpu.memory_space<hbm>> -> memref<128xi32, #tpu.memory_space<hbm>>
      %dma_start3A_71 = tpu.memref_slice %arg3[%mul3A_69] : memref<160000xi32, #tpu.memory_space<hbm>> -> memref<128xi32, #tpu.memory_space<hbm>>
      tpu.enqueue_dma source(%dma_start3A_71 : memref<128xi32, #tpu.memory_space<hbm>>) target(%arg8 : memref<128xi32, #tpu.memory_space<vmem>>) target_semaphore(%arg14 : memref<!tpu.dma_semaphore, #tpu.memory_space<semaphore_mem>>)
      %mul3A_72 = arith.constant 128 : i32
      %mul3A_73 = arith.muli %add3A_62, %mul3A_72 : i32
      %dma_start3A_74 = tpu.memref_slice %arg4[%mul3A_73] : memref<160000xi32, #tpu.memory_space<hbm>> -> memref<128xi32, #tpu.memory_space<hbm>>
      %dma_start3A_75 = tpu.memref_slice %arg4[%mul3A_73] : memref<160000xi32, #tpu.memory_space<hbm>> -> memref<128xi32, #tpu.memory_space<hbm>>
      tpu.enqueue_dma source(%dma_start3A_75 : memref<128xi32, #tpu.memory_space<hbm>>) target(%arg10 : memref<128xi32, #tpu.memory_space<vmem>>) target_semaphore(%arg15 : memref<!tpu.dma_semaphore, #tpu.memory_space<semaphore_mem>>)
      %dma_wait3A = tpu.memref_slice %arg3[%mul3A_69] : memref<160000xi32, #tpu.memory_space<hbm>> -> memref<128xi32, #tpu.memory_space<hbm>>
      %dma_wait3A_76 = tpu.memref_slice %arg3[%mul3A_69] : memref<160000xi32, #tpu.memory_space<hbm>> -> memref<128xi32, #tpu.memory_space<hbm>>
      tpu.wait_dma2 semaphore(%arg14 : memref<!tpu.dma_semaphore, #tpu.memory_space<semaphore_mem>>) src(%dma_wait3A_76 : memref<128xi32, #tpu.memory_space<hbm>>) dst(%arg8 : memref<128xi32, #tpu.memory_space<vmem>>)
      %get3A = arith.constant 0 : index
      %get3A_77 = tpu.vector_load %arg8[%get3A] {strides = array<i32>} : memref<128xi32, #tpu.memory_space<vmem>>, vector<16xi32>,
      %mul3A_78 = arith.constant 200 : i32
      %mul3A_79 = arith.muli %arg0, %mul3A_78 : i32
      %add3A_80 = vector.broadcast %mul3A_79 : i32 to vector<16xi32>
      %add3A_81 = arith.addi %get3A_77, %add3A_80 : vector<16xi32>
      %swap3A = arith.constant 0 : index
      %swap3A_82 = tpu.vector_load %arg9[%swap3A] {strides = array<i32>} : memref<128xi32, #tpu.memory_space<vmem>>, vector<16xi32>,
      tpu.vector_store %arg9[%swap3A], %add3A_81 {strides = array<i32>} : memref<128xi32, #tpu.memory_space<vmem>>, vector<16xi32>,
      %get3A_83 = arith.constant 16 : index
      %get3A_84 = tpu.vector_load %arg8[%get3A_83] {strides = array<i32>} : memref<128xi32, #tpu.memory_space<vmem>>, vector<16xi32>,
      %mul3A_85 = arith.constant 200 : i32
      %mul3A_86 = arith.muli %arg0, %mul3A_85 : i32
      %add3A_87 = vector.broadcast %mul3A_86 : i32 to vector<16xi32>
      %add3A_88 = arith.addi %get3A_84, %add3A_87 : vector<16xi32>
      %swap3A_89 = arith.constant 16 : index
      %swap3A_90 = tpu.vector_load %arg9[%swap3A_89] {strides = array<i32>} : memref<128xi32, #tpu.memory_space<vmem>>, vector<16xi32>,
      tpu.vector_store %arg9[%swap3A_89], %add3A_88 {strides = array<i32>} : memref<128xi32, #tpu.memory_space<vmem>>, vector<16xi32>,
      %get3A_91 = arith.constant 32 : index
      %get3A_92 = tpu.vector_load %arg8[%get3A_91] {strides = array<i32>} : memref<128xi32, #tpu.memory_space<vmem>>, vector<16xi32>,
      %mul3A_93 = arith.constant 200 : i32
      %mul3A_94 = arith.muli %arg0, %mul3A_93 : i32
      %add3A_95 = vector.broadcast %mul3A_94 : i32 to vector<16xi32>
      %add3A_96 = arith.addi %get3A_92, %add3A_95 : vector<16xi32>
      %swap3A_97 = arith.constant 32 : index
      %swap3A_98 = tpu.vector_load %arg9[%swap3A_97] {strides = array<i32>} : memref<128xi32, #tpu.memory_space<vmem>>, vector<16xi32>,
      tpu.vector_store %arg9[%swap3A_97], %add3A_96 {strides = array<i32>} : memref<128xi32, #tpu.memory_space<vmem>>, vector<16xi32>,
      %get3A_99 = arith.constant 48 : index
      %get3A_100 = tpu.vector_load %arg8[%get3A_99] {strides = array<i32>} : memref<128xi32, #tpu.memory_space<vmem>>, vector<16xi32>,
      %mul3A_101 = arith.constant 200 : i32
      %mul3A_102 = arith.muli %arg0, %mul3A_101 : i32
      %add3A_103 = vector.broadcast %mul3A_102 : i32 to vector<16xi32>
      %add3A_104 = arith.addi %get3A_100, %add3A_103 : vector<16xi32>
      %swap3A_105 = arith.constant 48 : index
      %swap3A_106 = tpu.vector_load %arg9[%swap3A_105] {strides = array<i32>} : memref<128xi32, #tpu.memory_space<vmem>>, vector<16xi32>,
      tpu.vector_store %arg9[%swap3A_105], %add3A_104 {strides = array<i32>} : memref<128xi32, #tpu.memory_space<vmem>>, vector<16xi32>,
      %get3A_107 = arith.constant 64 : index
      %get3A_108 = tpu.vector_load %arg8[%get3A_107] {strides = array<i32>} : memref<128xi32, #tpu.memory_space<vmem>>, vector<16xi32>,
      %mul3A_109 = arith.constant 200 : i32
      %mul3A_110 = arith.muli %arg0, %mul3A_109 : i32
      %add3A_111 = vector.broadcast %mul3A_110 : i32 to vector<16xi32>
      %add3A_112 = arith.addi %get3A_108, %add3A_111 : vector<16xi32>
      %swap3A_113 = arith.constant 64 : index
      %swap3A_114 = tpu.vector_load %arg9[%swap3A_113] {strides = array<i32>} : memref<128xi32, #tpu.memory_space<vmem>>, vector<16xi32>,
      tpu.vector_store %arg9[%swap3A_113], %add3A_112 {strides = array<i32>} : memref<128xi32, #tpu.memory_space<vmem>>, vector<16xi32>,
      %get3A_115 = arith.constant 80 : index
      %get3A_116 = tpu.vector_load %arg8[%get3A_115] {strides = array<i32>} : memref<128xi32, #tpu.memory_space<vmem>>, vector<16xi32>,
      %mul3A_117 = arith.constant 200 : i32
      %mul3A_118 = arith.muli %arg0, %mul3A_117 : i32
      %add3A_119 = vector.broadcast %mul3A_118 : i32 to vector<16xi32>
      %add3A_120 = arith.addi %get3A_116, %add3A_119 : vector<16xi32>
      %swap3A_121 = arith.constant 80 : index
      %swap3A_122 = tpu.vector_load %arg9[%swap3A_121] {strides = array<i32>} : memref<128xi32, #tpu.memory_space<vmem>>, vector<16xi32>,
      tpu.vector_store %arg9[%swap3A_121], %add3A_120 {strides = array<i32>} : memref<128xi32, #tpu.memory_space<vmem>>, vector<16xi32>,
      %get3A_123 = arith.constant 96 : index
      %get3A_124 = tpu.vector_load %arg8[%get3A_123] {strides = array<i32>} : memref<128xi32, #tpu.memory_space<vmem>>, vector<16xi32>,
      %mul3A_125 = arith.constant 200 : i32
      %mul3A_126 = arith.muli %arg0, %mul3A_125 : i32
      %add3A_127 = vector.broadcast %mul3A_126 : i32 to vector<16xi32>
      %add3A_128 = arith.addi %get3A_124, %add3A_127 : vector<16xi32>
      %swap3A_129 = arith.constant 96 : index
      %swap3A_130 = tpu.vector_load %arg9[%swap3A_129] {strides = array<i32>} : memref<128xi32, #tpu.memory_space<vmem>>, vector<16xi32>,
      tpu.vector_store %arg9[%swap3A_129], %add3A_128 {strides = array<i32>} : memref<128xi32, #tpu.memory_space<vmem>>, vector<16xi32>,
      %get3A_131 = arith.constant 112 : index
      %get3A_132 = tpu.vector_load %arg8[%get3A_131] {strides = array<i32>} : memref<128xi32, #tpu.memory_space<vmem>>, vector<16xi32>,
      %mul3A_133 = arith.constant 200 : i32
      %mul3A_134 = arith.muli %arg0, %mul3A_133 : i32
      %add3A_135 = vector.broadcast %mul3A_134 : i32 to vector<16xi32>
      %add3A_136 = arith.addi %get3A_132, %add3A_135 : vector<16xi32>
      %swap3A_137 = arith.constant 112 : index
      %swap3A_138 = tpu.vector_load %arg9[%swap3A_137] {strides = array<i32>} : memref<128xi32, #tpu.memory_space<vmem>>, vector<16xi32>,
      tpu.vector_store %arg9[%swap3A_137], %add3A_136 {strides = array<i32>} : memref<128xi32, #tpu.memory_space<vmem>>, vector<16xi32>,
      %dma_start3A_139 = arith.constant 0 : i32
      %dma_start3A_140 = arith.constant 0 : i32
      %dma_start3A_141 = tpu.memref_slice %arg5[%dma_start3A_139, %dma_start3A_140] : memref<400x128xf32, #tpu.memory_space<hbm>> -> memref<400x128xf32, #tpu.memory_space<hbm>>
      tpu.enqueue_indirect_dma source(%dma_start3A_141 : memref<400x128xf32, #tpu.memory_space<hbm>>) target(%arg11 : memref<128x128xf32, #tpu.memory_space<vmem>>) offsets(%arg9 : memref<128xi32, #tpu.memory_space<vmem>>) semaphore(%arg16 : memref<!tpu.dma_semaphore, #tpu.memory_space<semaphore_mem>>)
      %dma_wait3A_142 = tpu.memref_slice %arg2[%mul3A_66] : memref<640000xf32, #tpu.memory_space<hbm>> -> memref<512xf32, #tpu.memory_space<hbm>>
      %dma_wait3A_143 = tpu.memref_slice %arg2[%mul3A_66] : memref<640000xf32, #tpu.memory_space<hbm>> -> memref<512xf32, #tpu.memory_space<hbm>>
      tpu.wait_dma2 semaphore(%arg13 : memref<!tpu.dma_semaphore, #tpu.memory_space<semaphore_mem>>) src(%dma_wait3A_143 : memref<512xf32, #tpu.memory_space<hbm>>) dst(%arg7 : memref<512xf32, #tpu.memory_space<vmem>>)
      %dma_wait3A_144 = arith.constant 0 : i32
      %dma_wait3A_145 = arith.constant 0 : i32
      %dma_wait3A_146 = tpu.memref_slice %arg5[%dma_wait3A_144, %dma_wait3A_145] : memref<400x128xf32, #tpu.memory_space<hbm>> -> memref<400x128xf32, #tpu.memory_space<hbm>>
      tpu.wait_indirect_dma semaphore(%arg16 : memref<!tpu.dma_semaphore, #tpu.memory_space<semaphore_mem>>) src(%dma_wait3A_146 : memref<400x128xf32, #tpu.memory_space<hbm>>) dst(%arg11 : memref<128x128xf32, #tpu.memory_space<vmem>>)
      %scan3A_147 = arith.constant 0 : i32
      %scan3A_148 = arith.constant 1024 : i32
      %scan3A_149 = arith.addi %scan3A_147, %scan3A_148 : i32
      %scan3A_150 = arith.constant 1 : i32
      scf.for %scan3A_155 = %scan3A_147 to %scan3A_149 step %scan3A_150  : i32 {
        %mul3A_156 = arith.constant 1 : i32
        %mul3A_157 = arith.muli %scan3A_155, %mul3A_156 : i32
        %add3A_158 = arith.constant 0 : i32
        %add3A_159 = arith.addi %add3A_158, %mul3A_157 : i32
        %shift_right_arithmetic3A = arith.constant 3 : i32
        %shift_right_arithmetic3A_160 = arith.shrsi %add3A_159, %shift_right_arithmetic3A : i32
        %and3A = arith.constant 7 : i32
        %and3A_161 = arith.andi %add3A_159, %and3A : i32
        %mul3A_162 = arith.constant 4 : i32
        %mul3A_163 = arith.muli %shift_right_arithmetic3A_160, %mul3A_162 : i32
        %mul3A_164 = arith.constant 2 : i32
        %mul3A_165 = arith.muli %arg0, %mul3A_164 : i32
        %add3A_166 = arith.addi %mul3A_163, %mul3A_165 : i32
        %shift_right_arithmetic3A_167 = arith.constant 2 : i32
        %shift_right_arithmetic3A_168 = arith.shrsi %and3A_161, %shift_right_arithmetic3A_167 : i32
        %add3A_169 = arith.addi %add3A_166, %shift_right_arithmetic3A_168 : i32
        %broadcast_in_dim3A = vector.broadcast %add3A_169 : i32 to vector<16xi32>
        %gather3A = tpu.vector_load_idx %arg7[%broadcast_in_dim3A] : memref<512xf32, #tpu.memory_space<vmem>>[vector<16xi32>], vector<16xf32>,
        %mul3A_170 = arith.constant 16 : i32
        %mul3A_171 = arith.muli %and3A_161, %mul3A_170 : i32
        %get3A_172 = arith.index_cast %shift_right_arithmetic3A_160 : i32 to index
        %get3A_173 = arith.index_cast %mul3A_171 : i32 to index
        %get3A_174 = tpu.vector_load %arg11[%get3A_172, %get3A_173] {strides = array<i32>} : memref<128x128xf32, #tpu.memory_space<vmem>>, vector<16xf32>,
        %mul3A_175 = arith.mulf %get3A_174, %gather3A : vector<16xf32>
        %mul3A_176 = arith.constant 16 : i32
        %mul3A_177 = arith.muli %and3A_161, %mul3A_176 : i32
        %swap3A_178 = arith.index_cast %shift_right_arithmetic3A_160 : i32 to index
        %swap3A_179 = arith.index_cast %mul3A_177 : i32 to index
        %swap3A_180 = tpu.vector_load %arg11[%swap3A_178, %swap3A_179] {strides = array<i32>} : memref<128x128xf32, #tpu.memory_space<vmem>>, vector<16xf32>,
        tpu.vector_store %arg11[%swap3A_178, %swap3A_179], %mul3A_175 {strides = array<i32>} : memref<128x128xf32, #tpu.memory_space<vmem>>, vector<16xf32>,
      }
      %scan3A_151 = arith.constant 1024 : i32
      %dma_wait3A_152 = tpu.memref_slice %arg4[%mul3A_73] : memref<160000xi32, #tpu.memory_space<hbm>> -> memref<128xi32, #tpu.memory_space<hbm>>
      %dma_wait3A_153 = tpu.memref_slice %arg4[%mul3A_73] : memref<160000xi32, #tpu.memory_space<hbm>> -> memref<128xi32, #tpu.memory_space<hbm>>
      tpu.wait_dma2 semaphore(%arg15 : memref<!tpu.dma_semaphore, #tpu.memory_space<semaphore_mem>>) src(%dma_wait3A_153 : memref<128xi32, #tpu.memory_space<hbm>>) dst(%arg10 : memref<128xi32, #tpu.memory_space<vmem>>)
      "tpu.region"() ({
        %run_scoped3A = tpu.sem_alloc : memref<!tpu.dma_semaphore, #tpu.memory_space<semaphore_mem>>
        %dma_start3A_155 = arith.constant 0 : i32
        %dma_start3A_156 = arith.constant 0 : i32
        %dma_start3A_157 = tpu.memref_slice %arg12[%dma_start3A_155, %dma_start3A_156] : memref<10000x128xf32, #tpu.memory_space<vmem_shared>> -> memref<10000x128xf32, #tpu.memory_space<vmem_shared>>
        tpu.enqueue_indirect_dma source(%arg11 : memref<128x128xf32, #tpu.memory_space<vmem>>) target(%dma_start3A_157 : memref<10000x128xf32, #tpu.memory_space<vmem_shared>>) offsets(%arg10 : memref<128xi32, #tpu.memory_space<vmem>>) semaphore(%run_scoped3A : memref<!tpu.dma_semaphore, #tpu.memory_space<semaphore_mem>>) {add = true}
        %dma_wait3A_158 = arith.constant 0 : i32
        %dma_wait3A_159 = arith.constant 0 : i32
        %dma_wait3A_160 = tpu.memref_slice %arg12[%dma_wait3A_158, %dma_wait3A_159] : memref<10000x128xf32, #tpu.memory_space<vmem_shared>> -> memref<10000x128xf32, #tpu.memory_space<vmem_shared>>
        tpu.wait_indirect_dma semaphore(%run_scoped3A : memref<!tpu.dma_semaphore, #tpu.memory_space<semaphore_mem>>) src(%arg11 : memref<128x128xf32, #tpu.memory_space<vmem>>) dst(%dma_wait3A_160 : memref<10000x128xf32, #tpu.memory_space<vmem_shared>>)
        tpu.yield
      }) : () -> ()
      %while3A_154 = arith.constant 0 : i32
      scf.yield %while3A_154 : i32
    }
    %while3A_33 = arith.constant 1 : i32
    %while3A_34 = scf.for %while3A_56 = %while3A_30 to %while3A_26 step %while3A_33 iter_args(%while3A_57 = %while3A_32) -> (i32)  : i32 {
      %mul3A_58 = arith.muli %while3A_56, %while3A : i32
      %add3A_59 = arith.addi %while3A_22, %mul3A_58 : i32
      %mul3A_60 = arith.constant 16 : i32
      %mul3A_61 = arith.muli %mul3A_60, %add3A_59 : i32
      %add3A_62 = arith.addi %arg1, %mul3A_61 : i32
      %mul3A_63 = arith.constant 128 : i32
      %mul3A_64 = arith.muli %add3A_62, %mul3A_63 : i32
      %mul3A_65 = arith.constant 4 : i32
      %mul3A_66 = arith.muli %mul3A_64, %mul3A_65 : i32
      %dma_start3A = tpu.memref_slice %arg2[%mul3A_66] : memref<640000xf32, #tpu.memory_space<hbm>> -> memref<512xf32, #tpu.memory_space<hbm>>
      %dma_start3A_67 = tpu.memref_slice %arg2[%mul3A_66] : memref<640000xf32, #tpu.memory_space<hbm>> -> memref<512xf32, #tpu.memory_space<hbm>>
      tpu.enqueue_dma source(%dma_start3A_67 : memref<512xf32, #tpu.memory_space<hbm>>) target(%arg7 : memref<512xf32, #tpu.memory_space<vmem>>) target_semaphore(%arg13 : memref<!tpu.dma_semaphore, #tpu.memory_space<semaphore_mem>>)
      %mul3A_68 = arith.constant 128 : i32
      %mul3A_69 = arith.muli %add3A_62, %mul3A_68 : i32
      %dma_start3A_70 = tpu.memref_slice %arg3[%mul3A_69] : memref<160000xi32, #tpu.memory_space<hbm>> -> memref<128xi32, #tpu.memory_space<hbm>>
      %dma_start3A_71 = tpu.memref_slice %arg3[%mul3A_69] : memref<160000xi32, #tpu.memory_space<hbm>> -> memref<128xi32, #tpu.memory_space<hbm>>
      tpu.enqueue_dma source(%dma_start3A_71 : memref<128xi32, #tpu.memory_space<hbm>>) target(%arg8 : memref<128xi32, #tpu.memory_space<vmem>>) target_semaphore(%arg14 : memref<!tpu.dma_semaphore, #tpu.memory_space<semaphore_mem>>)
      %mul3A_72 = arith.constant 128 : i32
      %mul3A_73 = arith.muli %add3A_62, %mul3A_72 : i32
      %dma_start3A_74 = tpu.memref_slice %arg4[%mul3A_73] : memref<160000xi32, #tpu.memory_space<hbm>> -> memref<128xi32, #tpu.memory_space<hbm>>
      %dma_start3A_75 = tpu.memref_slice %arg4[%mul3A_73] : memref<160000xi32, #tpu.memory_space<hbm>> -> memref<128xi32, #tpu.memory_space<hbm>>
      tpu.enqueue_dma source(%dma_start3A_75 : memref<128xi32, #tpu.memory_space<hbm>>) target(%arg10 : memref<128xi32, #tpu.memory_space<vmem>>) target_semaphore(%arg15 : memref<!tpu.dma_semaphore, #tpu.memory_space<semaphore_mem>>)
      %dma_wait3A = tpu.memref_slice %arg3[%mul3A_69] : memref<160000xi32, #tpu.memory_space<hbm>> -> memref<128xi32, #tpu.memory_space<hbm>>
      %dma_wait3A_76 = tpu.memref_slice %arg3[%mul3A_69] : memref<160000xi32, #tpu.memory_space<hbm>> -> memref<128xi32, #tpu.memory_space<hbm>>
      tpu.wait_dma2 semaphore(%arg14 : memref<!tpu.dma_semaphore, #tpu.memory_space<semaphore_mem>>) src(%dma_wait3A_76 : memref<128xi32, #tpu.memory_space<hbm>>) dst(%arg8 : memref<128xi32, #tpu.memory_space<vmem>>)
      %get3A = arith.constant 0 : index
      %get3A_77 = tpu.vector_load %arg8[%get3A] {strides = array<i32>} : memref<128xi32, #tpu.memory_space<vmem>>, vector<16xi32>,
      %mul3A_78 = arith.constant 200 : i32
      %mul3A_79 = arith.muli %arg0, %mul3A_78 : i32
      %add3A_80 = vector.broadcast %mul3A_79 : i32 to vector<16xi32>
      %add3A_81 = arith.addi %get3A_77, %add3A_80 : vector<16xi32>
      %swap3A = arith.constant 0 : index
      %swap3A_82 = tpu.vector_load %arg9[%swap3A] {strides = array<i32>} : memref<128xi32, #tpu.memory_space<vmem>>, vector<16xi32>,
      tpu.vector_store %arg9[%swap3A], %add3A_81 {strides = array<i32>} : memref<128xi32, #tpu.memory_space<vmem>>, vector<16xi32>,
      %get3A_83 = arith.constant 16 : index
      %get3A_84 = tpu.vector_load %arg8[%get3A_83] {strides = array<i32>} : memref<128xi32, #tpu.memory_space<vmem>>, vector<16xi32>,
      %mul3A_85 = arith.constant 200 : i32
      %mul3A_86 = arith.muli %arg0, %mul3A_85 : i32
      %add3A_87 = vector.broadcast %mul3A_86 : i32 to vector<16xi32>
      %add3A_88 = arith.addi %get3A_84, %add3A_87 : vector<16xi32>
      %swap3A_89 = arith.constant 16 : index
      %swap3A_90 = tpu.vector_load %arg9[%swap3A_89] {strides = array<i32>} : memref<128xi32, #tpu.memory_space<vmem>>, vector<16xi32>,
      tpu.vector_store %arg9[%swap3A_89], %add3A_88 {strides = array<i32>} : memref<128xi32, #tpu.memory_space<vmem>>, vector<16xi32>,
      %get3A_91 = arith.constant 32 : index
      %get3A_92 = tpu.vector_load %arg8[%get3A_91] {strides = array<i32>} : memref<128xi32, #tpu.memory_space<vmem>>, vector<16xi32>,
      %mul3A_93 = arith.constant 200 : i32
      %mul3A_94 = arith.muli %arg0, %mul3A_93 : i32
      %add3A_95 = vector.broadcast %mul3A_94 : i32 to vector<16xi32>
      %add3A_96 = arith.addi %get3A_92, %add3A_95 : vector<16xi32>
      %swap3A_97 = arith.constant 32 : index
      %swap3A_98 = tpu.vector_load %arg9[%swap3A_97] {strides = array<i32>} : memref<128xi32, #tpu.memory_space<vmem>>, vector<16xi32>,
      tpu.vector_store %arg9[%swap3A_97], %add3A_96 {strides = array<i32>} : memref<128xi32, #tpu.memory_space<vmem>>, vector<16xi32>,
      %get3A_99 = arith.constant 48 : index
      %get3A_100 = tpu.vector_load %arg8[%get3A_99] {strides = array<i32>} : memref<128xi32, #tpu.memory_space<vmem>>, vector<16xi32>,
      %mul3A_101 = arith.constant 200 : i32
      %mul3A_102 = arith.muli %arg0, %mul3A_101 : i32
      %add3A_103 = vector.broadcast %mul3A_102 : i32 to vector<16xi32>
      %add3A_104 = arith.addi %get3A_100, %add3A_103 : vector<16xi32>
      %swap3A_105 = arith.constant 48 : index
      %swap3A_106 = tpu.vector_load %arg9[%swap3A_105] {strides = array<i32>} : memref<128xi32, #tpu.memory_space<vmem>>, vector<16xi32>,
      tpu.vector_store %arg9[%swap3A_105], %add3A_104 {strides = array<i32>} : memref<128xi32, #tpu.memory_space<vmem>>, vector<16xi32>,
      %get3A_107 = arith.constant 64 : index
      %get3A_108 = tpu.vector_load %arg8[%get3A_107] {strides = array<i32>} : memref<128xi32, #tpu.memory_space<vmem>>, vector<16xi32>,
      %mul3A_109 = arith.constant 200 : i32
      %mul3A_110 = arith.muli %arg0, %mul3A_109 : i32
      %add3A_111 = vector.broadcast %mul3A_110 : i32 to vector<16xi32>
      %add3A_112 = arith.addi %get3A_108, %add3A_111 : vector<16xi32>
      %swap3A_113 = arith.constant 64 : index
      %swap3A_114 = tpu.vector_load %arg9[%swap3A_113] {strides = array<i32>} : memref<128xi32, #tpu.memory_space<vmem>>, vector<16xi32>,
      tpu.vector_store %arg9[%swap3A_113], %add3A_112 {strides = array<i32>} : memref<128xi32, #tpu.memory_space<vmem>>, vector<16xi32>,
      %get3A_115 = arith.constant 80 : index
      %get3A_116 = tpu.vector_load %arg8[%get3A_115] {strides = array<i32>} : memref<128xi32, #tpu.memory_space<vmem>>, vector<16xi32>,
      %mul3A_117 = arith.constant 200 : i32
      %mul3A_118 = arith.muli %arg0, %mul3A_117 : i32
      %add3A_119 = vector.broadcast %mul3A_118 : i32 to vector<16xi32>
      %add3A_120 = arith.addi %get3A_116, %add3A_119 : vector<16xi32>
      %swap3A_121 = arith.constant 80 : index
      %swap3A_122 = tpu.vector_load %arg9[%swap3A_121] {strides = array<i32>} : memref<128xi32, #tpu.memory_space<vmem>>, vector<16xi32>,
      tpu.vector_store %arg9[%swap3A_121], %add3A_120 {strides = array<i32>} : memref<128xi32, #tpu.memory_space<vmem>>, vector<16xi32>,
      %get3A_123 = arith.constant 96 : index
      %get3A_124 = tpu.vector_load %arg8[%get3A_123] {strides = array<i32>} : memref<128xi32, #tpu.memory_space<vmem>>, vector<16xi32>,
      %mul3A_125 = arith.constant 200 : i32
      %mul3A_126 = arith.muli %arg0, %mul3A_125 : i32
      %add3A_127 = vector.broadcast %mul3A_126 : i32 to vector<16xi32>
      %add3A_128 = arith.addi %get3A_124, %add3A_127 : vector<16xi32>
      %swap3A_129 = arith.constant 96 : index
      %swap3A_130 = tpu.vector_load %arg9[%swap3A_129] {strides = array<i32>} : memref<128xi32, #tpu.memory_space<vmem>>, vector<16xi32>,
      tpu.vector_store %arg9[%swap3A_129], %add3A_128 {strides = array<i32>} : memref<128xi32, #tpu.memory_space<vmem>>, vector<16xi32>,
      %get3A_131 = arith.constant 112 : index
      %get3A_132 = tpu.vector_load %arg8[%get3A_131] {strides = array<i32>} : memref<128xi32, #tpu.memory_space<vmem>>, vector<16xi32>,
      %mul3A_133 = arith.constant 200 : i32
      %mul3A_134 = arith.muli %arg0, %mul3A_133 : i32
      %add3A_135 = vector.broadcast %mul3A_134 : i32 to vector<16xi32>
      %add3A_136 = arith.addi %get3A_132, %add3A_135 : vector<16xi32>
      %swap3A_137 = arith.constant 112 : index
      %swap3A_138 = tpu.vector_load %arg9[%swap3A_137] {strides = array<i32>} : memref<128xi32, #tpu.memory_space<vmem>>, vector<16xi32>,
      tpu.vector_store %arg9[%swap3A_137], %add3A_136 {strides = array<i32>} : memref<128xi32, #tpu.memory_space<vmem>>, vector<16xi32>,
      %dma_start3A_139 = arith.constant 0 : i32
      %dma_start3A_140 = arith.constant 0 : i32
      %dma_start3A_141 = tpu.memref_slice %arg5[%dma_start3A_139, %dma_start3A_140] : memref<400x128xf32, #tpu.memory_space<hbm>> -> memref<400x128xf32, #tpu.memory_space<hbm>>
      tpu.enqueue_indirect_dma source(%dma_start3A_141 : memref<400x128xf32, #tpu.memory_space<hbm>>) target(%arg11 : memref<128x128xf32, #tpu.memory_space<vmem>>) offsets(%arg9 : memref<128xi32, #tpu.memory_space<vmem>>) semaphore(%arg16 : memref<!tpu.dma_semaphore, #tpu.memory_space<semaphore_mem>>)
      %dma_wait3A_142 = tpu.memref_slice %arg2[%mul3A_66] : memref<640000xf32, #tpu.memory_space<hbm>> -> memref<512xf32, #tpu.memory_space<hbm>>
      %dma_wait3A_143 = tpu.memref_slice %arg2[%mul3A_66] : memref<640000xf32, #tpu.memory_space<hbm>> -> memref<512xf32, #tpu.memory_space<hbm>>
      tpu.wait_dma2 semaphore(%arg13 : memref<!tpu.dma_semaphore, #tpu.memory_space<semaphore_mem>>) src(%dma_wait3A_143 : memref<512xf32, #tpu.memory_space<hbm>>) dst(%arg7 : memref<512xf32, #tpu.memory_space<vmem>>)
      %dma_wait3A_144 = arith.constant 0 : i32
      %dma_wait3A_145 = arith.constant 0 : i32
      %dma_wait3A_146 = tpu.memref_slice %arg5[%dma_wait3A_144, %dma_wait3A_145] : memref<400x128xf32, #tpu.memory_space<hbm>> -> memref<400x128xf32, #tpu.memory_space<hbm>>
      tpu.wait_indirect_dma semaphore(%arg16 : memref<!tpu.dma_semaphore, #tpu.memory_space<semaphore_mem>>) src(%dma_wait3A_146 : memref<400x128xf32, #tpu.memory_space<hbm>>) dst(%arg11 : memref<128x128xf32, #tpu.memory_space<vmem>>)
      %scan3A_147 = arith.constant 0 : i32
      %scan3A_148 = arith.constant 1024 : i32
      %scan3A_149 = arith.addi %scan3A_147, %scan3A_148 : i32
      %scan3A_150 = arith.constant 1 : i32
      scf.for %scan3A_155 = %scan3A_147 to %scan3A_149 step %scan3A_150  : i32 {
        %mul3A_156 = arith.constant 1 : i32
        %mul3A_157 = arith.muli %scan3A_155, %mul3A_156 : i32
        %add3A_158 = arith.constant 0 : i32
        %add3A_159 = arith.addi %add3A_158, %mul3A_157 : i32
        %shift_right_arithmetic3A = arith.constant 3 : i32
        %shift_right_arithmetic3A_160 = arith.shrsi %add3A_159, %shift_right_arithmetic3A : i32
        %and3A = arith.constant 7 : i32
        %and3A_161 = arith.andi %add3A_159, %and3A : i32
        %mul3A_162 = arith.constant 4 : i32
        %mul3A_163 = arith.muli %shift_right_arithmetic3A_160, %mul3A_162 : i32
        %mul3A_164 = arith.constant 2 : i32
        %mul3A_165 = arith.muli %arg0, %mul3A_164 : i32
        %add3A_166 = arith.addi %mul3A_163, %mul3A_165 : i32
        %shift_right_arithmetic3A_167 = arith.constant 2 : i32
        %shift_right_arithmetic3A_168 = arith.shrsi %and3A_161, %shift_right_arithmetic3A_167 : i32
        %add3A_169 = arith.addi %add3A_166, %shift_right_arithmetic3A_168 : i32
        %broadcast_in_dim3A = vector.broadcast %add3A_169 : i32 to vector<16xi32>
        %gather3A = tpu.vector_load_idx %arg7[%broadcast_in_dim3A] : memref<512xf32, #tpu.memory_space<vmem>>[vector<16xi32>], vector<16xf32>,
        %mul3A_170 = arith.constant 16 : i32
        %mul3A_171 = arith.muli %and3A_161, %mul3A_170 : i32
        %get3A_172 = arith.index_cast %shift_right_arithmetic3A_160 : i32 to index
        %get3A_173 = arith.index_cast %mul3A_171 : i32 to index
        %get3A_174 = tpu.vector_load %arg11[%get3A_172, %get3A_173] {strides = array<i32>} : memref<128x128xf32, #tpu.memory_space<vmem>>, vector<16xf32>,
        %mul3A_175 = arith.mulf %get3A_174, %gather3A : vector<16xf32>
        %mul3A_176 = arith.constant 16 : i32
        %mul3A_177 = arith.muli %and3A_161, %mul3A_176 : i32
        %swap3A_178 = arith.index_cast %shift_right_arithmetic3A_160 : i32 to index
        %swap3A_179 = arith.index_cast %mul3A_177 : i32 to index
        %swap3A_180 = tpu.vector_load %arg11[%swap3A_178, %swap3A_179] {strides = array<i32>} : memref<128x128xf32, #tpu.memory_space<vmem>>, vector<16xf32>,
        tpu.vector_store %arg11[%swap3A_178, %swap3A_179], %mul3A_175 {strides = array<i32>} : memref<128x128xf32, #tpu.memory_space<vmem>>, vector<16xf32>,
      }
      %scan3A_151 = arith.constant 1024 : i32
      %dma_wait3A_152 = tpu.memref_slice %arg4[%mul3A_73] : memref<160000xi32, #tpu.memory_space<hbm>> -> memref<128xi32, #tpu.memory_space<hbm>>
      %dma_wait3A_153 = tpu.memref_slice %arg4[%mul3A_73] : memref<160000xi32, #tpu.memory_space<hbm>> -> memref<128xi32, #tpu.memory_space<hbm>>
      tpu.wait_dma2 semaphore(%arg15 : memref<!tpu.dma_semaphore, #tpu.memory_space<semaphore_mem>>) src(%dma_wait3A_153 : memref<128xi32, #tpu.memory_space<hbm>>) dst(%arg10 : memref<128xi32, #tpu.memory_space<vmem>>)
      "tpu.region"() ({
        %run_scoped3A = tpu.sem_alloc : memref<!tpu.dma_semaphore, #tpu.memory_space<semaphore_mem>>
        %dma_start3A_155 = arith.constant 0 : i32
        %dma_start3A_156 = arith.constant 0 : i32
        %dma_start3A_157 = tpu.memref_slice %arg12[%dma_start3A_155, %dma_start3A_156] : memref<10000x128xf32, #tpu.memory_space<vmem_shared>> -> memref<10000x128xf32, #tpu.memory_space<vmem_shared>>
        tpu.enqueue_indirect_dma source(%arg11 : memref<128x128xf32, #tpu.memory_space<vmem>>) target(%dma_start3A_157 : memref<10000x128xf32, #tpu.memory_space<vmem_shared>>) offsets(%arg10 : memref<128xi32, #tpu.memory_space<vmem>>) semaphore(%run_scoped3A : memref<!tpu.dma_semaphore, #tpu.memory_space<semaphore_mem>>) {add = true}
        %dma_wait3A_158 = arith.constant 0 : i32
        %dma_wait3A_159 = arith.constant 0 : i32
        %dma_wait3A_160 = tpu.memref_slice %arg12[%dma_wait3A_158, %dma_wait3A_159] : memref<10000x128xf32, #tpu.memory_space<vmem_shared>> -> memref<10000x128xf32, #tpu.memory_space<vmem_shared>>
        tpu.wait_indirect_dma semaphore(%run_scoped3A : memref<!tpu.dma_semaphore, #tpu.memory_space<semaphore_mem>>) src(%arg11 : memref<128x128xf32, #tpu.memory_space<vmem>>) dst(%dma_wait3A_160 : memref<10000x128xf32, #tpu.memory_space<vmem_shared>>)
        tpu.yield
      }) : () -> ()
      %while3A_154 = arith.constant 0 : i32
      scf.yield %while3A_154 : i32
    }
    %barrier3A_35 = arith.constant 0 : index
    tpu.barrier barrier_id(%barrier3A_35)
    %add3A_36 = arith.constant 0 : i32
    %add3A_37 = arith.addi %mul3A_6, %add3A_36 : i32
    %add3A_38 = arith.constant 0 : i32
    %add3A_39 = arith.addi %mul3A_6, %add3A_38 : i32
    "tpu.region"() ({
      %run_scoped3A = tpu.sem_alloc : memref<!tpu.dma_semaphore, #tpu.memory_space<semaphore_mem>>
      %dma_start3A = arith.constant 0 : i32
      %dma_start3A_56 = tpu.memref_slice %arg6[%arg0, %add3A_39, %dma_start3A] : memref<2x10000x128xf32, #tpu.memory_space<hbm>> -> memref<1x128x128xf32, #tpu.memory_space<hbm>>
      %dma_start3A_57 = tpu.memref_squeeze %dma_start3A_56 : memref<1x128x128xf32, #tpu.memory_space<hbm>> -> memref<128x128xf32, #tpu.memory_space<hbm>>
      %dma_start3A_58 = arith.constant 0 : i32
      %dma_start3A_59 = tpu.memref_slice %arg12[%add3A_37, %dma_start3A_58] : memref<10000x128xf32, #tpu.memory_space<vmem_shared>> -> memref<128x128xf32, #tpu.memory_space<vmem_shared>>
      tpu.enqueue_dma source(%dma_start3A_59 : memref<128x128xf32, #tpu.memory_space<vmem_shared>>) target(%dma_start3A_57 : memref<128x128xf32, #tpu.memory_space<hbm>>) target_semaphore(%run_scoped3A : memref<!tpu.dma_semaphore, #tpu.memory_space<semaphore_mem>>)
      %dma_wait3A = arith.constant 0 : i32
      %dma_wait3A_60 = tpu.memref_slice %arg6[%arg0, %add3A_39, %dma_wait3A] : memref<2x10000x128xf32, #tpu.memory_space<hbm>> -> memref<1x128x128xf32, #tpu.memory_space<hbm>>
      %dma_wait3A_61 = tpu.memref_squeeze %dma_wait3A_60 : memref<1x128x128xf32, #tpu.memory_space<hbm>> -> memref<128x128xf32, #tpu.memory_space<hbm>>
      %dma_wait3A_62 = arith.constant 0 : i32
      %dma_wait3A_63 = tpu.memref_slice %arg12[%add3A_37, %dma_wait3A_62] : memref<10000x128xf32, #tpu.memory_space<vmem_shared>> -> memref<128x128xf32, #tpu.memory_space<vmem_shared>>
      tpu.wait_dma2 semaphore(%run_scoped3A : memref<!tpu.dma_semaphore, #tpu.memory_space<semaphore_mem>>) src(%dma_wait3A_63 : memref<128x128xf32, #tpu.memory_space<vmem_shared>>) dst(%dma_wait3A_61 : memref<128x128xf32, #tpu.memory_space<hbm>>)
      tpu.yield
    }) : () -> ()
    %add3A_40 = arith.constant 128 : i32
    %add3A_41 = arith.addi %mul3A_6, %add3A_40 : i32
    %add3A_42 = arith.constant 128 : i32
    %add3A_43 = arith.addi %mul3A_6, %add3A_42 : i32
    "tpu.region"() ({
      %run_scoped3A = tpu.sem_alloc : memref<!tpu.dma_semaphore, #tpu.memory_space<semaphore_mem>>
      %dma_start3A = arith.constant 0 : i32
      %dma_start3A_56 = tpu.memref_slice %arg6[%arg0, %add3A_43, %dma_start3A] : memref<2x10000x128xf32, #tpu.memory_space<hbm>> -> memref<1x128x128xf32, #tpu.memory_space<hbm>>
      %dma_start3A_57 = tpu.memref_squeeze %dma_start3A_56 : memref<1x128x128xf32, #tpu.memory_space<hbm>> -> memref<128x128xf32, #tpu.memory_space<hbm>>
      %dma_start3A_58 = arith.constant 0 : i32
      %dma_start3A_59 = tpu.memref_slice %arg12[%add3A_41, %dma_start3A_58] : memref<10000x128xf32, #tpu.memory_space<vmem_shared>> -> memref<128x128xf32, #tpu.memory_space<vmem_shared>>
      tpu.enqueue_dma source(%dma_start3A_59 : memref<128x128xf32, #tpu.memory_space<vmem_shared>>) target(%dma_start3A_57 : memref<128x128xf32, #tpu.memory_space<hbm>>) target_semaphore(%run_scoped3A : memref<!tpu.dma_semaphore, #tpu.memory_space<semaphore_mem>>)
      %dma_wait3A = arith.constant 0 : i32
      %dma_wait3A_60 = tpu.memref_slice %arg6[%arg0, %add3A_43, %dma_wait3A] : memref<2x10000x128xf32, #tpu.memory_space<hbm>> -> memref<1x128x128xf32, #tpu.memory_space<hbm>>
      %dma_wait3A_61 = tpu.memref_squeeze %dma_wait3A_60 : memref<1x128x128xf32, #tpu.memory_space<hbm>> -> memref<128x128xf32, #tpu.memory_space<hbm>>
      %dma_wait3A_62 = arith.constant 0 : i32
      %dma_wait3A_63 = tpu.memref_slice %arg12[%add3A_41, %dma_wait3A_62] : memref<10000x128xf32, #tpu.memory_space<vmem_shared>> -> memref<128x128xf32, #tpu.memory_space<vmem_shared>>
      tpu.wait_dma2 semaphore(%run_scoped3A : memref<!tpu.dma_semaphore, #tpu.memory_space<semaphore_mem>>) src(%dma_wait3A_63 : memref<128x128xf32, #tpu.memory_space<vmem_shared>>) dst(%dma_wait3A_61 : memref<128x128xf32, #tpu.memory_space<hbm>>)
      tpu.yield
    }) : () -> ()
    %add3A_44 = arith.constant 256 : i32
    %add3A_45 = arith.addi %mul3A_6, %add3A_44 : i32
    %add3A_46 = arith.constant 256 : i32
    %add3A_47 = arith.addi %mul3A_6, %add3A_46 : i32
    "tpu.region"() ({
      %run_scoped3A = tpu.sem_alloc : memref<!tpu.dma_semaphore, #tpu.memory_space<semaphore_mem>>
      %dma_start3A = arith.constant 0 : i32
      %dma_start3A_56 = tpu.memref_slice %arg6[%arg0, %add3A_47, %dma_start3A] : memref<2x10000x128xf32, #tpu.memory_space<hbm>> -> memref<1x128x128xf32, #tpu.memory_space<hbm>>
      %dma_start3A_57 = tpu.memref_squeeze %dma_start3A_56 : memref<1x128x128xf32, #tpu.memory_space<hbm>> -> memref<128x128xf32, #tpu.memory_space<hbm>>
      %dma_start3A_58 = arith.constant 0 : i32
      %dma_start3A_59 = tpu.memref_slice %arg12[%add3A_45, %dma_start3A_58] : memref<10000x128xf32, #tpu.memory_space<vmem_shared>> -> memref<128x128xf32, #tpu.memory_space<vmem_shared>>
      tpu.enqueue_dma source(%dma_start3A_59 : memref<128x128xf32, #tpu.memory_space<vmem_shared>>) target(%dma_start3A_57 : memref<128x128xf32, #tpu.memory_space<hbm>>) target_semaphore(%run_scoped3A : memref<!tpu.dma_semaphore, #tpu.memory_space<semaphore_mem>>)
      %dma_wait3A = arith.constant 0 : i32
      %dma_wait3A_60 = tpu.memref_slice %arg6[%arg0, %add3A_47, %dma_wait3A] : memref<2x10000x128xf32, #tpu.memory_space<hbm>> -> memref<1x128x128xf32, #tpu.memory_space<hbm>>
      %dma_wait3A_61 = tpu.memref_squeeze %dma_wait3A_60 : memref<1x128x128xf32, #tpu.memory_space<hbm>> -> memref<128x128xf32, #tpu.memory_space<hbm>>
      %dma_wait3A_62 = arith.constant 0 : i32
      %dma_wait3A_63 = tpu.memref_slice %arg12[%add3A_45, %dma_wait3A_62] : memref<10000x128xf32, #tpu.memory_space<vmem_shared>> -> memref<128x128xf32, #tpu.memory_space<vmem_shared>>
      tpu.wait_dma2 semaphore(%run_scoped3A : memref<!tpu.dma_semaphore, #tpu.memory_space<semaphore_mem>>) src(%dma_wait3A_63 : memref<128x128xf32, #tpu.memory_space<vmem_shared>>) dst(%dma_wait3A_61 : memref<128x128xf32, #tpu.memory_space<hbm>>)
      tpu.yield
    }) : () -> ()
    %add3A_48 = arith.constant 384 : i32
    %add3A_49 = arith.addi %mul3A_6, %add3A_48 : i32
    %add3A_50 = arith.constant 384 : i32
    %add3A_51 = arith.addi %mul3A_6, %add3A_50 : i32
    "tpu.region"() ({
      %run_scoped3A = tpu.sem_alloc : memref<!tpu.dma_semaphore, #tpu.memory_space<semaphore_mem>>
      %dma_start3A = arith.constant 0 : i32
      %dma_start3A_56 = tpu.memref_slice %arg6[%arg0, %add3A_51, %dma_start3A] : memref<2x10000x128xf32, #tpu.memory_space<hbm>> -> memref<1x128x128xf32, #tpu.memory_space<hbm>>
      %dma_start3A_57 = tpu.memref_squeeze %dma_start3A_56 : memref<1x128x128xf32, #tpu.memory_space<hbm>> -> memref<128x128xf32, #tpu.memory_space<hbm>>
      %dma_start3A_58 = arith.constant 0 : i32
      %dma_start3A_59 = tpu.memref_slice %arg12[%add3A_49, %dma_start3A_58] : memref<10000x128xf32, #tpu.memory_space<vmem_shared>> -> memref<128x128xf32, #tpu.memory_space<vmem_shared>>
      tpu.enqueue_dma source(%dma_start3A_59 : memref<128x128xf32, #tpu.memory_space<vmem_shared>>) target(%dma_start3A_57 : memref<128x128xf32, #tpu.memory_space<hbm>>) target_semaphore(%run_scoped3A : memref<!tpu.dma_semaphore, #tpu.memory_space<semaphore_mem>>)
      %dma_wait3A = arith.constant 0 : i32
      %dma_wait3A_60 = tpu.memref_slice %arg6[%arg0, %add3A_51, %dma_wait3A] : memref<2x10000x128xf32, #tpu.memory_space<hbm>> -> memref<1x128x128xf32, #tpu.memory_space<hbm>>
      %dma_wait3A_61 = tpu.memref_squeeze %dma_wait3A_60 : memref<1x128x128xf32, #tpu.memory_space<hbm>> -> memref<128x128xf32, #tpu.memory_space<hbm>>
      %dma_wait3A_62 = arith.constant 0 : i32
      %dma_wait3A_63 = tpu.memref_slice %arg12[%add3A_49, %dma_wait3A_62] : memref<10000x128xf32, #tpu.memory_space<vmem_shared>> -> memref<128x128xf32, #tpu.memory_space<vmem_shared>>
      tpu.wait_dma2 semaphore(%run_scoped3A : memref<!tpu.dma_semaphore, #tpu.memory_space<semaphore_mem>>) src(%dma_wait3A_63 : memref<128x128xf32, #tpu.memory_space<vmem_shared>>) dst(%dma_wait3A_61 : memref<128x128xf32, #tpu.memory_space<hbm>>)
      tpu.yield
    }) : () -> ()
    %add3A_52 = arith.constant 512 : i32
    %add3A_53 = arith.addi %mul3A_6, %add3A_52 : i32
    %add3A_54 = arith.constant 512 : i32
    %add3A_55 = arith.addi %mul3A_6, %add3A_54 : i32
    "tpu.region"() ({
      %run_scoped3A = tpu.sem_alloc : memref<!tpu.dma_semaphore, #tpu.memory_space<semaphore_mem>>
      %dma_start3A = arith.constant 0 : i32
      %dma_start3A_56 = tpu.memref_slice %arg6[%arg0, %add3A_55, %dma_start3A] : memref<2x10000x128xf32, #tpu.memory_space<hbm>> -> memref<1x113x128xf32, #tpu.memory_space<hbm>>
      %dma_start3A_57 = tpu.memref_squeeze %dma_start3A_56 : memref<1x113x128xf32, #tpu.memory_space<hbm>> -> memref<113x128xf32, #tpu.memory_space<hbm>>
      %dma_start3A_58 = arith.constant 0 : i32
      %dma_start3A_59 = tpu.memref_slice %arg12[%add3A_53, %dma_start3A_58] : memref<10000x128xf32, #tpu.memory_space<vmem_shared>> -> memref<113x128xf32, #tpu.memory_space<vmem_shared>>
      tpu.enqueue_dma source(%dma_start3A_59 : memref<113x128xf32, #tpu.memory_space<vmem_shared>>) target(%dma_start3A_57 : memref<113x128xf32, #tpu.memory_space<hbm>>) target_semaphore(%run_scoped3A : memref<!tpu.dma_semaphore, #tpu.memory_space<semaphore_mem>>)
      %dma_wait3A = arith.constant 0 : i32
      %dma_wait3A_60 = tpu.memref_slice %arg6[%arg0, %add3A_55, %dma_wait3A] : memref<2x10000x128xf32, #tpu.memory_space<hbm>> -> memref<1x113x128xf32, #tpu.memory_space<hbm>>
      %dma_wait3A_61 = tpu.memref_squeeze %dma_wait3A_60 : memref<1x113x128xf32, #tpu.memory_space<hbm>> -> memref<113x128xf32, #tpu.memory_space<hbm>>
      %dma_wait3A_62 = arith.constant 0 : i32
      %dma_wait3A_63 = tpu.memref_slice %arg12[%add3A_53, %dma_wait3A_62] : memref<10000x128xf32, #tpu.memory_space<vmem_shared>> -> memref<113x128xf32, #tpu.memory_space<vmem_shared>>
      tpu.wait_dma2 semaphore(%run_scoped3A : memref<!tpu.dma_semaphore, #tpu.memory_space<semaphore_mem>>) src(%dma_wait3A_63 : memref<113x128xf32, #tpu.memory_space<vmem_shared>>) dst(%dma_wait3A_61 : memref<113x128xf32, #tpu.memory_space<hbm>>)
      tpu.yield
    }) : () -> ()
    return
  }
}

#map = affine_map<(d0, d1) -> (0)>
#map1 = affine_map<(d0, d1) -> (0, 0, 0)>
module attributes {stable_mosaic.version = 14 : i64} {
  func.func @_sweep4(%arg0: i32, %arg1: i32, %arg2: memref<640000xf32, #tpu.memory_space<hbm>>, %arg3: memref<160000xi32, #tpu.memory_space<hbm>>, %arg4: memref<2x10000x128xf32, #tpu.memory_space<hbm>>, %arg5: memref<512xf32, #tpu.memory_space<vmem>>, %arg6: memref<128xi32, #tpu.memory_space<vmem>>, %arg7: memref<128x128xf32, #tpu.memory_space<vmem>>, %arg8: memref<10000x128xf32, #tpu.memory_space<vmem_shared>>, %arg9: memref<!tpu.dma_semaphore, #tpu.memory_space<semaphore_mem>>, %arg10: memref<!tpu.dma_semaphore, #tpu.memory_space<semaphore_mem>>, %arg11: memref<!tpu.dma_semaphore, #tpu.memory_space<semaphore_mem>>) attributes {dimension_semantics = [#tpu.dimension_semantics<core_parallel>, #tpu.dimension_semantics<subcore_parallel>], iteration_bounds = array<i64: 2, 16>, scalar_prefetch = 0 : i64, scratch_operands = 7 : i64, tpu.core_type = #tpu.core_type<sc_vector_subcore>, window_params = [{transform_indices = #map}, {transform_indices = #map}, {transform_indices = #map1}]} {
    %mul3A = arith.constant 2 : i32
    %mul3A_0 = arith.muli %arg1, %mul3A : i32
    %add3A = arith.addi %mul3A_0, %arg0 : i32
    %lt3A = arith.constant 2 : i32
    %lt3A_1 = arith.cmpi slt, %add3A, %lt3A : i32
    %jit3A = arith.constant 40 : i32
    %jit3A_2 = arith.constant 39 : i32
    %select_n3A = arith.select %lt3A_1, %jit3A, %jit3A_2 : i32
    %iota3A = tpu.iota {dimensions = array<i32: 0>} : vector<16xi32>
    %scan3A = arith.constant 0 : i32
    %scan3A_3 = arith.constant 1024 : i32
    %scan3A_4 = arith.addi %scan3A, %scan3A_3 : i32
    %scan3A_5 = arith.constant 1 : i32
    scf.for %scan3A_59 = %scan3A to %scan3A_4 step %scan3A_5  : i32 {
      %mul3A_60 = arith.constant 1 : i32
      %mul3A_61 = arith.muli %scan3A_59, %mul3A_60 : i32
      %add3A_62 = arith.constant 0 : i32
      %add3A_63 = arith.addi %add3A_62, %mul3A_61 : i32
      %broadcast_in_dim3A = arith.constant 0.000000e+00 : f32
      %broadcast_in_dim3A_64 = vector.broadcast %broadcast_in_dim3A : f32 to vector<16xf32>
      %shift_right_arithmetic3A = arith.constant 3 : i32
      %shift_right_arithmetic3A_65 = arith.shrsi %add3A_63, %shift_right_arithmetic3A : i32
      %and3A = arith.constant 7 : i32
      %and3A_66 = arith.andi %add3A_63, %and3A : i32
      %mul3A_67 = arith.constant 16 : i32
      %mul3A_68 = arith.muli %and3A_66, %mul3A_67 : i32
      %swap3A = arith.index_cast %shift_right_arithmetic3A_65 : i32 to index
      %swap3A_69 = arith.index_cast %mul3A_68 : i32 to index
      %swap3A_70 = tpu.vector_load %arg7[%swap3A, %swap3A_69] {strides = array<i32>} : memref<128x128xf32, #tpu.memory_space<vmem>>, vector<16xf32>,
      tpu.vector_store %arg7[%swap3A, %swap3A_69], %broadcast_in_dim3A_64 {strides = array<i32>} : memref<128x128xf32, #tpu.memory_space<vmem>>, vector<16xf32>,
    }
    %scan3A_6 = arith.constant 1024 : i32
    %mul3A_7 = arith.constant 625 : i32
    %mul3A_8 = arith.muli %arg1, %mul3A_7 : i32
    %add3A_9 = arith.constant 0 : i32
    %add3A_10 = arith.addi %mul3A_8, %add3A_9 : i32
    "tpu.region"() ({
      %run_scoped3A = tpu.sem_alloc : memref<!tpu.dma_semaphore, #tpu.memory_space<semaphore_mem>>
      %dma_start3A = arith.constant 0 : i32
      %dma_start3A_59 = tpu.memref_slice %arg8[%add3A_10, %dma_start3A] : memref<10000x128xf32, #tpu.memory_space<vmem_shared>> -> memref<128x128xf32, #tpu.memory_space<vmem_shared>>
      %dma_start3A_60 = arith.constant 0 : i32
      %dma_start3A_61 = tpu.memref_slice %arg8[%add3A_10, %dma_start3A_60] : memref<10000x128xf32, #tpu.memory_space<vmem_shared>> -> memref<128x128xf32, #tpu.memory_space<vmem_shared>>
      tpu.enqueue_dma source(%arg7 : memref<128x128xf32, #tpu.memory_space<vmem>>) target(%dma_start3A_61 : memref<128x128xf32, #tpu.memory_space<vmem_shared>>) target_semaphore(%run_scoped3A : memref<!tpu.dma_semaphore, #tpu.memory_space<semaphore_mem>>)
      %dma_wait3A = arith.constant 0 : i32
      %dma_wait3A_62 = tpu.memref_slice %arg8[%add3A_10, %dma_wait3A] : memref<10000x128xf32, #tpu.memory_space<vmem_shared>> -> memref<128x128xf32, #tpu.memory_space<vmem_shared>>
      %dma_wait3A_63 = arith.constant 0 : i32
      %dma_wait3A_64 = tpu.memref_slice %arg8[%add3A_10, %dma_wait3A_63] : memref<10000x128xf32, #tpu.memory_space<vmem_shared>> -> memref<128x128xf32, #tpu.memory_space<vmem_shared>>
      tpu.wait_dma2 semaphore(%run_scoped3A : memref<!tpu.dma_semaphore, #tpu.memory_space<semaphore_mem>>) src(%arg7 : memref<128x128xf32, #tpu.memory_space<vmem>>) dst(%dma_wait3A_64 : memref<128x128xf32, #tpu.memory_space<vmem_shared>>)
      tpu.yield
    }) : () -> ()
    %add3A_11 = arith.constant 128 : i32
    %add3A_12 = arith.addi %mul3A_8, %add3A_11 : i32
    "tpu.region"() ({
      %run_scoped3A = tpu.sem_alloc : memref<!tpu.dma_semaphore, #tpu.memory_space<semaphore_mem>>
      %dma_start3A = arith.constant 0 : i32
      %dma_start3A_59 = tpu.memref_slice %arg8[%add3A_12, %dma_start3A] : memref<10000x128xf32, #tpu.memory_space<vmem_shared>> -> memref<128x128xf32, #tpu.memory_space<vmem_shared>>
      %dma_start3A_60 = arith.constant 0 : i32
      %dma_start3A_61 = tpu.memref_slice %arg8[%add3A_12, %dma_start3A_60] : memref<10000x128xf32, #tpu.memory_space<vmem_shared>> -> memref<128x128xf32, #tpu.memory_space<vmem_shared>>
      tpu.enqueue_dma source(%arg7 : memref<128x128xf32, #tpu.memory_space<vmem>>) target(%dma_start3A_61 : memref<128x128xf32, #tpu.memory_space<vmem_shared>>) target_semaphore(%run_scoped3A : memref<!tpu.dma_semaphore, #tpu.memory_space<semaphore_mem>>)
      %dma_wait3A = arith.constant 0 : i32
      %dma_wait3A_62 = tpu.memref_slice %arg8[%add3A_12, %dma_wait3A] : memref<10000x128xf32, #tpu.memory_space<vmem_shared>> -> memref<128x128xf32, #tpu.memory_space<vmem_shared>>
      %dma_wait3A_63 = arith.constant 0 : i32
      %dma_wait3A_64 = tpu.memref_slice %arg8[%add3A_12, %dma_wait3A_63] : memref<10000x128xf32, #tpu.memory_space<vmem_shared>> -> memref<128x128xf32, #tpu.memory_space<vmem_shared>>
      tpu.wait_dma2 semaphore(%run_scoped3A : memref<!tpu.dma_semaphore, #tpu.memory_space<semaphore_mem>>) src(%arg7 : memref<128x128xf32, #tpu.memory_space<vmem>>) dst(%dma_wait3A_64 : memref<128x128xf32, #tpu.memory_space<vmem_shared>>)
      tpu.yield
    }) : () -> ()
    %add3A_13 = arith.constant 256 : i32
    %add3A_14 = arith.addi %mul3A_8, %add3A_13 : i32
    "tpu.region"() ({
      %run_scoped3A = tpu.sem_alloc : memref<!tpu.dma_semaphore, #tpu.memory_space<semaphore_mem>>
      %dma_start3A = arith.constant 0 : i32
      %dma_start3A_59 = tpu.memref_slice %arg8[%add3A_14, %dma_start3A] : memref<10000x128xf32, #tpu.memory_space<vmem_shared>> -> memref<128x128xf32, #tpu.memory_space<vmem_shared>>
      %dma_start3A_60 = arith.constant 0 : i32
      %dma_start3A_61 = tpu.memref_slice %arg8[%add3A_14, %dma_start3A_60] : memref<10000x128xf32, #tpu.memory_space<vmem_shared>> -> memref<128x128xf32, #tpu.memory_space<vmem_shared>>
      tpu.enqueue_dma source(%arg7 : memref<128x128xf32, #tpu.memory_space<vmem>>) target(%dma_start3A_61 : memref<128x128xf32, #tpu.memory_space<vmem_shared>>) target_semaphore(%run_scoped3A : memref<!tpu.dma_semaphore, #tpu.memory_space<semaphore_mem>>)
      %dma_wait3A = arith.constant 0 : i32
      %dma_wait3A_62 = tpu.memref_slice %arg8[%add3A_14, %dma_wait3A] : memref<10000x128xf32, #tpu.memory_space<vmem_shared>> -> memref<128x128xf32, #tpu.memory_space<vmem_shared>>
      %dma_wait3A_63 = arith.constant 0 : i32
      %dma_wait3A_64 = tpu.memref_slice %arg8[%add3A_14, %dma_wait3A_63] : memref<10000x128xf32, #tpu.memory_space<vmem_shared>> -> memref<128x128xf32, #tpu.memory_space<vmem_shared>>
      tpu.wait_dma2 semaphore(%run_scoped3A : memref<!tpu.dma_semaphore, #tpu.memory_space<semaphore_mem>>) src(%arg7 : memref<128x128xf32, #tpu.memory_space<vmem>>) dst(%dma_wait3A_64 : memref<128x128xf32, #tpu.memory_space<vmem_shared>>)
      tpu.yield
    }) : () -> ()
    %add3A_15 = arith.constant 384 : i32
    %add3A_16 = arith.addi %mul3A_8, %add3A_15 : i32
    "tpu.region"() ({
      %run_scoped3A = tpu.sem_alloc : memref<!tpu.dma_semaphore, #tpu.memory_space<semaphore_mem>>
      %dma_start3A = arith.constant 0 : i32
      %dma_start3A_59 = tpu.memref_slice %arg8[%add3A_16, %dma_start3A] : memref<10000x128xf32, #tpu.memory_space<vmem_shared>> -> memref<128x128xf32, #tpu.memory_space<vmem_shared>>
      %dma_start3A_60 = arith.constant 0 : i32
      %dma_start3A_61 = tpu.memref_slice %arg8[%add3A_16, %dma_start3A_60] : memref<10000x128xf32, #tpu.memory_space<vmem_shared>> -> memref<128x128xf32, #tpu.memory_space<vmem_shared>>
      tpu.enqueue_dma source(%arg7 : memref<128x128xf32, #tpu.memory_space<vmem>>) target(%dma_start3A_61 : memref<128x128xf32, #tpu.memory_space<vmem_shared>>) target_semaphore(%run_scoped3A : memref<!tpu.dma_semaphore, #tpu.memory_space<semaphore_mem>>)
      %dma_wait3A = arith.constant 0 : i32
      %dma_wait3A_62 = tpu.memref_slice %arg8[%add3A_16, %dma_wait3A] : memref<10000x128xf32, #tpu.memory_space<vmem_shared>> -> memref<128x128xf32, #tpu.memory_space<vmem_shared>>
      %dma_wait3A_63 = arith.constant 0 : i32
      %dma_wait3A_64 = tpu.memref_slice %arg8[%add3A_16, %dma_wait3A_63] : memref<10000x128xf32, #tpu.memory_space<vmem_shared>> -> memref<128x128xf32, #tpu.memory_space<vmem_shared>>
      tpu.wait_dma2 semaphore(%run_scoped3A : memref<!tpu.dma_semaphore, #tpu.memory_space<semaphore_mem>>) src(%arg7 : memref<128x128xf32, #tpu.memory_space<vmem>>) dst(%dma_wait3A_64 : memref<128x128xf32, #tpu.memory_space<vmem_shared>>)
      tpu.yield
    }) : () -> ()
    %add3A_17 = arith.constant 512 : i32
    %add3A_18 = arith.addi %mul3A_8, %add3A_17 : i32
    "tpu.region"() ({
      %run_scoped3A = tpu.sem_alloc : memref<!tpu.dma_semaphore, #tpu.memory_space<semaphore_mem>>
      %dma_start3A = arith.constant 0 : i32
      %dma_start3A_59 = arith.constant 0 : i32
      %dma_start3A_60 = tpu.memref_slice %arg7[%dma_start3A, %dma_start3A_59] : memref<128x128xf32, #tpu.memory_space<vmem>> -> memref<113x128xf32, #tpu.memory_space<vmem>>
      %dma_start3A_61 = arith.constant 0 : i32
      %dma_start3A_62 = tpu.memref_slice %arg8[%add3A_18, %dma_start3A_61] : memref<10000x128xf32, #tpu.memory_space<vmem_shared>> -> memref<113x128xf32, #tpu.memory_space<vmem_shared>>
      %dma_start3A_63 = arith.constant 0 : i32
      %dma_start3A_64 = tpu.memref_slice %arg8[%add3A_18, %dma_start3A_63] : memref<10000x128xf32, #tpu.memory_space<vmem_shared>> -> memref<113x128xf32, #tpu.memory_space<vmem_shared>>
      %dma_start3A_65 = arith.constant 0 : i32
      %dma_start3A_66 = arith.constant 0 : i32
      %dma_start3A_67 = tpu.memref_slice %arg7[%dma_start3A_65, %dma_start3A_66] : memref<128x128xf32, #tpu.memory_space<vmem>> -> memref<113x128xf32, #tpu.memory_space<vmem>>
      tpu.enqueue_dma source(%dma_start3A_67 : memref<113x128xf32, #tpu.memory_space<vmem>>) target(%dma_start3A_64 : memref<113x128xf32, #tpu.memory_space<vmem_shared>>) target_semaphore(%run_scoped3A : memref<!tpu.dma_semaphore, #tpu.memory_space<semaphore_mem>>)
      %dma_wait3A = arith.constant 0 : i32
      %dma_wait3A_68 = arith.constant 0 : i32
      %dma_wait3A_69 = tpu.memref_slice %arg7[%dma_wait3A, %dma_wait3A_68] : memref<128x128xf32, #tpu.memory_space<vmem>> -> memref<113x128xf32, #tpu.memory_space<vmem>>
      %dma_wait3A_70 = arith.constant 0 : i32
      %dma_wait3A_71 = tpu.memref_slice %arg8[%add3A_18, %dma_wait3A_70] : memref<10000x128xf32, #tpu.memory_space<vmem_shared>> -> memref<113x128xf32, #tpu.memory_space<vmem_shared>>
      %dma_wait3A_72 = arith.constant 0 : i32
      %dma_wait3A_73 = tpu.memref_slice %arg8[%add3A_18, %dma_wait3A_72] : memref<10000x128xf32, #tpu.memory_space<vmem_shared>> -> memref<113x128xf32, #tpu.memory_space<vmem_shared>>
      %dma_wait3A_74 = arith.constant 0 : i32
      %dma_wait3A_75 = arith.constant 0 : i32
      %dma_wait3A_76 = tpu.memref_slice %arg7[%dma_wait3A_74, %dma_wait3A_75] : memref<128x128xf32, #tpu.memory_space<vmem>> -> memref<113x128xf32, #tpu.memory_space<vmem>>
      tpu.wait_dma2 semaphore(%run_scoped3A : memref<!tpu.dma_semaphore, #tpu.memory_space<semaphore_mem>>) src(%dma_wait3A_76 : memref<113x128xf32, #tpu.memory_space<vmem>>) dst(%dma_wait3A_73 : memref<113x128xf32, #tpu.memory_space<vmem_shared>>)
      tpu.yield
    }) : () -> ()
    %barrier3A = arith.constant 0 : index
    tpu.barrier barrier_id(%barrier3A)
    %sub3A = arith.constant 0 : i32
    %sub3A_19 = arith.subi %select_n3A, %sub3A : i32
    %sub3A_20 = arith.constant 1 : i32
    %sub3A_21 = arith.constant 1 : i32
    %sub3A_22 = arith.subi %sub3A_20, %sub3A_21 : i32
    %add3A_23 = arith.addi %sub3A_19, %sub3A_22 : i32
    %div3A = arith.constant 1 : i32
    %div3A_24 = arith.divsi %add3A_23, %div3A : i32
    %while3A = arith.constant 1 : i32
    %while3A_25 = arith.constant 0 : i32
    %while3A_26 = arith.constant 0 : i32
    %while3A_27 = arith.constant 0 : i32
    %while3A_28 = arith.subi %div3A_24, %while3A_26 : i32
    %while3A_29 = arith.addi %while3A_26, %while3A_28 : i32
    %while3A_30 = arith.constant 1 : i32
    %while3A_31 = arith.divsi %while3A_28, %while3A_30 : i32
    %while3A_32 = arith.muli %while3A_31, %while3A_30 : i32
    %while3A_33 = arith.addi %while3A_26, %while3A_32 : i32
    %while3A_34 = arith.constant 1 : i32
    %while3A_35 = scf.for %while3A_59 = %while3A_26 to %while3A_33 step %while3A_34 iter_args(%while3A_60 = %while3A_27) -> (i32)  : i32 {
      %mul3A_61 = arith.muli %while3A_59, %while3A : i32
      %add3A_62 = arith.addi %while3A_25, %mul3A_61 : i32
      %mul3A_63 = arith.constant 32 : i32
      %mul3A_64 = arith.muli %mul3A_63, %add3A_62 : i32
      %add3A_65 = arith.addi %add3A, %mul3A_64 : i32
      %mul3A_66 = arith.constant 128 : i32
      %mul3A_67 = arith.muli %add3A_65, %mul3A_66 : i32
      %mul3A_68 = arith.constant 4 : i32
      %mul3A_69 = arith.muli %mul3A_67, %mul3A_68 : i32
      %dma_start3A = tpu.memref_slice %arg2[%mul3A_69] : memref<640000xf32, #tpu.memory_space<hbm>> -> memref<512xf32, #tpu.memory_space<hbm>>
      %dma_start3A_70 = tpu.memref_slice %arg2[%mul3A_69] : memref<640000xf32, #tpu.memory_space<hbm>> -> memref<512xf32, #tpu.memory_space<hbm>>
      tpu.enqueue_dma source(%dma_start3A_70 : memref<512xf32, #tpu.memory_space<hbm>>) target(%arg5 : memref<512xf32, #tpu.memory_space<vmem>>) target_semaphore(%arg9 : memref<!tpu.dma_semaphore, #tpu.memory_space<semaphore_mem>>)
      %mul3A_71 = arith.constant 128 : i32
      %mul3A_72 = arith.muli %add3A_65, %mul3A_71 : i32
      %dma_start3A_73 = tpu.memref_slice %arg3[%mul3A_72] : memref<160000xi32, #tpu.memory_space<hbm>> -> memref<128xi32, #tpu.memory_space<hbm>>
      %dma_start3A_74 = tpu.memref_slice %arg3[%mul3A_72] : memref<160000xi32, #tpu.memory_space<hbm>> -> memref<128xi32, #tpu.memory_space<hbm>>
      tpu.enqueue_dma source(%dma_start3A_74 : memref<128xi32, #tpu.memory_space<hbm>>) target(%arg6 : memref<128xi32, #tpu.memory_space<vmem>>) target_semaphore(%arg10 : memref<!tpu.dma_semaphore, #tpu.memory_space<semaphore_mem>>)
      %dma_wait3A = tpu.memref_slice %arg2[%mul3A_69] : memref<640000xf32, #tpu.memory_space<hbm>> -> memref<512xf32, #tpu.memory_space<hbm>>
      %dma_wait3A_75 = tpu.memref_slice %arg2[%mul3A_69] : memref<640000xf32, #tpu.memory_space<hbm>> -> memref<512xf32, #tpu.memory_space<hbm>>
      tpu.wait_dma2 semaphore(%arg9 : memref<!tpu.dma_semaphore, #tpu.memory_space<semaphore_mem>>) src(%dma_wait3A_75 : memref<512xf32, #tpu.memory_space<hbm>>) dst(%arg5 : memref<512xf32, #tpu.memory_space<vmem>>)
      %add3A_76 = arith.constant 0 : i32
      %add3A_77 = vector.broadcast %add3A_76 : i32 to vector<16xi32>
      %add3A_78 = arith.addi %add3A_77, %iota3A : vector<16xi32>
      %shift_right_arithmetic3A = arith.constant 2 : i32
      %shift_right_arithmetic3A_79 = vector.broadcast %shift_right_arithmetic3A : i32 to vector<16xi32>
      %shift_right_arithmetic3A_80 = arith.shrsi %add3A_78, %shift_right_arithmetic3A_79 : vector<16xi32>
      %and3A = arith.constant 3 : i32
      %and3A_81 = vector.broadcast %and3A : i32 to vector<16xi32>
      %and3A_82 = arith.andi %add3A_78, %and3A_81 : vector<16xi32>
      %get3A = arith.constant 0 : index
      %get3A_83 = tpu.vector_load %arg5[%get3A] {strides = array<i32>} : memref<512xf32, #tpu.memory_space<vmem>>, vector<16xf32>,
      tpu.vector_store_idx %arg7[%shift_right_arithmetic3A_80, %and3A_82], %get3A_83 : memref<128x128xf32, #tpu.memory_space<vmem>>[vector<16xi32>, vector<16xi32>], vector<16xf32>,
      %add3A_84 = arith.constant 16 : i32
      %add3A_85 = vector.broadcast %add3A_84 : i32 to vector<16xi32>
      %add3A_86 = arith.addi %add3A_85, %iota3A : vector<16xi32>
      %shift_right_arithmetic3A_87 = arith.constant 2 : i32
      %shift_right_arithmetic3A_88 = vector.broadcast %shift_right_arithmetic3A_87 : i32 to vector<16xi32>
      %shift_right_arithmetic3A_89 = arith.shrsi %add3A_86, %shift_right_arithmetic3A_88 : vector<16xi32>
      %and3A_90 = arith.constant 3 : i32
      %and3A_91 = vector.broadcast %and3A_90 : i32 to vector<16xi32>
      %and3A_92 = arith.andi %add3A_86, %and3A_91 : vector<16xi32>
      %get3A_93 = arith.constant 16 : index
      %get3A_94 = tpu.vector_load %arg5[%get3A_93] {strides = array<i32>} : memref<512xf32, #tpu.memory_space<vmem>>, vector<16xf32>,
      tpu.vector_store_idx %arg7[%shift_right_arithmetic3A_89, %and3A_92], %get3A_94 : memref<128x128xf32, #tpu.memory_space<vmem>>[vector<16xi32>, vector<16xi32>], vector<16xf32>,
      %add3A_95 = arith.constant 32 : i32
      %add3A_96 = vector.broadcast %add3A_95 : i32 to vector<16xi32>
      %add3A_97 = arith.addi %add3A_96, %iota3A : vector<16xi32>
      %shift_right_arithmetic3A_98 = arith.constant 2 : i32
      %shift_right_arithmetic3A_99 = vector.broadcast %shift_right_arithmetic3A_98 : i32 to vector<16xi32>
      %shift_right_arithmetic3A_100 = arith.shrsi %add3A_97, %shift_right_arithmetic3A_99 : vector<16xi32>
      %and3A_101 = arith.constant 3 : i32
      %and3A_102 = vector.broadcast %and3A_101 : i32 to vector<16xi32>
      %and3A_103 = arith.andi %add3A_97, %and3A_102 : vector<16xi32>
      %get3A_104 = arith.constant 32 : index
      %get3A_105 = tpu.vector_load %arg5[%get3A_104] {strides = array<i32>} : memref<512xf32, #tpu.memory_space<vmem>>, vector<16xf32>,
      tpu.vector_store_idx %arg7[%shift_right_arithmetic3A_100, %and3A_103], %get3A_105 : memref<128x128xf32, #tpu.memory_space<vmem>>[vector<16xi32>, vector<16xi32>], vector<16xf32>,
      %add3A_106 = arith.constant 48 : i32
      %add3A_107 = vector.broadcast %add3A_106 : i32 to vector<16xi32>
      %add3A_108 = arith.addi %add3A_107, %iota3A : vector<16xi32>
      %shift_right_arithmetic3A_109 = arith.constant 2 : i32
      %shift_right_arithmetic3A_110 = vector.broadcast %shift_right_arithmetic3A_109 : i32 to vector<16xi32>
      %shift_right_arithmetic3A_111 = arith.shrsi %add3A_108, %shift_right_arithmetic3A_110 : vector<16xi32>
      %and3A_112 = arith.constant 3 : i32
      %and3A_113 = vector.broadcast %and3A_112 : i32 to vector<16xi32>
      %and3A_114 = arith.andi %add3A_108, %and3A_113 : vector<16xi32>
      %get3A_115 = arith.constant 48 : index
      %get3A_116 = tpu.vector_load %arg5[%get3A_115] {strides = array<i32>} : memref<512xf32, #tpu.memory_space<vmem>>, vector<16xf32>,
      tpu.vector_store_idx %arg7[%shift_right_arithmetic3A_111, %and3A_114], %get3A_116 : memref<128x128xf32, #tpu.memory_space<vmem>>[vector<16xi32>, vector<16xi32>], vector<16xf32>,
      %add3A_117 = arith.constant 64 : i32
      %add3A_118 = vector.broadcast %add3A_117 : i32 to vector<16xi32>
      %add3A_119 = arith.addi %add3A_118, %iota3A : vector<16xi32>
      %shift_right_arithmetic3A_120 = arith.constant 2 : i32
      %shift_right_arithmetic3A_121 = vector.broadcast %shift_right_arithmetic3A_120 : i32 to vector<16xi32>
      %shift_right_arithmetic3A_122 = arith.shrsi %add3A_119, %shift_right_arithmetic3A_121 : vector<16xi32>
      %and3A_123 = arith.constant 3 : i32
      %and3A_124 = vector.broadcast %and3A_123 : i32 to vector<16xi32>
      %and3A_125 = arith.andi %add3A_119, %and3A_124 : vector<16xi32>
      %get3A_126 = arith.constant 64 : index
      %get3A_127 = tpu.vector_load %arg5[%get3A_126] {strides = array<i32>} : memref<512xf32, #tpu.memory_space<vmem>>, vector<16xf32>,
      tpu.vector_store_idx %arg7[%shift_right_arithmetic3A_122, %and3A_125], %get3A_127 : memref<128x128xf32, #tpu.memory_space<vmem>>[vector<16xi32>, vector<16xi32>], vector<16xf32>,
      %add3A_128 = arith.constant 80 : i32
      %add3A_129 = vector.broadcast %add3A_128 : i32 to vector<16xi32>
      %add3A_130 = arith.addi %add3A_129, %iota3A : vector<16xi32>
      %shift_right_arithmetic3A_131 = arith.constant 2 : i32
      %shift_right_arithmetic3A_132 = vector.broadcast %shift_right_arithmetic3A_131 : i32 to vector<16xi32>
      %shift_right_arithmetic3A_133 = arith.shrsi %add3A_130, %shift_right_arithmetic3A_132 : vector<16xi32>
      %and3A_134 = arith.constant 3 : i32
      %and3A_135 = vector.broadcast %and3A_134 : i32 to vector<16xi32>
      %and3A_136 = arith.andi %add3A_130, %and3A_135 : vector<16xi32>
      %get3A_137 = arith.constant 80 : index
      %get3A_138 = tpu.vector_load %arg5[%get3A_137] {strides = array<i32>} : memref<512xf32, #tpu.memory_space<vmem>>, vector<16xf32>,
      tpu.vector_store_idx %arg7[%shift_right_arithmetic3A_133, %and3A_136], %get3A_138 : memref<128x128xf32, #tpu.memory_space<vmem>>[vector<16xi32>, vector<16xi32>], vector<16xf32>,
      %add3A_139 = arith.constant 96 : i32
      %add3A_140 = vector.broadcast %add3A_139 : i32 to vector<16xi32>
      %add3A_141 = arith.addi %add3A_140, %iota3A : vector<16xi32>
      %shift_right_arithmetic3A_142 = arith.constant 2 : i32
      %shift_right_arithmetic3A_143 = vector.broadcast %shift_right_arithmetic3A_142 : i32 to vector<16xi32>
      %shift_right_arithmetic3A_144 = arith.shrsi %add3A_141, %shift_right_arithmetic3A_143 : vector<16xi32>
      %and3A_145 = arith.constant 3 : i32
      %and3A_146 = vector.broadcast %and3A_145 : i32 to vector<16xi32>
      %and3A_147 = arith.andi %add3A_141, %and3A_146 : vector<16xi32>
      %get3A_148 = arith.constant 96 : index
      %get3A_149 = tpu.vector_load %arg5[%get3A_148] {strides = array<i32>} : memref<512xf32, #tpu.memory_space<vmem>>, vector<16xf32>,
      tpu.vector_store_idx %arg7[%shift_right_arithmetic3A_144, %and3A_147], %get3A_149 : memref<128x128xf32, #tpu.memory_space<vmem>>[vector<16xi32>, vector<16xi32>], vector<16xf32>,
      %add3A_150 = arith.constant 112 : i32
      %add3A_151 = vector.broadcast %add3A_150 : i32 to vector<16xi32>
      %add3A_152 = arith.addi %add3A_151, %iota3A : vector<16xi32>
      %shift_right_arithmetic3A_153 = arith.constant 2 : i32
      %shift_right_arithmetic3A_154 = vector.broadcast %shift_right_arithmetic3A_153 : i32 to vector<16xi32>
      %shift_right_arithmetic3A_155 = arith.shrsi %add3A_152, %shift_right_arithmetic3A_154 : vector<16xi32>
      %and3A_156 = arith.constant 3 : i32
      %and3A_157 = vector.broadcast %and3A_156 : i32 to vector<16xi32>
      %and3A_158 = arith.andi %add3A_152, %and3A_157 : vector<16xi32>
      %get3A_159 = arith.constant 112 : index
      %get3A_160 = tpu.vector_load %arg5[%get3A_159] {strides = array<i32>} : memref<512xf32, #tpu.memory_space<vmem>>, vector<16xf32>,
      tpu.vector_store_idx %arg7[%shift_right_arithmetic3A_155, %and3A_158], %get3A_160 : memref<128x128xf32, #tpu.memory_space<vmem>>[vector<16xi32>, vector<16xi32>], vector<16xf32>,
      %add3A_161 = arith.constant 128 : i32
      %add3A_162 = vector.broadcast %add3A_161 : i32 to vector<16xi32>
      %add3A_163 = arith.addi %add3A_162, %iota3A : vector<16xi32>
      %shift_right_arithmetic3A_164 = arith.constant 2 : i32
      %shift_right_arithmetic3A_165 = vector.broadcast %shift_right_arithmetic3A_164 : i32 to vector<16xi32>
      %shift_right_arithmetic3A_166 = arith.shrsi %add3A_163, %shift_right_arithmetic3A_165 : vector<16xi32>
      %and3A_167 = arith.constant 3 : i32
      %and3A_168 = vector.broadcast %and3A_167 : i32 to vector<16xi32>
      %and3A_169 = arith.andi %add3A_163, %and3A_168 : vector<16xi32>
      %get3A_170 = arith.constant 128 : index
      %get3A_171 = tpu.vector_load %arg5[%get3A_170] {strides = array<i32>} : memref<512xf32, #tpu.memory_space<vmem>>, vector<16xf32>,
      tpu.vector_store_idx %arg7[%shift_right_arithmetic3A_166, %and3A_169], %get3A_171 : memref<128x128xf32, #tpu.memory_space<vmem>>[vector<16xi32>, vector<16xi32>], vector<16xf32>,
      %add3A_172 = arith.constant 144 : i32
      %add3A_173 = vector.broadcast %add3A_172 : i32 to vector<16xi32>
      %add3A_174 = arith.addi %add3A_173, %iota3A : vector<16xi32>
      %shift_right_arithmetic3A_175 = arith.constant 2 : i32
      %shift_right_arithmetic3A_176 = vector.broadcast %shift_right_arithmetic3A_175 : i32 to vector<16xi32>
      %shift_right_arithmetic3A_177 = arith.shrsi %add3A_174, %shift_right_arithmetic3A_176 : vector<16xi32>
      %and3A_178 = arith.constant 3 : i32
      %and3A_179 = vector.broadcast %and3A_178 : i32 to vector<16xi32>
      %and3A_180 = arith.andi %add3A_174, %and3A_179 : vector<16xi32>
      %get3A_181 = arith.constant 144 : index
      %get3A_182 = tpu.vector_load %arg5[%get3A_181] {strides = array<i32>} : memref<512xf32, #tpu.memory_space<vmem>>, vector<16xf32>,
      tpu.vector_store_idx %arg7[%shift_right_arithmetic3A_177, %and3A_180], %get3A_182 : memref<128x128xf32, #tpu.memory_space<vmem>>[vector<16xi32>, vector<16xi32>], vector<16xf32>,
      %add3A_183 = arith.constant 160 : i32
      %add3A_184 = vector.broadcast %add3A_183 : i32 to vector<16xi32>
      %add3A_185 = arith.addi %add3A_184, %iota3A : vector<16xi32>
      %shift_right_arithmetic3A_186 = arith.constant 2 : i32
      %shift_right_arithmetic3A_187 = vector.broadcast %shift_right_arithmetic3A_186 : i32 to vector<16xi32>
      %shift_right_arithmetic3A_188 = arith.shrsi %add3A_185, %shift_right_arithmetic3A_187 : vector<16xi32>
      %and3A_189 = arith.constant 3 : i32
      %and3A_190 = vector.broadcast %and3A_189 : i32 to vector<16xi32>
      %and3A_191 = arith.andi %add3A_185, %and3A_190 : vector<16xi32>
      %get3A_192 = arith.constant 160 : index
      %get3A_193 = tpu.vector_load %arg5[%get3A_192] {strides = array<i32>} : memref<512xf32, #tpu.memory_space<vmem>>, vector<16xf32>,
      tpu.vector_store_idx %arg7[%shift_right_arithmetic3A_188, %and3A_191], %get3A_193 : memref<128x128xf32, #tpu.memory_space<vmem>>[vector<16xi32>, vector<16xi32>], vector<16xf32>,
      %add3A_194 = arith.constant 176 : i32
      %add3A_195 = vector.broadcast %add3A_194 : i32 to vector<16xi32>
      %add3A_196 = arith.addi %add3A_195, %iota3A : vector<16xi32>
      %shift_right_arithmetic3A_197 = arith.constant 2 : i32
      %shift_right_arithmetic3A_198 = vector.broadcast %shift_right_arithmetic3A_197 : i32 to vector<16xi32>
      %shift_right_arithmetic3A_199 = arith.shrsi %add3A_196, %shift_right_arithmetic3A_198 : vector<16xi32>
      %and3A_200 = arith.constant 3 : i32
      %and3A_201 = vector.broadcast %and3A_200 : i32 to vector<16xi32>
      %and3A_202 = arith.andi %add3A_196, %and3A_201 : vector<16xi32>
      %get3A_203 = arith.constant 176 : index
      %get3A_204 = tpu.vector_load %arg5[%get3A_203] {strides = array<i32>} : memref<512xf32, #tpu.memory_space<vmem>>, vector<16xf32>,
      tpu.vector_store_idx %arg7[%shift_right_arithmetic3A_199, %and3A_202], %get3A_204 : memref<128x128xf32, #tpu.memory_space<vmem>>[vector<16xi32>, vector<16xi32>], vector<16xf32>,
      %add3A_205 = arith.constant 192 : i32
      %add3A_206 = vector.broadcast %add3A_205 : i32 to vector<16xi32>
      %add3A_207 = arith.addi %add3A_206, %iota3A : vector<16xi32>
      %shift_right_arithmetic3A_208 = arith.constant 2 : i32
      %shift_right_arithmetic3A_209 = vector.broadcast %shift_right_arithmetic3A_208 : i32 to vector<16xi32>
      %shift_right_arithmetic3A_210 = arith.shrsi %add3A_207, %shift_right_arithmetic3A_209 : vector<16xi32>
      %and3A_211 = arith.constant 3 : i32
      %and3A_212 = vector.broadcast %and3A_211 : i32 to vector<16xi32>
      %and3A_213 = arith.andi %add3A_207, %and3A_212 : vector<16xi32>
      %get3A_214 = arith.constant 192 : index
      %get3A_215 = tpu.vector_load %arg5[%get3A_214] {strides = array<i32>} : memref<512xf32, #tpu.memory_space<vmem>>, vector<16xf32>,
      tpu.vector_store_idx %arg7[%shift_right_arithmetic3A_210, %and3A_213], %get3A_215 : memref<128x128xf32, #tpu.memory_space<vmem>>[vector<16xi32>, vector<16xi32>], vector<16xf32>,
      %add3A_216 = arith.constant 208 : i32
      %add3A_217 = vector.broadcast %add3A_216 : i32 to vector<16xi32>
      %add3A_218 = arith.addi %add3A_217, %iota3A : vector<16xi32>
      %shift_right_arithmetic3A_219 = arith.constant 2 : i32
      %shift_right_arithmetic3A_220 = vector.broadcast %shift_right_arithmetic3A_219 : i32 to vector<16xi32>
      %shift_right_arithmetic3A_221 = arith.shrsi %add3A_218, %shift_right_arithmetic3A_220 : vector<16xi32>
      %and3A_222 = arith.constant 3 : i32
      %and3A_223 = vector.broadcast %and3A_222 : i32 to vector<16xi32>
      %and3A_224 = arith.andi %add3A_218, %and3A_223 : vector<16xi32>
      %get3A_225 = arith.constant 208 : index
      %get3A_226 = tpu.vector_load %arg5[%get3A_225] {strides = array<i32>} : memref<512xf32, #tpu.memory_space<vmem>>, vector<16xf32>,
      tpu.vector_store_idx %arg7[%shift_right_arithmetic3A_221, %and3A_224], %get3A_226 : memref<128x128xf32, #tpu.memory_space<vmem>>[vector<16xi32>, vector<16xi32>], vector<16xf32>,
      %add3A_227 = arith.constant 224 : i32
      %add3A_228 = vector.broadcast %add3A_227 : i32 to vector<16xi32>
      %add3A_229 = arith.addi %add3A_228, %iota3A : vector<16xi32>
      %shift_right_arithmetic3A_230 = arith.constant 2 : i32
      %shift_right_arithmetic3A_231 = vector.broadcast %shift_right_arithmetic3A_230 : i32 to vector<16xi32>
      %shift_right_arithmetic3A_232 = arith.shrsi %add3A_229, %shift_right_arithmetic3A_231 : vector<16xi32>
      %and3A_233 = arith.constant 3 : i32
      %and3A_234 = vector.broadcast %and3A_233 : i32 to vector<16xi32>
      %and3A_235 = arith.andi %add3A_229, %and3A_234 : vector<16xi32>
      %get3A_236 = arith.constant 224 : index
      %get3A_237 = tpu.vector_load %arg5[%get3A_236] {strides = array<i32>} : memref<512xf32, #tpu.memory_space<vmem>>, vector<16xf32>,
      tpu.vector_store_idx %arg7[%shift_right_arithmetic3A_232, %and3A_235], %get3A_237 : memref<128x128xf32, #tpu.memory_space<vmem>>[vector<16xi32>, vector<16xi32>], vector<16xf32>,
      %add3A_238 = arith.constant 240 : i32
      %add3A_239 = vector.broadcast %add3A_238 : i32 to vector<16xi32>
      %add3A_240 = arith.addi %add3A_239, %iota3A : vector<16xi32>
      %shift_right_arithmetic3A_241 = arith.constant 2 : i32
      %shift_right_arithmetic3A_242 = vector.broadcast %shift_right_arithmetic3A_241 : i32 to vector<16xi32>
      %shift_right_arithmetic3A_243 = arith.shrsi %add3A_240, %shift_right_arithmetic3A_242 : vector<16xi32>
      %and3A_244 = arith.constant 3 : i32
      %and3A_245 = vector.broadcast %and3A_244 : i32 to vector<16xi32>
      %and3A_246 = arith.andi %add3A_240, %and3A_245 : vector<16xi32>
      %get3A_247 = arith.constant 240 : index
      %get3A_248 = tpu.vector_load %arg5[%get3A_247] {strides = array<i32>} : memref<512xf32, #tpu.memory_space<vmem>>, vector<16xf32>,
      tpu.vector_store_idx %arg7[%shift_right_arithmetic3A_243, %and3A_246], %get3A_248 : memref<128x128xf32, #tpu.memory_space<vmem>>[vector<16xi32>, vector<16xi32>], vector<16xf32>,
      %add3A_249 = arith.constant 256 : i32
      %add3A_250 = vector.broadcast %add3A_249 : i32 to vector<16xi32>
      %add3A_251 = arith.addi %add3A_250, %iota3A : vector<16xi32>
      %shift_right_arithmetic3A_252 = arith.constant 2 : i32
      %shift_right_arithmetic3A_253 = vector.broadcast %shift_right_arithmetic3A_252 : i32 to vector<16xi32>
      %shift_right_arithmetic3A_254 = arith.shrsi %add3A_251, %shift_right_arithmetic3A_253 : vector<16xi32>
      %and3A_255 = arith.constant 3 : i32
      %and3A_256 = vector.broadcast %and3A_255 : i32 to vector<16xi32>
      %and3A_257 = arith.andi %add3A_251, %and3A_256 : vector<16xi32>
      %get3A_258 = arith.constant 256 : index
      %get3A_259 = tpu.vector_load %arg5[%get3A_258] {strides = array<i32>} : memref<512xf32, #tpu.memory_space<vmem>>, vector<16xf32>,
      tpu.vector_store_idx %arg7[%shift_right_arithmetic3A_254, %and3A_257], %get3A_259 : memref<128x128xf32, #tpu.memory_space<vmem>>[vector<16xi32>, vector<16xi32>], vector<16xf32>,
      %add3A_260 = arith.constant 272 : i32
      %add3A_261 = vector.broadcast %add3A_260 : i32 to vector<16xi32>
      %add3A_262 = arith.addi %add3A_261, %iota3A : vector<16xi32>
      %shift_right_arithmetic3A_263 = arith.constant 2 : i32
      %shift_right_arithmetic3A_264 = vector.broadcast %shift_right_arithmetic3A_263 : i32 to vector<16xi32>
      %shift_right_arithmetic3A_265 = arith.shrsi %add3A_262, %shift_right_arithmetic3A_264 : vector<16xi32>
      %and3A_266 = arith.constant 3 : i32
      %and3A_267 = vector.broadcast %and3A_266 : i32 to vector<16xi32>
      %and3A_268 = arith.andi %add3A_262, %and3A_267 : vector<16xi32>
      %get3A_269 = arith.constant 272 : index
      %get3A_270 = tpu.vector_load %arg5[%get3A_269] {strides = array<i32>} : memref<512xf32, #tpu.memory_space<vmem>>, vector<16xf32>,
      tpu.vector_store_idx %arg7[%shift_right_arithmetic3A_265, %and3A_268], %get3A_270 : memref<128x128xf32, #tpu.memory_space<vmem>>[vector<16xi32>, vector<16xi32>], vector<16xf32>,
      %add3A_271 = arith.constant 288 : i32
      %add3A_272 = vector.broadcast %add3A_271 : i32 to vector<16xi32>
      %add3A_273 = arith.addi %add3A_272, %iota3A : vector<16xi32>
      %shift_right_arithmetic3A_274 = arith.constant 2 : i32
      %shift_right_arithmetic3A_275 = vector.broadcast %shift_right_arithmetic3A_274 : i32 to vector<16xi32>
      %shift_right_arithmetic3A_276 = arith.shrsi %add3A_273, %shift_right_arithmetic3A_275 : vector<16xi32>
      %and3A_277 = arith.constant 3 : i32
      %and3A_278 = vector.broadcast %and3A_277 : i32 to vector<16xi32>
      %and3A_279 = arith.andi %add3A_273, %and3A_278 : vector<16xi32>
      %get3A_280 = arith.constant 288 : index
      %get3A_281 = tpu.vector_load %arg5[%get3A_280] {strides = array<i32>} : memref<512xf32, #tpu.memory_space<vmem>>, vector<16xf32>,
      tpu.vector_store_idx %arg7[%shift_right_arithmetic3A_276, %and3A_279], %get3A_281 : memref<128x128xf32, #tpu.memory_space<vmem>>[vector<16xi32>, vector<16xi32>], vector<16xf32>,
      %add3A_282 = arith.constant 304 : i32
      %add3A_283 = vector.broadcast %add3A_282 : i32 to vector<16xi32>
      %add3A_284 = arith.addi %add3A_283, %iota3A : vector<16xi32>
      %shift_right_arithmetic3A_285 = arith.constant 2 : i32
      %shift_right_arithmetic3A_286 = vector.broadcast %shift_right_arithmetic3A_285 : i32 to vector<16xi32>
      %shift_right_arithmetic3A_287 = arith.shrsi %add3A_284, %shift_right_arithmetic3A_286 : vector<16xi32>
      %and3A_288 = arith.constant 3 : i32
      %and3A_289 = vector.broadcast %and3A_288 : i32 to vector<16xi32>
      %and3A_290 = arith.andi %add3A_284, %and3A_289 : vector<16xi32>
      %get3A_291 = arith.constant 304 : index
      %get3A_292 = tpu.vector_load %arg5[%get3A_291] {strides = array<i32>} : memref<512xf32, #tpu.memory_space<vmem>>, vector<16xf32>,
      tpu.vector_store_idx %arg7[%shift_right_arithmetic3A_287, %and3A_290], %get3A_292 : memref<128x128xf32, #tpu.memory_space<vmem>>[vector<16xi32>, vector<16xi32>], vector<16xf32>,
      %add3A_293 = arith.constant 320 : i32
      %add3A_294 = vector.broadcast %add3A_293 : i32 to vector<16xi32>
      %add3A_295 = arith.addi %add3A_294, %iota3A : vector<16xi32>
      %shift_right_arithmetic3A_296 = arith.constant 2 : i32
      %shift_right_arithmetic3A_297 = vector.broadcast %shift_right_arithmetic3A_296 : i32 to vector<16xi32>
      %shift_right_arithmetic3A_298 = arith.shrsi %add3A_295, %shift_right_arithmetic3A_297 : vector<16xi32>
      %and3A_299 = arith.constant 3 : i32
      %and3A_300 = vector.broadcast %and3A_299 : i32 to vector<16xi32>
      %and3A_301 = arith.andi %add3A_295, %and3A_300 : vector<16xi32>
      %get3A_302 = arith.constant 320 : index
      %get3A_303 = tpu.vector_load %arg5[%get3A_302] {strides = array<i32>} : memref<512xf32, #tpu.memory_space<vmem>>, vector<16xf32>,
      tpu.vector_store_idx %arg7[%shift_right_arithmetic3A_298, %and3A_301], %get3A_303 : memref<128x128xf32, #tpu.memory_space<vmem>>[vector<16xi32>, vector<16xi32>], vector<16xf32>,
      %add3A_304 = arith.constant 336 : i32
      %add3A_305 = vector.broadcast %add3A_304 : i32 to vector<16xi32>
      %add3A_306 = arith.addi %add3A_305, %iota3A : vector<16xi32>
      %shift_right_arithmetic3A_307 = arith.constant 2 : i32
      %shift_right_arithmetic3A_308 = vector.broadcast %shift_right_arithmetic3A_307 : i32 to vector<16xi32>
      %shift_right_arithmetic3A_309 = arith.shrsi %add3A_306, %shift_right_arithmetic3A_308 : vector<16xi32>
      %and3A_310 = arith.constant 3 : i32
      %and3A_311 = vector.broadcast %and3A_310 : i32 to vector<16xi32>
      %and3A_312 = arith.andi %add3A_306, %and3A_311 : vector<16xi32>
      %get3A_313 = arith.constant 336 : index
      %get3A_314 = tpu.vector_load %arg5[%get3A_313] {strides = array<i32>} : memref<512xf32, #tpu.memory_space<vmem>>, vector<16xf32>,
      tpu.vector_store_idx %arg7[%shift_right_arithmetic3A_309, %and3A_312], %get3A_314 : memref<128x128xf32, #tpu.memory_space<vmem>>[vector<16xi32>, vector<16xi32>], vector<16xf32>,
      %add3A_315 = arith.constant 352 : i32
      %add3A_316 = vector.broadcast %add3A_315 : i32 to vector<16xi32>
      %add3A_317 = arith.addi %add3A_316, %iota3A : vector<16xi32>
      %shift_right_arithmetic3A_318 = arith.constant 2 : i32
      %shift_right_arithmetic3A_319 = vector.broadcast %shift_right_arithmetic3A_318 : i32 to vector<16xi32>
      %shift_right_arithmetic3A_320 = arith.shrsi %add3A_317, %shift_right_arithmetic3A_319 : vector<16xi32>
      %and3A_321 = arith.constant 3 : i32
      %and3A_322 = vector.broadcast %and3A_321 : i32 to vector<16xi32>
      %and3A_323 = arith.andi %add3A_317, %and3A_322 : vector<16xi32>
      %get3A_324 = arith.constant 352 : index
      %get3A_325 = tpu.vector_load %arg5[%get3A_324] {strides = array<i32>} : memref<512xf32, #tpu.memory_space<vmem>>, vector<16xf32>,
      tpu.vector_store_idx %arg7[%shift_right_arithmetic3A_320, %and3A_323], %get3A_325 : memref<128x128xf32, #tpu.memory_space<vmem>>[vector<16xi32>, vector<16xi32>], vector<16xf32>,
      %add3A_326 = arith.constant 368 : i32
      %add3A_327 = vector.broadcast %add3A_326 : i32 to vector<16xi32>
      %add3A_328 = arith.addi %add3A_327, %iota3A : vector<16xi32>
      %shift_right_arithmetic3A_329 = arith.constant 2 : i32
      %shift_right_arithmetic3A_330 = vector.broadcast %shift_right_arithmetic3A_329 : i32 to vector<16xi32>
      %shift_right_arithmetic3A_331 = arith.shrsi %add3A_328, %shift_right_arithmetic3A_330 : vector<16xi32>
      %and3A_332 = arith.constant 3 : i32
      %and3A_333 = vector.broadcast %and3A_332 : i32 to vector<16xi32>
      %and3A_334 = arith.andi %add3A_328, %and3A_333 : vector<16xi32>
      %get3A_335 = arith.constant 368 : index
      %get3A_336 = tpu.vector_load %arg5[%get3A_335] {strides = array<i32>} : memref<512xf32, #tpu.memory_space<vmem>>, vector<16xf32>,
      tpu.vector_store_idx %arg7[%shift_right_arithmetic3A_331, %and3A_334], %get3A_336 : memref<128x128xf32, #tpu.memory_space<vmem>>[vector<16xi32>, vector<16xi32>], vector<16xf32>,
      %add3A_337 = arith.constant 384 : i32
      %add3A_338 = vector.broadcast %add3A_337 : i32 to vector<16xi32>
      %add3A_339 = arith.addi %add3A_338, %iota3A : vector<16xi32>
      %shift_right_arithmetic3A_340 = arith.constant 2 : i32
      %shift_right_arithmetic3A_341 = vector.broadcast %shift_right_arithmetic3A_340 : i32 to vector<16xi32>
      %shift_right_arithmetic3A_342 = arith.shrsi %add3A_339, %shift_right_arithmetic3A_341 : vector<16xi32>
      %and3A_343 = arith.constant 3 : i32
      %and3A_344 = vector.broadcast %and3A_343 : i32 to vector<16xi32>
      %and3A_345 = arith.andi %add3A_339, %and3A_344 : vector<16xi32>
      %get3A_346 = arith.constant 384 : index
      %get3A_347 = tpu.vector_load %arg5[%get3A_346] {strides = array<i32>} : memref<512xf32, #tpu.memory_space<vmem>>, vector<16xf32>,
      tpu.vector_store_idx %arg7[%shift_right_arithmetic3A_342, %and3A_345], %get3A_347 : memref<128x128xf32, #tpu.memory_space<vmem>>[vector<16xi32>, vector<16xi32>], vector<16xf32>,
      %add3A_348 = arith.constant 400 : i32
      %add3A_349 = vector.broadcast %add3A_348 : i32 to vector<16xi32>
      %add3A_350 = arith.addi %add3A_349, %iota3A : vector<16xi32>
      %shift_right_arithmetic3A_351 = arith.constant 2 : i32
      %shift_right_arithmetic3A_352 = vector.broadcast %shift_right_arithmetic3A_351 : i32 to vector<16xi32>
      %shift_right_arithmetic3A_353 = arith.shrsi %add3A_350, %shift_right_arithmetic3A_352 : vector<16xi32>
      %and3A_354 = arith.constant 3 : i32
      %and3A_355 = vector.broadcast %and3A_354 : i32 to vector<16xi32>
      %and3A_356 = arith.andi %add3A_350, %and3A_355 : vector<16xi32>
      %get3A_357 = arith.constant 400 : index
      %get3A_358 = tpu.vector_load %arg5[%get3A_357] {strides = array<i32>} : memref<512xf32, #tpu.memory_space<vmem>>, vector<16xf32>,
      tpu.vector_store_idx %arg7[%shift_right_arithmetic3A_353, %and3A_356], %get3A_358 : memref<128x128xf32, #tpu.memory_space<vmem>>[vector<16xi32>, vector<16xi32>], vector<16xf32>,
      %add3A_359 = arith.constant 416 : i32
      %add3A_360 = vector.broadcast %add3A_359 : i32 to vector<16xi32>
      %add3A_361 = arith.addi %add3A_360, %iota3A : vector<16xi32>
      %shift_right_arithmetic3A_362 = arith.constant 2 : i32
      %shift_right_arithmetic3A_363 = vector.broadcast %shift_right_arithmetic3A_362 : i32 to vector<16xi32>
      %shift_right_arithmetic3A_364 = arith.shrsi %add3A_361, %shift_right_arithmetic3A_363 : vector<16xi32>
      %and3A_365 = arith.constant 3 : i32
      %and3A_366 = vector.broadcast %and3A_365 : i32 to vector<16xi32>
      %and3A_367 = arith.andi %add3A_361, %and3A_366 : vector<16xi32>
      %get3A_368 = arith.constant 416 : index
      %get3A_369 = tpu.vector_load %arg5[%get3A_368] {strides = array<i32>} : memref<512xf32, #tpu.memory_space<vmem>>, vector<16xf32>,
      tpu.vector_store_idx %arg7[%shift_right_arithmetic3A_364, %and3A_367], %get3A_369 : memref<128x128xf32, #tpu.memory_space<vmem>>[vector<16xi32>, vector<16xi32>], vector<16xf32>,
      %add3A_370 = arith.constant 432 : i32
      %add3A_371 = vector.broadcast %add3A_370 : i32 to vector<16xi32>
      %add3A_372 = arith.addi %add3A_371, %iota3A : vector<16xi32>
      %shift_right_arithmetic3A_373 = arith.constant 2 : i32
      %shift_right_arithmetic3A_374 = vector.broadcast %shift_right_arithmetic3A_373 : i32 to vector<16xi32>
      %shift_right_arithmetic3A_375 = arith.shrsi %add3A_372, %shift_right_arithmetic3A_374 : vector<16xi32>
      %and3A_376 = arith.constant 3 : i32
      %and3A_377 = vector.broadcast %and3A_376 : i32 to vector<16xi32>
      %and3A_378 = arith.andi %add3A_372, %and3A_377 : vector<16xi32>
      %get3A_379 = arith.constant 432 : index
      %get3A_380 = tpu.vector_load %arg5[%get3A_379] {strides = array<i32>} : memref<512xf32, #tpu.memory_space<vmem>>, vector<16xf32>,
      tpu.vector_store_idx %arg7[%shift_right_arithmetic3A_375, %and3A_378], %get3A_380 : memref<128x128xf32, #tpu.memory_space<vmem>>[vector<16xi32>, vector<16xi32>], vector<16xf32>,
      %add3A_381 = arith.constant 448 : i32
      %add3A_382 = vector.broadcast %add3A_381 : i32 to vector<16xi32>
      %add3A_383 = arith.addi %add3A_382, %iota3A : vector<16xi32>
      %shift_right_arithmetic3A_384 = arith.constant 2 : i32
      %shift_right_arithmetic3A_385 = vector.broadcast %shift_right_arithmetic3A_384 : i32 to vector<16xi32>
      %shift_right_arithmetic3A_386 = arith.shrsi %add3A_383, %shift_right_arithmetic3A_385 : vector<16xi32>
      %and3A_387 = arith.constant 3 : i32
      %and3A_388 = vector.broadcast %and3A_387 : i32 to vector<16xi32>
      %and3A_389 = arith.andi %add3A_383, %and3A_388 : vector<16xi32>
      %get3A_390 = arith.constant 448 : index
      %get3A_391 = tpu.vector_load %arg5[%get3A_390] {strides = array<i32>} : memref<512xf32, #tpu.memory_space<vmem>>, vector<16xf32>,
      tpu.vector_store_idx %arg7[%shift_right_arithmetic3A_386, %and3A_389], %get3A_391 : memref<128x128xf32, #tpu.memory_space<vmem>>[vector<16xi32>, vector<16xi32>], vector<16xf32>,
      %add3A_392 = arith.constant 464 : i32
      %add3A_393 = vector.broadcast %add3A_392 : i32 to vector<16xi32>
      %add3A_394 = arith.addi %add3A_393, %iota3A : vector<16xi32>
      %shift_right_arithmetic3A_395 = arith.constant 2 : i32
      %shift_right_arithmetic3A_396 = vector.broadcast %shift_right_arithmetic3A_395 : i32 to vector<16xi32>
      %shift_right_arithmetic3A_397 = arith.shrsi %add3A_394, %shift_right_arithmetic3A_396 : vector<16xi32>
      %and3A_398 = arith.constant 3 : i32
      %and3A_399 = vector.broadcast %and3A_398 : i32 to vector<16xi32>
      %and3A_400 = arith.andi %add3A_394, %and3A_399 : vector<16xi32>
      %get3A_401 = arith.constant 464 : index
      %get3A_402 = tpu.vector_load %arg5[%get3A_401] {strides = array<i32>} : memref<512xf32, #tpu.memory_space<vmem>>, vector<16xf32>,
      tpu.vector_store_idx %arg7[%shift_right_arithmetic3A_397, %and3A_400], %get3A_402 : memref<128x128xf32, #tpu.memory_space<vmem>>[vector<16xi32>, vector<16xi32>], vector<16xf32>,
      %add3A_403 = arith.constant 480 : i32
      %add3A_404 = vector.broadcast %add3A_403 : i32 to vector<16xi32>
      %add3A_405 = arith.addi %add3A_404, %iota3A : vector<16xi32>
      %shift_right_arithmetic3A_406 = arith.constant 2 : i32
      %shift_right_arithmetic3A_407 = vector.broadcast %shift_right_arithmetic3A_406 : i32 to vector<16xi32>
      %shift_right_arithmetic3A_408 = arith.shrsi %add3A_405, %shift_right_arithmetic3A_407 : vector<16xi32>
      %and3A_409 = arith.constant 3 : i32
      %and3A_410 = vector.broadcast %and3A_409 : i32 to vector<16xi32>
      %and3A_411 = arith.andi %add3A_405, %and3A_410 : vector<16xi32>
      %get3A_412 = arith.constant 480 : index
      %get3A_413 = tpu.vector_load %arg5[%get3A_412] {strides = array<i32>} : memref<512xf32, #tpu.memory_space<vmem>>, vector<16xf32>,
      tpu.vector_store_idx %arg7[%shift_right_arithmetic3A_408, %and3A_411], %get3A_413 : memref<128x128xf32, #tpu.memory_space<vmem>>[vector<16xi32>, vector<16xi32>], vector<16xf32>,
      %add3A_414 = arith.constant 496 : i32
      %add3A_415 = vector.broadcast %add3A_414 : i32 to vector<16xi32>
      %add3A_416 = arith.addi %add3A_415, %iota3A : vector<16xi32>
      %shift_right_arithmetic3A_417 = arith.constant 2 : i32
      %shift_right_arithmetic3A_418 = vector.broadcast %shift_right_arithmetic3A_417 : i32 to vector<16xi32>
      %shift_right_arithmetic3A_419 = arith.shrsi %add3A_416, %shift_right_arithmetic3A_418 : vector<16xi32>
      %and3A_420 = arith.constant 3 : i32
      %and3A_421 = vector.broadcast %and3A_420 : i32 to vector<16xi32>
      %and3A_422 = arith.andi %add3A_416, %and3A_421 : vector<16xi32>
      %get3A_423 = arith.constant 496 : index
      %get3A_424 = tpu.vector_load %arg5[%get3A_423] {strides = array<i32>} : memref<512xf32, #tpu.memory_space<vmem>>, vector<16xf32>,
      tpu.vector_store_idx %arg7[%shift_right_arithmetic3A_419, %and3A_422], %get3A_424 : memref<128x128xf32, #tpu.memory_space<vmem>>[vector<16xi32>, vector<16xi32>], vector<16xf32>,
      %dma_wait3A_425 = tpu.memref_slice %arg3[%mul3A_72] : memref<160000xi32, #tpu.memory_space<hbm>> -> memref<128xi32, #tpu.memory_space<hbm>>
      %dma_wait3A_426 = tpu.memref_slice %arg3[%mul3A_72] : memref<160000xi32, #tpu.memory_space<hbm>> -> memref<128xi32, #tpu.memory_space<hbm>>
      tpu.wait_dma2 semaphore(%arg10 : memref<!tpu.dma_semaphore, #tpu.memory_space<semaphore_mem>>) src(%dma_wait3A_426 : memref<128xi32, #tpu.memory_space<hbm>>) dst(%arg6 : memref<128xi32, #tpu.memory_space<vmem>>)
      "tpu.region"() ({
        %run_scoped3A = tpu.sem_alloc : memref<!tpu.dma_semaphore, #tpu.memory_space<semaphore_mem>>
        %dma_start3A_779 = arith.constant 0 : i32
        %dma_start3A_780 = arith.constant 0 : i32
        %dma_start3A_781 = tpu.memref_slice %arg8[%dma_start3A_779, %dma_start3A_780] : memref<10000x128xf32, #tpu.memory_space<vmem_shared>> -> memref<10000x128xf32, #tpu.memory_space<vmem_shared>>
        tpu.enqueue_indirect_dma source(%arg7 : memref<128x128xf32, #tpu.memory_space<vmem>>) target(%dma_start3A_781 : memref<10000x128xf32, #tpu.memory_space<vmem_shared>>) offsets(%arg6 : memref<128xi32, #tpu.memory_space<vmem>>) semaphore(%run_scoped3A : memref<!tpu.dma_semaphore, #tpu.memory_space<semaphore_mem>>) {add = true}
        %dma_wait3A_782 = arith.constant 0 : i32
        %dma_wait3A_783 = arith.constant 0 : i32
        %dma_wait3A_784 = tpu.memref_slice %arg8[%dma_wait3A_782, %dma_wait3A_783] : memref<10000x128xf32, #tpu.memory_space<vmem_shared>> -> memref<10000x128xf32, #tpu.memory_space<vmem_shared>>
        tpu.wait_indirect_dma semaphore(%run_scoped3A : memref<!tpu.dma_semaphore, #tpu.memory_space<semaphore_mem>>) src(%arg7 : memref<128x128xf32, #tpu.memory_space<vmem>>) dst(%dma_wait3A_784 : memref<10000x128xf32, #tpu.memory_space<vmem_shared>>)
        tpu.yield
      }) : () -> ()
      %add3A_427 = arith.constant 0 : i32
      %add3A_428 = vector.broadcast %add3A_427 : i32 to vector<16xi32>
      %add3A_429 = arith.addi %add3A_428, %iota3A : vector<16xi32>
      %shift_right_arithmetic3A_430 = arith.constant 2 : i32
      %shift_right_arithmetic3A_431 = vector.broadcast %shift_right_arithmetic3A_430 : i32 to vector<16xi32>
      %shift_right_arithmetic3A_432 = arith.shrsi %add3A_429, %shift_right_arithmetic3A_431 : vector<16xi32>
      %and3A_433 = arith.constant 3 : i32
      %and3A_434 = vector.broadcast %and3A_433 : i32 to vector<16xi32>
      %and3A_435 = arith.andi %add3A_429, %and3A_434 : vector<16xi32>
      %broadcast_in_dim3A = arith.constant 0.000000e+00 : f32
      %broadcast_in_dim3A_436 = vector.broadcast %broadcast_in_dim3A : f32 to vector<16xf32>
      tpu.vector_store_idx %arg7[%shift_right_arithmetic3A_432, %and3A_435], %broadcast_in_dim3A_436 : memref<128x128xf32, #tpu.memory_space<vmem>>[vector<16xi32>, vector<16xi32>], vector<16xf32>,
      %add3A_437 = arith.constant 16 : i32
      %add3A_438 = vector.broadcast %add3A_437 : i32 to vector<16xi32>
      %add3A_439 = arith.addi %add3A_438, %iota3A : vector<16xi32>
      %shift_right_arithmetic3A_440 = arith.constant 2 : i32
      %shift_right_arithmetic3A_441 = vector.broadcast %shift_right_arithmetic3A_440 : i32 to vector<16xi32>
      %shift_right_arithmetic3A_442 = arith.shrsi %add3A_439, %shift_right_arithmetic3A_441 : vector<16xi32>
      %and3A_443 = arith.constant 3 : i32
      %and3A_444 = vector.broadcast %and3A_443 : i32 to vector<16xi32>
      %and3A_445 = arith.andi %add3A_439, %and3A_444 : vector<16xi32>
      %broadcast_in_dim3A_446 = arith.constant 0.000000e+00 : f32
      %broadcast_in_dim3A_447 = vector.broadcast %broadcast_in_dim3A_446 : f32 to vector<16xf32>
      tpu.vector_store_idx %arg7[%shift_right_arithmetic3A_442, %and3A_445], %broadcast_in_dim3A_447 : memref<128x128xf32, #tpu.memory_space<vmem>>[vector<16xi32>, vector<16xi32>], vector<16xf32>,
      %add3A_448 = arith.constant 32 : i32
      %add3A_449 = vector.broadcast %add3A_448 : i32 to vector<16xi32>
      %add3A_450 = arith.addi %add3A_449, %iota3A : vector<16xi32>
      %shift_right_arithmetic3A_451 = arith.constant 2 : i32
      %shift_right_arithmetic3A_452 = vector.broadcast %shift_right_arithmetic3A_451 : i32 to vector<16xi32>
      %shift_right_arithmetic3A_453 = arith.shrsi %add3A_450, %shift_right_arithmetic3A_452 : vector<16xi32>
      %and3A_454 = arith.constant 3 : i32
      %and3A_455 = vector.broadcast %and3A_454 : i32 to vector<16xi32>
      %and3A_456 = arith.andi %add3A_450, %and3A_455 : vector<16xi32>
      %broadcast_in_dim3A_457 = arith.constant 0.000000e+00 : f32
      %broadcast_in_dim3A_458 = vector.broadcast %broadcast_in_dim3A_457 : f32 to vector<16xf32>
      tpu.vector_store_idx %arg7[%shift_right_arithmetic3A_453, %and3A_456], %broadcast_in_dim3A_458 : memref<128x128xf32, #tpu.memory_space<vmem>>[vector<16xi32>, vector<16xi32>], vector<16xf32>,
      %add3A_459 = arith.constant 48 : i32
      %add3A_460 = vector.broadcast %add3A_459 : i32 to vector<16xi32>
      %add3A_461 = arith.addi %add3A_460, %iota3A : vector<16xi32>
      %shift_right_arithmetic3A_462 = arith.constant 2 : i32
      %shift_right_arithmetic3A_463 = vector.broadcast %shift_right_arithmetic3A_462 : i32 to vector<16xi32>
      %shift_right_arithmetic3A_464 = arith.shrsi %add3A_461, %shift_right_arithmetic3A_463 : vector<16xi32>
      %and3A_465 = arith.constant 3 : i32
      %and3A_466 = vector.broadcast %and3A_465 : i32 to vector<16xi32>
      %and3A_467 = arith.andi %add3A_461, %and3A_466 : vector<16xi32>
      %broadcast_in_dim3A_468 = arith.constant 0.000000e+00 : f32
      %broadcast_in_dim3A_469 = vector.broadcast %broadcast_in_dim3A_468 : f32 to vector<16xf32>
      tpu.vector_store_idx %arg7[%shift_right_arithmetic3A_464, %and3A_467], %broadcast_in_dim3A_469 : memref<128x128xf32, #tpu.memory_space<vmem>>[vector<16xi32>, vector<16xi32>], vector<16xf32>,
      %add3A_470 = arith.constant 64 : i32
      %add3A_471 = vector.broadcast %add3A_470 : i32 to vector<16xi32>
      %add3A_472 = arith.addi %add3A_471, %iota3A : vector<16xi32>
      %shift_right_arithmetic3A_473 = arith.constant 2 : i32
      %shift_right_arithmetic3A_474 = vector.broadcast %shift_right_arithmetic3A_473 : i32 to vector<16xi32>
      %shift_right_arithmetic3A_475 = arith.shrsi %add3A_472, %shift_right_arithmetic3A_474 : vector<16xi32>
      %and3A_476 = arith.constant 3 : i32
      %and3A_477 = vector.broadcast %and3A_476 : i32 to vector<16xi32>
      %and3A_478 = arith.andi %add3A_472, %and3A_477 : vector<16xi32>
      %broadcast_in_dim3A_479 = arith.constant 0.000000e+00 : f32
      %broadcast_in_dim3A_480 = vector.broadcast %broadcast_in_dim3A_479 : f32 to vector<16xf32>
      tpu.vector_store_idx %arg7[%shift_right_arithmetic3A_475, %and3A_478], %broadcast_in_dim3A_480 : memref<128x128xf32, #tpu.memory_space<vmem>>[vector<16xi32>, vector<16xi32>], vector<16xf32>,
      %add3A_481 = arith.constant 80 : i32
      %add3A_482 = vector.broadcast %add3A_481 : i32 to vector<16xi32>
      %add3A_483 = arith.addi %add3A_482, %iota3A : vector<16xi32>
      %shift_right_arithmetic3A_484 = arith.constant 2 : i32
      %shift_right_arithmetic3A_485 = vector.broadcast %shift_right_arithmetic3A_484 : i32 to vector<16xi32>
      %shift_right_arithmetic3A_486 = arith.shrsi %add3A_483, %shift_right_arithmetic3A_485 : vector<16xi32>
      %and3A_487 = arith.constant 3 : i32
      %and3A_488 = vector.broadcast %and3A_487 : i32 to vector<16xi32>
      %and3A_489 = arith.andi %add3A_483, %and3A_488 : vector<16xi32>
      %broadcast_in_dim3A_490 = arith.constant 0.000000e+00 : f32
      %broadcast_in_dim3A_491 = vector.broadcast %broadcast_in_dim3A_490 : f32 to vector<16xf32>
      tpu.vector_store_idx %arg7[%shift_right_arithmetic3A_486, %and3A_489], %broadcast_in_dim3A_491 : memref<128x128xf32, #tpu.memory_space<vmem>>[vector<16xi32>, vector<16xi32>], vector<16xf32>,
      %add3A_492 = arith.constant 96 : i32
      %add3A_493 = vector.broadcast %add3A_492 : i32 to vector<16xi32>
      %add3A_494 = arith.addi %add3A_493, %iota3A : vector<16xi32>
      %shift_right_arithmetic3A_495 = arith.constant 2 : i32
      %shift_right_arithmetic3A_496 = vector.broadcast %shift_right_arithmetic3A_495 : i32 to vector<16xi32>
      %shift_right_arithmetic3A_497 = arith.shrsi %add3A_494, %shift_right_arithmetic3A_496 : vector<16xi32>
      %and3A_498 = arith.constant 3 : i32
      %and3A_499 = vector.broadcast %and3A_498 : i32 to vector<16xi32>
      %and3A_500 = arith.andi %add3A_494, %and3A_499 : vector<16xi32>
      %broadcast_in_dim3A_501 = arith.constant 0.000000e+00 : f32
      %broadcast_in_dim3A_502 = vector.broadcast %broadcast_in_dim3A_501 : f32 to vector<16xf32>
      tpu.vector_store_idx %arg7[%shift_right_arithmetic3A_497, %and3A_500], %broadcast_in_dim3A_502 : memref<128x128xf32, #tpu.memory_space<vmem>>[vector<16xi32>, vector<16xi32>], vector<16xf32>,
      %add3A_503 = arith.constant 112 : i32
      %add3A_504 = vector.broadcast %add3A_503 : i32 to vector<16xi32>
      %add3A_505 = arith.addi %add3A_504, %iota3A : vector<16xi32>
      %shift_right_arithmetic3A_506 = arith.constant 2 : i32
      %shift_right_arithmetic3A_507 = vector.broadcast %shift_right_arithmetic3A_506 : i32 to vector<16xi32>
      %shift_right_arithmetic3A_508 = arith.shrsi %add3A_505, %shift_right_arithmetic3A_507 : vector<16xi32>
      %and3A_509 = arith.constant 3 : i32
      %and3A_510 = vector.broadcast %and3A_509 : i32 to vector<16xi32>
      %and3A_511 = arith.andi %add3A_505, %and3A_510 : vector<16xi32>
      %broadcast_in_dim3A_512 = arith.constant 0.000000e+00 : f32
      %broadcast_in_dim3A_513 = vector.broadcast %broadcast_in_dim3A_512 : f32 to vector<16xf32>
      tpu.vector_store_idx %arg7[%shift_right_arithmetic3A_508, %and3A_511], %broadcast_in_dim3A_513 : memref<128x128xf32, #tpu.memory_space<vmem>>[vector<16xi32>, vector<16xi32>], vector<16xf32>,
      %add3A_514 = arith.constant 128 : i32
      %add3A_515 = vector.broadcast %add3A_514 : i32 to vector<16xi32>
      %add3A_516 = arith.addi %add3A_515, %iota3A : vector<16xi32>
      %shift_right_arithmetic3A_517 = arith.constant 2 : i32
      %shift_right_arithmetic3A_518 = vector.broadcast %shift_right_arithmetic3A_517 : i32 to vector<16xi32>
      %shift_right_arithmetic3A_519 = arith.shrsi %add3A_516, %shift_right_arithmetic3A_518 : vector<16xi32>
      %and3A_520 = arith.constant 3 : i32
      %and3A_521 = vector.broadcast %and3A_520 : i32 to vector<16xi32>
      %and3A_522 = arith.andi %add3A_516, %and3A_521 : vector<16xi32>
      %broadcast_in_dim3A_523 = arith.constant 0.000000e+00 : f32
      %broadcast_in_dim3A_524 = vector.broadcast %broadcast_in_dim3A_523 : f32 to vector<16xf32>
      tpu.vector_store_idx %arg7[%shift_right_arithmetic3A_519, %and3A_522], %broadcast_in_dim3A_524 : memref<128x128xf32, #tpu.memory_space<vmem>>[vector<16xi32>, vector<16xi32>], vector<16xf32>,
      %add3A_525 = arith.constant 144 : i32
      %add3A_526 = vector.broadcast %add3A_525 : i32 to vector<16xi32>
      %add3A_527 = arith.addi %add3A_526, %iota3A : vector<16xi32>
      %shift_right_arithmetic3A_528 = arith.constant 2 : i32
      %shift_right_arithmetic3A_529 = vector.broadcast %shift_right_arithmetic3A_528 : i32 to vector<16xi32>
      %shift_right_arithmetic3A_530 = arith.shrsi %add3A_527, %shift_right_arithmetic3A_529 : vector<16xi32>
      %and3A_531 = arith.constant 3 : i32
      %and3A_532 = vector.broadcast %and3A_531 : i32 to vector<16xi32>
      %and3A_533 = arith.andi %add3A_527, %and3A_532 : vector<16xi32>
      %broadcast_in_dim3A_534 = arith.constant 0.000000e+00 : f32
      %broadcast_in_dim3A_535 = vector.broadcast %broadcast_in_dim3A_534 : f32 to vector<16xf32>
      tpu.vector_store_idx %arg7[%shift_right_arithmetic3A_530, %and3A_533], %broadcast_in_dim3A_535 : memref<128x128xf32, #tpu.memory_space<vmem>>[vector<16xi32>, vector<16xi32>], vector<16xf32>,
      %add3A_536 = arith.constant 160 : i32
      %add3A_537 = vector.broadcast %add3A_536 : i32 to vector<16xi32>
      %add3A_538 = arith.addi %add3A_537, %iota3A : vector<16xi32>
      %shift_right_arithmetic3A_539 = arith.constant 2 : i32
      %shift_right_arithmetic3A_540 = vector.broadcast %shift_right_arithmetic3A_539 : i32 to vector<16xi32>
      %shift_right_arithmetic3A_541 = arith.shrsi %add3A_538, %shift_right_arithmetic3A_540 : vector<16xi32>
      %and3A_542 = arith.constant 3 : i32
      %and3A_543 = vector.broadcast %and3A_542 : i32 to vector<16xi32>
      %and3A_544 = arith.andi %add3A_538, %and3A_543 : vector<16xi32>
      %broadcast_in_dim3A_545 = arith.constant 0.000000e+00 : f32
      %broadcast_in_dim3A_546 = vector.broadcast %broadcast_in_dim3A_545 : f32 to vector<16xf32>
      tpu.vector_store_idx %arg7[%shift_right_arithmetic3A_541, %and3A_544], %broadcast_in_dim3A_546 : memref<128x128xf32, #tpu.memory_space<vmem>>[vector<16xi32>, vector<16xi32>], vector<16xf32>,
      %add3A_547 = arith.constant 176 : i32
      %add3A_548 = vector.broadcast %add3A_547 : i32 to vector<16xi32>
      %add3A_549 = arith.addi %add3A_548, %iota3A : vector<16xi32>
      %shift_right_arithmetic3A_550 = arith.constant 2 : i32
      %shift_right_arithmetic3A_551 = vector.broadcast %shift_right_arithmetic3A_550 : i32 to vector<16xi32>
      %shift_right_arithmetic3A_552 = arith.shrsi %add3A_549, %shift_right_arithmetic3A_551 : vector<16xi32>
      %and3A_553 = arith.constant 3 : i32
      %and3A_554 = vector.broadcast %and3A_553 : i32 to vector<16xi32>
      %and3A_555 = arith.andi %add3A_549, %and3A_554 : vector<16xi32>
      %broadcast_in_dim3A_556 = arith.constant 0.000000e+00 : f32
      %broadcast_in_dim3A_557 = vector.broadcast %broadcast_in_dim3A_556 : f32 to vector<16xf32>
      tpu.vector_store_idx %arg7[%shift_right_arithmetic3A_552, %and3A_555], %broadcast_in_dim3A_557 : memref<128x128xf32, #tpu.memory_space<vmem>>[vector<16xi32>, vector<16xi32>], vector<16xf32>,
      %add3A_558 = arith.constant 192 : i32
      %add3A_559 = vector.broadcast %add3A_558 : i32 to vector<16xi32>
      %add3A_560 = arith.addi %add3A_559, %iota3A : vector<16xi32>
      %shift_right_arithmetic3A_561 = arith.constant 2 : i32
      %shift_right_arithmetic3A_562 = vector.broadcast %shift_right_arithmetic3A_561 : i32 to vector<16xi32>
      %shift_right_arithmetic3A_563 = arith.shrsi %add3A_560, %shift_right_arithmetic3A_562 : vector<16xi32>
      %and3A_564 = arith.constant 3 : i32
      %and3A_565 = vector.broadcast %and3A_564 : i32 to vector<16xi32>
      %and3A_566 = arith.andi %add3A_560, %and3A_565 : vector<16xi32>
      %broadcast_in_dim3A_567 = arith.constant 0.000000e+00 : f32
      %broadcast_in_dim3A_568 = vector.broadcast %broadcast_in_dim3A_567 : f32 to vector<16xf32>
      tpu.vector_store_idx %arg7[%shift_right_arithmetic3A_563, %and3A_566], %broadcast_in_dim3A_568 : memref<128x128xf32, #tpu.memory_space<vmem>>[vector<16xi32>, vector<16xi32>], vector<16xf32>,
      %add3A_569 = arith.constant 208 : i32
      %add3A_570 = vector.broadcast %add3A_569 : i32 to vector<16xi32>
      %add3A_571 = arith.addi %add3A_570, %iota3A : vector<16xi32>
      %shift_right_arithmetic3A_572 = arith.constant 2 : i32
      %shift_right_arithmetic3A_573 = vector.broadcast %shift_right_arithmetic3A_572 : i32 to vector<16xi32>
      %shift_right_arithmetic3A_574 = arith.shrsi %add3A_571, %shift_right_arithmetic3A_573 : vector<16xi32>
      %and3A_575 = arith.constant 3 : i32
      %and3A_576 = vector.broadcast %and3A_575 : i32 to vector<16xi32>
      %and3A_577 = arith.andi %add3A_571, %and3A_576 : vector<16xi32>
      %broadcast_in_dim3A_578 = arith.constant 0.000000e+00 : f32
      %broadcast_in_dim3A_579 = vector.broadcast %broadcast_in_dim3A_578 : f32 to vector<16xf32>
      tpu.vector_store_idx %arg7[%shift_right_arithmetic3A_574, %and3A_577], %broadcast_in_dim3A_579 : memref<128x128xf32, #tpu.memory_space<vmem>>[vector<16xi32>, vector<16xi32>], vector<16xf32>,
      %add3A_580 = arith.constant 224 : i32
      %add3A_581 = vector.broadcast %add3A_580 : i32 to vector<16xi32>
      %add3A_582 = arith.addi %add3A_581, %iota3A : vector<16xi32>
      %shift_right_arithmetic3A_583 = arith.constant 2 : i32
      %shift_right_arithmetic3A_584 = vector.broadcast %shift_right_arithmetic3A_583 : i32 to vector<16xi32>
      %shift_right_arithmetic3A_585 = arith.shrsi %add3A_582, %shift_right_arithmetic3A_584 : vector<16xi32>
      %and3A_586 = arith.constant 3 : i32
      %and3A_587 = vector.broadcast %and3A_586 : i32 to vector<16xi32>
      %and3A_588 = arith.andi %add3A_582, %and3A_587 : vector<16xi32>
      %broadcast_in_dim3A_589 = arith.constant 0.000000e+00 : f32
      %broadcast_in_dim3A_590 = vector.broadcast %broadcast_in_dim3A_589 : f32 to vector<16xf32>
      tpu.vector_store_idx %arg7[%shift_right_arithmetic3A_585, %and3A_588], %broadcast_in_dim3A_590 : memref<128x128xf32, #tpu.memory_space<vmem>>[vector<16xi32>, vector<16xi32>], vector<16xf32>,
      %add3A_591 = arith.constant 240 : i32
      %add3A_592 = vector.broadcast %add3A_591 : i32 to vector<16xi32>
      %add3A_593 = arith.addi %add3A_592, %iota3A : vector<16xi32>
      %shift_right_arithmetic3A_594 = arith.constant 2 : i32
      %shift_right_arithmetic3A_595 = vector.broadcast %shift_right_arithmetic3A_594 : i32 to vector<16xi32>
      %shift_right_arithmetic3A_596 = arith.shrsi %add3A_593, %shift_right_arithmetic3A_595 : vector<16xi32>
      %and3A_597 = arith.constant 3 : i32
      %and3A_598 = vector.broadcast %and3A_597 : i32 to vector<16xi32>
      %and3A_599 = arith.andi %add3A_593, %and3A_598 : vector<16xi32>
      %broadcast_in_dim3A_600 = arith.constant 0.000000e+00 : f32
      %broadcast_in_dim3A_601 = vector.broadcast %broadcast_in_dim3A_600 : f32 to vector<16xf32>
      tpu.vector_store_idx %arg7[%shift_right_arithmetic3A_596, %and3A_599], %broadcast_in_dim3A_601 : memref<128x128xf32, #tpu.memory_space<vmem>>[vector<16xi32>, vector<16xi32>], vector<16xf32>,
      %add3A_602 = arith.constant 256 : i32
      %add3A_603 = vector.broadcast %add3A_602 : i32 to vector<16xi32>
      %add3A_604 = arith.addi %add3A_603, %iota3A : vector<16xi32>
      %shift_right_arithmetic3A_605 = arith.constant 2 : i32
      %shift_right_arithmetic3A_606 = vector.broadcast %shift_right_arithmetic3A_605 : i32 to vector<16xi32>
      %shift_right_arithmetic3A_607 = arith.shrsi %add3A_604, %shift_right_arithmetic3A_606 : vector<16xi32>
      %and3A_608 = arith.constant 3 : i32
      %and3A_609 = vector.broadcast %and3A_608 : i32 to vector<16xi32>
      %and3A_610 = arith.andi %add3A_604, %and3A_609 : vector<16xi32>
      %broadcast_in_dim3A_611 = arith.constant 0.000000e+00 : f32
      %broadcast_in_dim3A_612 = vector.broadcast %broadcast_in_dim3A_611 : f32 to vector<16xf32>
      tpu.vector_store_idx %arg7[%shift_right_arithmetic3A_607, %and3A_610], %broadcast_in_dim3A_612 : memref<128x128xf32, #tpu.memory_space<vmem>>[vector<16xi32>, vector<16xi32>], vector<16xf32>,
      %add3A_613 = arith.constant 272 : i32
      %add3A_614 = vector.broadcast %add3A_613 : i32 to vector<16xi32>
      %add3A_615 = arith.addi %add3A_614, %iota3A : vector<16xi32>
      %shift_right_arithmetic3A_616 = arith.constant 2 : i32
      %shift_right_arithmetic3A_617 = vector.broadcast %shift_right_arithmetic3A_616 : i32 to vector<16xi32>
      %shift_right_arithmetic3A_618 = arith.shrsi %add3A_615, %shift_right_arithmetic3A_617 : vector<16xi32>
      %and3A_619 = arith.constant 3 : i32
      %and3A_620 = vector.broadcast %and3A_619 : i32 to vector<16xi32>
      %and3A_621 = arith.andi %add3A_615, %and3A_620 : vector<16xi32>
      %broadcast_in_dim3A_622 = arith.constant 0.000000e+00 : f32
      %broadcast_in_dim3A_623 = vector.broadcast %broadcast_in_dim3A_622 : f32 to vector<16xf32>
      tpu.vector_store_idx %arg7[%shift_right_arithmetic3A_618, %and3A_621], %broadcast_in_dim3A_623 : memref<128x128xf32, #tpu.memory_space<vmem>>[vector<16xi32>, vector<16xi32>], vector<16xf32>,
      %add3A_624 = arith.constant 288 : i32
      %add3A_625 = vector.broadcast %add3A_624 : i32 to vector<16xi32>
      %add3A_626 = arith.addi %add3A_625, %iota3A : vector<16xi32>
      %shift_right_arithmetic3A_627 = arith.constant 2 : i32
      %shift_right_arithmetic3A_628 = vector.broadcast %shift_right_arithmetic3A_627 : i32 to vector<16xi32>
      %shift_right_arithmetic3A_629 = arith.shrsi %add3A_626, %shift_right_arithmetic3A_628 : vector<16xi32>
      %and3A_630 = arith.constant 3 : i32
      %and3A_631 = vector.broadcast %and3A_630 : i32 to vector<16xi32>
      %and3A_632 = arith.andi %add3A_626, %and3A_631 : vector<16xi32>
      %broadcast_in_dim3A_633 = arith.constant 0.000000e+00 : f32
      %broadcast_in_dim3A_634 = vector.broadcast %broadcast_in_dim3A_633 : f32 to vector<16xf32>
      tpu.vector_store_idx %arg7[%shift_right_arithmetic3A_629, %and3A_632], %broadcast_in_dim3A_634 : memref<128x128xf32, #tpu.memory_space<vmem>>[vector<16xi32>, vector<16xi32>], vector<16xf32>,
      %add3A_635 = arith.constant 304 : i32
      %add3A_636 = vector.broadcast %add3A_635 : i32 to vector<16xi32>
      %add3A_637 = arith.addi %add3A_636, %iota3A : vector<16xi32>
      %shift_right_arithmetic3A_638 = arith.constant 2 : i32
      %shift_right_arithmetic3A_639 = vector.broadcast %shift_right_arithmetic3A_638 : i32 to vector<16xi32>
      %shift_right_arithmetic3A_640 = arith.shrsi %add3A_637, %shift_right_arithmetic3A_639 : vector<16xi32>
      %and3A_641 = arith.constant 3 : i32
      %and3A_642 = vector.broadcast %and3A_641 : i32 to vector<16xi32>
      %and3A_643 = arith.andi %add3A_637, %and3A_642 : vector<16xi32>
      %broadcast_in_dim3A_644 = arith.constant 0.000000e+00 : f32
      %broadcast_in_dim3A_645 = vector.broadcast %broadcast_in_dim3A_644 : f32 to vector<16xf32>
      tpu.vector_store_idx %arg7[%shift_right_arithmetic3A_640, %and3A_643], %broadcast_in_dim3A_645 : memref<128x128xf32, #tpu.memory_space<vmem>>[vector<16xi32>, vector<16xi32>], vector<16xf32>,
      %add3A_646 = arith.constant 320 : i32
      %add3A_647 = vector.broadcast %add3A_646 : i32 to vector<16xi32>
      %add3A_648 = arith.addi %add3A_647, %iota3A : vector<16xi32>
      %shift_right_arithmetic3A_649 = arith.constant 2 : i32
      %shift_right_arithmetic3A_650 = vector.broadcast %shift_right_arithmetic3A_649 : i32 to vector<16xi32>
      %shift_right_arithmetic3A_651 = arith.shrsi %add3A_648, %shift_right_arithmetic3A_650 : vector<16xi32>
      %and3A_652 = arith.constant 3 : i32
      %and3A_653 = vector.broadcast %and3A_652 : i32 to vector<16xi32>
      %and3A_654 = arith.andi %add3A_648, %and3A_653 : vector<16xi32>
      %broadcast_in_dim3A_655 = arith.constant 0.000000e+00 : f32
      %broadcast_in_dim3A_656 = vector.broadcast %broadcast_in_dim3A_655 : f32 to vector<16xf32>
      tpu.vector_store_idx %arg7[%shift_right_arithmetic3A_651, %and3A_654], %broadcast_in_dim3A_656 : memref<128x128xf32, #tpu.memory_space<vmem>>[vector<16xi32>, vector<16xi32>], vector<16xf32>,
      %add3A_657 = arith.constant 336 : i32
      %add3A_658 = vector.broadcast %add3A_657 : i32 to vector<16xi32>
      %add3A_659 = arith.addi %add3A_658, %iota3A : vector<16xi32>
      %shift_right_arithmetic3A_660 = arith.constant 2 : i32
      %shift_right_arithmetic3A_661 = vector.broadcast %shift_right_arithmetic3A_660 : i32 to vector<16xi32>
      %shift_right_arithmetic3A_662 = arith.shrsi %add3A_659, %shift_right_arithmetic3A_661 : vector<16xi32>
      %and3A_663 = arith.constant 3 : i32
      %and3A_664 = vector.broadcast %and3A_663 : i32 to vector<16xi32>
      %and3A_665 = arith.andi %add3A_659, %and3A_664 : vector<16xi32>
      %broadcast_in_dim3A_666 = arith.constant 0.000000e+00 : f32
      %broadcast_in_dim3A_667 = vector.broadcast %broadcast_in_dim3A_666 : f32 to vector<16xf32>
      tpu.vector_store_idx %arg7[%shift_right_arithmetic3A_662, %and3A_665], %broadcast_in_dim3A_667 : memref<128x128xf32, #tpu.memory_space<vmem>>[vector<16xi32>, vector<16xi32>], vector<16xf32>,
      %add3A_668 = arith.constant 352 : i32
      %add3A_669 = vector.broadcast %add3A_668 : i32 to vector<16xi32>
      %add3A_670 = arith.addi %add3A_669, %iota3A : vector<16xi32>
      %shift_right_arithmetic3A_671 = arith.constant 2 : i32
      %shift_right_arithmetic3A_672 = vector.broadcast %shift_right_arithmetic3A_671 : i32 to vector<16xi32>
      %shift_right_arithmetic3A_673 = arith.shrsi %add3A_670, %shift_right_arithmetic3A_672 : vector<16xi32>
      %and3A_674 = arith.constant 3 : i32
      %and3A_675 = vector.broadcast %and3A_674 : i32 to vector<16xi32>
      %and3A_676 = arith.andi %add3A_670, %and3A_675 : vector<16xi32>
      %broadcast_in_dim3A_677 = arith.constant 0.000000e+00 : f32
      %broadcast_in_dim3A_678 = vector.broadcast %broadcast_in_dim3A_677 : f32 to vector<16xf32>
      tpu.vector_store_idx %arg7[%shift_right_arithmetic3A_673, %and3A_676], %broadcast_in_dim3A_678 : memref<128x128xf32, #tpu.memory_space<vmem>>[vector<16xi32>, vector<16xi32>], vector<16xf32>,
      %add3A_679 = arith.constant 368 : i32
      %add3A_680 = vector.broadcast %add3A_679 : i32 to vector<16xi32>
      %add3A_681 = arith.addi %add3A_680, %iota3A : vector<16xi32>
      %shift_right_arithmetic3A_682 = arith.constant 2 : i32
      %shift_right_arithmetic3A_683 = vector.broadcast %shift_right_arithmetic3A_682 : i32 to vector<16xi32>
      %shift_right_arithmetic3A_684 = arith.shrsi %add3A_681, %shift_right_arithmetic3A_683 : vector<16xi32>
      %and3A_685 = arith.constant 3 : i32
      %and3A_686 = vector.broadcast %and3A_685 : i32 to vector<16xi32>
      %and3A_687 = arith.andi %add3A_681, %and3A_686 : vector<16xi32>
      %broadcast_in_dim3A_688 = arith.constant 0.000000e+00 : f32
      %broadcast_in_dim3A_689 = vector.broadcast %broadcast_in_dim3A_688 : f32 to vector<16xf32>
      tpu.vector_store_idx %arg7[%shift_right_arithmetic3A_684, %and3A_687], %broadcast_in_dim3A_689 : memref<128x128xf32, #tpu.memory_space<vmem>>[vector<16xi32>, vector<16xi32>], vector<16xf32>,
      %add3A_690 = arith.constant 384 : i32
      %add3A_691 = vector.broadcast %add3A_690 : i32 to vector<16xi32>
      %add3A_692 = arith.addi %add3A_691, %iota3A : vector<16xi32>
      %shift_right_arithmetic3A_693 = arith.constant 2 : i32
      %shift_right_arithmetic3A_694 = vector.broadcast %shift_right_arithmetic3A_693 : i32 to vector<16xi32>
      %shift_right_arithmetic3A_695 = arith.shrsi %add3A_692, %shift_right_arithmetic3A_694 : vector<16xi32>
      %and3A_696 = arith.constant 3 : i32
      %and3A_697 = vector.broadcast %and3A_696 : i32 to vector<16xi32>
      %and3A_698 = arith.andi %add3A_692, %and3A_697 : vector<16xi32>
      %broadcast_in_dim3A_699 = arith.constant 0.000000e+00 : f32
      %broadcast_in_dim3A_700 = vector.broadcast %broadcast_in_dim3A_699 : f32 to vector<16xf32>
      tpu.vector_store_idx %arg7[%shift_right_arithmetic3A_695, %and3A_698], %broadcast_in_dim3A_700 : memref<128x128xf32, #tpu.memory_space<vmem>>[vector<16xi32>, vector<16xi32>], vector<16xf32>,
      %add3A_701 = arith.constant 400 : i32
      %add3A_702 = vector.broadcast %add3A_701 : i32 to vector<16xi32>
      %add3A_703 = arith.addi %add3A_702, %iota3A : vector<16xi32>
      %shift_right_arithmetic3A_704 = arith.constant 2 : i32
      %shift_right_arithmetic3A_705 = vector.broadcast %shift_right_arithmetic3A_704 : i32 to vector<16xi32>
      %shift_right_arithmetic3A_706 = arith.shrsi %add3A_703, %shift_right_arithmetic3A_705 : vector<16xi32>
      %and3A_707 = arith.constant 3 : i32
      %and3A_708 = vector.broadcast %and3A_707 : i32 to vector<16xi32>
      %and3A_709 = arith.andi %add3A_703, %and3A_708 : vector<16xi32>
      %broadcast_in_dim3A_710 = arith.constant 0.000000e+00 : f32
      %broadcast_in_dim3A_711 = vector.broadcast %broadcast_in_dim3A_710 : f32 to vector<16xf32>
      tpu.vector_store_idx %arg7[%shift_right_arithmetic3A_706, %and3A_709], %broadcast_in_dim3A_711 : memref<128x128xf32, #tpu.memory_space<vmem>>[vector<16xi32>, vector<16xi32>], vector<16xf32>,
      %add3A_712 = arith.constant 416 : i32
      %add3A_713 = vector.broadcast %add3A_712 : i32 to vector<16xi32>
      %add3A_714 = arith.addi %add3A_713, %iota3A : vector<16xi32>
      %shift_right_arithmetic3A_715 = arith.constant 2 : i32
      %shift_right_arithmetic3A_716 = vector.broadcast %shift_right_arithmetic3A_715 : i32 to vector<16xi32>
      %shift_right_arithmetic3A_717 = arith.shrsi %add3A_714, %shift_right_arithmetic3A_716 : vector<16xi32>
      %and3A_718 = arith.constant 3 : i32
      %and3A_719 = vector.broadcast %and3A_718 : i32 to vector<16xi32>
      %and3A_720 = arith.andi %add3A_714, %and3A_719 : vector<16xi32>
      %broadcast_in_dim3A_721 = arith.constant 0.000000e+00 : f32
      %broadcast_in_dim3A_722 = vector.broadcast %broadcast_in_dim3A_721 : f32 to vector<16xf32>
      tpu.vector_store_idx %arg7[%shift_right_arithmetic3A_717, %and3A_720], %broadcast_in_dim3A_722 : memref<128x128xf32, #tpu.memory_space<vmem>>[vector<16xi32>, vector<16xi32>], vector<16xf32>,
      %add3A_723 = arith.constant 432 : i32
      %add3A_724 = vector.broadcast %add3A_723 : i32 to vector<16xi32>
      %add3A_725 = arith.addi %add3A_724, %iota3A : vector<16xi32>
      %shift_right_arithmetic3A_726 = arith.constant 2 : i32
      %shift_right_arithmetic3A_727 = vector.broadcast %shift_right_arithmetic3A_726 : i32 to vector<16xi32>
      %shift_right_arithmetic3A_728 = arith.shrsi %add3A_725, %shift_right_arithmetic3A_727 : vector<16xi32>
      %and3A_729 = arith.constant 3 : i32
      %and3A_730 = vector.broadcast %and3A_729 : i32 to vector<16xi32>
      %and3A_731 = arith.andi %add3A_725, %and3A_730 : vector<16xi32>
      %broadcast_in_dim3A_732 = arith.constant 0.000000e+00 : f32
      %broadcast_in_dim3A_733 = vector.broadcast %broadcast_in_dim3A_732 : f32 to vector<16xf32>
      tpu.vector_store_idx %arg7[%shift_right_arithmetic3A_728, %and3A_731], %broadcast_in_dim3A_733 : memref<128x128xf32, #tpu.memory_space<vmem>>[vector<16xi32>, vector<16xi32>], vector<16xf32>,
      %add3A_734 = arith.constant 448 : i32
      %add3A_735 = vector.broadcast %add3A_734 : i32 to vector<16xi32>
      %add3A_736 = arith.addi %add3A_735, %iota3A : vector<16xi32>
      %shift_right_arithmetic3A_737 = arith.constant 2 : i32
      %shift_right_arithmetic3A_738 = vector.broadcast %shift_right_arithmetic3A_737 : i32 to vector<16xi32>
      %shift_right_arithmetic3A_739 = arith.shrsi %add3A_736, %shift_right_arithmetic3A_738 : vector<16xi32>
      %and3A_740 = arith.constant 3 : i32
      %and3A_741 = vector.broadcast %and3A_740 : i32 to vector<16xi32>
      %and3A_742 = arith.andi %add3A_736, %and3A_741 : vector<16xi32>
      %broadcast_in_dim3A_743 = arith.constant 0.000000e+00 : f32
      %broadcast_in_dim3A_744 = vector.broadcast %broadcast_in_dim3A_743 : f32 to vector<16xf32>
      tpu.vector_store_idx %arg7[%shift_right_arithmetic3A_739, %and3A_742], %broadcast_in_dim3A_744 : memref<128x128xf32, #tpu.memory_space<vmem>>[vector<16xi32>, vector<16xi32>], vector<16xf32>,
      %add3A_745 = arith.constant 464 : i32
      %add3A_746 = vector.broadcast %add3A_745 : i32 to vector<16xi32>
      %add3A_747 = arith.addi %add3A_746, %iota3A : vector<16xi32>
      %shift_right_arithmetic3A_748 = arith.constant 2 : i32
      %shift_right_arithmetic3A_749 = vector.broadcast %shift_right_arithmetic3A_748 : i32 to vector<16xi32>
      %shift_right_arithmetic3A_750 = arith.shrsi %add3A_747, %shift_right_arithmetic3A_749 : vector<16xi32>
      %and3A_751 = arith.constant 3 : i32
      %and3A_752 = vector.broadcast %and3A_751 : i32 to vector<16xi32>
      %and3A_753 = arith.andi %add3A_747, %and3A_752 : vector<16xi32>
      %broadcast_in_dim3A_754 = arith.constant 0.000000e+00 : f32
      %broadcast_in_dim3A_755 = vector.broadcast %broadcast_in_dim3A_754 : f32 to vector<16xf32>
      tpu.vector_store_idx %arg7[%shift_right_arithmetic3A_750, %and3A_753], %broadcast_in_dim3A_755 : memref<128x128xf32, #tpu.memory_space<vmem>>[vector<16xi32>, vector<16xi32>], vector<16xf32>,
      %add3A_756 = arith.constant 480 : i32
      %add3A_757 = vector.broadcast %add3A_756 : i32 to vector<16xi32>
      %add3A_758 = arith.addi %add3A_757, %iota3A : vector<16xi32>
      %shift_right_arithmetic3A_759 = arith.constant 2 : i32
      %shift_right_arithmetic3A_760 = vector.broadcast %shift_right_arithmetic3A_759 : i32 to vector<16xi32>
      %shift_right_arithmetic3A_761 = arith.shrsi %add3A_758, %shift_right_arithmetic3A_760 : vector<16xi32>
      %and3A_762 = arith.constant 3 : i32
      %and3A_763 = vector.broadcast %and3A_762 : i32 to vector<16xi32>
      %and3A_764 = arith.andi %add3A_758, %and3A_763 : vector<16xi32>
      %broadcast_in_dim3A_765 = arith.constant 0.000000e+00 : f32
      %broadcast_in_dim3A_766 = vector.broadcast %broadcast_in_dim3A_765 : f32 to vector<16xf32>
      tpu.vector_store_idx %arg7[%shift_right_arithmetic3A_761, %and3A_764], %broadcast_in_dim3A_766 : memref<128x128xf32, #tpu.memory_space<vmem>>[vector<16xi32>, vector<16xi32>], vector<16xf32>,
      %add3A_767 = arith.constant 496 : i32
      %add3A_768 = vector.broadcast %add3A_767 : i32 to vector<16xi32>
      %add3A_769 = arith.addi %add3A_768, %iota3A : vector<16xi32>
      %shift_right_arithmetic3A_770 = arith.constant 2 : i32
      %shift_right_arithmetic3A_771 = vector.broadcast %shift_right_arithmetic3A_770 : i32 to vector<16xi32>
      %shift_right_arithmetic3A_772 = arith.shrsi %add3A_769, %shift_right_arithmetic3A_771 : vector<16xi32>
      %and3A_773 = arith.constant 3 : i32
      %and3A_774 = vector.broadcast %and3A_773 : i32 to vector<16xi32>
      %and3A_775 = arith.andi %add3A_769, %and3A_774 : vector<16xi32>
      %broadcast_in_dim3A_776 = arith.constant 0.000000e+00 : f32
      %broadcast_in_dim3A_777 = vector.broadcast %broadcast_in_dim3A_776 : f32 to vector<16xf32>
      tpu.vector_store_idx %arg7[%shift_right_arithmetic3A_772, %and3A_775], %broadcast_in_dim3A_777 : memref<128x128xf32, #tpu.memory_space<vmem>>[vector<16xi32>, vector<16xi32>], vector<16xf32>,
      %while3A_778 = arith.constant 0 : i32
      scf.yield %while3A_778 : i32
    }
    %while3A_36 = arith.constant 1 : i32
    %while3A_37 = scf.for %while3A_59 = %while3A_33 to %while3A_29 step %while3A_36 iter_args(%while3A_60 = %while3A_35) -> (i32)  : i32 {
      %mul3A_61 = arith.muli %while3A_59, %while3A : i32
      %add3A_62 = arith.addi %while3A_25, %mul3A_61 : i32
      %mul3A_63 = arith.constant 32 : i32
      %mul3A_64 = arith.muli %mul3A_63, %add3A_62 : i32
      %add3A_65 = arith.addi %add3A, %mul3A_64 : i32
      %mul3A_66 = arith.constant 128 : i32
      %mul3A_67 = arith.muli %add3A_65, %mul3A_66 : i32
      %mul3A_68 = arith.constant 4 : i32
      %mul3A_69 = arith.muli %mul3A_67, %mul3A_68 : i32
      %dma_start3A = tpu.memref_slice %arg2[%mul3A_69] : memref<640000xf32, #tpu.memory_space<hbm>> -> memref<512xf32, #tpu.memory_space<hbm>>
      %dma_start3A_70 = tpu.memref_slice %arg2[%mul3A_69] : memref<640000xf32, #tpu.memory_space<hbm>> -> memref<512xf32, #tpu.memory_space<hbm>>
      tpu.enqueue_dma source(%dma_start3A_70 : memref<512xf32, #tpu.memory_space<hbm>>) target(%arg5 : memref<512xf32, #tpu.memory_space<vmem>>) target_semaphore(%arg9 : memref<!tpu.dma_semaphore, #tpu.memory_space<semaphore_mem>>)
      %mul3A_71 = arith.constant 128 : i32
      %mul3A_72 = arith.muli %add3A_65, %mul3A_71 : i32
      %dma_start3A_73 = tpu.memref_slice %arg3[%mul3A_72] : memref<160000xi32, #tpu.memory_space<hbm>> -> memref<128xi32, #tpu.memory_space<hbm>>
      %dma_start3A_74 = tpu.memref_slice %arg3[%mul3A_72] : memref<160000xi32, #tpu.memory_space<hbm>> -> memref<128xi32, #tpu.memory_space<hbm>>
      tpu.enqueue_dma source(%dma_start3A_74 : memref<128xi32, #tpu.memory_space<hbm>>) target(%arg6 : memref<128xi32, #tpu.memory_space<vmem>>) target_semaphore(%arg10 : memref<!tpu.dma_semaphore, #tpu.memory_space<semaphore_mem>>)
      %dma_wait3A = tpu.memref_slice %arg2[%mul3A_69] : memref<640000xf32, #tpu.memory_space<hbm>> -> memref<512xf32, #tpu.memory_space<hbm>>
      %dma_wait3A_75 = tpu.memref_slice %arg2[%mul3A_69] : memref<640000xf32, #tpu.memory_space<hbm>> -> memref<512xf32, #tpu.memory_space<hbm>>
      tpu.wait_dma2 semaphore(%arg9 : memref<!tpu.dma_semaphore, #tpu.memory_space<semaphore_mem>>) src(%dma_wait3A_75 : memref<512xf32, #tpu.memory_space<hbm>>) dst(%arg5 : memref<512xf32, #tpu.memory_space<vmem>>)
      %add3A_76 = arith.constant 0 : i32
      %add3A_77 = vector.broadcast %add3A_76 : i32 to vector<16xi32>
      %add3A_78 = arith.addi %add3A_77, %iota3A : vector<16xi32>
      %shift_right_arithmetic3A = arith.constant 2 : i32
      %shift_right_arithmetic3A_79 = vector.broadcast %shift_right_arithmetic3A : i32 to vector<16xi32>
      %shift_right_arithmetic3A_80 = arith.shrsi %add3A_78, %shift_right_arithmetic3A_79 : vector<16xi32>
      %and3A = arith.constant 3 : i32
      %and3A_81 = vector.broadcast %and3A : i32 to vector<16xi32>
      %and3A_82 = arith.andi %add3A_78, %and3A_81 : vector<16xi32>
      %get3A = arith.constant 0 : index
      %get3A_83 = tpu.vector_load %arg5[%get3A] {strides = array<i32>} : memref<512xf32, #tpu.memory_space<vmem>>, vector<16xf32>,
      tpu.vector_store_idx %arg7[%shift_right_arithmetic3A_80, %and3A_82], %get3A_83 : memref<128x128xf32, #tpu.memory_space<vmem>>[vector<16xi32>, vector<16xi32>], vector<16xf32>,
      %add3A_84 = arith.constant 16 : i32
      %add3A_85 = vector.broadcast %add3A_84 : i32 to vector<16xi32>
      %add3A_86 = arith.addi %add3A_85, %iota3A : vector<16xi32>
      %shift_right_arithmetic3A_87 = arith.constant 2 : i32
      %shift_right_arithmetic3A_88 = vector.broadcast %shift_right_arithmetic3A_87 : i32 to vector<16xi32>
      %shift_right_arithmetic3A_89 = arith.shrsi %add3A_86, %shift_right_arithmetic3A_88 : vector<16xi32>
      %and3A_90 = arith.constant 3 : i32
      %and3A_91 = vector.broadcast %and3A_90 : i32 to vector<16xi32>
      %and3A_92 = arith.andi %add3A_86, %and3A_91 : vector<16xi32>
      %get3A_93 = arith.constant 16 : index
      %get3A_94 = tpu.vector_load %arg5[%get3A_93] {strides = array<i32>} : memref<512xf32, #tpu.memory_space<vmem>>, vector<16xf32>,
      tpu.vector_store_idx %arg7[%shift_right_arithmetic3A_89, %and3A_92], %get3A_94 : memref<128x128xf32, #tpu.memory_space<vmem>>[vector<16xi32>, vector<16xi32>], vector<16xf32>,
      %add3A_95 = arith.constant 32 : i32
      %add3A_96 = vector.broadcast %add3A_95 : i32 to vector<16xi32>
      %add3A_97 = arith.addi %add3A_96, %iota3A : vector<16xi32>
      %shift_right_arithmetic3A_98 = arith.constant 2 : i32
      %shift_right_arithmetic3A_99 = vector.broadcast %shift_right_arithmetic3A_98 : i32 to vector<16xi32>
      %shift_right_arithmetic3A_100 = arith.shrsi %add3A_97, %shift_right_arithmetic3A_99 : vector<16xi32>
      %and3A_101 = arith.constant 3 : i32
      %and3A_102 = vector.broadcast %and3A_101 : i32 to vector<16xi32>
      %and3A_103 = arith.andi %add3A_97, %and3A_102 : vector<16xi32>
      %get3A_104 = arith.constant 32 : index
      %get3A_105 = tpu.vector_load %arg5[%get3A_104] {strides = array<i32>} : memref<512xf32, #tpu.memory_space<vmem>>, vector<16xf32>,
      tpu.vector_store_idx %arg7[%shift_right_arithmetic3A_100, %and3A_103], %get3A_105 : memref<128x128xf32, #tpu.memory_space<vmem>>[vector<16xi32>, vector<16xi32>], vector<16xf32>,
      %add3A_106 = arith.constant 48 : i32
      %add3A_107 = vector.broadcast %add3A_106 : i32 to vector<16xi32>
      %add3A_108 = arith.addi %add3A_107, %iota3A : vector<16xi32>
      %shift_right_arithmetic3A_109 = arith.constant 2 : i32
      %shift_right_arithmetic3A_110 = vector.broadcast %shift_right_arithmetic3A_109 : i32 to vector<16xi32>
      %shift_right_arithmetic3A_111 = arith.shrsi %add3A_108, %shift_right_arithmetic3A_110 : vector<16xi32>
      %and3A_112 = arith.constant 3 : i32
      %and3A_113 = vector.broadcast %and3A_112 : i32 to vector<16xi32>
      %and3A_114 = arith.andi %add3A_108, %and3A_113 : vector<16xi32>
      %get3A_115 = arith.constant 48 : index
      %get3A_116 = tpu.vector_load %arg5[%get3A_115] {strides = array<i32>} : memref<512xf32, #tpu.memory_space<vmem>>, vector<16xf32>,
      tpu.vector_store_idx %arg7[%shift_right_arithmetic3A_111, %and3A_114], %get3A_116 : memref<128x128xf32, #tpu.memory_space<vmem>>[vector<16xi32>, vector<16xi32>], vector<16xf32>,
      %add3A_117 = arith.constant 64 : i32
      %add3A_118 = vector.broadcast %add3A_117 : i32 to vector<16xi32>
      %add3A_119 = arith.addi %add3A_118, %iota3A : vector<16xi32>
      %shift_right_arithmetic3A_120 = arith.constant 2 : i32
      %shift_right_arithmetic3A_121 = vector.broadcast %shift_right_arithmetic3A_120 : i32 to vector<16xi32>
      %shift_right_arithmetic3A_122 = arith.shrsi %add3A_119, %shift_right_arithmetic3A_121 : vector<16xi32>
      %and3A_123 = arith.constant 3 : i32
      %and3A_124 = vector.broadcast %and3A_123 : i32 to vector<16xi32>
      %and3A_125 = arith.andi %add3A_119, %and3A_124 : vector<16xi32>
      %get3A_126 = arith.constant 64 : index
      %get3A_127 = tpu.vector_load %arg5[%get3A_126] {strides = array<i32>} : memref<512xf32, #tpu.memory_space<vmem>>, vector<16xf32>,
      tpu.vector_store_idx %arg7[%shift_right_arithmetic3A_122, %and3A_125], %get3A_127 : memref<128x128xf32, #tpu.memory_space<vmem>>[vector<16xi32>, vector<16xi32>], vector<16xf32>,
      %add3A_128 = arith.constant 80 : i32
      %add3A_129 = vector.broadcast %add3A_128 : i32 to vector<16xi32>
      %add3A_130 = arith.addi %add3A_129, %iota3A : vector<16xi32>
      %shift_right_arithmetic3A_131 = arith.constant 2 : i32
      %shift_right_arithmetic3A_132 = vector.broadcast %shift_right_arithmetic3A_131 : i32 to vector<16xi32>
      %shift_right_arithmetic3A_133 = arith.shrsi %add3A_130, %shift_right_arithmetic3A_132 : vector<16xi32>
      %and3A_134 = arith.constant 3 : i32
      %and3A_135 = vector.broadcast %and3A_134 : i32 to vector<16xi32>
      %and3A_136 = arith.andi %add3A_130, %and3A_135 : vector<16xi32>
      %get3A_137 = arith.constant 80 : index
      %get3A_138 = tpu.vector_load %arg5[%get3A_137] {strides = array<i32>} : memref<512xf32, #tpu.memory_space<vmem>>, vector<16xf32>,
      tpu.vector_store_idx %arg7[%shift_right_arithmetic3A_133, %and3A_136], %get3A_138 : memref<128x128xf32, #tpu.memory_space<vmem>>[vector<16xi32>, vector<16xi32>], vector<16xf32>,
      %add3A_139 = arith.constant 96 : i32
      %add3A_140 = vector.broadcast %add3A_139 : i32 to vector<16xi32>
      %add3A_141 = arith.addi %add3A_140, %iota3A : vector<16xi32>
      %shift_right_arithmetic3A_142 = arith.constant 2 : i32
      %shift_right_arithmetic3A_143 = vector.broadcast %shift_right_arithmetic3A_142 : i32 to vector<16xi32>
      %shift_right_arithmetic3A_144 = arith.shrsi %add3A_141, %shift_right_arithmetic3A_143 : vector<16xi32>
      %and3A_145 = arith.constant 3 : i32
      %and3A_146 = vector.broadcast %and3A_145 : i32 to vector<16xi32>
      %and3A_147 = arith.andi %add3A_141, %and3A_146 : vector<16xi32>
      %get3A_148 = arith.constant 96 : index
      %get3A_149 = tpu.vector_load %arg5[%get3A_148] {strides = array<i32>} : memref<512xf32, #tpu.memory_space<vmem>>, vector<16xf32>,
      tpu.vector_store_idx %arg7[%shift_right_arithmetic3A_144, %and3A_147], %get3A_149 : memref<128x128xf32, #tpu.memory_space<vmem>>[vector<16xi32>, vector<16xi32>], vector<16xf32>,
      %add3A_150 = arith.constant 112 : i32
      %add3A_151 = vector.broadcast %add3A_150 : i32 to vector<16xi32>
      %add3A_152 = arith.addi %add3A_151, %iota3A : vector<16xi32>
      %shift_right_arithmetic3A_153 = arith.constant 2 : i32
      %shift_right_arithmetic3A_154 = vector.broadcast %shift_right_arithmetic3A_153 : i32 to vector<16xi32>
      %shift_right_arithmetic3A_155 = arith.shrsi %add3A_152, %shift_right_arithmetic3A_154 : vector<16xi32>
      %and3A_156 = arith.constant 3 : i32
      %and3A_157 = vector.broadcast %and3A_156 : i32 to vector<16xi32>
      %and3A_158 = arith.andi %add3A_152, %and3A_157 : vector<16xi32>
      %get3A_159 = arith.constant 112 : index
      %get3A_160 = tpu.vector_load %arg5[%get3A_159] {strides = array<i32>} : memref<512xf32, #tpu.memory_space<vmem>>, vector<16xf32>,
      tpu.vector_store_idx %arg7[%shift_right_arithmetic3A_155, %and3A_158], %get3A_160 : memref<128x128xf32, #tpu.memory_space<vmem>>[vector<16xi32>, vector<16xi32>], vector<16xf32>,
      %add3A_161 = arith.constant 128 : i32
      %add3A_162 = vector.broadcast %add3A_161 : i32 to vector<16xi32>
      %add3A_163 = arith.addi %add3A_162, %iota3A : vector<16xi32>
      %shift_right_arithmetic3A_164 = arith.constant 2 : i32
      %shift_right_arithmetic3A_165 = vector.broadcast %shift_right_arithmetic3A_164 : i32 to vector<16xi32>
      %shift_right_arithmetic3A_166 = arith.shrsi %add3A_163, %shift_right_arithmetic3A_165 : vector<16xi32>
      %and3A_167 = arith.constant 3 : i32
      %and3A_168 = vector.broadcast %and3A_167 : i32 to vector<16xi32>
      %and3A_169 = arith.andi %add3A_163, %and3A_168 : vector<16xi32>
      %get3A_170 = arith.constant 128 : index
      %get3A_171 = tpu.vector_load %arg5[%get3A_170] {strides = array<i32>} : memref<512xf32, #tpu.memory_space<vmem>>, vector<16xf32>,
      tpu.vector_store_idx %arg7[%shift_right_arithmetic3A_166, %and3A_169], %get3A_171 : memref<128x128xf32, #tpu.memory_space<vmem>>[vector<16xi32>, vector<16xi32>], vector<16xf32>,
      %add3A_172 = arith.constant 144 : i32
      %add3A_173 = vector.broadcast %add3A_172 : i32 to vector<16xi32>
      %add3A_174 = arith.addi %add3A_173, %iota3A : vector<16xi32>
      %shift_right_arithmetic3A_175 = arith.constant 2 : i32
      %shift_right_arithmetic3A_176 = vector.broadcast %shift_right_arithmetic3A_175 : i32 to vector<16xi32>
      %shift_right_arithmetic3A_177 = arith.shrsi %add3A_174, %shift_right_arithmetic3A_176 : vector<16xi32>
      %and3A_178 = arith.constant 3 : i32
      %and3A_179 = vector.broadcast %and3A_178 : i32 to vector<16xi32>
      %and3A_180 = arith.andi %add3A_174, %and3A_179 : vector<16xi32>
      %get3A_181 = arith.constant 144 : index
      %get3A_182 = tpu.vector_load %arg5[%get3A_181] {strides = array<i32>} : memref<512xf32, #tpu.memory_space<vmem>>, vector<16xf32>,
      tpu.vector_store_idx %arg7[%shift_right_arithmetic3A_177, %and3A_180], %get3A_182 : memref<128x128xf32, #tpu.memory_space<vmem>>[vector<16xi32>, vector<16xi32>], vector<16xf32>,
      %add3A_183 = arith.constant 160 : i32
      %add3A_184 = vector.broadcast %add3A_183 : i32 to vector<16xi32>
      %add3A_185 = arith.addi %add3A_184, %iota3A : vector<16xi32>
      %shift_right_arithmetic3A_186 = arith.constant 2 : i32
      %shift_right_arithmetic3A_187 = vector.broadcast %shift_right_arithmetic3A_186 : i32 to vector<16xi32>
      %shift_right_arithmetic3A_188 = arith.shrsi %add3A_185, %shift_right_arithmetic3A_187 : vector<16xi32>
      %and3A_189 = arith.constant 3 : i32
      %and3A_190 = vector.broadcast %and3A_189 : i32 to vector<16xi32>
      %and3A_191 = arith.andi %add3A_185, %and3A_190 : vector<16xi32>
      %get3A_192 = arith.constant 160 : index
      %get3A_193 = tpu.vector_load %arg5[%get3A_192] {strides = array<i32>} : memref<512xf32, #tpu.memory_space<vmem>>, vector<16xf32>,
      tpu.vector_store_idx %arg7[%shift_right_arithmetic3A_188, %and3A_191], %get3A_193 : memref<128x128xf32, #tpu.memory_space<vmem>>[vector<16xi32>, vector<16xi32>], vector<16xf32>,
      %add3A_194 = arith.constant 176 : i32
      %add3A_195 = vector.broadcast %add3A_194 : i32 to vector<16xi32>
      %add3A_196 = arith.addi %add3A_195, %iota3A : vector<16xi32>
      %shift_right_arithmetic3A_197 = arith.constant 2 : i32
      %shift_right_arithmetic3A_198 = vector.broadcast %shift_right_arithmetic3A_197 : i32 to vector<16xi32>
      %shift_right_arithmetic3A_199 = arith.shrsi %add3A_196, %shift_right_arithmetic3A_198 : vector<16xi32>
      %and3A_200 = arith.constant 3 : i32
      %and3A_201 = vector.broadcast %and3A_200 : i32 to vector<16xi32>
      %and3A_202 = arith.andi %add3A_196, %and3A_201 : vector<16xi32>
      %get3A_203 = arith.constant 176 : index
      %get3A_204 = tpu.vector_load %arg5[%get3A_203] {strides = array<i32>} : memref<512xf32, #tpu.memory_space<vmem>>, vector<16xf32>,
      tpu.vector_store_idx %arg7[%shift_right_arithmetic3A_199, %and3A_202], %get3A_204 : memref<128x128xf32, #tpu.memory_space<vmem>>[vector<16xi32>, vector<16xi32>], vector<16xf32>,
      %add3A_205 = arith.constant 192 : i32
      %add3A_206 = vector.broadcast %add3A_205 : i32 to vector<16xi32>
      %add3A_207 = arith.addi %add3A_206, %iota3A : vector<16xi32>
      %shift_right_arithmetic3A_208 = arith.constant 2 : i32
      %shift_right_arithmetic3A_209 = vector.broadcast %shift_right_arithmetic3A_208 : i32 to vector<16xi32>
      %shift_right_arithmetic3A_210 = arith.shrsi %add3A_207, %shift_right_arithmetic3A_209 : vector<16xi32>
      %and3A_211 = arith.constant 3 : i32
      %and3A_212 = vector.broadcast %and3A_211 : i32 to vector<16xi32>
      %and3A_213 = arith.andi %add3A_207, %and3A_212 : vector<16xi32>
      %get3A_214 = arith.constant 192 : index
      %get3A_215 = tpu.vector_load %arg5[%get3A_214] {strides = array<i32>} : memref<512xf32, #tpu.memory_space<vmem>>, vector<16xf32>,
      tpu.vector_store_idx %arg7[%shift_right_arithmetic3A_210, %and3A_213], %get3A_215 : memref<128x128xf32, #tpu.memory_space<vmem>>[vector<16xi32>, vector<16xi32>], vector<16xf32>,
      %add3A_216 = arith.constant 208 : i32
      %add3A_217 = vector.broadcast %add3A_216 : i32 to vector<16xi32>
      %add3A_218 = arith.addi %add3A_217, %iota3A : vector<16xi32>
      %shift_right_arithmetic3A_219 = arith.constant 2 : i32
      %shift_right_arithmetic3A_220 = vector.broadcast %shift_right_arithmetic3A_219 : i32 to vector<16xi32>
      %shift_right_arithmetic3A_221 = arith.shrsi %add3A_218, %shift_right_arithmetic3A_220 : vector<16xi32>
      %and3A_222 = arith.constant 3 : i32
      %and3A_223 = vector.broadcast %and3A_222 : i32 to vector<16xi32>
      %and3A_224 = arith.andi %add3A_218, %and3A_223 : vector<16xi32>
      %get3A_225 = arith.constant 208 : index
      %get3A_226 = tpu.vector_load %arg5[%get3A_225] {strides = array<i32>} : memref<512xf32, #tpu.memory_space<vmem>>, vector<16xf32>,
      tpu.vector_store_idx %arg7[%shift_right_arithmetic3A_221, %and3A_224], %get3A_226 : memref<128x128xf32, #tpu.memory_space<vmem>>[vector<16xi32>, vector<16xi32>], vector<16xf32>,
      %add3A_227 = arith.constant 224 : i32
      %add3A_228 = vector.broadcast %add3A_227 : i32 to vector<16xi32>
      %add3A_229 = arith.addi %add3A_228, %iota3A : vector<16xi32>
      %shift_right_arithmetic3A_230 = arith.constant 2 : i32
      %shift_right_arithmetic3A_231 = vector.broadcast %shift_right_arithmetic3A_230 : i32 to vector<16xi32>
      %shift_right_arithmetic3A_232 = arith.shrsi %add3A_229, %shift_right_arithmetic3A_231 : vector<16xi32>
      %and3A_233 = arith.constant 3 : i32
      %and3A_234 = vector.broadcast %and3A_233 : i32 to vector<16xi32>
      %and3A_235 = arith.andi %add3A_229, %and3A_234 : vector<16xi32>
      %get3A_236 = arith.constant 224 : index
      %get3A_237 = tpu.vector_load %arg5[%get3A_236] {strides = array<i32>} : memref<512xf32, #tpu.memory_space<vmem>>, vector<16xf32>,
      tpu.vector_store_idx %arg7[%shift_right_arithmetic3A_232, %and3A_235], %get3A_237 : memref<128x128xf32, #tpu.memory_space<vmem>>[vector<16xi32>, vector<16xi32>], vector<16xf32>,
      %add3A_238 = arith.constant 240 : i32
      %add3A_239 = vector.broadcast %add3A_238 : i32 to vector<16xi32>
      %add3A_240 = arith.addi %add3A_239, %iota3A : vector<16xi32>
      %shift_right_arithmetic3A_241 = arith.constant 2 : i32
      %shift_right_arithmetic3A_242 = vector.broadcast %shift_right_arithmetic3A_241 : i32 to vector<16xi32>
      %shift_right_arithmetic3A_243 = arith.shrsi %add3A_240, %shift_right_arithmetic3A_242 : vector<16xi32>
      %and3A_244 = arith.constant 3 : i32
      %and3A_245 = vector.broadcast %and3A_244 : i32 to vector<16xi32>
      %and3A_246 = arith.andi %add3A_240, %and3A_245 : vector<16xi32>
      %get3A_247 = arith.constant 240 : index
      %get3A_248 = tpu.vector_load %arg5[%get3A_247] {strides = array<i32>} : memref<512xf32, #tpu.memory_space<vmem>>, vector<16xf32>,
      tpu.vector_store_idx %arg7[%shift_right_arithmetic3A_243, %and3A_246], %get3A_248 : memref<128x128xf32, #tpu.memory_space<vmem>>[vector<16xi32>, vector<16xi32>], vector<16xf32>,
      %add3A_249 = arith.constant 256 : i32
      %add3A_250 = vector.broadcast %add3A_249 : i32 to vector<16xi32>
      %add3A_251 = arith.addi %add3A_250, %iota3A : vector<16xi32>
      %shift_right_arithmetic3A_252 = arith.constant 2 : i32
      %shift_right_arithmetic3A_253 = vector.broadcast %shift_right_arithmetic3A_252 : i32 to vector<16xi32>
      %shift_right_arithmetic3A_254 = arith.shrsi %add3A_251, %shift_right_arithmetic3A_253 : vector<16xi32>
      %and3A_255 = arith.constant 3 : i32
      %and3A_256 = vector.broadcast %and3A_255 : i32 to vector<16xi32>
      %and3A_257 = arith.andi %add3A_251, %and3A_256 : vector<16xi32>
      %get3A_258 = arith.constant 256 : index
      %get3A_259 = tpu.vector_load %arg5[%get3A_258] {strides = array<i32>} : memref<512xf32, #tpu.memory_space<vmem>>, vector<16xf32>,
      tpu.vector_store_idx %arg7[%shift_right_arithmetic3A_254, %and3A_257], %get3A_259 : memref<128x128xf32, #tpu.memory_space<vmem>>[vector<16xi32>, vector<16xi32>], vector<16xf32>,
      %add3A_260 = arith.constant 272 : i32
      %add3A_261 = vector.broadcast %add3A_260 : i32 to vector<16xi32>
      %add3A_262 = arith.addi %add3A_261, %iota3A : vector<16xi32>
      %shift_right_arithmetic3A_263 = arith.constant 2 : i32
      %shift_right_arithmetic3A_264 = vector.broadcast %shift_right_arithmetic3A_263 : i32 to vector<16xi32>
      %shift_right_arithmetic3A_265 = arith.shrsi %add3A_262, %shift_right_arithmetic3A_264 : vector<16xi32>
      %and3A_266 = arith.constant 3 : i32
      %and3A_267 = vector.broadcast %and3A_266 : i32 to vector<16xi32>
      %and3A_268 = arith.andi %add3A_262, %and3A_267 : vector<16xi32>
      %get3A_269 = arith.constant 272 : index
      %get3A_270 = tpu.vector_load %arg5[%get3A_269] {strides = array<i32>} : memref<512xf32, #tpu.memory_space<vmem>>, vector<16xf32>,
      tpu.vector_store_idx %arg7[%shift_right_arithmetic3A_265, %and3A_268], %get3A_270 : memref<128x128xf32, #tpu.memory_space<vmem>>[vector<16xi32>, vector<16xi32>], vector<16xf32>,
      %add3A_271 = arith.constant 288 : i32
      %add3A_272 = vector.broadcast %add3A_271 : i32 to vector<16xi32>
      %add3A_273 = arith.addi %add3A_272, %iota3A : vector<16xi32>
      %shift_right_arithmetic3A_274 = arith.constant 2 : i32
      %shift_right_arithmetic3A_275 = vector.broadcast %shift_right_arithmetic3A_274 : i32 to vector<16xi32>
      %shift_right_arithmetic3A_276 = arith.shrsi %add3A_273, %shift_right_arithmetic3A_275 : vector<16xi32>
      %and3A_277 = arith.constant 3 : i32
      %and3A_278 = vector.broadcast %and3A_277 : i32 to vector<16xi32>
      %and3A_279 = arith.andi %add3A_273, %and3A_278 : vector<16xi32>
      %get3A_280 = arith.constant 288 : index
      %get3A_281 = tpu.vector_load %arg5[%get3A_280] {strides = array<i32>} : memref<512xf32, #tpu.memory_space<vmem>>, vector<16xf32>,
      tpu.vector_store_idx %arg7[%shift_right_arithmetic3A_276, %and3A_279], %get3A_281 : memref<128x128xf32, #tpu.memory_space<vmem>>[vector<16xi32>, vector<16xi32>], vector<16xf32>,
      %add3A_282 = arith.constant 304 : i32
      %add3A_283 = vector.broadcast %add3A_282 : i32 to vector<16xi32>
      %add3A_284 = arith.addi %add3A_283, %iota3A : vector<16xi32>
      %shift_right_arithmetic3A_285 = arith.constant 2 : i32
      %shift_right_arithmetic3A_286 = vector.broadcast %shift_right_arithmetic3A_285 : i32 to vector<16xi32>
      %shift_right_arithmetic3A_287 = arith.shrsi %add3A_284, %shift_right_arithmetic3A_286 : vector<16xi32>
      %and3A_288 = arith.constant 3 : i32
      %and3A_289 = vector.broadcast %and3A_288 : i32 to vector<16xi32>
      %and3A_290 = arith.andi %add3A_284, %and3A_289 : vector<16xi32>
      %get3A_291 = arith.constant 304 : index
      %get3A_292 = tpu.vector_load %arg5[%get3A_291] {strides = array<i32>} : memref<512xf32, #tpu.memory_space<vmem>>, vector<16xf32>,
      tpu.vector_store_idx %arg7[%shift_right_arithmetic3A_287, %and3A_290], %get3A_292 : memref<128x128xf32, #tpu.memory_space<vmem>>[vector<16xi32>, vector<16xi32>], vector<16xf32>,
      %add3A_293 = arith.constant 320 : i32
      %add3A_294 = vector.broadcast %add3A_293 : i32 to vector<16xi32>
      %add3A_295 = arith.addi %add3A_294, %iota3A : vector<16xi32>
      %shift_right_arithmetic3A_296 = arith.constant 2 : i32
      %shift_right_arithmetic3A_297 = vector.broadcast %shift_right_arithmetic3A_296 : i32 to vector<16xi32>
      %shift_right_arithmetic3A_298 = arith.shrsi %add3A_295, %shift_right_arithmetic3A_297 : vector<16xi32>
      %and3A_299 = arith.constant 3 : i32
      %and3A_300 = vector.broadcast %and3A_299 : i32 to vector<16xi32>
      %and3A_301 = arith.andi %add3A_295, %and3A_300 : vector<16xi32>
      %get3A_302 = arith.constant 320 : index
      %get3A_303 = tpu.vector_load %arg5[%get3A_302] {strides = array<i32>} : memref<512xf32, #tpu.memory_space<vmem>>, vector<16xf32>,
      tpu.vector_store_idx %arg7[%shift_right_arithmetic3A_298, %and3A_301], %get3A_303 : memref<128x128xf32, #tpu.memory_space<vmem>>[vector<16xi32>, vector<16xi32>], vector<16xf32>,
      %add3A_304 = arith.constant 336 : i32
      %add3A_305 = vector.broadcast %add3A_304 : i32 to vector<16xi32>
      %add3A_306 = arith.addi %add3A_305, %iota3A : vector<16xi32>
      %shift_right_arithmetic3A_307 = arith.constant 2 : i32
      %shift_right_arithmetic3A_308 = vector.broadcast %shift_right_arithmetic3A_307 : i32 to vector<16xi32>
      %shift_right_arithmetic3A_309 = arith.shrsi %add3A_306, %shift_right_arithmetic3A_308 : vector<16xi32>
      %and3A_310 = arith.constant 3 : i32
      %and3A_311 = vector.broadcast %and3A_310 : i32 to vector<16xi32>
      %and3A_312 = arith.andi %add3A_306, %and3A_311 : vector<16xi32>
      %get3A_313 = arith.constant 336 : index
      %get3A_314 = tpu.vector_load %arg5[%get3A_313] {strides = array<i32>} : memref<512xf32, #tpu.memory_space<vmem>>, vector<16xf32>,
      tpu.vector_store_idx %arg7[%shift_right_arithmetic3A_309, %and3A_312], %get3A_314 : memref<128x128xf32, #tpu.memory_space<vmem>>[vector<16xi32>, vector<16xi32>], vector<16xf32>,
      %add3A_315 = arith.constant 352 : i32
      %add3A_316 = vector.broadcast %add3A_315 : i32 to vector<16xi32>
      %add3A_317 = arith.addi %add3A_316, %iota3A : vector<16xi32>
      %shift_right_arithmetic3A_318 = arith.constant 2 : i32
      %shift_right_arithmetic3A_319 = vector.broadcast %shift_right_arithmetic3A_318 : i32 to vector<16xi32>
      %shift_right_arithmetic3A_320 = arith.shrsi %add3A_317, %shift_right_arithmetic3A_319 : vector<16xi32>
      %and3A_321 = arith.constant 3 : i32
      %and3A_322 = vector.broadcast %and3A_321 : i32 to vector<16xi32>
      %and3A_323 = arith.andi %add3A_317, %and3A_322 : vector<16xi32>
      %get3A_324 = arith.constant 352 : index
      %get3A_325 = tpu.vector_load %arg5[%get3A_324] {strides = array<i32>} : memref<512xf32, #tpu.memory_space<vmem>>, vector<16xf32>,
      tpu.vector_store_idx %arg7[%shift_right_arithmetic3A_320, %and3A_323], %get3A_325 : memref<128x128xf32, #tpu.memory_space<vmem>>[vector<16xi32>, vector<16xi32>], vector<16xf32>,
      %add3A_326 = arith.constant 368 : i32
      %add3A_327 = vector.broadcast %add3A_326 : i32 to vector<16xi32>
      %add3A_328 = arith.addi %add3A_327, %iota3A : vector<16xi32>
      %shift_right_arithmetic3A_329 = arith.constant 2 : i32
      %shift_right_arithmetic3A_330 = vector.broadcast %shift_right_arithmetic3A_329 : i32 to vector<16xi32>
      %shift_right_arithmetic3A_331 = arith.shrsi %add3A_328, %shift_right_arithmetic3A_330 : vector<16xi32>
      %and3A_332 = arith.constant 3 : i32
      %and3A_333 = vector.broadcast %and3A_332 : i32 to vector<16xi32>
      %and3A_334 = arith.andi %add3A_328, %and3A_333 : vector<16xi32>
      %get3A_335 = arith.constant 368 : index
      %get3A_336 = tpu.vector_load %arg5[%get3A_335] {strides = array<i32>} : memref<512xf32, #tpu.memory_space<vmem>>, vector<16xf32>,
      tpu.vector_store_idx %arg7[%shift_right_arithmetic3A_331, %and3A_334], %get3A_336 : memref<128x128xf32, #tpu.memory_space<vmem>>[vector<16xi32>, vector<16xi32>], vector<16xf32>,
      %add3A_337 = arith.constant 384 : i32
      %add3A_338 = vector.broadcast %add3A_337 : i32 to vector<16xi32>
      %add3A_339 = arith.addi %add3A_338, %iota3A : vector<16xi32>
      %shift_right_arithmetic3A_340 = arith.constant 2 : i32
      %shift_right_arithmetic3A_341 = vector.broadcast %shift_right_arithmetic3A_340 : i32 to vector<16xi32>
      %shift_right_arithmetic3A_342 = arith.shrsi %add3A_339, %shift_right_arithmetic3A_341 : vector<16xi32>
      %and3A_343 = arith.constant 3 : i32
      %and3A_344 = vector.broadcast %and3A_343 : i32 to vector<16xi32>
      %and3A_345 = arith.andi %add3A_339, %and3A_344 : vector<16xi32>
      %get3A_346 = arith.constant 384 : index
      %get3A_347 = tpu.vector_load %arg5[%get3A_346] {strides = array<i32>} : memref<512xf32, #tpu.memory_space<vmem>>, vector<16xf32>,
      tpu.vector_store_idx %arg7[%shift_right_arithmetic3A_342, %and3A_345], %get3A_347 : memref<128x128xf32, #tpu.memory_space<vmem>>[vector<16xi32>, vector<16xi32>], vector<16xf32>,
      %add3A_348 = arith.constant 400 : i32
      %add3A_349 = vector.broadcast %add3A_348 : i32 to vector<16xi32>
      %add3A_350 = arith.addi %add3A_349, %iota3A : vector<16xi32>
      %shift_right_arithmetic3A_351 = arith.constant 2 : i32
      %shift_right_arithmetic3A_352 = vector.broadcast %shift_right_arithmetic3A_351 : i32 to vector<16xi32>
      %shift_right_arithmetic3A_353 = arith.shrsi %add3A_350, %shift_right_arithmetic3A_352 : vector<16xi32>
      %and3A_354 = arith.constant 3 : i32
      %and3A_355 = vector.broadcast %and3A_354 : i32 to vector<16xi32>
      %and3A_356 = arith.andi %add3A_350, %and3A_355 : vector<16xi32>
      %get3A_357 = arith.constant 400 : index
      %get3A_358 = tpu.vector_load %arg5[%get3A_357] {strides = array<i32>} : memref<512xf32, #tpu.memory_space<vmem>>, vector<16xf32>,
      tpu.vector_store_idx %arg7[%shift_right_arithmetic3A_353, %and3A_356], %get3A_358 : memref<128x128xf32, #tpu.memory_space<vmem>>[vector<16xi32>, vector<16xi32>], vector<16xf32>,
      %add3A_359 = arith.constant 416 : i32
      %add3A_360 = vector.broadcast %add3A_359 : i32 to vector<16xi32>
      %add3A_361 = arith.addi %add3A_360, %iota3A : vector<16xi32>
      %shift_right_arithmetic3A_362 = arith.constant 2 : i32
      %shift_right_arithmetic3A_363 = vector.broadcast %shift_right_arithmetic3A_362 : i32 to vector<16xi32>
      %shift_right_arithmetic3A_364 = arith.shrsi %add3A_361, %shift_right_arithmetic3A_363 : vector<16xi32>
      %and3A_365 = arith.constant 3 : i32
      %and3A_366 = vector.broadcast %and3A_365 : i32 to vector<16xi32>
      %and3A_367 = arith.andi %add3A_361, %and3A_366 : vector<16xi32>
      %get3A_368 = arith.constant 416 : index
      %get3A_369 = tpu.vector_load %arg5[%get3A_368] {strides = array<i32>} : memref<512xf32, #tpu.memory_space<vmem>>, vector<16xf32>,
      tpu.vector_store_idx %arg7[%shift_right_arithmetic3A_364, %and3A_367], %get3A_369 : memref<128x128xf32, #tpu.memory_space<vmem>>[vector<16xi32>, vector<16xi32>], vector<16xf32>,
      %add3A_370 = arith.constant 432 : i32
      %add3A_371 = vector.broadcast %add3A_370 : i32 to vector<16xi32>
      %add3A_372 = arith.addi %add3A_371, %iota3A : vector<16xi32>
      %shift_right_arithmetic3A_373 = arith.constant 2 : i32
      %shift_right_arithmetic3A_374 = vector.broadcast %shift_right_arithmetic3A_373 : i32 to vector<16xi32>
      %shift_right_arithmetic3A_375 = arith.shrsi %add3A_372, %shift_right_arithmetic3A_374 : vector<16xi32>
      %and3A_376 = arith.constant 3 : i32
      %and3A_377 = vector.broadcast %and3A_376 : i32 to vector<16xi32>
      %and3A_378 = arith.andi %add3A_372, %and3A_377 : vector<16xi32>
      %get3A_379 = arith.constant 432 : index
      %get3A_380 = tpu.vector_load %arg5[%get3A_379] {strides = array<i32>} : memref<512xf32, #tpu.memory_space<vmem>>, vector<16xf32>,
      tpu.vector_store_idx %arg7[%shift_right_arithmetic3A_375, %and3A_378], %get3A_380 : memref<128x128xf32, #tpu.memory_space<vmem>>[vector<16xi32>, vector<16xi32>], vector<16xf32>,
      %add3A_381 = arith.constant 448 : i32
      %add3A_382 = vector.broadcast %add3A_381 : i32 to vector<16xi32>
      %add3A_383 = arith.addi %add3A_382, %iota3A : vector<16xi32>
      %shift_right_arithmetic3A_384 = arith.constant 2 : i32
      %shift_right_arithmetic3A_385 = vector.broadcast %shift_right_arithmetic3A_384 : i32 to vector<16xi32>
      %shift_right_arithmetic3A_386 = arith.shrsi %add3A_383, %shift_right_arithmetic3A_385 : vector<16xi32>
      %and3A_387 = arith.constant 3 : i32
      %and3A_388 = vector.broadcast %and3A_387 : i32 to vector<16xi32>
      %and3A_389 = arith.andi %add3A_383, %and3A_388 : vector<16xi32>
      %get3A_390 = arith.constant 448 : index
      %get3A_391 = tpu.vector_load %arg5[%get3A_390] {strides = array<i32>} : memref<512xf32, #tpu.memory_space<vmem>>, vector<16xf32>,
      tpu.vector_store_idx %arg7[%shift_right_arithmetic3A_386, %and3A_389], %get3A_391 : memref<128x128xf32, #tpu.memory_space<vmem>>[vector<16xi32>, vector<16xi32>], vector<16xf32>,
      %add3A_392 = arith.constant 464 : i32
      %add3A_393 = vector.broadcast %add3A_392 : i32 to vector<16xi32>
      %add3A_394 = arith.addi %add3A_393, %iota3A : vector<16xi32>
      %shift_right_arithmetic3A_395 = arith.constant 2 : i32
      %shift_right_arithmetic3A_396 = vector.broadcast %shift_right_arithmetic3A_395 : i32 to vector<16xi32>
      %shift_right_arithmetic3A_397 = arith.shrsi %add3A_394, %shift_right_arithmetic3A_396 : vector<16xi32>
      %and3A_398 = arith.constant 3 : i32
      %and3A_399 = vector.broadcast %and3A_398 : i32 to vector<16xi32>
      %and3A_400 = arith.andi %add3A_394, %and3A_399 : vector<16xi32>
      %get3A_401 = arith.constant 464 : index
      %get3A_402 = tpu.vector_load %arg5[%get3A_401] {strides = array<i32>} : memref<512xf32, #tpu.memory_space<vmem>>, vector<16xf32>,
      tpu.vector_store_idx %arg7[%shift_right_arithmetic3A_397, %and3A_400], %get3A_402 : memref<128x128xf32, #tpu.memory_space<vmem>>[vector<16xi32>, vector<16xi32>], vector<16xf32>,
      %add3A_403 = arith.constant 480 : i32
      %add3A_404 = vector.broadcast %add3A_403 : i32 to vector<16xi32>
      %add3A_405 = arith.addi %add3A_404, %iota3A : vector<16xi32>
      %shift_right_arithmetic3A_406 = arith.constant 2 : i32
      %shift_right_arithmetic3A_407 = vector.broadcast %shift_right_arithmetic3A_406 : i32 to vector<16xi32>
      %shift_right_arithmetic3A_408 = arith.shrsi %add3A_405, %shift_right_arithmetic3A_407 : vector<16xi32>
      %and3A_409 = arith.constant 3 : i32
      %and3A_410 = vector.broadcast %and3A_409 : i32 to vector<16xi32>
      %and3A_411 = arith.andi %add3A_405, %and3A_410 : vector<16xi32>
      %get3A_412 = arith.constant 480 : index
      %get3A_413 = tpu.vector_load %arg5[%get3A_412] {strides = array<i32>} : memref<512xf32, #tpu.memory_space<vmem>>, vector<16xf32>,
      tpu.vector_store_idx %arg7[%shift_right_arithmetic3A_408, %and3A_411], %get3A_413 : memref<128x128xf32, #tpu.memory_space<vmem>>[vector<16xi32>, vector<16xi32>], vector<16xf32>,
      %add3A_414 = arith.constant 496 : i32
      %add3A_415 = vector.broadcast %add3A_414 : i32 to vector<16xi32>
      %add3A_416 = arith.addi %add3A_415, %iota3A : vector<16xi32>
      %shift_right_arithmetic3A_417 = arith.constant 2 : i32
      %shift_right_arithmetic3A_418 = vector.broadcast %shift_right_arithmetic3A_417 : i32 to vector<16xi32>
      %shift_right_arithmetic3A_419 = arith.shrsi %add3A_416, %shift_right_arithmetic3A_418 : vector<16xi32>
      %and3A_420 = arith.constant 3 : i32
      %and3A_421 = vector.broadcast %and3A_420 : i32 to vector<16xi32>
      %and3A_422 = arith.andi %add3A_416, %and3A_421 : vector<16xi32>
      %get3A_423 = arith.constant 496 : index
      %get3A_424 = tpu.vector_load %arg5[%get3A_423] {strides = array<i32>} : memref<512xf32, #tpu.memory_space<vmem>>, vector<16xf32>,
      tpu.vector_store_idx %arg7[%shift_right_arithmetic3A_419, %and3A_422], %get3A_424 : memref<128x128xf32, #tpu.memory_space<vmem>>[vector<16xi32>, vector<16xi32>], vector<16xf32>,
      %dma_wait3A_425 = tpu.memref_slice %arg3[%mul3A_72] : memref<160000xi32, #tpu.memory_space<hbm>> -> memref<128xi32, #tpu.memory_space<hbm>>
      %dma_wait3A_426 = tpu.memref_slice %arg3[%mul3A_72] : memref<160000xi32, #tpu.memory_space<hbm>> -> memref<128xi32, #tpu.memory_space<hbm>>
      tpu.wait_dma2 semaphore(%arg10 : memref<!tpu.dma_semaphore, #tpu.memory_space<semaphore_mem>>) src(%dma_wait3A_426 : memref<128xi32, #tpu.memory_space<hbm>>) dst(%arg6 : memref<128xi32, #tpu.memory_space<vmem>>)
      "tpu.region"() ({
        %run_scoped3A = tpu.sem_alloc : memref<!tpu.dma_semaphore, #tpu.memory_space<semaphore_mem>>
        %dma_start3A_779 = arith.constant 0 : i32
        %dma_start3A_780 = arith.constant 0 : i32
        %dma_start3A_781 = tpu.memref_slice %arg8[%dma_start3A_779, %dma_start3A_780] : memref<10000x128xf32, #tpu.memory_space<vmem_shared>> -> memref<10000x128xf32, #tpu.memory_space<vmem_shared>>
        tpu.enqueue_indirect_dma source(%arg7 : memref<128x128xf32, #tpu.memory_space<vmem>>) target(%dma_start3A_781 : memref<10000x128xf32, #tpu.memory_space<vmem_shared>>) offsets(%arg6 : memref<128xi32, #tpu.memory_space<vmem>>) semaphore(%run_scoped3A : memref<!tpu.dma_semaphore, #tpu.memory_space<semaphore_mem>>) {add = true}
        %dma_wait3A_782 = arith.constant 0 : i32
        %dma_wait3A_783 = arith.constant 0 : i32
        %dma_wait3A_784 = tpu.memref_slice %arg8[%dma_wait3A_782, %dma_wait3A_783] : memref<10000x128xf32, #tpu.memory_space<vmem_shared>> -> memref<10000x128xf32, #tpu.memory_space<vmem_shared>>
        tpu.wait_indirect_dma semaphore(%run_scoped3A : memref<!tpu.dma_semaphore, #tpu.memory_space<semaphore_mem>>) src(%arg7 : memref<128x128xf32, #tpu.memory_space<vmem>>) dst(%dma_wait3A_784 : memref<10000x128xf32, #tpu.memory_space<vmem_shared>>)
        tpu.yield
      }) : () -> ()
      %add3A_427 = arith.constant 0 : i32
      %add3A_428 = vector.broadcast %add3A_427 : i32 to vector<16xi32>
      %add3A_429 = arith.addi %add3A_428, %iota3A : vector<16xi32>
      %shift_right_arithmetic3A_430 = arith.constant 2 : i32
      %shift_right_arithmetic3A_431 = vector.broadcast %shift_right_arithmetic3A_430 : i32 to vector<16xi32>
      %shift_right_arithmetic3A_432 = arith.shrsi %add3A_429, %shift_right_arithmetic3A_431 : vector<16xi32>
      %and3A_433 = arith.constant 3 : i32
      %and3A_434 = vector.broadcast %and3A_433 : i32 to vector<16xi32>
      %and3A_435 = arith.andi %add3A_429, %and3A_434 : vector<16xi32>
      %broadcast_in_dim3A = arith.constant 0.000000e+00 : f32
      %broadcast_in_dim3A_436 = vector.broadcast %broadcast_in_dim3A : f32 to vector<16xf32>
      tpu.vector_store_idx %arg7[%shift_right_arithmetic3A_432, %and3A_435], %broadcast_in_dim3A_436 : memref<128x128xf32, #tpu.memory_space<vmem>>[vector<16xi32>, vector<16xi32>], vector<16xf32>,
      %add3A_437 = arith.constant 16 : i32
      %add3A_438 = vector.broadcast %add3A_437 : i32 to vector<16xi32>
      %add3A_439 = arith.addi %add3A_438, %iota3A : vector<16xi32>
      %shift_right_arithmetic3A_440 = arith.constant 2 : i32
      %shift_right_arithmetic3A_441 = vector.broadcast %shift_right_arithmetic3A_440 : i32 to vector<16xi32>
      %shift_right_arithmetic3A_442 = arith.shrsi %add3A_439, %shift_right_arithmetic3A_441 : vector<16xi32>
      %and3A_443 = arith.constant 3 : i32
      %and3A_444 = vector.broadcast %and3A_443 : i32 to vector<16xi32>
      %and3A_445 = arith.andi %add3A_439, %and3A_444 : vector<16xi32>
      %broadcast_in_dim3A_446 = arith.constant 0.000000e+00 : f32
      %broadcast_in_dim3A_447 = vector.broadcast %broadcast_in_dim3A_446 : f32 to vector<16xf32>
      tpu.vector_store_idx %arg7[%shift_right_arithmetic3A_442, %and3A_445], %broadcast_in_dim3A_447 : memref<128x128xf32, #tpu.memory_space<vmem>>[vector<16xi32>, vector<16xi32>], vector<16xf32>,
      %add3A_448 = arith.constant 32 : i32
      %add3A_449 = vector.broadcast %add3A_448 : i32 to vector<16xi32>
      %add3A_450 = arith.addi %add3A_449, %iota3A : vector<16xi32>
      %shift_right_arithmetic3A_451 = arith.constant 2 : i32
      %shift_right_arithmetic3A_452 = vector.broadcast %shift_right_arithmetic3A_451 : i32 to vector<16xi32>
      %shift_right_arithmetic3A_453 = arith.shrsi %add3A_450, %shift_right_arithmetic3A_452 : vector<16xi32>
      %and3A_454 = arith.constant 3 : i32
      %and3A_455 = vector.broadcast %and3A_454 : i32 to vector<16xi32>
      %and3A_456 = arith.andi %add3A_450, %and3A_455 : vector<16xi32>
      %broadcast_in_dim3A_457 = arith.constant 0.000000e+00 : f32
      %broadcast_in_dim3A_458 = vector.broadcast %broadcast_in_dim3A_457 : f32 to vector<16xf32>
      tpu.vector_store_idx %arg7[%shift_right_arithmetic3A_453, %and3A_456], %broadcast_in_dim3A_458 : memref<128x128xf32, #tpu.memory_space<vmem>>[vector<16xi32>, vector<16xi32>], vector<16xf32>,
      %add3A_459 = arith.constant 48 : i32
      %add3A_460 = vector.broadcast %add3A_459 : i32 to vector<16xi32>
      %add3A_461 = arith.addi %add3A_460, %iota3A : vector<16xi32>
      %shift_right_arithmetic3A_462 = arith.constant 2 : i32
      %shift_right_arithmetic3A_463 = vector.broadcast %shift_right_arithmetic3A_462 : i32 to vector<16xi32>
      %shift_right_arithmetic3A_464 = arith.shrsi %add3A_461, %shift_right_arithmetic3A_463 : vector<16xi32>
      %and3A_465 = arith.constant 3 : i32
      %and3A_466 = vector.broadcast %and3A_465 : i32 to vector<16xi32>
      %and3A_467 = arith.andi %add3A_461, %and3A_466 : vector<16xi32>
      %broadcast_in_dim3A_468 = arith.constant 0.000000e+00 : f32
      %broadcast_in_dim3A_469 = vector.broadcast %broadcast_in_dim3A_468 : f32 to vector<16xf32>
      tpu.vector_store_idx %arg7[%shift_right_arithmetic3A_464, %and3A_467], %broadcast_in_dim3A_469 : memref<128x128xf32, #tpu.memory_space<vmem>>[vector<16xi32>, vector<16xi32>], vector<16xf32>,
      %add3A_470 = arith.constant 64 : i32
      %add3A_471 = vector.broadcast %add3A_470 : i32 to vector<16xi32>
      %add3A_472 = arith.addi %add3A_471, %iota3A : vector<16xi32>
      %shift_right_arithmetic3A_473 = arith.constant 2 : i32
      %shift_right_arithmetic3A_474 = vector.broadcast %shift_right_arithmetic3A_473 : i32 to vector<16xi32>
      %shift_right_arithmetic3A_475 = arith.shrsi %add3A_472, %shift_right_arithmetic3A_474 : vector<16xi32>
      %and3A_476 = arith.constant 3 : i32
      %and3A_477 = vector.broadcast %and3A_476 : i32 to vector<16xi32>
      %and3A_478 = arith.andi %add3A_472, %and3A_477 : vector<16xi32>
      %broadcast_in_dim3A_479 = arith.constant 0.000000e+00 : f32
      %broadcast_in_dim3A_480 = vector.broadcast %broadcast_in_dim3A_479 : f32 to vector<16xf32>
      tpu.vector_store_idx %arg7[%shift_right_arithmetic3A_475, %and3A_478], %broadcast_in_dim3A_480 : memref<128x128xf32, #tpu.memory_space<vmem>>[vector<16xi32>, vector<16xi32>], vector<16xf32>,
      %add3A_481 = arith.constant 80 : i32
      %add3A_482 = vector.broadcast %add3A_481 : i32 to vector<16xi32>
      %add3A_483 = arith.addi %add3A_482, %iota3A : vector<16xi32>
      %shift_right_arithmetic3A_484 = arith.constant 2 : i32
      %shift_right_arithmetic3A_485 = vector.broadcast %shift_right_arithmetic3A_484 : i32 to vector<16xi32>
      %shift_right_arithmetic3A_486 = arith.shrsi %add3A_483, %shift_right_arithmetic3A_485 : vector<16xi32>
      %and3A_487 = arith.constant 3 : i32
      %and3A_488 = vector.broadcast %and3A_487 : i32 to vector<16xi32>
      %and3A_489 = arith.andi %add3A_483, %and3A_488 : vector<16xi32>
      %broadcast_in_dim3A_490 = arith.constant 0.000000e+00 : f32
      %broadcast_in_dim3A_491 = vector.broadcast %broadcast_in_dim3A_490 : f32 to vector<16xf32>
      tpu.vector_store_idx %arg7[%shift_right_arithmetic3A_486, %and3A_489], %broadcast_in_dim3A_491 : memref<128x128xf32, #tpu.memory_space<vmem>>[vector<16xi32>, vector<16xi32>], vector<16xf32>,
      %add3A_492 = arith.constant 96 : i32
      %add3A_493 = vector.broadcast %add3A_492 : i32 to vector<16xi32>
      %add3A_494 = arith.addi %add3A_493, %iota3A : vector<16xi32>
      %shift_right_arithmetic3A_495 = arith.constant 2 : i32
      %shift_right_arithmetic3A_496 = vector.broadcast %shift_right_arithmetic3A_495 : i32 to vector<16xi32>
      %shift_right_arithmetic3A_497 = arith.shrsi %add3A_494, %shift_right_arithmetic3A_496 : vector<16xi32>
      %and3A_498 = arith.constant 3 : i32
      %and3A_499 = vector.broadcast %and3A_498 : i32 to vector<16xi32>
      %and3A_500 = arith.andi %add3A_494, %and3A_499 : vector<16xi32>
      %broadcast_in_dim3A_501 = arith.constant 0.000000e+00 : f32
      %broadcast_in_dim3A_502 = vector.broadcast %broadcast_in_dim3A_501 : f32 to vector<16xf32>
      tpu.vector_store_idx %arg7[%shift_right_arithmetic3A_497, %and3A_500], %broadcast_in_dim3A_502 : memref<128x128xf32, #tpu.memory_space<vmem>>[vector<16xi32>, vector<16xi32>], vector<16xf32>,
      %add3A_503 = arith.constant 112 : i32
      %add3A_504 = vector.broadcast %add3A_503 : i32 to vector<16xi32>
      %add3A_505 = arith.addi %add3A_504, %iota3A : vector<16xi32>
      %shift_right_arithmetic3A_506 = arith.constant 2 : i32
      %shift_right_arithmetic3A_507 = vector.broadcast %shift_right_arithmetic3A_506 : i32 to vector<16xi32>
      %shift_right_arithmetic3A_508 = arith.shrsi %add3A_505, %shift_right_arithmetic3A_507 : vector<16xi32>
      %and3A_509 = arith.constant 3 : i32
      %and3A_510 = vector.broadcast %and3A_509 : i32 to vector<16xi32>
      %and3A_511 = arith.andi %add3A_505, %and3A_510 : vector<16xi32>
      %broadcast_in_dim3A_512 = arith.constant 0.000000e+00 : f32
      %broadcast_in_dim3A_513 = vector.broadcast %broadcast_in_dim3A_512 : f32 to vector<16xf32>
      tpu.vector_store_idx %arg7[%shift_right_arithmetic3A_508, %and3A_511], %broadcast_in_dim3A_513 : memref<128x128xf32, #tpu.memory_space<vmem>>[vector<16xi32>, vector<16xi32>], vector<16xf32>,
      %add3A_514 = arith.constant 128 : i32
      %add3A_515 = vector.broadcast %add3A_514 : i32 to vector<16xi32>
      %add3A_516 = arith.addi %add3A_515, %iota3A : vector<16xi32>
      %shift_right_arithmetic3A_517 = arith.constant 2 : i32
      %shift_right_arithmetic3A_518 = vector.broadcast %shift_right_arithmetic3A_517 : i32 to vector<16xi32>
      %shift_right_arithmetic3A_519 = arith.shrsi %add3A_516, %shift_right_arithmetic3A_518 : vector<16xi32>
      %and3A_520 = arith.constant 3 : i32
      %and3A_521 = vector.broadcast %and3A_520 : i32 to vector<16xi32>
      %and3A_522 = arith.andi %add3A_516, %and3A_521 : vector<16xi32>
      %broadcast_in_dim3A_523 = arith.constant 0.000000e+00 : f32
      %broadcast_in_dim3A_524 = vector.broadcast %broadcast_in_dim3A_523 : f32 to vector<16xf32>
      tpu.vector_store_idx %arg7[%shift_right_arithmetic3A_519, %and3A_522], %broadcast_in_dim3A_524 : memref<128x128xf32, #tpu.memory_space<vmem>>[vector<16xi32>, vector<16xi32>], vector<16xf32>,
      %add3A_525 = arith.constant 144 : i32
      %add3A_526 = vector.broadcast %add3A_525 : i32 to vector<16xi32>
      %add3A_527 = arith.addi %add3A_526, %iota3A : vector<16xi32>
      %shift_right_arithmetic3A_528 = arith.constant 2 : i32
      %shift_right_arithmetic3A_529 = vector.broadcast %shift_right_arithmetic3A_528 : i32 to vector<16xi32>
      %shift_right_arithmetic3A_530 = arith.shrsi %add3A_527, %shift_right_arithmetic3A_529 : vector<16xi32>
      %and3A_531 = arith.constant 3 : i32
      %and3A_532 = vector.broadcast %and3A_531 : i32 to vector<16xi32>
      %and3A_533 = arith.andi %add3A_527, %and3A_532 : vector<16xi32>
      %broadcast_in_dim3A_534 = arith.constant 0.000000e+00 : f32
      %broadcast_in_dim3A_535 = vector.broadcast %broadcast_in_dim3A_534 : f32 to vector<16xf32>
      tpu.vector_store_idx %arg7[%shift_right_arithmetic3A_530, %and3A_533], %broadcast_in_dim3A_535 : memref<128x128xf32, #tpu.memory_space<vmem>>[vector<16xi32>, vector<16xi32>], vector<16xf32>,
      %add3A_536 = arith.constant 160 : i32
      %add3A_537 = vector.broadcast %add3A_536 : i32 to vector<16xi32>
      %add3A_538 = arith.addi %add3A_537, %iota3A : vector<16xi32>
      %shift_right_arithmetic3A_539 = arith.constant 2 : i32
      %shift_right_arithmetic3A_540 = vector.broadcast %shift_right_arithmetic3A_539 : i32 to vector<16xi32>
      %shift_right_arithmetic3A_541 = arith.shrsi %add3A_538, %shift_right_arithmetic3A_540 : vector<16xi32>
      %and3A_542 = arith.constant 3 : i32
      %and3A_543 = vector.broadcast %and3A_542 : i32 to vector<16xi32>
      %and3A_544 = arith.andi %add3A_538, %and3A_543 : vector<16xi32>
      %broadcast_in_dim3A_545 = arith.constant 0.000000e+00 : f32
      %broadcast_in_dim3A_546 = vector.broadcast %broadcast_in_dim3A_545 : f32 to vector<16xf32>
      tpu.vector_store_idx %arg7[%shift_right_arithmetic3A_541, %and3A_544], %broadcast_in_dim3A_546 : memref<128x128xf32, #tpu.memory_space<vmem>>[vector<16xi32>, vector<16xi32>], vector<16xf32>,
      %add3A_547 = arith.constant 176 : i32
      %add3A_548 = vector.broadcast %add3A_547 : i32 to vector<16xi32>
      %add3A_549 = arith.addi %add3A_548, %iota3A : vector<16xi32>
      %shift_right_arithmetic3A_550 = arith.constant 2 : i32
      %shift_right_arithmetic3A_551 = vector.broadcast %shift_right_arithmetic3A_550 : i32 to vector<16xi32>
      %shift_right_arithmetic3A_552 = arith.shrsi %add3A_549, %shift_right_arithmetic3A_551 : vector<16xi32>
      %and3A_553 = arith.constant 3 : i32
      %and3A_554 = vector.broadcast %and3A_553 : i32 to vector<16xi32>
      %and3A_555 = arith.andi %add3A_549, %and3A_554 : vector<16xi32>
      %broadcast_in_dim3A_556 = arith.constant 0.000000e+00 : f32
      %broadcast_in_dim3A_557 = vector.broadcast %broadcast_in_dim3A_556 : f32 to vector<16xf32>
      tpu.vector_store_idx %arg7[%shift_right_arithmetic3A_552, %and3A_555], %broadcast_in_dim3A_557 : memref<128x128xf32, #tpu.memory_space<vmem>>[vector<16xi32>, vector<16xi32>], vector<16xf32>,
      %add3A_558 = arith.constant 192 : i32
      %add3A_559 = vector.broadcast %add3A_558 : i32 to vector<16xi32>
      %add3A_560 = arith.addi %add3A_559, %iota3A : vector<16xi32>
      %shift_right_arithmetic3A_561 = arith.constant 2 : i32
      %shift_right_arithmetic3A_562 = vector.broadcast %shift_right_arithmetic3A_561 : i32 to vector<16xi32>
      %shift_right_arithmetic3A_563 = arith.shrsi %add3A_560, %shift_right_arithmetic3A_562 : vector<16xi32>
      %and3A_564 = arith.constant 3 : i32
      %and3A_565 = vector.broadcast %and3A_564 : i32 to vector<16xi32>
      %and3A_566 = arith.andi %add3A_560, %and3A_565 : vector<16xi32>
      %broadcast_in_dim3A_567 = arith.constant 0.000000e+00 : f32
      %broadcast_in_dim3A_568 = vector.broadcast %broadcast_in_dim3A_567 : f32 to vector<16xf32>
      tpu.vector_store_idx %arg7[%shift_right_arithmetic3A_563, %and3A_566], %broadcast_in_dim3A_568 : memref<128x128xf32, #tpu.memory_space<vmem>>[vector<16xi32>, vector<16xi32>], vector<16xf32>,
      %add3A_569 = arith.constant 208 : i32
      %add3A_570 = vector.broadcast %add3A_569 : i32 to vector<16xi32>
      %add3A_571 = arith.addi %add3A_570, %iota3A : vector<16xi32>
      %shift_right_arithmetic3A_572 = arith.constant 2 : i32
      %shift_right_arithmetic3A_573 = vector.broadcast %shift_right_arithmetic3A_572 : i32 to vector<16xi32>
      %shift_right_arithmetic3A_574 = arith.shrsi %add3A_571, %shift_right_arithmetic3A_573 : vector<16xi32>
      %and3A_575 = arith.constant 3 : i32
      %and3A_576 = vector.broadcast %and3A_575 : i32 to vector<16xi32>
      %and3A_577 = arith.andi %add3A_571, %and3A_576 : vector<16xi32>
      %broadcast_in_dim3A_578 = arith.constant 0.000000e+00 : f32
      %broadcast_in_dim3A_579 = vector.broadcast %broadcast_in_dim3A_578 : f32 to vector<16xf32>
      tpu.vector_store_idx %arg7[%shift_right_arithmetic3A_574, %and3A_577], %broadcast_in_dim3A_579 : memref<128x128xf32, #tpu.memory_space<vmem>>[vector<16xi32>, vector<16xi32>], vector<16xf32>,
      %add3A_580 = arith.constant 224 : i32
      %add3A_581 = vector.broadcast %add3A_580 : i32 to vector<16xi32>
      %add3A_582 = arith.addi %add3A_581, %iota3A : vector<16xi32>
      %shift_right_arithmetic3A_583 = arith.constant 2 : i32
      %shift_right_arithmetic3A_584 = vector.broadcast %shift_right_arithmetic3A_583 : i32 to vector<16xi32>
      %shift_right_arithmetic3A_585 = arith.shrsi %add3A_582, %shift_right_arithmetic3A_584 : vector<16xi32>
      %and3A_586 = arith.constant 3 : i32
      %and3A_587 = vector.broadcast %and3A_586 : i32 to vector<16xi32>
      %and3A_588 = arith.andi %add3A_582, %and3A_587 : vector<16xi32>
      %broadcast_in_dim3A_589 = arith.constant 0.000000e+00 : f32
      %broadcast_in_dim3A_590 = vector.broadcast %broadcast_in_dim3A_589 : f32 to vector<16xf32>
      tpu.vector_store_idx %arg7[%shift_right_arithmetic3A_585, %and3A_588], %broadcast_in_dim3A_590 : memref<128x128xf32, #tpu.memory_space<vmem>>[vector<16xi32>, vector<16xi32>], vector<16xf32>,
      %add3A_591 = arith.constant 240 : i32
      %add3A_592 = vector.broadcast %add3A_591 : i32 to vector<16xi32>
      %add3A_593 = arith.addi %add3A_592, %iota3A : vector<16xi32>
      %shift_right_arithmetic3A_594 = arith.constant 2 : i32
      %shift_right_arithmetic3A_595 = vector.broadcast %shift_right_arithmetic3A_594 : i32 to vector<16xi32>
      %shift_right_arithmetic3A_596 = arith.shrsi %add3A_593, %shift_right_arithmetic3A_595 : vector<16xi32>
      %and3A_597 = arith.constant 3 : i32
      %and3A_598 = vector.broadcast %and3A_597 : i32 to vector<16xi32>
      %and3A_599 = arith.andi %add3A_593, %and3A_598 : vector<16xi32>
      %broadcast_in_dim3A_600 = arith.constant 0.000000e+00 : f32
      %broadcast_in_dim3A_601 = vector.broadcast %broadcast_in_dim3A_600 : f32 to vector<16xf32>
      tpu.vector_store_idx %arg7[%shift_right_arithmetic3A_596, %and3A_599], %broadcast_in_dim3A_601 : memref<128x128xf32, #tpu.memory_space<vmem>>[vector<16xi32>, vector<16xi32>], vector<16xf32>,
      %add3A_602 = arith.constant 256 : i32
      %add3A_603 = vector.broadcast %add3A_602 : i32 to vector<16xi32>
      %add3A_604 = arith.addi %add3A_603, %iota3A : vector<16xi32>
      %shift_right_arithmetic3A_605 = arith.constant 2 : i32
      %shift_right_arithmetic3A_606 = vector.broadcast %shift_right_arithmetic3A_605 : i32 to vector<16xi32>
      %shift_right_arithmetic3A_607 = arith.shrsi %add3A_604, %shift_right_arithmetic3A_606 : vector<16xi32>
      %and3A_608 = arith.constant 3 : i32
      %and3A_609 = vector.broadcast %and3A_608 : i32 to vector<16xi32>
      %and3A_610 = arith.andi %add3A_604, %and3A_609 : vector<16xi32>
      %broadcast_in_dim3A_611 = arith.constant 0.000000e+00 : f32
      %broadcast_in_dim3A_612 = vector.broadcast %broadcast_in_dim3A_611 : f32 to vector<16xf32>
      tpu.vector_store_idx %arg7[%shift_right_arithmetic3A_607, %and3A_610], %broadcast_in_dim3A_612 : memref<128x128xf32, #tpu.memory_space<vmem>>[vector<16xi32>, vector<16xi32>], vector<16xf32>,
      %add3A_613 = arith.constant 272 : i32
      %add3A_614 = vector.broadcast %add3A_613 : i32 to vector<16xi32>
      %add3A_615 = arith.addi %add3A_614, %iota3A : vector<16xi32>
      %shift_right_arithmetic3A_616 = arith.constant 2 : i32
      %shift_right_arithmetic3A_617 = vector.broadcast %shift_right_arithmetic3A_616 : i32 to vector<16xi32>
      %shift_right_arithmetic3A_618 = arith.shrsi %add3A_615, %shift_right_arithmetic3A_617 : vector<16xi32>
      %and3A_619 = arith.constant 3 : i32
      %and3A_620 = vector.broadcast %and3A_619 : i32 to vector<16xi32>
      %and3A_621 = arith.andi %add3A_615, %and3A_620 : vector<16xi32>
      %broadcast_in_dim3A_622 = arith.constant 0.000000e+00 : f32
      %broadcast_in_dim3A_623 = vector.broadcast %broadcast_in_dim3A_622 : f32 to vector<16xf32>
      tpu.vector_store_idx %arg7[%shift_right_arithmetic3A_618, %and3A_621], %broadcast_in_dim3A_623 : memref<128x128xf32, #tpu.memory_space<vmem>>[vector<16xi32>, vector<16xi32>], vector<16xf32>,
      %add3A_624 = arith.constant 288 : i32
      %add3A_625 = vector.broadcast %add3A_624 : i32 to vector<16xi32>
      %add3A_626 = arith.addi %add3A_625, %iota3A : vector<16xi32>
      %shift_right_arithmetic3A_627 = arith.constant 2 : i32
      %shift_right_arithmetic3A_628 = vector.broadcast %shift_right_arithmetic3A_627 : i32 to vector<16xi32>
      %shift_right_arithmetic3A_629 = arith.shrsi %add3A_626, %shift_right_arithmetic3A_628 : vector<16xi32>
      %and3A_630 = arith.constant 3 : i32
      %and3A_631 = vector.broadcast %and3A_630 : i32 to vector<16xi32>
      %and3A_632 = arith.andi %add3A_626, %and3A_631 : vector<16xi32>
      %broadcast_in_dim3A_633 = arith.constant 0.000000e+00 : f32
      %broadcast_in_dim3A_634 = vector.broadcast %broadcast_in_dim3A_633 : f32 to vector<16xf32>
      tpu.vector_store_idx %arg7[%shift_right_arithmetic3A_629, %and3A_632], %broadcast_in_dim3A_634 : memref<128x128xf32, #tpu.memory_space<vmem>>[vector<16xi32>, vector<16xi32>], vector<16xf32>,
      %add3A_635 = arith.constant 304 : i32
      %add3A_636 = vector.broadcast %add3A_635 : i32 to vector<16xi32>
      %add3A_637 = arith.addi %add3A_636, %iota3A : vector<16xi32>
      %shift_right_arithmetic3A_638 = arith.constant 2 : i32
      %shift_right_arithmetic3A_639 = vector.broadcast %shift_right_arithmetic3A_638 : i32 to vector<16xi32>
      %shift_right_arithmetic3A_640 = arith.shrsi %add3A_637, %shift_right_arithmetic3A_639 : vector<16xi32>
      %and3A_641 = arith.constant 3 : i32
      %and3A_642 = vector.broadcast %and3A_641 : i32 to vector<16xi32>
      %and3A_643 = arith.andi %add3A_637, %and3A_642 : vector<16xi32>
      %broadcast_in_dim3A_644 = arith.constant 0.000000e+00 : f32
      %broadcast_in_dim3A_645 = vector.broadcast %broadcast_in_dim3A_644 : f32 to vector<16xf32>
      tpu.vector_store_idx %arg7[%shift_right_arithmetic3A_640, %and3A_643], %broadcast_in_dim3A_645 : memref<128x128xf32, #tpu.memory_space<vmem>>[vector<16xi32>, vector<16xi32>], vector<16xf32>,
      %add3A_646 = arith.constant 320 : i32
      %add3A_647 = vector.broadcast %add3A_646 : i32 to vector<16xi32>
      %add3A_648 = arith.addi %add3A_647, %iota3A : vector<16xi32>
      %shift_right_arithmetic3A_649 = arith.constant 2 : i32
      %shift_right_arithmetic3A_650 = vector.broadcast %shift_right_arithmetic3A_649 : i32 to vector<16xi32>
      %shift_right_arithmetic3A_651 = arith.shrsi %add3A_648, %shift_right_arithmetic3A_650 : vector<16xi32>
      %and3A_652 = arith.constant 3 : i32
      %and3A_653 = vector.broadcast %and3A_652 : i32 to vector<16xi32>
      %and3A_654 = arith.andi %add3A_648, %and3A_653 : vector<16xi32>
      %broadcast_in_dim3A_655 = arith.constant 0.000000e+00 : f32
      %broadcast_in_dim3A_656 = vector.broadcast %broadcast_in_dim3A_655 : f32 to vector<16xf32>
      tpu.vector_store_idx %arg7[%shift_right_arithmetic3A_651, %and3A_654], %broadcast_in_dim3A_656 : memref<128x128xf32, #tpu.memory_space<vmem>>[vector<16xi32>, vector<16xi32>], vector<16xf32>,
      %add3A_657 = arith.constant 336 : i32
      %add3A_658 = vector.broadcast %add3A_657 : i32 to vector<16xi32>
      %add3A_659 = arith.addi %add3A_658, %iota3A : vector<16xi32>
      %shift_right_arithmetic3A_660 = arith.constant 2 : i32
      %shift_right_arithmetic3A_661 = vector.broadcast %shift_right_arithmetic3A_660 : i32 to vector<16xi32>
      %shift_right_arithmetic3A_662 = arith.shrsi %add3A_659, %shift_right_arithmetic3A_661 : vector<16xi32>
      %and3A_663 = arith.constant 3 : i32
      %and3A_664 = vector.broadcast %and3A_663 : i32 to vector<16xi32>
      %and3A_665 = arith.andi %add3A_659, %and3A_664 : vector<16xi32>
      %broadcast_in_dim3A_666 = arith.constant 0.000000e+00 : f32
      %broadcast_in_dim3A_667 = vector.broadcast %broadcast_in_dim3A_666 : f32 to vector<16xf32>
      tpu.vector_store_idx %arg7[%shift_right_arithmetic3A_662, %and3A_665], %broadcast_in_dim3A_667 : memref<128x128xf32, #tpu.memory_space<vmem>>[vector<16xi32>, vector<16xi32>], vector<16xf32>,
      %add3A_668 = arith.constant 352 : i32
      %add3A_669 = vector.broadcast %add3A_668 : i32 to vector<16xi32>
      %add3A_670 = arith.addi %add3A_669, %iota3A : vector<16xi32>
      %shift_right_arithmetic3A_671 = arith.constant 2 : i32
      %shift_right_arithmetic3A_672 = vector.broadcast %shift_right_arithmetic3A_671 : i32 to vector<16xi32>
      %shift_right_arithmetic3A_673 = arith.shrsi %add3A_670, %shift_right_arithmetic3A_672 : vector<16xi32>
      %and3A_674 = arith.constant 3 : i32
      %and3A_675 = vector.broadcast %and3A_674 : i32 to vector<16xi32>
      %and3A_676 = arith.andi %add3A_670, %and3A_675 : vector<16xi32>
      %broadcast_in_dim3A_677 = arith.constant 0.000000e+00 : f32
      %broadcast_in_dim3A_678 = vector.broadcast %broadcast_in_dim3A_677 : f32 to vector<16xf32>
      tpu.vector_store_idx %arg7[%shift_right_arithmetic3A_673, %and3A_676], %broadcast_in_dim3A_678 : memref<128x128xf32, #tpu.memory_space<vmem>>[vector<16xi32>, vector<16xi32>], vector<16xf32>,
      %add3A_679 = arith.constant 368 : i32
      %add3A_680 = vector.broadcast %add3A_679 : i32 to vector<16xi32>
      %add3A_681 = arith.addi %add3A_680, %iota3A : vector<16xi32>
      %shift_right_arithmetic3A_682 = arith.constant 2 : i32
      %shift_right_arithmetic3A_683 = vector.broadcast %shift_right_arithmetic3A_682 : i32 to vector<16xi32>
      %shift_right_arithmetic3A_684 = arith.shrsi %add3A_681, %shift_right_arithmetic3A_683 : vector<16xi32>
      %and3A_685 = arith.constant 3 : i32
      %and3A_686 = vector.broadcast %and3A_685 : i32 to vector<16xi32>
      %and3A_687 = arith.andi %add3A_681, %and3A_686 : vector<16xi32>
      %broadcast_in_dim3A_688 = arith.constant 0.000000e+00 : f32
      %broadcast_in_dim3A_689 = vector.broadcast %broadcast_in_dim3A_688 : f32 to vector<16xf32>
      tpu.vector_store_idx %arg7[%shift_right_arithmetic3A_684, %and3A_687], %broadcast_in_dim3A_689 : memref<128x128xf32, #tpu.memory_space<vmem>>[vector<16xi32>, vector<16xi32>], vector<16xf32>,
      %add3A_690 = arith.constant 384 : i32
      %add3A_691 = vector.broadcast %add3A_690 : i32 to vector<16xi32>
      %add3A_692 = arith.addi %add3A_691, %iota3A : vector<16xi32>
      %shift_right_arithmetic3A_693 = arith.constant 2 : i32
      %shift_right_arithmetic3A_694 = vector.broadcast %shift_right_arithmetic3A_693 : i32 to vector<16xi32>
      %shift_right_arithmetic3A_695 = arith.shrsi %add3A_692, %shift_right_arithmetic3A_694 : vector<16xi32>
      %and3A_696 = arith.constant 3 : i32
      %and3A_697 = vector.broadcast %and3A_696 : i32 to vector<16xi32>
      %and3A_698 = arith.andi %add3A_692, %and3A_697 : vector<16xi32>
      %broadcast_in_dim3A_699 = arith.constant 0.000000e+00 : f32
      %broadcast_in_dim3A_700 = vector.broadcast %broadcast_in_dim3A_699 : f32 to vector<16xf32>
      tpu.vector_store_idx %arg7[%shift_right_arithmetic3A_695, %and3A_698], %broadcast_in_dim3A_700 : memref<128x128xf32, #tpu.memory_space<vmem>>[vector<16xi32>, vector<16xi32>], vector<16xf32>,
      %add3A_701 = arith.constant 400 : i32
      %add3A_702 = vector.broadcast %add3A_701 : i32 to vector<16xi32>
      %add3A_703 = arith.addi %add3A_702, %iota3A : vector<16xi32>
      %shift_right_arithmetic3A_704 = arith.constant 2 : i32
      %shift_right_arithmetic3A_705 = vector.broadcast %shift_right_arithmetic3A_704 : i32 to vector<16xi32>
      %shift_right_arithmetic3A_706 = arith.shrsi %add3A_703, %shift_right_arithmetic3A_705 : vector<16xi32>
      %and3A_707 = arith.constant 3 : i32
      %and3A_708 = vector.broadcast %and3A_707 : i32 to vector<16xi32>
      %and3A_709 = arith.andi %add3A_703, %and3A_708 : vector<16xi32>
      %broadcast_in_dim3A_710 = arith.constant 0.000000e+00 : f32
      %broadcast_in_dim3A_711 = vector.broadcast %broadcast_in_dim3A_710 : f32 to vector<16xf32>
      tpu.vector_store_idx %arg7[%shift_right_arithmetic3A_706, %and3A_709], %broadcast_in_dim3A_711 : memref<128x128xf32, #tpu.memory_space<vmem>>[vector<16xi32>, vector<16xi32>], vector<16xf32>,
      %add3A_712 = arith.constant 416 : i32
      %add3A_713 = vector.broadcast %add3A_712 : i32 to vector<16xi32>
      %add3A_714 = arith.addi %add3A_713, %iota3A : vector<16xi32>
      %shift_right_arithmetic3A_715 = arith.constant 2 : i32
      %shift_right_arithmetic3A_716 = vector.broadcast %shift_right_arithmetic3A_715 : i32 to vector<16xi32>
      %shift_right_arithmetic3A_717 = arith.shrsi %add3A_714, %shift_right_arithmetic3A_716 : vector<16xi32>
      %and3A_718 = arith.constant 3 : i32
      %and3A_719 = vector.broadcast %and3A_718 : i32 to vector<16xi32>
      %and3A_720 = arith.andi %add3A_714, %and3A_719 : vector<16xi32>
      %broadcast_in_dim3A_721 = arith.constant 0.000000e+00 : f32
      %broadcast_in_dim3A_722 = vector.broadcast %broadcast_in_dim3A_721 : f32 to vector<16xf32>
      tpu.vector_store_idx %arg7[%shift_right_arithmetic3A_717, %and3A_720], %broadcast_in_dim3A_722 : memref<128x128xf32, #tpu.memory_space<vmem>>[vector<16xi32>, vector<16xi32>], vector<16xf32>,
      %add3A_723 = arith.constant 432 : i32
      %add3A_724 = vector.broadcast %add3A_723 : i32 to vector<16xi32>
      %add3A_725 = arith.addi %add3A_724, %iota3A : vector<16xi32>
      %shift_right_arithmetic3A_726 = arith.constant 2 : i32
      %shift_right_arithmetic3A_727 = vector.broadcast %shift_right_arithmetic3A_726 : i32 to vector<16xi32>
      %shift_right_arithmetic3A_728 = arith.shrsi %add3A_725, %shift_right_arithmetic3A_727 : vector<16xi32>
      %and3A_729 = arith.constant 3 : i32
      %and3A_730 = vector.broadcast %and3A_729 : i32 to vector<16xi32>
      %and3A_731 = arith.andi %add3A_725, %and3A_730 : vector<16xi32>
      %broadcast_in_dim3A_732 = arith.constant 0.000000e+00 : f32
      %broadcast_in_dim3A_733 = vector.broadcast %broadcast_in_dim3A_732 : f32 to vector<16xf32>
      tpu.vector_store_idx %arg7[%shift_right_arithmetic3A_728, %and3A_731], %broadcast_in_dim3A_733 : memref<128x128xf32, #tpu.memory_space<vmem>>[vector<16xi32>, vector<16xi32>], vector<16xf32>,
      %add3A_734 = arith.constant 448 : i32
      %add3A_735 = vector.broadcast %add3A_734 : i32 to vector<16xi32>
      %add3A_736 = arith.addi %add3A_735, %iota3A : vector<16xi32>
      %shift_right_arithmetic3A_737 = arith.constant 2 : i32
      %shift_right_arithmetic3A_738 = vector.broadcast %shift_right_arithmetic3A_737 : i32 to vector<16xi32>
      %shift_right_arithmetic3A_739 = arith.shrsi %add3A_736, %shift_right_arithmetic3A_738 : vector<16xi32>
      %and3A_740 = arith.constant 3 : i32
      %and3A_741 = vector.broadcast %and3A_740 : i32 to vector<16xi32>
      %and3A_742 = arith.andi %add3A_736, %and3A_741 : vector<16xi32>
      %broadcast_in_dim3A_743 = arith.constant 0.000000e+00 : f32
      %broadcast_in_dim3A_744 = vector.broadcast %broadcast_in_dim3A_743 : f32 to vector<16xf32>
      tpu.vector_store_idx %arg7[%shift_right_arithmetic3A_739, %and3A_742], %broadcast_in_dim3A_744 : memref<128x128xf32, #tpu.memory_space<vmem>>[vector<16xi32>, vector<16xi32>], vector<16xf32>,
      %add3A_745 = arith.constant 464 : i32
      %add3A_746 = vector.broadcast %add3A_745 : i32 to vector<16xi32>
      %add3A_747 = arith.addi %add3A_746, %iota3A : vector<16xi32>
      %shift_right_arithmetic3A_748 = arith.constant 2 : i32
      %shift_right_arithmetic3A_749 = vector.broadcast %shift_right_arithmetic3A_748 : i32 to vector<16xi32>
      %shift_right_arithmetic3A_750 = arith.shrsi %add3A_747, %shift_right_arithmetic3A_749 : vector<16xi32>
      %and3A_751 = arith.constant 3 : i32
      %and3A_752 = vector.broadcast %and3A_751 : i32 to vector<16xi32>
      %and3A_753 = arith.andi %add3A_747, %and3A_752 : vector<16xi32>
      %broadcast_in_dim3A_754 = arith.constant 0.000000e+00 : f32
      %broadcast_in_dim3A_755 = vector.broadcast %broadcast_in_dim3A_754 : f32 to vector<16xf32>
      tpu.vector_store_idx %arg7[%shift_right_arithmetic3A_750, %and3A_753], %broadcast_in_dim3A_755 : memref<128x128xf32, #tpu.memory_space<vmem>>[vector<16xi32>, vector<16xi32>], vector<16xf32>,
      %add3A_756 = arith.constant 480 : i32
      %add3A_757 = vector.broadcast %add3A_756 : i32 to vector<16xi32>
      %add3A_758 = arith.addi %add3A_757, %iota3A : vector<16xi32>
      %shift_right_arithmetic3A_759 = arith.constant 2 : i32
      %shift_right_arithmetic3A_760 = vector.broadcast %shift_right_arithmetic3A_759 : i32 to vector<16xi32>
      %shift_right_arithmetic3A_761 = arith.shrsi %add3A_758, %shift_right_arithmetic3A_760 : vector<16xi32>
      %and3A_762 = arith.constant 3 : i32
      %and3A_763 = vector.broadcast %and3A_762 : i32 to vector<16xi32>
      %and3A_764 = arith.andi %add3A_758, %and3A_763 : vector<16xi32>
      %broadcast_in_dim3A_765 = arith.constant 0.000000e+00 : f32
      %broadcast_in_dim3A_766 = vector.broadcast %broadcast_in_dim3A_765 : f32 to vector<16xf32>
      tpu.vector_store_idx %arg7[%shift_right_arithmetic3A_761, %and3A_764], %broadcast_in_dim3A_766 : memref<128x128xf32, #tpu.memory_space<vmem>>[vector<16xi32>, vector<16xi32>], vector<16xf32>,
      %add3A_767 = arith.constant 496 : i32
      %add3A_768 = vector.broadcast %add3A_767 : i32 to vector<16xi32>
      %add3A_769 = arith.addi %add3A_768, %iota3A : vector<16xi32>
      %shift_right_arithmetic3A_770 = arith.constant 2 : i32
      %shift_right_arithmetic3A_771 = vector.broadcast %shift_right_arithmetic3A_770 : i32 to vector<16xi32>
      %shift_right_arithmetic3A_772 = arith.shrsi %add3A_769, %shift_right_arithmetic3A_771 : vector<16xi32>
      %and3A_773 = arith.constant 3 : i32
      %and3A_774 = vector.broadcast %and3A_773 : i32 to vector<16xi32>
      %and3A_775 = arith.andi %add3A_769, %and3A_774 : vector<16xi32>
      %broadcast_in_dim3A_776 = arith.constant 0.000000e+00 : f32
      %broadcast_in_dim3A_777 = vector.broadcast %broadcast_in_dim3A_776 : f32 to vector<16xf32>
      tpu.vector_store_idx %arg7[%shift_right_arithmetic3A_772, %and3A_775], %broadcast_in_dim3A_777 : memref<128x128xf32, #tpu.memory_space<vmem>>[vector<16xi32>, vector<16xi32>], vector<16xf32>,
      %while3A_778 = arith.constant 0 : i32
      scf.yield %while3A_778 : i32
    }
    %barrier3A_38 = arith.constant 0 : index
    tpu.barrier barrier_id(%barrier3A_38)
    %add3A_39 = arith.constant 0 : i32
    %add3A_40 = arith.addi %mul3A_8, %add3A_39 : i32
    %add3A_41 = arith.constant 0 : i32
    %add3A_42 = arith.addi %mul3A_8, %add3A_41 : i32
    "tpu.region"() ({
      %run_scoped3A = tpu.sem_alloc : memref<!tpu.dma_semaphore, #tpu.memory_space<semaphore_mem>>
      %dma_start3A = arith.constant 0 : i32
      %dma_start3A_59 = tpu.memref_slice %arg4[%arg0, %add3A_42, %dma_start3A] : memref<2x10000x128xf32, #tpu.memory_space<hbm>> -> memref<1x128x128xf32, #tpu.memory_space<hbm>>
      %dma_start3A_60 = tpu.memref_squeeze %dma_start3A_59 : memref<1x128x128xf32, #tpu.memory_space<hbm>> -> memref<128x128xf32, #tpu.memory_space<hbm>>
      %dma_start3A_61 = arith.constant 0 : i32
      %dma_start3A_62 = tpu.memref_slice %arg8[%add3A_40, %dma_start3A_61] : memref<10000x128xf32, #tpu.memory_space<vmem_shared>> -> memref<128x128xf32, #tpu.memory_space<vmem_shared>>
      tpu.enqueue_dma source(%dma_start3A_62 : memref<128x128xf32, #tpu.memory_space<vmem_shared>>) target(%dma_start3A_60 : memref<128x128xf32, #tpu.memory_space<hbm>>) target_semaphore(%run_scoped3A : memref<!tpu.dma_semaphore, #tpu.memory_space<semaphore_mem>>)
      %dma_wait3A = arith.constant 0 : i32
      %dma_wait3A_63 = tpu.memref_slice %arg4[%arg0, %add3A_42, %dma_wait3A] : memref<2x10000x128xf32, #tpu.memory_space<hbm>> -> memref<1x128x128xf32, #tpu.memory_space<hbm>>
      %dma_wait3A_64 = tpu.memref_squeeze %dma_wait3A_63 : memref<1x128x128xf32, #tpu.memory_space<hbm>> -> memref<128x128xf32, #tpu.memory_space<hbm>>
      %dma_wait3A_65 = arith.constant 0 : i32
      %dma_wait3A_66 = tpu.memref_slice %arg8[%add3A_40, %dma_wait3A_65] : memref<10000x128xf32, #tpu.memory_space<vmem_shared>> -> memref<128x128xf32, #tpu.memory_space<vmem_shared>>
      tpu.wait_dma2 semaphore(%run_scoped3A : memref<!tpu.dma_semaphore, #tpu.memory_space<semaphore_mem>>) src(%dma_wait3A_66 : memref<128x128xf32, #tpu.memory_space<vmem_shared>>) dst(%dma_wait3A_64 : memref<128x128xf32, #tpu.memory_space<hbm>>)
      tpu.yield
    }) : () -> ()
    %add3A_43 = arith.constant 128 : i32
    %add3A_44 = arith.addi %mul3A_8, %add3A_43 : i32
    %add3A_45 = arith.constant 128 : i32
    %add3A_46 = arith.addi %mul3A_8, %add3A_45 : i32
    "tpu.region"() ({
      %run_scoped3A = tpu.sem_alloc : memref<!tpu.dma_semaphore, #tpu.memory_space<semaphore_mem>>
      %dma_start3A = arith.constant 0 : i32
      %dma_start3A_59 = tpu.memref_slice %arg4[%arg0, %add3A_46, %dma_start3A] : memref<2x10000x128xf32, #tpu.memory_space<hbm>> -> memref<1x128x128xf32, #tpu.memory_space<hbm>>
      %dma_start3A_60 = tpu.memref_squeeze %dma_start3A_59 : memref<1x128x128xf32, #tpu.memory_space<hbm>> -> memref<128x128xf32, #tpu.memory_space<hbm>>
      %dma_start3A_61 = arith.constant 0 : i32
      %dma_start3A_62 = tpu.memref_slice %arg8[%add3A_44, %dma_start3A_61] : memref<10000x128xf32, #tpu.memory_space<vmem_shared>> -> memref<128x128xf32, #tpu.memory_space<vmem_shared>>
      tpu.enqueue_dma source(%dma_start3A_62 : memref<128x128xf32, #tpu.memory_space<vmem_shared>>) target(%dma_start3A_60 : memref<128x128xf32, #tpu.memory_space<hbm>>) target_semaphore(%run_scoped3A : memref<!tpu.dma_semaphore, #tpu.memory_space<semaphore_mem>>)
      %dma_wait3A = arith.constant 0 : i32
      %dma_wait3A_63 = tpu.memref_slice %arg4[%arg0, %add3A_46, %dma_wait3A] : memref<2x10000x128xf32, #tpu.memory_space<hbm>> -> memref<1x128x128xf32, #tpu.memory_space<hbm>>
      %dma_wait3A_64 = tpu.memref_squeeze %dma_wait3A_63 : memref<1x128x128xf32, #tpu.memory_space<hbm>> -> memref<128x128xf32, #tpu.memory_space<hbm>>
      %dma_wait3A_65 = arith.constant 0 : i32
      %dma_wait3A_66 = tpu.memref_slice %arg8[%add3A_44, %dma_wait3A_65] : memref<10000x128xf32, #tpu.memory_space<vmem_shared>> -> memref<128x128xf32, #tpu.memory_space<vmem_shared>>
      tpu.wait_dma2 semaphore(%run_scoped3A : memref<!tpu.dma_semaphore, #tpu.memory_space<semaphore_mem>>) src(%dma_wait3A_66 : memref<128x128xf32, #tpu.memory_space<vmem_shared>>) dst(%dma_wait3A_64 : memref<128x128xf32, #tpu.memory_space<hbm>>)
      tpu.yield
    }) : () -> ()
    %add3A_47 = arith.constant 256 : i32
    %add3A_48 = arith.addi %mul3A_8, %add3A_47 : i32
    %add3A_49 = arith.constant 256 : i32
    %add3A_50 = arith.addi %mul3A_8, %add3A_49 : i32
    "tpu.region"() ({
      %run_scoped3A = tpu.sem_alloc : memref<!tpu.dma_semaphore, #tpu.memory_space<semaphore_mem>>
      %dma_start3A = arith.constant 0 : i32
      %dma_start3A_59 = tpu.memref_slice %arg4[%arg0, %add3A_50, %dma_start3A] : memref<2x10000x128xf32, #tpu.memory_space<hbm>> -> memref<1x128x128xf32, #tpu.memory_space<hbm>>
      %dma_start3A_60 = tpu.memref_squeeze %dma_start3A_59 : memref<1x128x128xf32, #tpu.memory_space<hbm>> -> memref<128x128xf32, #tpu.memory_space<hbm>>
      %dma_start3A_61 = arith.constant 0 : i32
      %dma_start3A_62 = tpu.memref_slice %arg8[%add3A_48, %dma_start3A_61] : memref<10000x128xf32, #tpu.memory_space<vmem_shared>> -> memref<128x128xf32, #tpu.memory_space<vmem_shared>>
      tpu.enqueue_dma source(%dma_start3A_62 : memref<128x128xf32, #tpu.memory_space<vmem_shared>>) target(%dma_start3A_60 : memref<128x128xf32, #tpu.memory_space<hbm>>) target_semaphore(%run_scoped3A : memref<!tpu.dma_semaphore, #tpu.memory_space<semaphore_mem>>)
      %dma_wait3A = arith.constant 0 : i32
      %dma_wait3A_63 = tpu.memref_slice %arg4[%arg0, %add3A_50, %dma_wait3A] : memref<2x10000x128xf32, #tpu.memory_space<hbm>> -> memref<1x128x128xf32, #tpu.memory_space<hbm>>
      %dma_wait3A_64 = tpu.memref_squeeze %dma_wait3A_63 : memref<1x128x128xf32, #tpu.memory_space<hbm>> -> memref<128x128xf32, #tpu.memory_space<hbm>>
      %dma_wait3A_65 = arith.constant 0 : i32
      %dma_wait3A_66 = tpu.memref_slice %arg8[%add3A_48, %dma_wait3A_65] : memref<10000x128xf32, #tpu.memory_space<vmem_shared>> -> memref<128x128xf32, #tpu.memory_space<vmem_shared>>
      tpu.wait_dma2 semaphore(%run_scoped3A : memref<!tpu.dma_semaphore, #tpu.memory_space<semaphore_mem>>) src(%dma_wait3A_66 : memref<128x128xf32, #tpu.memory_space<vmem_shared>>) dst(%dma_wait3A_64 : memref<128x128xf32, #tpu.memory_space<hbm>>)
      tpu.yield
    }) : () -> ()
    %add3A_51 = arith.constant 384 : i32
    %add3A_52 = arith.addi %mul3A_8, %add3A_51 : i32
    %add3A_53 = arith.constant 384 : i32
    %add3A_54 = arith.addi %mul3A_8, %add3A_53 : i32
    "tpu.region"() ({
      %run_scoped3A = tpu.sem_alloc : memref<!tpu.dma_semaphore, #tpu.memory_space<semaphore_mem>>
      %dma_start3A = arith.constant 0 : i32
      %dma_start3A_59 = tpu.memref_slice %arg4[%arg0, %add3A_54, %dma_start3A] : memref<2x10000x128xf32, #tpu.memory_space<hbm>> -> memref<1x128x128xf32, #tpu.memory_space<hbm>>
      %dma_start3A_60 = tpu.memref_squeeze %dma_start3A_59 : memref<1x128x128xf32, #tpu.memory_space<hbm>> -> memref<128x128xf32, #tpu.memory_space<hbm>>
      %dma_start3A_61 = arith.constant 0 : i32
      %dma_start3A_62 = tpu.memref_slice %arg8[%add3A_52, %dma_start3A_61] : memref<10000x128xf32, #tpu.memory_space<vmem_shared>> -> memref<128x128xf32, #tpu.memory_space<vmem_shared>>
      tpu.enqueue_dma source(%dma_start3A_62 : memref<128x128xf32, #tpu.memory_space<vmem_shared>>) target(%dma_start3A_60 : memref<128x128xf32, #tpu.memory_space<hbm>>) target_semaphore(%run_scoped3A : memref<!tpu.dma_semaphore, #tpu.memory_space<semaphore_mem>>)
      %dma_wait3A = arith.constant 0 : i32
      %dma_wait3A_63 = tpu.memref_slice %arg4[%arg0, %add3A_54, %dma_wait3A] : memref<2x10000x128xf32, #tpu.memory_space<hbm>> -> memref<1x128x128xf32, #tpu.memory_space<hbm>>
      %dma_wait3A_64 = tpu.memref_squeeze %dma_wait3A_63 : memref<1x128x128xf32, #tpu.memory_space<hbm>> -> memref<128x128xf32, #tpu.memory_space<hbm>>
      %dma_wait3A_65 = arith.constant 0 : i32
      %dma_wait3A_66 = tpu.memref_slice %arg8[%add3A_52, %dma_wait3A_65] : memref<10000x128xf32, #tpu.memory_space<vmem_shared>> -> memref<128x128xf32, #tpu.memory_space<vmem_shared>>
      tpu.wait_dma2 semaphore(%run_scoped3A : memref<!tpu.dma_semaphore, #tpu.memory_space<semaphore_mem>>) src(%dma_wait3A_66 : memref<128x128xf32, #tpu.memory_space<vmem_shared>>) dst(%dma_wait3A_64 : memref<128x128xf32, #tpu.memory_space<hbm>>)
      tpu.yield
    }) : () -> ()
    %add3A_55 = arith.constant 512 : i32
    %add3A_56 = arith.addi %mul3A_8, %add3A_55 : i32
    %add3A_57 = arith.constant 512 : i32
    %add3A_58 = arith.addi %mul3A_8, %add3A_57 : i32
    "tpu.region"() ({
      %run_scoped3A = tpu.sem_alloc : memref<!tpu.dma_semaphore, #tpu.memory_space<semaphore_mem>>
      %dma_start3A = arith.constant 0 : i32
      %dma_start3A_59 = tpu.memref_slice %arg4[%arg0, %add3A_58, %dma_start3A] : memref<2x10000x128xf32, #tpu.memory_space<hbm>> -> memref<1x113x128xf32, #tpu.memory_space<hbm>>
      %dma_start3A_60 = tpu.memref_squeeze %dma_start3A_59 : memref<1x113x128xf32, #tpu.memory_space<hbm>> -> memref<113x128xf32, #tpu.memory_space<hbm>>
      %dma_start3A_61 = arith.constant 0 : i32
      %dma_start3A_62 = tpu.memref_slice %arg8[%add3A_56, %dma_start3A_61] : memref<10000x128xf32, #tpu.memory_space<vmem_shared>> -> memref<113x128xf32, #tpu.memory_space<vmem_shared>>
      tpu.enqueue_dma source(%dma_start3A_62 : memref<113x128xf32, #tpu.memory_space<vmem_shared>>) target(%dma_start3A_60 : memref<113x128xf32, #tpu.memory_space<hbm>>) target_semaphore(%run_scoped3A : memref<!tpu.dma_semaphore, #tpu.memory_space<semaphore_mem>>)
      %dma_wait3A = arith.constant 0 : i32
      %dma_wait3A_63 = tpu.memref_slice %arg4[%arg0, %add3A_58, %dma_wait3A] : memref<2x10000x128xf32, #tpu.memory_space<hbm>> -> memref<1x113x128xf32, #tpu.memory_space<hbm>>
      %dma_wait3A_64 = tpu.memref_squeeze %dma_wait3A_63 : memref<1x113x128xf32, #tpu.memory_space<hbm>> -> memref<113x128xf32, #tpu.memory_space<hbm>>
      %dma_wait3A_65 = arith.constant 0 : i32
      %dma_wait3A_66 = tpu.memref_slice %arg8[%add3A_56, %dma_wait3A_65] : memref<10000x128xf32, #tpu.memory_space<vmem_shared>> -> memref<113x128xf32, #tpu.memory_space<vmem_shared>>
      tpu.wait_dma2 semaphore(%run_scoped3A : memref<!tpu.dma_semaphore, #tpu.memory_space<semaphore_mem>>) src(%dma_wait3A_66 : memref<113x128xf32, #tpu.memory_space<vmem_shared>>) dst(%dma_wait3A_64 : memref<113x128xf32, #tpu.memory_space<hbm>>)
      tpu.yield
    }) : () -> ()
    return
  }
}

#map = affine_map<(d0, d1) -> (0)>
#map1 = affine_map<(d0, d1) -> (0, 0)>
module attributes {stable_mosaic.version = 14 : i64} {
  func.func @_sweep1(%arg0: i32, %arg1: i32, %arg2: memref<160000xi32, #tpu.memory_space<hbm>>, %arg3: memref<160000xi32, #tpu.memory_space<hbm>>, %arg4: memref<2240000x4xf32, #tpu.memory_space<hbm>>, %arg5: memref<2240000x4xf32, #tpu.memory_space<hbm>>, %arg6: memref<640000xf32, #tpu.memory_space<hbm>>, %arg7: memref<512xf32, #tpu.memory_space<hbm>>, %arg8: memref<128xi32, #tpu.memory_space<vmem>>, %arg9: memref<128xi32, #tpu.memory_space<vmem>>, %arg10: memref<128x4xf32, #tpu.memory_space<vmem>>, %arg11: memref<128x4xf32, #tpu.memory_space<vmem>>, %arg12: memref<512xf32, #tpu.memory_space<vmem>>, %arg13: memref<16xf32, #tpu.memory_space<vmem>>, %arg14: memref<!tpu.dma_semaphore, #tpu.memory_space<semaphore_mem>>, %arg15: memref<!tpu.dma_semaphore, #tpu.memory_space<semaphore_mem>>) attributes {dimension_semantics = [#tpu.dimension_semantics<core_parallel>, #tpu.dimension_semantics<subcore_parallel>], iteration_bounds = array<i64: 2, 16>, scalar_prefetch = 0 : i64, scratch_operands = 8 : i64, tpu.core_type = #tpu.core_type<sc_vector_subcore>, window_params = [{transform_indices = #map}, {transform_indices = #map}, {transform_indices = #map1}, {transform_indices = #map1}, {transform_indices = #map}, {transform_indices = #map}]} {
    %mul3A = arith.constant 2 : i32
    %mul3A_0 = arith.muli %arg1, %mul3A : i32
    %add3A = arith.addi %mul3A_0, %arg0 : i32
    %lt3A = arith.constant 2 : i32
    %lt3A_1 = arith.cmpi slt, %add3A, %lt3A : i32
    %jit3A = arith.constant 40 : i32
    %jit3A_2 = arith.constant 39 : i32
    %select_n3A = arith.select %lt3A_1, %jit3A, %jit3A_2 : i32
    %iota3A = tpu.iota {dimensions = array<i32: 0>} : vector<16xi32>
    %broadcast_in_dim3A = arith.constant -3.400000e+38 : f32
    %broadcast_in_dim3A_3 = vector.broadcast %broadcast_in_dim3A : f32 to vector<16xf32>
    %sub3A = arith.constant 0 : i32
    %sub3A_4 = arith.subi %select_n3A, %sub3A : i32
    %sub3A_5 = arith.constant 1 : i32
    %sub3A_6 = arith.constant 1 : i32
    %sub3A_7 = arith.subi %sub3A_5, %sub3A_6 : i32
    %add3A_8 = arith.addi %sub3A_4, %sub3A_7 : i32
    %div3A = arith.constant 1 : i32
    %div3A_9 = arith.divsi %add3A_8, %div3A : i32
    %while3A = arith.constant 1 : i32
    %while3A_10 = arith.constant 0 : i32
    %while3A_11 = arith.constant 0 : i32
    %while3A_12 = arith.subi %div3A_9, %while3A_11 : i32
    %while3A_13 = arith.addi %while3A_11, %while3A_12 : i32
    %while3A_14 = arith.constant 1 : i32
    %while3A_15 = arith.divsi %while3A_12, %while3A_14 : i32
    %while3A_16 = arith.muli %while3A_15, %while3A_14 : i32
    %while3A_17 = arith.addi %while3A_11, %while3A_16 : i32
    %while3A_18 = arith.constant 1 : i32
    %while3A_19 = scf.for %while3A_42 = %while3A_11 to %while3A_17 step %while3A_18 iter_args(%while3A_43 = %broadcast_in_dim3A_3) -> (vector<16xf32>)  : i32 {
      %mul3A_44 = arith.muli %while3A_42, %while3A : i32
      %add3A_45 = arith.addi %while3A_10, %mul3A_44 : i32
      %mul3A_46 = arith.constant 32 : i32
      %mul3A_47 = arith.muli %mul3A_46, %add3A_45 : i32
      %add3A_48 = arith.addi %add3A, %mul3A_47 : i32
      %mul3A_49 = arith.constant 128 : i32
      %mul3A_50 = arith.muli %add3A_48, %mul3A_49 : i32
      %dma_start3A = tpu.memref_slice %arg2[%mul3A_50] : memref<160000xi32, #tpu.memory_space<hbm>> -> memref<128xi32, #tpu.memory_space<hbm>>
      %dma_start3A_51 = tpu.memref_slice %arg2[%mul3A_50] : memref<160000xi32, #tpu.memory_space<hbm>> -> memref<128xi32, #tpu.memory_space<hbm>>
      tpu.enqueue_dma source(%dma_start3A_51 : memref<128xi32, #tpu.memory_space<hbm>>) target(%arg8 : memref<128xi32, #tpu.memory_space<vmem>>) target_semaphore(%arg14 : memref<!tpu.dma_semaphore, #tpu.memory_space<semaphore_mem>>)
      %mul3A_52 = arith.constant 128 : i32
      %mul3A_53 = arith.muli %add3A_48, %mul3A_52 : i32
      %dma_start3A_54 = tpu.memref_slice %arg3[%mul3A_53] : memref<160000xi32, #tpu.memory_space<hbm>> -> memref<128xi32, #tpu.memory_space<hbm>>
      %dma_start3A_55 = tpu.memref_slice %arg3[%mul3A_53] : memref<160000xi32, #tpu.memory_space<hbm>> -> memref<128xi32, #tpu.memory_space<hbm>>
      tpu.enqueue_dma source(%dma_start3A_55 : memref<128xi32, #tpu.memory_space<hbm>>) target(%arg9 : memref<128xi32, #tpu.memory_space<vmem>>) target_semaphore(%arg15 : memref<!tpu.dma_semaphore, #tpu.memory_space<semaphore_mem>>)
      %dma_wait3A = tpu.memref_slice %arg2[%mul3A_50] : memref<160000xi32, #tpu.memory_space<hbm>> -> memref<128xi32, #tpu.memory_space<hbm>>
      %dma_wait3A_56 = tpu.memref_slice %arg2[%mul3A_50] : memref<160000xi32, #tpu.memory_space<hbm>> -> memref<128xi32, #tpu.memory_space<hbm>>
      tpu.wait_dma2 semaphore(%arg14 : memref<!tpu.dma_semaphore, #tpu.memory_space<semaphore_mem>>) src(%dma_wait3A_56 : memref<128xi32, #tpu.memory_space<hbm>>) dst(%arg8 : memref<128xi32, #tpu.memory_space<vmem>>)
      %dma_wait3A_57 = tpu.memref_slice %arg3[%mul3A_53] : memref<160000xi32, #tpu.memory_space<hbm>> -> memref<128xi32, #tpu.memory_space<hbm>>
      %dma_wait3A_58 = tpu.memref_slice %arg3[%mul3A_53] : memref<160000xi32, #tpu.memory_space<hbm>> -> memref<128xi32, #tpu.memory_space<hbm>>
      tpu.wait_dma2 semaphore(%arg15 : memref<!tpu.dma_semaphore, #tpu.memory_space<semaphore_mem>>) src(%dma_wait3A_58 : memref<128xi32, #tpu.memory_space<hbm>>) dst(%arg9 : memref<128xi32, #tpu.memory_space<vmem>>)
      %dma_start3A_59 = arith.constant 0 : i32
      %dma_start3A_60 = arith.constant 0 : i32
      %dma_start3A_61 = tpu.memref_slice %arg4[%dma_start3A_59, %dma_start3A_60] : memref<2240000x4xf32, #tpu.memory_space<hbm>> -> memref<2240000x4xf32, #tpu.memory_space<hbm>>
      tpu.enqueue_indirect_dma source(%dma_start3A_61 : memref<2240000x4xf32, #tpu.memory_space<hbm>>) target(%arg10 : memref<128x4xf32, #tpu.memory_space<vmem>>) offsets(%arg8 : memref<128xi32, #tpu.memory_space<vmem>>) semaphore(%arg14 : memref<!tpu.dma_semaphore, #tpu.memory_space<semaphore_mem>>)
      %dma_start3A_62 = arith.constant 0 : i32
      %dma_start3A_63 = arith.constant 0 : i32
      %dma_start3A_64 = tpu.memref_slice %arg5[%dma_start3A_62, %dma_start3A_63] : memref<2240000x4xf32, #tpu.memory_space<hbm>> -> memref<2240000x4xf32, #tpu.memory_space<hbm>>
      tpu.enqueue_indirect_dma source(%dma_start3A_64 : memref<2240000x4xf32, #tpu.memory_space<hbm>>) target(%arg11 : memref<128x4xf32, #tpu.memory_space<vmem>>) offsets(%arg9 : memref<128xi32, #tpu.memory_space<vmem>>) semaphore(%arg15 : memref<!tpu.dma_semaphore, #tpu.memory_space<semaphore_mem>>)
      %dma_wait3A_65 = arith.constant 0 : i32
      %dma_wait3A_66 = arith.constant 0 : i32
      %dma_wait3A_67 = tpu.memref_slice %arg4[%dma_wait3A_65, %dma_wait3A_66] : memref<2240000x4xf32, #tpu.memory_space<hbm>> -> memref<2240000x4xf32, #tpu.memory_space<hbm>>
      tpu.wait_indirect_dma semaphore(%arg14 : memref<!tpu.dma_semaphore, #tpu.memory_space<semaphore_mem>>) src(%dma_wait3A_67 : memref<2240000x4xf32, #tpu.memory_space<hbm>>) dst(%arg10 : memref<128x4xf32, #tpu.memory_space<vmem>>)
      %dma_wait3A_68 = arith.constant 0 : i32
      %dma_wait3A_69 = arith.constant 0 : i32
      %dma_wait3A_70 = tpu.memref_slice %arg5[%dma_wait3A_68, %dma_wait3A_69] : memref<2240000x4xf32, #tpu.memory_space<hbm>> -> memref<2240000x4xf32, #tpu.memory_space<hbm>>
      tpu.wait_indirect_dma semaphore(%arg15 : memref<!tpu.dma_semaphore, #tpu.memory_space<semaphore_mem>>) src(%dma_wait3A_70 : memref<2240000x4xf32, #tpu.memory_space<hbm>>) dst(%arg11 : memref<128x4xf32, #tpu.memory_space<vmem>>)
      %scan3A = arith.constant 0 : i32
      %scan3A_71 = arith.constant 32 : i32
      %scan3A_72 = arith.addi %scan3A, %scan3A_71 : i32
      %scan3A_73 = arith.constant 1 : i32
      %scan3A_74 = scf.for %scan3A_80 = %scan3A to %scan3A_72 step %scan3A_73 iter_args(%scan3A_81 = %while3A_43) -> (vector<16xf32>)  : i32 {
        %mul3A_82 = arith.constant 1 : i32
        %mul3A_83 = arith.muli %scan3A_80, %mul3A_82 : i32
        %add3A_84 = arith.constant 0 : i32
        %add3A_85 = arith.addi %add3A_84, %mul3A_83 : i32
        %mul3A_86 = arith.constant 16 : i32
        %mul3A_87 = arith.muli %add3A_85, %mul3A_86 : i32
        %add3A_88 = vector.broadcast %mul3A_87 : i32 to vector<16xi32>
        %add3A_89 = arith.addi %add3A_88, %iota3A : vector<16xi32>
        %shift_right_arithmetic3A = arith.constant 2 : i32
        %shift_right_arithmetic3A_90 = vector.broadcast %shift_right_arithmetic3A : i32 to vector<16xi32>
        %shift_right_arithmetic3A_91 = arith.shrsi %add3A_89, %shift_right_arithmetic3A_90 : vector<16xi32>
        %and3A_92 = arith.constant 3 : i32
        %and3A_93 = vector.broadcast %and3A_92 : i32 to vector<16xi32>
        %and3A_94 = arith.andi %add3A_89, %and3A_93 : vector<16xi32>
        %gather3A_95 = tpu.vector_load_idx %arg10[%shift_right_arithmetic3A_91, %and3A_94] : memref<128x4xf32, #tpu.memory_space<vmem>>[vector<16xi32>, vector<16xi32>], vector<16xf32>,
        %gather3A_96 = tpu.vector_load_idx %arg11[%shift_right_arithmetic3A_91, %and3A_94] : memref<128x4xf32, #tpu.memory_space<vmem>>[vector<16xi32>, vector<16xi32>], vector<16xf32>,
        %add3A_97 = arith.addf %gather3A_95, %gather3A_96 : vector<16xf32>
        %mul3A_98 = arith.constant 0.176776692 : f32
        %mul3A_99 = vector.broadcast %mul3A_98 : f32 to vector<16xf32>
        %mul3A_100 = arith.mulf %add3A_97, %mul3A_99 : vector<16xf32>
        %ge3A = arith.constant 0.000000e+00 : f32
        %ge3A_101 = vector.broadcast %ge3A : f32 to vector<16xf32>
        %ge3A_102 = arith.cmpf oge, %mul3A_100, %ge3A_101 : vector<16xf32>
        %mul3A_103 = arith.constant 2.000000e-01 : f32
        %mul3A_104 = vector.broadcast %mul3A_103 : f32 to vector<16xf32>
        %mul3A_105 = arith.mulf %mul3A_104, %mul3A_100 : vector<16xf32>
        %select_n3A_106 = arith.select %ge3A_102, %mul3A_100, %mul3A_105 : vector<16xi1>, vector<16xf32>
        %neg3A = arith.constant 0.000000e+00 : f32
        %neg3A_107 = vector.broadcast %neg3A : f32 to vector<16xf32>
        %neg3A_108 = arith.subf %neg3A_107, %select_n3A_106 : vector<16xf32>
        %mul3A_109 = arith.constant 16 : i32
        %mul3A_110 = arith.muli %add3A_85, %mul3A_109 : i32
        %swap3A_111 = arith.index_cast %mul3A_110 : i32 to index
        %swap3A_112 = tpu.vector_load %arg12[%swap3A_111] {strides = array<i32>} : memref<512xf32, #tpu.memory_space<vmem>>, vector<16xf32>,
        tpu.vector_store %arg12[%swap3A_111], %neg3A_108 {strides = array<i32>} : memref<512xf32, #tpu.memory_space<vmem>>, vector<16xf32>,
        %max3A_113 = arith.maximumf %scan3A_81, %neg3A_108 : vector<16xf32>
        scf.yield %max3A_113 : vector<16xf32>
      }
      %scan3A_75 = arith.constant 32 : i32
      %mul3A_76 = arith.constant 128 : i32
      %mul3A_77 = arith.muli %add3A_48, %mul3A_76 : i32
      %mul3A_78 = arith.constant 4 : i32
      %mul3A_79 = arith.muli %mul3A_77, %mul3A_78 : i32
      "tpu.region"() ({
        %run_scoped3A = tpu.sem_alloc : memref<!tpu.dma_semaphore, #tpu.memory_space<semaphore_mem>>
        %dma_start3A_80 = tpu.memref_slice %arg6[%mul3A_79] : memref<640000xf32, #tpu.memory_space<hbm>> -> memref<512xf32, #tpu.memory_space<hbm>>
        %dma_start3A_81 = tpu.memref_slice %arg6[%mul3A_79] : memref<640000xf32, #tpu.memory_space<hbm>> -> memref<512xf32, #tpu.memory_space<hbm>>
        tpu.enqueue_dma source(%arg12 : memref<512xf32, #tpu.memory_space<vmem>>) target(%dma_start3A_81 : memref<512xf32, #tpu.memory_space<hbm>>) target_semaphore(%run_scoped3A : memref<!tpu.dma_semaphore, #tpu.memory_space<semaphore_mem>>)
        %dma_wait3A_82 = tpu.memref_slice %arg6[%mul3A_79] : memref<640000xf32, #tpu.memory_space<hbm>> -> memref<512xf32, #tpu.memory_space<hbm>>
        %dma_wait3A_83 = tpu.memref_slice %arg6[%mul3A_79] : memref<640000xf32, #tpu.memory_space<hbm>> -> memref<512xf32, #tpu.memory_space<hbm>>
        tpu.wait_dma2 semaphore(%run_scoped3A : memref<!tpu.dma_semaphore, #tpu.memory_space<semaphore_mem>>) src(%arg12 : memref<512xf32, #tpu.memory_space<vmem>>) dst(%dma_wait3A_83 : memref<512xf32, #tpu.memory_space<hbm>>)
        tpu.yield
      }) : () -> ()
      scf.yield %scan3A_74 : vector<16xf32>
    }
    %while3A_20 = arith.constant 1 : i32
    %while3A_21 = scf.for %while3A_42 = %while3A_17 to %while3A_13 step %while3A_20 iter_args(%while3A_43 = %while3A_19) -> (vector<16xf32>)  : i32 {
      %mul3A_44 = arith.muli %while3A_42, %while3A : i32
      %add3A_45 = arith.addi %while3A_10, %mul3A_44 : i32
      %mul3A_46 = arith.constant 32 : i32
      %mul3A_47 = arith.muli %mul3A_46, %add3A_45 : i32
      %add3A_48 = arith.addi %add3A, %mul3A_47 : i32
      %mul3A_49 = arith.constant 128 : i32
      %mul3A_50 = arith.muli %add3A_48, %mul3A_49 : i32
      %dma_start3A = tpu.memref_slice %arg2[%mul3A_50] : memref<160000xi32, #tpu.memory_space<hbm>> -> memref<128xi32, #tpu.memory_space<hbm>>
      %dma_start3A_51 = tpu.memref_slice %arg2[%mul3A_50] : memref<160000xi32, #tpu.memory_space<hbm>> -> memref<128xi32, #tpu.memory_space<hbm>>
      tpu.enqueue_dma source(%dma_start3A_51 : memref<128xi32, #tpu.memory_space<hbm>>) target(%arg8 : memref<128xi32, #tpu.memory_space<vmem>>) target_semaphore(%arg14 : memref<!tpu.dma_semaphore, #tpu.memory_space<semaphore_mem>>)
      %mul3A_52 = arith.constant 128 : i32
      %mul3A_53 = arith.muli %add3A_48, %mul3A_52 : i32
      %dma_start3A_54 = tpu.memref_slice %arg3[%mul3A_53] : memref<160000xi32, #tpu.memory_space<hbm>> -> memref<128xi32, #tpu.memory_space<hbm>>
      %dma_start3A_55 = tpu.memref_slice %arg3[%mul3A_53] : memref<160000xi32, #tpu.memory_space<hbm>> -> memref<128xi32, #tpu.memory_space<hbm>>
      tpu.enqueue_dma source(%dma_start3A_55 : memref<128xi32, #tpu.memory_space<hbm>>) target(%arg9 : memref<128xi32, #tpu.memory_space<vmem>>) target_semaphore(%arg15 : memref<!tpu.dma_semaphore, #tpu.memory_space<semaphore_mem>>)
      %dma_wait3A = tpu.memref_slice %arg2[%mul3A_50] : memref<160000xi32, #tpu.memory_space<hbm>> -> memref<128xi32, #tpu.memory_space<hbm>>
      %dma_wait3A_56 = tpu.memref_slice %arg2[%mul3A_50] : memref<160000xi32, #tpu.memory_space<hbm>> -> memref<128xi32, #tpu.memory_space<hbm>>
      tpu.wait_dma2 semaphore(%arg14 : memref<!tpu.dma_semaphore, #tpu.memory_space<semaphore_mem>>) src(%dma_wait3A_56 : memref<128xi32, #tpu.memory_space<hbm>>) dst(%arg8 : memref<128xi32, #tpu.memory_space<vmem>>)
      %dma_wait3A_57 = tpu.memref_slice %arg3[%mul3A_53] : memref<160000xi32, #tpu.memory_space<hbm>> -> memref<128xi32, #tpu.memory_space<hbm>>
      %dma_wait3A_58 = tpu.memref_slice %arg3[%mul3A_53] : memref<160000xi32, #tpu.memory_space<hbm>> -> memref<128xi32, #tpu.memory_space<hbm>>
      tpu.wait_dma2 semaphore(%arg15 : memref<!tpu.dma_semaphore, #tpu.memory_space<semaphore_mem>>) src(%dma_wait3A_58 : memref<128xi32, #tpu.memory_space<hbm>>) dst(%arg9 : memref<128xi32, #tpu.memory_space<vmem>>)
      %dma_start3A_59 = arith.constant 0 : i32
      %dma_start3A_60 = arith.constant 0 : i32
      %dma_start3A_61 = tpu.memref_slice %arg4[%dma_start3A_59, %dma_start3A_60] : memref<2240000x4xf32, #tpu.memory_space<hbm>> -> memref<2240000x4xf32, #tpu.memory_space<hbm>>
      tpu.enqueue_indirect_dma source(%dma_start3A_61 : memref<2240000x4xf32, #tpu.memory_space<hbm>>) target(%arg10 : memref<128x4xf32, #tpu.memory_space<vmem>>) offsets(%arg8 : memref<128xi32, #tpu.memory_space<vmem>>) semaphore(%arg14 : memref<!tpu.dma_semaphore, #tpu.memory_space<semaphore_mem>>)
      %dma_start3A_62 = arith.constant 0 : i32
      %dma_start3A_63 = arith.constant 0 : i32
      %dma_start3A_64 = tpu.memref_slice %arg5[%dma_start3A_62, %dma_start3A_63] : memref<2240000x4xf32, #tpu.memory_space<hbm>> -> memref<2240000x4xf32, #tpu.memory_space<hbm>>
      tpu.enqueue_indirect_dma source(%dma_start3A_64 : memref<2240000x4xf32, #tpu.memory_space<hbm>>) target(%arg11 : memref<128x4xf32, #tpu.memory_space<vmem>>) offsets(%arg9 : memref<128xi32, #tpu.memory_space<vmem>>) semaphore(%arg15 : memref<!tpu.dma_semaphore, #tpu.memory_space<semaphore_mem>>)
      %dma_wait3A_65 = arith.constant 0 : i32
      %dma_wait3A_66 = arith.constant 0 : i32
      %dma_wait3A_67 = tpu.memref_slice %arg4[%dma_wait3A_65, %dma_wait3A_66] : memref<2240000x4xf32, #tpu.memory_space<hbm>> -> memref<2240000x4xf32, #tpu.memory_space<hbm>>
      tpu.wait_indirect_dma semaphore(%arg14 : memref<!tpu.dma_semaphore, #tpu.memory_space<semaphore_mem>>) src(%dma_wait3A_67 : memref<2240000x4xf32, #tpu.memory_space<hbm>>) dst(%arg10 : memref<128x4xf32, #tpu.memory_space<vmem>>)
      %dma_wait3A_68 = arith.constant 0 : i32
      %dma_wait3A_69 = arith.constant 0 : i32
      %dma_wait3A_70 = tpu.memref_slice %arg5[%dma_wait3A_68, %dma_wait3A_69] : memref<2240000x4xf32, #tpu.memory_space<hbm>> -> memref<2240000x4xf32, #tpu.memory_space<hbm>>
      tpu.wait_indirect_dma semaphore(%arg15 : memref<!tpu.dma_semaphore, #tpu.memory_space<semaphore_mem>>) src(%dma_wait3A_70 : memref<2240000x4xf32, #tpu.memory_space<hbm>>) dst(%arg11 : memref<128x4xf32, #tpu.memory_space<vmem>>)
      %scan3A = arith.constant 0 : i32
      %scan3A_71 = arith.constant 32 : i32
      %scan3A_72 = arith.addi %scan3A, %scan3A_71 : i32
      %scan3A_73 = arith.constant 1 : i32
      %scan3A_74 = scf.for %scan3A_80 = %scan3A to %scan3A_72 step %scan3A_73 iter_args(%scan3A_81 = %while3A_43) -> (vector<16xf32>)  : i32 {
        %mul3A_82 = arith.constant 1 : i32
        %mul3A_83 = arith.muli %scan3A_80, %mul3A_82 : i32
        %add3A_84 = arith.constant 0 : i32
        %add3A_85 = arith.addi %add3A_84, %mul3A_83 : i32
        %mul3A_86 = arith.constant 16 : i32
        %mul3A_87 = arith.muli %add3A_85, %mul3A_86 : i32
        %add3A_88 = vector.broadcast %mul3A_87 : i32 to vector<16xi32>
        %add3A_89 = arith.addi %add3A_88, %iota3A : vector<16xi32>
        %shift_right_arithmetic3A = arith.constant 2 : i32
        %shift_right_arithmetic3A_90 = vector.broadcast %shift_right_arithmetic3A : i32 to vector<16xi32>
        %shift_right_arithmetic3A_91 = arith.shrsi %add3A_89, %shift_right_arithmetic3A_90 : vector<16xi32>
        %and3A_92 = arith.constant 3 : i32
        %and3A_93 = vector.broadcast %and3A_92 : i32 to vector<16xi32>
        %and3A_94 = arith.andi %add3A_89, %and3A_93 : vector<16xi32>
        %gather3A_95 = tpu.vector_load_idx %arg10[%shift_right_arithmetic3A_91, %and3A_94] : memref<128x4xf32, #tpu.memory_space<vmem>>[vector<16xi32>, vector<16xi32>], vector<16xf32>,
        %gather3A_96 = tpu.vector_load_idx %arg11[%shift_right_arithmetic3A_91, %and3A_94] : memref<128x4xf32, #tpu.memory_space<vmem>>[vector<16xi32>, vector<16xi32>], vector<16xf32>,
        %add3A_97 = arith.addf %gather3A_95, %gather3A_96 : vector<16xf32>
        %mul3A_98 = arith.constant 0.176776692 : f32
        %mul3A_99 = vector.broadcast %mul3A_98 : f32 to vector<16xf32>
        %mul3A_100 = arith.mulf %add3A_97, %mul3A_99 : vector<16xf32>
        %ge3A = arith.constant 0.000000e+00 : f32
        %ge3A_101 = vector.broadcast %ge3A : f32 to vector<16xf32>
        %ge3A_102 = arith.cmpf oge, %mul3A_100, %ge3A_101 : vector<16xf32>
        %mul3A_103 = arith.constant 2.000000e-01 : f32
        %mul3A_104 = vector.broadcast %mul3A_103 : f32 to vector<16xf32>
        %mul3A_105 = arith.mulf %mul3A_104, %mul3A_100 : vector<16xf32>
        %select_n3A_106 = arith.select %ge3A_102, %mul3A_100, %mul3A_105 : vector<16xi1>, vector<16xf32>
        %neg3A = arith.constant 0.000000e+00 : f32
        %neg3A_107 = vector.broadcast %neg3A : f32 to vector<16xf32>
        %neg3A_108 = arith.subf %neg3A_107, %select_n3A_106 : vector<16xf32>
        %mul3A_109 = arith.constant 16 : i32
        %mul3A_110 = arith.muli %add3A_85, %mul3A_109 : i32
        %swap3A_111 = arith.index_cast %mul3A_110 : i32 to index
        %swap3A_112 = tpu.vector_load %arg12[%swap3A_111] {strides = array<i32>} : memref<512xf32, #tpu.memory_space<vmem>>, vector<16xf32>,
        tpu.vector_store %arg12[%swap3A_111], %neg3A_108 {strides = array<i32>} : memref<512xf32, #tpu.memory_space<vmem>>, vector<16xf32>,
        %max3A_113 = arith.maximumf %scan3A_81, %neg3A_108 : vector<16xf32>
        scf.yield %max3A_113 : vector<16xf32>
      }
      %scan3A_75 = arith.constant 32 : i32
      %mul3A_76 = arith.constant 128 : i32
      %mul3A_77 = arith.muli %add3A_48, %mul3A_76 : i32
      %mul3A_78 = arith.constant 4 : i32
      %mul3A_79 = arith.muli %mul3A_77, %mul3A_78 : i32
      "tpu.region"() ({
        %run_scoped3A = tpu.sem_alloc : memref<!tpu.dma_semaphore, #tpu.memory_space<semaphore_mem>>
        %dma_start3A_80 = tpu.memref_slice %arg6[%mul3A_79] : memref<640000xf32, #tpu.memory_space<hbm>> -> memref<512xf32, #tpu.memory_space<hbm>>
        %dma_start3A_81 = tpu.memref_slice %arg6[%mul3A_79] : memref<640000xf32, #tpu.memory_space<hbm>> -> memref<512xf32, #tpu.memory_space<hbm>>
        tpu.enqueue_dma source(%arg12 : memref<512xf32, #tpu.memory_space<vmem>>) target(%dma_start3A_81 : memref<512xf32, #tpu.memory_space<hbm>>) target_semaphore(%run_scoped3A : memref<!tpu.dma_semaphore, #tpu.memory_space<semaphore_mem>>)
        %dma_wait3A_82 = tpu.memref_slice %arg6[%mul3A_79] : memref<640000xf32, #tpu.memory_space<hbm>> -> memref<512xf32, #tpu.memory_space<hbm>>
        %dma_wait3A_83 = tpu.memref_slice %arg6[%mul3A_79] : memref<640000xf32, #tpu.memory_space<hbm>> -> memref<512xf32, #tpu.memory_space<hbm>>
        tpu.wait_dma2 semaphore(%run_scoped3A : memref<!tpu.dma_semaphore, #tpu.memory_space<semaphore_mem>>) src(%arg12 : memref<512xf32, #tpu.memory_space<vmem>>) dst(%dma_wait3A_83 : memref<512xf32, #tpu.memory_space<hbm>>)
        tpu.yield
      }) : () -> ()
      scf.yield %scan3A_74 : vector<16xf32>
    }
    %swap3A = arith.constant 0 : index
    %swap3A_22 = tpu.vector_load %arg13[%swap3A] {strides = array<i32>} : memref<16xf32, #tpu.memory_space<vmem>>, vector<16xf32>,
    tpu.vector_store %arg13[%swap3A], %while3A_21 {strides = array<i32>} : memref<16xf32, #tpu.memory_space<vmem>>, vector<16xf32>,
    %add3A_23 = arith.constant 8 : i32
    %add3A_24 = vector.broadcast %add3A_23 : i32 to vector<16xi32>
    %add3A_25 = arith.addi %iota3A, %add3A_24 : vector<16xi32>
    %and3A = arith.constant 15 : i32
    %and3A_26 = vector.broadcast %and3A : i32 to vector<16xi32>
    %and3A_27 = arith.andi %add3A_25, %and3A_26 : vector<16xi32>
    %gather3A = tpu.vector_load_idx %arg13[%and3A_27] : memref<16xf32, #tpu.memory_space<vmem>>[vector<16xi32>], vector<16xf32>,
    %max3A = arith.maximumf %while3A_21, %gather3A : vector<16xf32>
    %swap3A_28 = arith.constant 0 : index
    %swap3A_29 = tpu.vector_load %arg13[%swap3A_28] {strides = array<i32>} : memref<16xf32, #tpu.memory_space<vmem>>, vector<16xf32>,
    tpu.vector_store %arg13[%swap3A_28], %max3A {strides = array<i32>} : memref<16xf32, #tpu.memory_space<vmem>>, vector<16xf32>,
    %add3A_30 = arith.constant 4 : i32
    %add3A_31 = vector.broadcast %add3A_30 : i32 to vector<16xi32>
    %add3A_32 = arith.addi %iota3A, %add3A_31 : vector<16xi32>
    %and3A_33 = arith.constant 15 : i32
    %and3A_34 = vector.broadcast %and3A_33 : i32 to vector<16xi32>
    %and3A_35 = arith.andi %add3A_32, %and3A_34 : vector<16xi32>
    %gather3A_36 = tpu.vector_load_idx %arg13[%and3A_35] : memref<16xf32, #tpu.memory_space<vmem>>[vector<16xi32>], vector<16xf32>,
    %max3A_37 = arith.maximumf %max3A, %gather3A_36 : vector<16xf32>
    %swap3A_38 = arith.constant 0 : index
    %swap3A_39 = tpu.vector_load %arg13[%swap3A_38] {strides = array<i32>} : memref<16xf32, #tpu.memory_space<vmem>>, vector<16xf32>,
    tpu.vector_store %arg13[%swap3A_38], %max3A_37 {strides = array<i32>} : memref<16xf32, #tpu.memory_space<vmem>>, vector<16xf32>,
    %mul3A_40 = arith.constant 16 : i32
    %mul3A_41 = arith.muli %add3A, %mul3A_40 : i32
    "tpu.region"() ({
      %run_scoped3A = tpu.sem_alloc : memref<!tpu.dma_semaphore, #tpu.memory_space<semaphore_mem>>
      %dma_start3A = tpu.memref_slice %arg7[%mul3A_41] : memref<512xf32, #tpu.memory_space<hbm>> -> memref<16xf32, #tpu.memory_space<hbm>>
      %dma_start3A_42 = tpu.memref_slice %arg7[%mul3A_41] : memref<512xf32, #tpu.memory_space<hbm>> -> memref<16xf32, #tpu.memory_space<hbm>>
      tpu.enqueue_dma source(%arg13 : memref<16xf32, #tpu.memory_space<vmem>>) target(%dma_start3A_42 : memref<16xf32, #tpu.memory_space<hbm>>) target_semaphore(%run_scoped3A : memref<!tpu.dma_semaphore, #tpu.memory_space<semaphore_mem>>)
      %dma_wait3A = tpu.memref_slice %arg7[%mul3A_41] : memref<512xf32, #tpu.memory_space<hbm>> -> memref<16xf32, #tpu.memory_space<hbm>>
      %dma_wait3A_43 = tpu.memref_slice %arg7[%mul3A_41] : memref<512xf32, #tpu.memory_space<hbm>> -> memref<16xf32, #tpu.memory_space<hbm>>
      tpu.wait_dma2 semaphore(%run_scoped3A : memref<!tpu.dma_semaphore, #tpu.memory_space<semaphore_mem>>) src(%arg13 : memref<16xf32, #tpu.memory_space<vmem>>) dst(%dma_wait3A_43 : memref<16xf32, #tpu.memory_space<hbm>>)
      tpu.yield
    }) : () -> ()
    return
  }
}

module attributes {stable_mosaic.version = 14 : i64} {
  func.func @body(%arg0: i32, %arg1: memref<1000x384xf32, #tpu.memory_space<vmem>>, %arg2: memref<384x640xf32, #tpu.memory_space<vmem>>, %arg3: memref<8x640xf32, #tpu.memory_space<vmem>>, %arg4: memref<1000x640xf32, #tpu.memory_space<vmem>>) attributes {dimension_semantics = [#tpu.dimension_semantics<arbitrary>], iteration_bounds = array<i64: 10>, scalar_prefetch = 0 : i64, scratch_operands = 0 : i64, tpu.core_type = #tpu.core_type<tc>, window_params = [{transform_indices = @transform_0, window_bounds = array<i64: 1000, 384>}, {pipeline_mode = #tpu.pipeline_mode<synchronous>, transform_indices = @transform_1, window_bounds = array<i64: 384, 640>}, {pipeline_mode = #tpu.pipeline_mode<synchronous>, transform_indices = @transform_2, window_bounds = array<i64: 8, 640>}, {transform_indices = @transform_3, window_bounds = array<i64: 1000, 640>}]} {
    %get3A = arith.constant 0 : index
    %get3A_0 = arith.constant 0 : index
    %get3A_1 = vector.load %arg1[%get3A, %get3A_0] : memref<1000x384xf32, #tpu.memory_space<vmem>>, vector<1000x384xf32>
    %get3A_2 = arith.constant 0 : index
    %get3A_3 = arith.constant 0 : index
    %get3A_4 = vector.load %arg2[%get3A_2, %get3A_3] : memref<384x640xf32, #tpu.memory_space<vmem>>, vector<384x640xf32>
    %dot_general3A = arith.constant dense<0.000000e+00> : vector<1000x640xf32>
    %dot_general3A_5 = tpu.matmul %get3A_1, %get3A_4, %dot_general3A {dimension_numbers = #tpu.dot_dimension_numbers<[1], [0], [0], [1], [0, 0, 1, 1], [], []>, transpose_lhs_hint = false} : vector<1000x384xf32>, vector<384x640xf32>, vector<1000x640xf32> -> vector<1000x640xf32>
    %get3A_6 = arith.constant 0 : index
    %get3A_7 = arith.constant 0 : index
    %get3A_8 = vector.load %arg3[%get3A_6, %get3A_7] : memref<8x640xf32, #tpu.memory_space<vmem>>, vector<8x640xf32>
    %slice3A = vector.extract_strided_slice %get3A_8 {offsets = [0, 0], sizes = [1, 640], strides = [1, 1]} : vector<8x640xf32> to vector<1x640xf32>
    %add3A = vector.broadcast %slice3A : vector<1x640xf32> to vector<1000x640xf32>
    %add3A_9 = arith.addf %dot_general3A_5, %add3A : vector<1000x640xf32>
    %swap3A = arith.constant 0 : index
    %swap3A_10 = arith.constant 0 : index
    %swap3A_11 = vector.load %arg4[%swap3A, %swap3A_10] : memref<1000x640xf32, #tpu.memory_space<vmem>>, vector<1000x640xf32>
    tpu.vector_store %arg4[%swap3A, %swap3A_10], %add3A_9 {strides = array<i32>} : memref<1000x640xf32, #tpu.memory_space<vmem>>, vector<1000x640xf32>,
    return
  }
  func.func @transform_0(%arg0: i32) -> (i32, i32) {
    %c0_i32 = arith.constant 0 : i32
    %c0_i32_0 = arith.constant 0 : i32
    return %arg0, %c0_i32 : i32, i32
  }
  func.func @transform_1(%arg0: i32) -> (i32, i32) {
    %c0_i32 = arith.constant 0 : i32
    %c0_i32_0 = arith.constant 0 : i32
    %c0_i32_1 = arith.constant 0 : i32
    return %c0_i32, %c0_i32_0 : i32, i32
  }
  func.func @transform_2(%arg0: i32) -> (i32, i32) {
    %c0_i32 = arith.constant 0 : i32
    %c0_i32_0 = arith.constant 0 : i32
    %c0_i32_1 = arith.constant 0 : i32
    return %c0_i32, %c0_i32_0 : i32, i32
  }
  func.func @transform_3(%arg0: i32) -> (i32, i32) {
    %c0_i32 = arith.constant 0 : i32
    %c0_i32_0 = arith.constant 0 : i32
    return %arg0, %c0_i32 : i32, i32
  }
}

module attributes {stable_mosaic.version = 14 : i64} {
  func.func @body(%arg0: i32, %arg1: memref<200x128xf32, #tpu.memory_space<vmem>>, %arg2: memref<200x128xf32, #tpu.memory_space<vmem>>, %arg3: memref<128x256xf32, #tpu.memory_space<vmem>>, %arg4: memref<200x128xf32, #tpu.memory_space<vmem>>, %arg5: memref<200x128xf32, #tpu.memory_space<vmem>>, %arg6: memref<200x256xf32, #tpu.memory_space<vmem>>, %arg7: memref<200x256xf32, #tpu.memory_space<vmem>>) attributes {dimension_semantics = [#tpu.dimension_semantics<arbitrary>], iteration_bounds = array<i64: 79>, scalar_prefetch = 0 : i64, scratch_operands = 1 : i64, tpu.core_type = #tpu.core_type<tc>, window_params = [{transform_indices = @transform_0, window_bounds = array<i64: 200, 128>}, {transform_indices = @transform_1, window_bounds = array<i64: 200, 128>}, {transform_indices = @transform_2, window_bounds = array<i64: 128, 256>}, {pipeline_mode = #tpu.pipeline_mode<synchronous>, transform_indices = @transform_3, window_bounds = array<i64: 200, 128>}, {pipeline_mode = #tpu.pipeline_mode<synchronous>, transform_indices = @transform_4, window_bounds = array<i64: 200, 128>}, {pipeline_mode = #tpu.pipeline_mode<synchronous>, transform_indices = @transform_5, window_bounds = array<i64: 200, 256>}]} {
    %eq3A = arith.constant 0 : i32
    %eq3A_0 = arith.cmpi eq, %arg0, %eq3A : i32
    %convert_element_type3A = arith.extui %eq3A_0 : i1 to i32
    %cond3A = arith.constant 0 : i32
    %cond3A_1 = arith.cmpi ne, %convert_element_type3A, %cond3A : i32
    scf.if %cond3A_1 {
      %broadcast_in_dim3A = arith.constant 0.000000e+00 : f32
      %broadcast_in_dim3A_31 = vector.broadcast %broadcast_in_dim3A : f32 to vector<200x256xf32>
      %swap3A_32 = arith.constant 0 : index
      %swap3A_33 = arith.constant 0 : index
      %swap3A_34 = vector.load %arg7[%swap3A_32, %swap3A_33] : memref<200x256xf32, #tpu.memory_space<vmem>>, vector<200x256xf32>
      tpu.vector_store %arg7[%swap3A_32, %swap3A_33], %broadcast_in_dim3A_31 {strides = array<i32>} : memref<200x256xf32, #tpu.memory_space<vmem>>, vector<200x256xf32>,
    } else {
    }
    %get3A = arith.constant 0 : index
    %get3A_2 = arith.constant 0 : index
    %get3A_3 = vector.load %arg3[%get3A, %get3A_2] : memref<128x256xf32, #tpu.memory_space<vmem>>, vector<128x256xf32>
    %get3A_4 = arith.constant 0 : index
    %get3A_5 = arith.constant 0 : index
    %get3A_6 = vector.load %arg7[%get3A_4, %get3A_5] : memref<200x256xf32, #tpu.memory_space<vmem>>, vector<200x128xf32>
    %get3A_7 = arith.constant 0 : index
    %get3A_8 = arith.constant 0 : index
    %get3A_9 = vector.load %arg1[%get3A_7, %get3A_8] : memref<200x128xf32, #tpu.memory_space<vmem>>, vector<200x128xf32>
    %slice3A = vector.extract_strided_slice %get3A_3 {offsets = [0, 0], sizes = [128, 128], strides = [1, 1]} : vector<128x256xf32> to vector<128x128xf32>
    %dot_general3A = arith.constant dense<0.000000e+00> : vector<200x128xf32>
    %dot_general3A_10 = tpu.matmul %get3A_9, %slice3A, %dot_general3A {dimension_numbers = #tpu.dot_dimension_numbers<[1], [0], [0], [1], [0, 0, 1, 1], [], []>, transpose_lhs_hint = false} : vector<200x128xf32>, vector<128x128xf32>, vector<200x128xf32> -> vector<200x128xf32>
    %add3A = arith.addf %get3A_6, %dot_general3A_10 : vector<200x128xf32>
    %swap3A = arith.constant 0 : index
    %swap3A_11 = arith.constant 0 : index
    %swap3A_12 = vector.load %arg7[%swap3A, %swap3A_11] : memref<200x256xf32, #tpu.memory_space<vmem>>, vector<200x128xf32>
    tpu.vector_store %arg7[%swap3A, %swap3A_11], %add3A {strides = array<i32>} : memref<200x256xf32, #tpu.memory_space<vmem>>, vector<200x128xf32>,
    %get3A_13 = arith.constant 0 : index
    %get3A_14 = arith.constant 128 : index
    %get3A_15 = vector.load %arg7[%get3A_13, %get3A_14] : memref<200x256xf32, #tpu.memory_space<vmem>>, vector<200x128xf32>
    %get3A_16 = arith.constant 0 : index
    %get3A_17 = arith.constant 0 : index
    %get3A_18 = vector.load %arg2[%get3A_16, %get3A_17] : memref<200x128xf32, #tpu.memory_space<vmem>>, vector<200x128xf32>
    %slice3A_19 = vector.extract_strided_slice %get3A_3 {offsets = [0, 128], sizes = [128, 128], strides = [1, 1]} : vector<128x256xf32> to vector<128x128xf32>
    %dot_general3A_20 = arith.constant dense<0.000000e+00> : vector<200x128xf32>
    %dot_general3A_21 = tpu.matmul %get3A_18, %slice3A_19, %dot_general3A_20 {dimension_numbers = #tpu.dot_dimension_numbers<[1], [0], [0], [1], [0, 0, 1, 1], [], []>, transpose_lhs_hint = false} : vector<200x128xf32>, vector<128x128xf32>, vector<200x128xf32> -> vector<200x128xf32>
    %add3A_22 = arith.addf %get3A_15, %dot_general3A_21 : vector<200x128xf32>
    %swap3A_23 = arith.constant 0 : index
    %swap3A_24 = arith.constant 128 : index
    %swap3A_25 = vector.load %arg7[%swap3A_23, %swap3A_24] : memref<200x256xf32, #tpu.memory_space<vmem>>, vector<200x128xf32>
    tpu.vector_store %arg7[%swap3A_23, %swap3A_24], %add3A_22 {strides = array<i32>} : memref<200x256xf32, #tpu.memory_space<vmem>>, vector<200x128xf32>,
    %eq3A_26 = arith.constant 78 : i32
    %eq3A_27 = arith.cmpi eq, %arg0, %eq3A_26 : i32
    %convert_element_type3A_28 = arith.extui %eq3A_27 : i1 to i32
    %cond3A_29 = arith.constant 0 : i32
    %cond3A_30 = arith.cmpi ne, %convert_element_type3A_28, %cond3A_29 : i32
    scf.if %cond3A_30 {
      %get3A_31 = arith.constant 0 : index
      %get3A_32 = arith.constant 0 : index
      %get3A_33 = vector.load %arg4[%get3A_31, %get3A_32] : memref<200x128xf32, #tpu.memory_space<vmem>>, vector<200x128xf32>
      %get3A_34 = arith.constant 0 : index
      %get3A_35 = arith.constant 0 : index
      %get3A_36 = vector.load %arg5[%get3A_34, %get3A_35] : memref<200x128xf32, #tpu.memory_space<vmem>>, vector<200x128xf32>
      %concatenate3A = tpu.concatenate %get3A_33, %get3A_36 in 1 : vector<200x128xf32>, vector<200x128xf32> -> vector<200x256xf32>
      %get3A_37 = arith.constant 0 : index
      %get3A_38 = arith.constant 0 : index
      %get3A_39 = vector.load %arg7[%get3A_37, %get3A_38] : memref<200x256xf32, #tpu.memory_space<vmem>>, vector<200x256xf32>
      %mul3A = arith.mulf %get3A_39, %concatenate3A : vector<200x256xf32>
      %max3A = arith.constant 0.000000e+00 : f32
      %max3A_40 = vector.broadcast %max3A : f32 to vector<200x256xf32>
      %max3A_41 = arith.maximumf %mul3A, %max3A_40 : vector<200x256xf32>
      %swap3A_42 = arith.constant 0 : index
      %swap3A_43 = arith.constant 0 : index
      %swap3A_44 = vector.load %arg6[%swap3A_42, %swap3A_43] : memref<200x256xf32, #tpu.memory_space<vmem>>, vector<200x256xf32>
      tpu.vector_store %arg6[%swap3A_42, %swap3A_43], %max3A_41 {strides = array<i32>} : memref<200x256xf32, #tpu.memory_space<vmem>>, vector<200x256xf32>,
    } else {
    }
    return
  }
  func.func @transform_0(%arg0: i32) -> (i32, i32) {
    %c0_i32 = arith.constant 0 : i32
    %c0_i32_0 = arith.constant 0 : i32
    return %c0_i32, %arg0 : i32, i32
  }
  func.func @transform_1(%arg0: i32) -> (i32, i32) {
    %c0_i32 = arith.constant 0 : i32
    %c0_i32_0 = arith.constant 0 : i32
    return %c0_i32, %arg0 : i32, i32
  }
  func.func @transform_2(%arg0: i32) -> (i32, i32) {
    %c0_i32 = arith.constant 0 : i32
    %c0_i32_0 = arith.constant 0 : i32
    return %arg0, %c0_i32 : i32, i32
  }
  func.func @transform_3(%arg0: i32) -> (i32, i32) {
    %c0_i32 = arith.constant 0 : i32
    %c0_i32_0 = arith.constant 0 : i32
    %c0_i32_1 = arith.constant 0 : i32
    return %c0_i32, %c0_i32_0 : i32, i32
  }
  func.func @transform_4(%arg0: i32) -> (i32, i32) {
    %c0_i32 = arith.constant 0 : i32
    %c0_i32_0 = arith.constant 0 : i32
    %c0_i32_1 = arith.constant 0 : i32
    return %c0_i32, %c0_i32_0 : i32, i32
  }
  func.func @transform_5(%arg0: i32) -> (i32, i32) {
    %c0_i32 = arith.constant 0 : i32
    %c0_i32_0 = arith.constant 0 : i32
    %c0_i32_1 = arith.constant 0 : i32
    return %c0_i32, %c0_i32_0 : i32, i32
  }
}

module attributes {stable_mosaic.version = 14 : i64} {
  func.func @body(%arg0: i32, %arg1: memref<1000x256xf32, #tpu.memory_space<vmem>>, %arg2: memref<128x896xf32, #tpu.memory_space<vmem>>, %arg3: memref<128x896xf32, #tpu.memory_space<vmem>>, %arg4: memref<1000x896xf32, #tpu.memory_space<vmem>>, %arg5: memref<1000x896xf32, #tpu.memory_space<vmem>>) attributes {dimension_semantics = [#tpu.dimension_semantics<arbitrary>], iteration_bounds = array<i64: 10>, scalar_prefetch = 0 : i64, scratch_operands = 0 : i64, tpu.core_type = #tpu.core_type<tc>, window_params = [{transform_indices = @transform_0, window_bounds = array<i64: 1000, 256>}, {pipeline_mode = #tpu.pipeline_mode<synchronous>, transform_indices = @transform_1, window_bounds = array<i64: 128, 896>}, {pipeline_mode = #tpu.pipeline_mode<synchronous>, transform_indices = @transform_2, window_bounds = array<i64: 128, 896>}, {transform_indices = @transform_3, window_bounds = array<i64: 1000, 896>}, {transform_indices = @transform_4, window_bounds = array<i64: 1000, 896>}]} {
    %get3A = arith.constant 0 : index
    %get3A_0 = arith.constant 0 : index
    %get3A_1 = vector.load %arg1[%get3A, %get3A_0] : memref<1000x256xf32, #tpu.memory_space<vmem>>, vector<1000x256xf32>
    %slice3A = vector.extract_strided_slice %get3A_1 {offsets = [0, 0], sizes = [1000, 128], strides = [1, 1]} : vector<1000x256xf32> to vector<1000x128xf32>
    %get3A_2 = arith.constant 0 : index
    %get3A_3 = arith.constant 0 : index
    %get3A_4 = vector.load %arg2[%get3A_2, %get3A_3] : memref<128x896xf32, #tpu.memory_space<vmem>>, vector<128x896xf32>
    %dot_general3A = arith.constant dense<0.000000e+00> : vector<1000x896xf32>
    %dot_general3A_5 = tpu.matmul %slice3A, %get3A_4, %dot_general3A {dimension_numbers = #tpu.dot_dimension_numbers<[1], [0], [0], [1], [0, 0, 1, 1], [], []>, transpose_lhs_hint = false} : vector<1000x128xf32>, vector<128x896xf32>, vector<1000x896xf32> -> vector<1000x896xf32>
    %swap3A = arith.constant 0 : index
    %swap3A_6 = arith.constant 0 : index
    %swap3A_7 = vector.load %arg4[%swap3A, %swap3A_6] : memref<1000x896xf32, #tpu.memory_space<vmem>>, vector<1000x896xf32>
    tpu.vector_store %arg4[%swap3A, %swap3A_6], %dot_general3A_5 {strides = array<i32>} : memref<1000x896xf32, #tpu.memory_space<vmem>>, vector<1000x896xf32>,
    %slice3A_8 = vector.extract_strided_slice %get3A_1 {offsets = [0, 128], sizes = [1000, 128], strides = [1, 1]} : vector<1000x256xf32> to vector<1000x128xf32>
    %get3A_9 = arith.constant 0 : index
    %get3A_10 = arith.constant 0 : index
    %get3A_11 = vector.load %arg3[%get3A_9, %get3A_10] : memref<128x896xf32, #tpu.memory_space<vmem>>, vector<128x896xf32>
    %dot_general3A_12 = arith.constant dense<0.000000e+00> : vector<1000x896xf32>
    %dot_general3A_13 = tpu.matmul %slice3A_8, %get3A_11, %dot_general3A_12 {dimension_numbers = #tpu.dot_dimension_numbers<[1], [0], [0], [1], [0, 0, 1, 1], [], []>, transpose_lhs_hint = false} : vector<1000x128xf32>, vector<128x896xf32>, vector<1000x896xf32> -> vector<1000x896xf32>
    %swap3A_14 = arith.constant 0 : index
    %swap3A_15 = arith.constant 0 : index
    %swap3A_16 = vector.load %arg5[%swap3A_14, %swap3A_15] : memref<1000x896xf32, #tpu.memory_space<vmem>>, vector<1000x896xf32>
    tpu.vector_store %arg5[%swap3A_14, %swap3A_15], %dot_general3A_13 {strides = array<i32>} : memref<1000x896xf32, #tpu.memory_space<vmem>>, vector<1000x896xf32>,
    return
  }
  func.func @transform_0(%arg0: i32) -> (i32, i32) {
    %c0_i32 = arith.constant 0 : i32
    %c0_i32_0 = arith.constant 0 : i32
    return %arg0, %c0_i32 : i32, i32
  }
  func.func @transform_1(%arg0: i32) -> (i32, i32) {
    %c0_i32 = arith.constant 0 : i32
    %c0_i32_0 = arith.constant 0 : i32
    %c0_i32_1 = arith.constant 0 : i32
    return %c0_i32, %c0_i32_0 : i32, i32
  }
  func.func @transform_2(%arg0: i32) -> (i32, i32) {
    %c0_i32 = arith.constant 0 : i32
    %c0_i32_0 = arith.constant 0 : i32
    %c0_i32_1 = arith.constant 0 : i32
    return %c0_i32, %c0_i32_0 : i32, i32
  }
  func.func @transform_3(%arg0: i32) -> (i32, i32) {
    %c0_i32 = arith.constant 0 : i32
    %c0_i32_0 = arith.constant 0 : i32
    return %arg0, %c0_i32 : i32, i32
  }
  func.func @transform_4(%arg0: i32) -> (i32, i32) {
    %c0_i32 = arith.constant 0 : i32
    %c0_i32_0 = arith.constant 0 : i32
    return %arg0, %c0_i32 : i32, i32
  }
}

module attributes {stable_mosaic.version = 14 : i64} {
  func.func @body(%arg0: i32, %arg1: memref<1250x128xi32, #tpu.memory_space<vmem>>, %arg2: memref<1250x128xi32, #tpu.memory_space<vmem>>, %arg3: memref<1250x128xi32, #tpu.memory_space<vmem>>, %arg4: memref<1250x128xi32, #tpu.memory_space<vmem>>, %arg5: memref<1250x128xi32, #tpu.memory_space<vmem>>) attributes {dimension_semantics = [#tpu.dimension_semantics<arbitrary>], iteration_bounds = array<i64: 1>, scalar_prefetch = 0 : i64, scratch_operands = 0 : i64, tpu.core_type = #tpu.core_type<tc>, window_params = [{pipeline_mode = #tpu.pipeline_mode<synchronous>, transform_indices = @transform_0, window_bounds = array<i64: 1250, 128>}, {pipeline_mode = #tpu.pipeline_mode<synchronous>, transform_indices = @transform_1, window_bounds = array<i64: 1250, 128>}, {pipeline_mode = #tpu.pipeline_mode<synchronous>, transform_indices = @transform_2, window_bounds = array<i64: 1250, 128>}, {pipeline_mode = #tpu.pipeline_mode<synchronous>, transform_indices = @transform_3, window_bounds = array<i64: 1250, 128>}, {pipeline_mode = #tpu.pipeline_mode<synchronous>, transform_indices = @transform_4, window_bounds = array<i64: 1250, 128>}]} {
    %get3A = arith.constant 0 : index
    %get3A_0 = arith.constant 0 : index
    %get3A_1 = vector.load %arg3[%get3A, %get3A_0] : memref<1250x128xi32, #tpu.memory_space<vmem>>, vector<1250x128xi32>
    %get3A_2 = arith.constant 0 : index
    %get3A_3 = arith.constant 0 : index
    %get3A_4 = vector.load %arg1[%get3A_2, %get3A_3] : memref<1250x128xi32, #tpu.memory_space<vmem>>, vector<1250x128xi32>
    %mul3A = arith.constant 224 : i32
    %mul3A_5 = vector.broadcast %mul3A : i32 to vector<1250x128xi32>
    %mul3A_6 = arith.muli %get3A_4, %mul3A_5 : vector<1250x128xi32>
    %add3A = arith.addi %mul3A_6, %get3A_1 : vector<1250x128xi32>
    %swap3A = arith.constant 0 : index
    %swap3A_7 = arith.constant 0 : index
    %swap3A_8 = vector.load %arg4[%swap3A, %swap3A_7] : memref<1250x128xi32, #tpu.memory_space<vmem>>, vector<1250x128xi32>
    tpu.vector_store %arg4[%swap3A, %swap3A_7], %add3A {strides = array<i32>} : memref<1250x128xi32, #tpu.memory_space<vmem>>, vector<1250x128xi32>,
    %get3A_9 = arith.constant 0 : index
    %get3A_10 = arith.constant 0 : index
    %get3A_11 = vector.load %arg2[%get3A_9, %get3A_10] : memref<1250x128xi32, #tpu.memory_space<vmem>>, vector<1250x128xi32>
    %mul3A_12 = arith.constant 224 : i32
    %mul3A_13 = vector.broadcast %mul3A_12 : i32 to vector<1250x128xi32>
    %mul3A_14 = arith.muli %get3A_11, %mul3A_13 : vector<1250x128xi32>
    %add3A_15 = arith.addi %mul3A_14, %get3A_1 : vector<1250x128xi32>
    %swap3A_16 = arith.constant 0 : index
    %swap3A_17 = arith.constant 0 : index
    %swap3A_18 = vector.load %arg5[%swap3A_16, %swap3A_17] : memref<1250x128xi32, #tpu.memory_space<vmem>>, vector<1250x128xi32>
    tpu.vector_store %arg5[%swap3A_16, %swap3A_17], %add3A_15 {strides = array<i32>} : memref<1250x128xi32, #tpu.memory_space<vmem>>, vector<1250x128xi32>,
    return
  }
  func.func @transform_0(%arg0: i32) -> (i32, i32) {
    %c0_i32 = arith.constant 0 : i32
    %c0_i32_0 = arith.constant 0 : i32
    %c0_i32_1 = arith.constant 0 : i32
    return %c0_i32, %c0_i32_0 : i32, i32
  }
  func.func @transform_1(%arg0: i32) -> (i32, i32) {
    %c0_i32 = arith.constant 0 : i32
    %c0_i32_0 = arith.constant 0 : i32
    %c0_i32_1 = arith.constant 0 : i32
    return %c0_i32, %c0_i32_0 : i32, i32
  }
  func.func @transform_2(%arg0: i32) -> (i32, i32) {
    %c0_i32 = arith.constant 0 : i32
    %c0_i32_0 = arith.constant 0 : i32
    %c0_i32_1 = arith.constant 0 : i32
    return %c0_i32, %c0_i32_0 : i32, i32
  }
  func.func @transform_3(%arg0: i32) -> (i32, i32) {
    %c0_i32 = arith.constant 0 : i32
    %c0_i32_0 = arith.constant 0 : i32
    %c0_i32_1 = arith.constant 0 : i32
    return %c0_i32, %c0_i32_0 : i32, i32
  }
  func.func @transform_4(%arg0: i32) -> (i32, i32) {
    %c0_i32 = arith.constant 0 : i32
    %c0_i32_0 = arith.constant 0 : i32
    %c0_i32_1 = arith.constant 0 : i32
    return %c0_i32, %c0_i32_0 : i32, i32
  }
}

module attributes {stable_mosaic.version = 14 : i64} {
  func.func @body(%arg0: i32, %arg1: memref<1000x128xf32, #tpu.memory_space<vmem>>, %arg2: memref<1000x128xf32, #tpu.memory_space<vmem>>, %arg3: memref<1000x128xf32, #tpu.memory_space<vmem>>, %arg4: memref<1000x128xf32, #tpu.memory_space<vmem>>, %arg5: memref<1000x128xf32, #tpu.memory_space<vmem>>, %arg6: memref<1000x128xf32, #tpu.memory_space<vmem>>, %arg7: memref<1000x128xf32, #tpu.memory_space<vmem>>, %arg8: memref<128x128xf32, #tpu.memory_space<vmem>>, %arg9: memref<256x128xf32, #tpu.memory_space<vmem>>, %arg10: memref<8x128xf32, #tpu.memory_space<vmem>>, %arg11: memref<8x128xf32, #tpu.memory_space<vmem>>, %arg12: memref<8x256xf32, #tpu.memory_space<vmem>>, %arg13: memref<1x1xf32, #tpu.memory_space<smem>>, %arg14: memref<1000x128xf32, #tpu.memory_space<vmem>>) attributes {dimension_semantics = [#tpu.dimension_semantics<arbitrary>], iteration_bounds = array<i64: 10>, scalar_prefetch = 0 : i64, scratch_operands = 0 : i64, tpu.core_type = #tpu.core_type<tc>, window_params = [{transform_indices = @transform_0, window_bounds = array<i64: 1000, 128>}, {transform_indices = @transform_1, window_bounds = array<i64: 1000, 128>}, {transform_indices = @transform_2, window_bounds = array<i64: 1000, 128>}, {transform_indices = @transform_3, window_bounds = array<i64: 1000, 128>}, {transform_indices = @transform_4, window_bounds = array<i64: 1000, 128>}, {transform_indices = @transform_5, window_bounds = array<i64: 1000, 128>}, {transform_indices = @transform_6, window_bounds = array<i64: 1000, 128>}, {pipeline_mode = #tpu.pipeline_mode<synchronous>, transform_indices = @transform_7, window_bounds = array<i64: 128, 128>}, {pipeline_mode = #tpu.pipeline_mode<synchronous>, transform_indices = @transform_8, window_bounds = array<i64: 256, 128>}, {pipeline_mode = #tpu.pipeline_mode<synchronous>, transform_indices = @transform_9, window_bounds = array<i64: 8, 128>}, {pipeline_mode = #tpu.pipeline_mode<synchronous>, transform_indices = @transform_10, window_bounds = array<i64: 8, 128>}, {pipeline_mode = #tpu.pipeline_mode<synchronous>, transform_indices = @transform_11, window_bounds = array<i64: 8, 256>}, {transform_indices = @transform_12, window_bounds = array<i64: 1, 1>}, {transform_indices = @transform_13, window_bounds = array<i64: 1000, 128>}]} {
    %get3A = arith.constant 0 : index
    %get3A_0 = arith.constant 0 : index
    %get3A_1 = vector.load %arg3[%get3A, %get3A_0] : memref<1000x128xf32, #tpu.memory_space<vmem>>, vector<1000x128xf32>
    %slice3A = vector.extract_strided_slice %get3A_1 {offsets = [0, 0], sizes = [1000, 4], strides = [1, 1]} : vector<1000x128xf32> to vector<1000x4xf32>
    %get3A_2 = arith.constant 0 : index
    %get3A_3 = arith.constant 0 : index
    %get3A_4 = vector.load %arg4[%get3A_2, %get3A_3] : memref<1000x128xf32, #tpu.memory_space<vmem>>, vector<1000x128xf32>
    %slice3A_5 = vector.extract_strided_slice %get3A_4 {offsets = [0, 0], sizes = [1000, 4], strides = [1, 1]} : vector<1000x128xf32> to vector<1000x4xf32>
    %add3A = arith.addf %slice3A, %slice3A_5 : vector<1000x4xf32>
    %add3A_6 = arith.constant 1.000000e-16 : f32
    %add3A_7 = vector.broadcast %add3A_6 : f32 to vector<1000x4xf32>
    %add3A_8 = arith.addf %add3A, %add3A_7 : vector<1000x4xf32>
    %div3A = arith.constant 1.000000e+00 : f32
    %div3A_9 = vector.broadcast %div3A : f32 to vector<1000x4xf32>
    %div3A_10 = arith.divf %div3A_9, %add3A_8 : vector<1000x4xf32>
    %get3A_11 = arith.constant 0 : index
    %get3A_12 = arith.constant 0 : index
    %get3A_13 = vector.load %arg11[%get3A_11, %get3A_12] : memref<8x128xf32, #tpu.memory_space<vmem>>, vector<8x128xf32>
    %slice3A_14 = vector.extract_strided_slice %get3A_13 {offsets = [0, 0], sizes = [4, 128], strides = [1, 1]} : vector<8x128xf32> to vector<4x128xf32>
    %dot_general3A = arith.constant dense<0.000000e+00> : vector<1000x128xf32>
    %dot_general3A_15 = tpu.matmul %div3A_10, %slice3A_14, %dot_general3A {dimension_numbers = #tpu.dot_dimension_numbers<[1], [0], [0], [1], [0, 0, 1, 1], [], []>, transpose_lhs_hint = false} : vector<1000x4xf32>, vector<4x128xf32>, vector<1000x128xf32> -> vector<1000x128xf32>
    %get3A_16 = arith.constant 0 : index
    %get3A_17 = arith.constant 0 : index
    %get3A_18 = vector.load %arg12[%get3A_16, %get3A_17] : memref<8x256xf32, #tpu.memory_space<vmem>>, vector<8x256xf32>
    %slice3A_19 = vector.extract_strided_slice %get3A_18 {offsets = [0, 0], sizes = [4, 256], strides = [1, 1]} : vector<8x256xf32> to vector<4x256xf32>
    %dot_general3A_20 = arith.constant dense<0.000000e+00> : vector<1000x256xf32>
    %dot_general3A_21 = tpu.matmul %div3A_10, %slice3A_19, %dot_general3A_20 {dimension_numbers = #tpu.dot_dimension_numbers<[1], [0], [0], [1], [0, 0, 1, 1], [], []>, transpose_lhs_hint = false} : vector<1000x4xf32>, vector<4x256xf32>, vector<1000x256xf32> -> vector<1000x256xf32>
    %get3A_22 = arith.constant 0 : index
    %get3A_23 = arith.constant 0 : index
    %get3A_24 = vector.load %arg5[%get3A_22, %get3A_23] : memref<1000x128xf32, #tpu.memory_space<vmem>>, vector<1000x128xf32>
    %get3A_25 = arith.constant 0 : index
    %get3A_26 = arith.constant 0 : index
    %get3A_27 = vector.load %arg6[%get3A_25, %get3A_26] : memref<1000x128xf32, #tpu.memory_space<vmem>>, vector<1000x128xf32>
    %add3A_28 = arith.addf %get3A_24, %get3A_27 : vector<1000x128xf32>
    %mul3A = arith.mulf %add3A_28, %dot_general3A_15 : vector<1000x128xf32>
    %max3A = arith.constant 0.000000e+00 : f32
    %max3A_29 = vector.broadcast %max3A : f32 to vector<1000x128xf32>
    %max3A_30 = arith.maximumf %mul3A, %max3A_29 : vector<1000x128xf32>
    %get3A_31 = arith.constant 0 : index
    %get3A_32 = arith.constant 0 : index
    %get3A_33 = vector.load %arg1[%get3A_31, %get3A_32] : memref<1000x128xf32, #tpu.memory_space<vmem>>, vector<1000x128xf32>
    %get3A_34 = arith.constant 0 : index
    %get3A_35 = arith.constant 0 : index
    %get3A_36 = vector.load %arg2[%get3A_34, %get3A_35] : memref<1000x128xf32, #tpu.memory_space<vmem>>, vector<1000x128xf32>
    %concatenate3A = tpu.concatenate %get3A_33, %get3A_36 in 1 : vector<1000x128xf32>, vector<1000x128xf32> -> vector<1000x256xf32>
    %mul3A_37 = arith.mulf %concatenate3A, %dot_general3A_21 : vector<1000x256xf32>
    %max3A_38 = arith.constant 0.000000e+00 : f32
    %max3A_39 = vector.broadcast %max3A_38 : f32 to vector<1000x256xf32>
    %max3A_40 = arith.maximumf %mul3A_37, %max3A_39 : vector<1000x256xf32>
    %get3A_41 = arith.constant 0 : index
    %get3A_42 = arith.constant 0 : index
    %get3A_43 = vector.load %arg8[%get3A_41, %get3A_42] : memref<128x128xf32, #tpu.memory_space<vmem>>, vector<128x128xf32>
    %dot_general3A_44 = arith.constant dense<0.000000e+00> : vector<1000x128xf32>
    %dot_general3A_45 = tpu.matmul %max3A_30, %get3A_43, %dot_general3A_44 {dimension_numbers = #tpu.dot_dimension_numbers<[1], [0], [0], [1], [0, 0, 1, 1], [], []>, transpose_lhs_hint = false} : vector<1000x128xf32>, vector<128x128xf32>, vector<1000x128xf32> -> vector<1000x128xf32>
    %get3A_46 = arith.constant 0 : index
    %get3A_47 = arith.constant 0 : index
    %get3A_48 = vector.load %arg9[%get3A_46, %get3A_47] : memref<256x128xf32, #tpu.memory_space<vmem>>, vector<256x128xf32>
    %dot_general3A_49 = arith.constant dense<0.000000e+00> : vector<1000x128xf32>
    %dot_general3A_50 = tpu.matmul %max3A_40, %get3A_48, %dot_general3A_49 {dimension_numbers = #tpu.dot_dimension_numbers<[1], [0], [0], [1], [0, 0, 1, 1], [], []>, transpose_lhs_hint = false} : vector<1000x256xf32>, vector<256x128xf32>, vector<1000x128xf32> -> vector<1000x128xf32>
    %add3A_51 = arith.addf %dot_general3A_45, %dot_general3A_50 : vector<1000x128xf32>
    %get3A_52 = arith.constant 0 : index
    %get3A_53 = arith.constant 0 : index
    %get3A_54 = vector.load %arg10[%get3A_52, %get3A_53] : memref<8x128xf32, #tpu.memory_space<vmem>>, vector<8x128xf32>
    %slice3A_55 = vector.extract_strided_slice %get3A_54 {offsets = [0, 0], sizes = [1, 128], strides = [1, 1]} : vector<8x128xf32> to vector<1x128xf32>
    %add3A_56 = vector.broadcast %slice3A_55 : vector<1x128xf32> to vector<1000x128xf32>
    %add3A_57 = arith.addf %add3A_51, %add3A_56 : vector<1000x128xf32>
    %get3A_58 = arith.constant 0 : index
    %get3A_59 = arith.constant 0 : index
    %get3A_60 = memref.load %arg13[%get3A_58, %get3A_59] : memref<1x1xf32, #tpu.memory_space<smem>>
    %mul3A_61 = vector.broadcast %get3A_60 : f32 to vector<1000x128xf32>
    %mul3A_62 = arith.mulf %add3A_57, %mul3A_61 : vector<1000x128xf32>
    %get3A_63 = arith.constant 0 : index
    %get3A_64 = arith.constant 0 : index
    %get3A_65 = vector.load %arg7[%get3A_63, %get3A_64] : memref<1000x128xf32, #tpu.memory_space<vmem>>, vector<1000x128xf32>
    %sub3A = arith.constant 1.000000e+00 : f32
    %sub3A_66 = arith.subf %sub3A, %get3A_60 : f32
    %mul3A_67 = vector.broadcast %sub3A_66 : f32 to vector<1000x128xf32>
    %mul3A_68 = arith.mulf %get3A_65, %mul3A_67 : vector<1000x128xf32>
    %add3A_69 = arith.addf %mul3A_62, %mul3A_68 : vector<1000x128xf32>
    %swap3A = arith.constant 0 : index
    %swap3A_70 = arith.constant 0 : index
    %swap3A_71 = vector.load %arg14[%swap3A, %swap3A_70] : memref<1000x128xf32, #tpu.memory_space<vmem>>, vector<1000x128xf32>
    tpu.vector_store %arg14[%swap3A, %swap3A_70], %add3A_69 {strides = array<i32>} : memref<1000x128xf32, #tpu.memory_space<vmem>>, vector<1000x128xf32>,
    return
  }
  func.func @transform_0(%arg0: i32) -> (i32, i32) {
    %c0_i32 = arith.constant 0 : i32
    %c0_i32_0 = arith.constant 0 : i32
    return %arg0, %c0_i32 : i32, i32
  }
  func.func @transform_1(%arg0: i32) -> (i32, i32) {
    %c0_i32 = arith.constant 0 : i32
    %c0_i32_0 = arith.constant 0 : i32
    return %arg0, %c0_i32 : i32, i32
  }
  func.func @transform_2(%arg0: i32) -> (i32, i32) {
    %c0_i32 = arith.constant 0 : i32
    %c0_i32_0 = arith.constant 0 : i32
    return %arg0, %c0_i32 : i32, i32
  }
  func.func @transform_3(%arg0: i32) -> (i32, i32) {
    %c0_i32 = arith.constant 0 : i32
    %c0_i32_0 = arith.constant 0 : i32
    return %arg0, %c0_i32 : i32, i32
  }
  func.func @transform_4(%arg0: i32) -> (i32, i32) {
    %c0_i32 = arith.constant 0 : i32
    %c0_i32_0 = arith.constant 0 : i32
    return %arg0, %c0_i32 : i32, i32
  }
  func.func @transform_5(%arg0: i32) -> (i32, i32) {
    %c0_i32 = arith.constant 0 : i32
    %c0_i32_0 = arith.constant 0 : i32
    return %arg0, %c0_i32 : i32, i32
  }
  func.func @transform_6(%arg0: i32) -> (i32, i32) {
    %c0_i32 = arith.constant 0 : i32
    %c0_i32_0 = arith.constant 0 : i32
    return %arg0, %c0_i32 : i32, i32
  }
  func.func @transform_7(%arg0: i32) -> (i32, i32) {
    %c0_i32 = arith.constant 0 : i32
    %c0_i32_0 = arith.constant 0 : i32
    %c0_i32_1 = arith.constant 0 : i32
    return %c0_i32, %c0_i32_0 : i32, i32
  }
  func.func @transform_8(%arg0: i32) -> (i32, i32) {
    %c0_i32 = arith.constant 0 : i32
    %c0_i32_0 = arith.constant 0 : i32
    %c0_i32_1 = arith.constant 0 : i32
    return %c0_i32, %c0_i32_0 : i32, i32
  }
  func.func @transform_9(%arg0: i32) -> (i32, i32) {
    %c0_i32 = arith.constant 0 : i32
    %c0_i32_0 = arith.constant 0 : i32
    %c0_i32_1 = arith.constant 0 : i32
    return %c0_i32, %c0_i32_0 : i32, i32
  }
  func.func @transform_10(%arg0: i32) -> (i32, i32) {
    %c0_i32 = arith.constant 0 : i32
    %c0_i32_0 = arith.constant 0 : i32
    %c0_i32_1 = arith.constant 0 : i32
    return %c0_i32, %c0_i32_0 : i32, i32
  }
  func.func @transform_11(%arg0: i32) -> (i32, i32) {
    %c0_i32 = arith.constant 0 : i32
    %c0_i32_0 = arith.constant 0 : i32
    %c0_i32_1 = arith.constant 0 : i32
    return %c0_i32, %c0_i32_0 : i32, i32
  }
  func.func @transform_12(%arg0: i32) -> (i32, i32) {
    %c0_i32 = arith.constant 0 : i32
    %c0_i32_0 = arith.constant 0 : i32
    %c0_i32_1 = arith.constant 0 : i32
    return %c0_i32, %c0_i32_0 : i32, i32
  }
  func.func @transform_13(%arg0: i32) -> (i32, i32) {
    %c0_i32 = arith.constant 0 : i32
    %c0_i32_0 = arith.constant 0 : i32
    return %arg0, %c0_i32 : i32, i32
  }
}

</mosaic_0001>

<sc_bundles>
// kernel: kernel.11.cloned.1.call-start
scs
__scs_entry_jumppad:
0x0: {  	(pc) =	sbr.rel $0x88, $3  }
0x1: {  	(tag) =	ssettag $0x0;
	lr =	simm.s32 $0x1  }
0x2: {  	[smem:$0x3F8D] =	sst lr;
	_ =	strace $0xD0000000  }
0x3: {  	_ = 	snop  }
0x4: {  	_ = 	snop  }
0x5: {  	_ = 	snop  }
0x6: {  	_ = 	snop  }
0x7: {  	_ = 	snop  }
__scs_overlays_trampoline_lowered:
0x8: {  	[smem:$0x3F9C] =	sst s0  }
0x9: {  	[smem:$0x3F9D] =	sst s1  }
0xa: {  	[smem:$0x3F9E] =	sst s2  }
0xb: {  	[smem:$0x3F9F] =	sst s3  }
0xc: {  	[smem:$0x3FA0] =	sst s4  }
0xd: {  	[smem:$0x3FA1] =	sst s5  }
0xe: {  	[smem:$0x3FA2] =	sst s6  }
0xf: {  	[smem:$0x3FA3] =	sst s7  }
0x10: {  	[smem:$0x3FA4] =	sst s8  }
0x11: {  	[smem:$0x3FA5] =	sst s9;
	s0 =	simm.s32 @!p0 $0x0  }
0x12: {  	s1 =	sld [smem:$0x3F8B];
	s0 =	simm.s32 @p0 $0x1  }
0x13: {  	[smem:$0x3FA6] =	sst s0;
	s0 =	simm.s32 @!p1 $0x0  }
0x14: {  	s2 =	sld [smem:$0x3F8A];
	s0 =	simm.s32 @p1 $0x1  }
0x15: {  	[smem:$0x3FA7] =	sst s0;
	s0 =	simm.s32 @!p2 $0x0  }
0x16: {  	s3 =	sld [smem:$0x3FDB];
	s0 =	simm.s32 @p2 $0x1  }
0x17: {  	s4 =	simm.s32 $0x1BF5;
	[smem:$0x3FA9] =	sst s0  }
0x18: {  	s0 =	sld [smem:$0x3F8C];
	_ =	swait.ge [sflag:s4], $0x0  }
0x19: {  	s7 =	sld [smem:$0x3F8D]  }
0x1a: {  	s8 =	sadd.s32 $0xFFFFE003, lr  }
0x1b: {  	s9 =	sadd.s32 $0xFFFFFEF7, lr;
	s5 =	simm.s32 $0xFFFFFFFF;
	p2 =	slt.u32 s8, $0xFFFFF086  }
0x1c: {  	p1 =	slt.u32 s9, $0xF7A;
	s5 =	simm.s32 @!p2 $0x0  }
0x1d: {  	s5 =	simm.s32 @p1 $0x1;
	p0 =	seq.s32 s7, s2  }
0x1e: {  	s7 =	smul.u32 @!p0 $0xF7A, s2;
	p2 =	seq.s32 @!p0 s5, $0x0  }
0x1f: {  	s9 =	smul.u32 $0xF7A, s1;
	s8 =	simm.s32 @!p0 $0x1BF5;
	p2 =	por !p2, p0  }
0x20: {  	[sflag:s8] =	ssyncset.s32 @!p0 $0xFFFFF086;
	s6 =	sadd.s32 @!p0 s3, s7;
	s7 =	simm.s32 @!p0 $0x108  }
0x21: {  	s3 =	sadd.s32 s3, s9;
	s6 =	sadd.s32 @!p0 $0x88, s6;
	s7 =	simm.s32 @p2 $0x1082  }
0x22: {  	[simem:s7], [sflag:s8] =	dma.local @!p0 [hbm:s6], $0xF7A  }
0x23: {  	s9 =	sor.u32 $0xD0000000, s2;
	s6 =	simm.s32 $0x108;
	_ =	swait.ge @!p0 [sflag:s8], $0x0  }
0x24: {  	s3 =	sadd.s32 $0x88, s3;
	s6 =	simm.s32 @!p1 $0x1082;
	[sflag:s4] =	ssyncset.s32 $0xFFFFF086  }
0x25: {  	[simem:s6], [sflag:s4] =	dma.local [hbm:s3], $0xF7A  }
0x26: {  	[smem:$0x3F8D] =	sst s1;
	(tag) =	ssettag s2;
	_ =	strace s9  }
0x27: {  	s1 =	sld [smem:$0x3F9D]  }
0x28: {  	s2 =	sld [smem:$0x3F9E]  }
0x29: {  	s4 =	sld [smem:$0x3FA0]  }
0x2a: {  	p0 =	seq.s32 s5, $0x0;
	s5 =	sld [smem:$0x3FA1]  }
0x2b: {  	s6 =	sld [smem:$0x3FA2]  }
0x2c: {  	s7 =	sld [smem:$0x3FA3]  }
0x2d: {  	s3 =	simm.s32 $0x108;
	s8 =	sld [smem:$0x3FA4]  }
0x2e: {  	s3 =	simm.s32 @!p0 $0x1082;
	s9 =	sld [smem:$0x3FA5]  }
0x2f: {  	lr =	sadd.s32 s0, s3;
	s0 =	sld [smem:$0x3F9C]  }
0x30: {  	s3 =	sld [smem:$0x3F9F]  }
0x31: {  	[smem:$0x3FA8] =	sst s10  }
0x32: {  	s10 =	sld [smem:$0x3FA6];
	_ =	sdelay $0x3  }
0x33: {  	p0 =	seq.s32 s10, $0x1;
	s10 =	sld [smem:$0x3FA8];
	_ =	sdelay $0x3  }
0x34: {  	[smem:$0x3FA8] =	sst s10  }
0x35: {  	s10 =	sld [smem:$0x3FA7];
	_ =	sdelay $0x3  }
0x36: {  	p1 =	seq.s32 s10, $0x1;
	s10 =	sld [smem:$0x3FA8];
	_ =	sdelay $0x3  }
0x37: {  	[smem:$0x3FA8] =	sst s10  }
0x38: {  	s10 =	sld [smem:$0x3FA9]  }
0x39: {  	_ = 	snop;
	(pc) =	sbr.ind lr, $3  }
0x3a: {  	_ = 	snop  }
0x3b: {  	_ = 	snop  }
0x3c: {  	p2 =	seq.s32 s10, $0x1;
	s10 =	sld [smem:$0x3FA8]  }
0x3d: {  	_ =	shalt  }
0x3e: {  	_ =	shalt  }
0x3f: {  	_ =	shalt  }
0x40: {  	_ =	shalt  }
0x41: {  	_ =	shalt  }
0x42: {  	_ =	shalt  }
0x43: {  	_ =	shalt  }
0x44: {  	_ =	shalt  }
0x45: {  	_ =	shalt  }
0x46: {  	_ =	shalt  }
0x47: {  	_ =	shalt  }
0x48: {  	_ =	shalt  }
0x49: {  	_ =	shalt  }
0x4a: {  	_ =	shalt  }
0x4b: {  	_ =	shalt  }
0x4c: {  	_ =	shalt  }
0x4d: {  	_ =	shalt  }
0x4e: {  	_ =	shalt  }
0x4f: {  	_ =	shalt  }
0x50: {  	_ =	shalt  }
0x51: {  	_ =	shalt  }
0x52: {  	_ =	shalt  }
0x53: {  	_ =	shalt  }
0x54: {  	_ =	shalt  }
0x55: {  	_ =	shalt  }
0x56: {  	_ =	shalt  }
0x57: {  	_ =	shalt  }
0x58: {  	_ =	shalt  }
0x59: {  	_ =	shalt  }
0x5a: {  	_ =	shalt  }
0x5b: {  	_ =	shalt  }
0x5c: {  	_ =	shalt  }
0x5d: {  	_ =	shalt  }
0x5e: {  	_ =	shalt  }
0x5f: {  	_ =	shalt  }
0x60: {  	_ =	shalt  }
0x61: {  	_ =	shalt  }
0x62: {  	_ =	shalt  }
0x63: {  	_ =	shalt  }
0x64: {  	_ =	shalt  }
0x65: {  	_ =	shalt  }
0x66: {  	_ =	shalt  }
0x67: {  	_ =	shalt  }
0x68: {  	_ =	shalt  }
0x69: {  	_ =	shalt  }
0x6a: {  	_ =	shalt  }
0x6b: {  	_ =	shalt  }
0x6c: {  	_ =	shalt  }
0x6d: {  	_ =	shalt  }
0x6e: {  	_ =	shalt  }
0x6f: {  	_ =	shalt  }
0x70: {  	_ =	shalt  }
0x71: {  	_ =	shalt  }
0x72: {  	_ =	shalt  }
0x73: {  	_ =	shalt  }
0x74: {  	_ =	shalt  }
0x75: {  	_ =	shalt  }
0x76: {  	_ =	shalt  }
0x77: {  	_ =	shalt  }
0x78: {  	_ =	shalt  }
0x79: {  	_ =	shalt  }
0x7a: {  	_ =	shalt  }
0x7b: {  	_ =	shalt  }
0x7c: {  	_ =	shalt  }
0x7d: {  	_ =	shalt  }
0x7e: {  	_ =	shalt  }
0x7f: {  	_ =	shalt  }
0x80: {  	_ =	shalt  }
0x81: {  	_ =	shalt  }
0x82: {  	_ =	shalt  }
0x83: {  	_ =	shalt  }
0x84: {  	_ =	shalt  }
0x85: {  	_ =	shalt  }
0x86: {  	_ =	shalt  }
0x87: {  	_ =	shalt  }
.Lfunc_end0:
.L_simem_size_0:
called_computation_lowered:
.L_overlay_start_0:
0x88: {  	s2 =	sld [smem:$0x3FD9]  }
0x89: {  	s3 =	sld [smem:$0x3FFE];
	_ =	sdelay $0x1  }
0x8a: {  	s1 =	srdreg.scid  }
0x8b: {  	s0 =	sand.u32 $0x1, s1  }
0x8c: {  	s16 =	sshll.u32 s0, $0xA;
	s2 =	sadd.s32 s3, s2  }
0x8d: {  	s2 =	sadd.s32 s2, s16  }
0x8e: {  	[smem:$0x3FB4] =	sst s2  }
0x8f: {  	_ = 	snop  }
0x90: {  	(tm) =	ssettm $0x1  }
0x91: {  	s17 =	sld [smem:$0x3FFB];
	_ =	sdelay $0x3  }
0x92: {  	_ =	strace s17  }
0x93: {  	s2 =	sld [smem:$0x3FFC];
	_ =	sdelay $0x3  }
0x94: {  	_ =	strace s2  }
0x95: {  	s2 =	sld [smem:$0x3FFD];
	_ =	sdelay $0x3  }
0x96: {  	_ =	strace s2  }
0x97: {  	_ =	strace $0x8FFFFFFF  }
0x98: {  	s18 =	sld [smem:$0x3FDB];
	_ =	sdelay $0x1  }
0x99: {  	s19 =	simm.s32 $_scs_section_size  }
0x9a: {  	s4 =	simm.s32 $_size__tile_overlayer_lowered;
	s5 =	simm.s32 $_tile_overlayer_lowered  }
0x9b: {  	s22 =	simm.s32 $0x1BFF;
	s21 =	sshll.u32 s5, $0x1;
	s2 =	sadd.s32 s19, s18  }
0x9c: {  	s6 =	simm.s32 $0x0;
	s20 =	sshll.u32 s4, $0x1;
	s4 =	sadd.s32 s21, s2  }
0x9d: {  	[timem:s6], [sflag:s22] =	dma.local [hbm:s4], s20  }
0x9e: {  	_ =	swait.ge [sflag:s22], s20  }
0x9f: {  	s3 =	ssub.s32 $0x0, s20;
	[sflag:s22] =	ssyncset.done $0x0  }
0xa0: {  	[sflag:s22] =	ssyncadd.s32 s3;
	_ =	sdelay $0x1  }
0xa1: {  	s23 =	simm.s32 $0x1B8B  }
0xa2: {  	_ =	swait.ge [sflag:s23], $0x1  }
0xa3: {  	[sflag:s23] =	ssyncset.done $0x0  }
0xa4: {  	s25 =	simm.s32 $0x1B8E;
	s24 =	sld [smem:$0x3FFE];
	[sflag:s23] =	ssyncadd.s32 $0xFFFFFFFF  }
0xa5: {  	s26 =	simm.s32 $execute0_lowered;
	[smem:$0x3FD2] =	sst s25  }
0xa6: {  	s4 =	sshll.u32 s26, $0x1;
	_ =	strace $0x80000046;
	[dreg:$0x1] =	wrdreg $0xFFFFFFFF  }
0xa7: {  	s28 =	simm.s32 $_size_execute0_lowered;
	s2 =	sadd.s32 s2, s4;
	[dreg:$0x0] =	wrdreg $0x0  }
0xa8: {  	s4 =	sshll.u32 s28, $0x1;
	[dreg:$0x2] =	wrdreg s2  }
0xa9: {  	[dreg:$0x3] =	wrdreg s4  }
0xaa: {  	[dreg:$0x4] =	wrdreg $0xC0  }
0xab: {  	_ =	task [dreg:s6], $0x5FFFF  }
0xac: {  	[dreg:$0x1] =	wrdreg $0xFFFFFFFF  }
0xad: {  	[dreg:$0x0] =	wrdreg $0x60  }
0xae: {  	[dreg:$0x2] =	wrdreg s24  }
0xaf: {  	[dreg:$0x3] =	wrdreg $0x9  }
0xb0: {  	_ =	task.clear_ibuf [dreg:s6], $0x4FFFF;
	_ =	strace $0x90000046  }
0xb1: {  	s29 =	simm.s32 $0x9;
	_ =	strace $0x80000048  }
0xb2: {  	_ =	swait.ge [sflag:s29], $0x1  }
0xb3: {  	[sflag:s29] =	ssyncadd.s32 $0xFFFFFFFF  }
0xb4: {  	_ =	strace $0x90000048  }
0xb5: {  	_ =	sfence  }
0xb6: {  	s30 =	sld [smem:$0x0];
	_ =	sdelay $0x2  }
0xb7: {  	s31 =	sshll.u32 s1, $0xD;
	s1 =	sshrl.u32 s1, $0x2  }
0xb8: {  	s3 =	sand.u32 $0x4000, s31;
	s1 =	sadd.s32 s1, s30  }
0xb9: {  	s0 =	sor.u32 s3, s0;
	s1 =	sshll.u32 s1, $0x11  }
0xba: {  	s0 =	sor.u32 s1, s0  }
0xbb: {  	s0 =	sadd.s32 $0x8F2B, s0  }
0xbc: {  	[sflag:s0] =	ssyncadd.remote.s32 $0x1  }
0xbd: {  	_ =	sfence.sel $0xFFFF  }
0xbe: {  	[dreg:$0x0] =	wrdreg $0xFFFFFFFF;
	(pc) =	sbr.abs _section_cstart, $3  }
0xbf: {  	[dreg:$0x1] =	wrdreg $0xFFFFFFFF  }
0xc0: {  	_ =	task.clear_ibuf [dreg:s6], $0x2FFFF;
	_ =	strace $0x9FFFFFFF  }
0xc1: {  	(tm) =	ssettm $0x7FFFFFFF  }
tec
execute0_lowered:
.L_overlay_start_1:
0x0: {  	(tag) =	ssettag $0x1  }
0x1: {  	s9 =	rddreg [dreg:$0x0]  }
0x2: {  	s0 =	rddreg [dreg:$0x1]  }
0x3: {  	s1 =	simm.s32 $0x0;
	s5 =	srdreg.scid;
	s2 =	stileid.u32  }
0x4: {  	s12 =	simm.s32 $0x80;
	s13 =	simm.s32 $0x1;
	s14 =	simm.s32 $0x2  }
0x5: {  	s15 =	simm.s32 $0x100;
	s16 =	simm.s32 $0x500;
	s17 =	simm.s32 $0x900  }
0x6: {  	v0 =	vimm.s32 $0x3210FEDC;
	v1 =	vimm.s32 $0xBA987654;
	s18 =	simm.s32 $0x3;
	s19 =	simm.s32 $0xB00;
	s20 =	simm.s32 $0x0  }
0x7: {  	v2 =	vimm.s32 $0xFEDCBA98;
	s25 =	simm.s32 $0x0;
	[smem:$0x7FF] =	sst s1;
	s3 =	sadd.s32 $0x11A00, s9;
	v0 =	vunpack.c.l.s4.s8 v0;
	v1 =	vunpack.c.l.s4.s8 v1  }
0x8: {  	v3 =	vimm.s32 $0x76543210;
	s4 =	sadd.s32 $0x16A00, s9;
	s8 =	sand.u32 $0x1, s5;
	s6 =	sshll.u32 s2, $0x1;
	v2 =	vunpack.c.l.s4.s8 v2  }
0x9: {  	s5 =	sadd.s32 $0x371800, s9;
	s7 =	sadd.s32 $0x14E800, s9;
	p0 =	seq.s32 s2, $0x0;
	v3 =	vunpack.c.l.s4.s8 v3;
	v0 =	vunpack.c.0.s8.s32 v0;
	v1 =	vunpack.c.0.s8.s32 v1  }
0xa: {  	_ =	strace $0x80000047;
	s6 =	sor.u32 s8, s6;
	s11 =	ssub.s32 $0x2, s8;
	v2 =	vunpack.c.0.s8.s32 v2  }
0xb: {  	v4 =	vlaneseq.u32;
	s8 =	sadd.s32 $0x1BA00, s9;
	s10 =	sshll.u32 s6, $0x1;
	s31 =	sshrl.u32 s11, $0x1;
	v3 =	vunpack.c.0.s8.s32 v3;
	v5 =	vcombine.low v1, v0  }
0xc: {  	s10 =	sadd.s32 s10, s9;
	s11 =	ssub.s32 s11, s31;
	s9 =	simm.s32 $0x28;
	v0 =	vmul.u32 $0x2, v4;
	v2 =	vand.u32 $0xF, v2  }
0xd: {  	s9 =	simm.s32 @!p0 $0x27;
	s10 =	sadd.s32 $0x371600, s10;
	s11 =	smax.u32 s11, $0x1;
	v1 =	vand.u32 $0x3, v4;
	v2 =	vcombine.low v2, v3;
	v3 =	vand.u32 $0xF, v5  }
.LBB2_1:
0xe: {  	v4 =	vimm.f32 $-3.399999950e+38;
	s21 =	simm.s32 $0x0  }
.LBB2_2:
0xf: {  	s22 =	sshll.u32 s21, $0x5  }
0x10: {  	s22 =	sor.u32 s6, s22  }
0x11: {  	s23 =	sshll.u32 s22, $0x4  }
0x12: {  	s24 =	sadd.s32 s3, s23  }
0x13: {  	[tilespmem:s25], [sflag:$0x1] =	stream.linear.gather [hbm4b:s24+s25], $0x80, $0x38;
	[tilespmem:$0xB10] =	vst v63  }
0x14: {  	s23 =	sadd.s32 s4, s23  }
0x15: {  	[tilespmem:s12], [sflag:$0x2] =	stream.linear.gather [hbm4b:s23+s25], $0x80, $0x38;
	[tilespmem:$0xB10] =	vst v63  }
0x16: {  	_ =	swait.ge [sflag:s13], $0x80  }
0x17: {  	[sflag:s13] =	ssyncset.done $0x0  }
0x18: {  	[sflag:s13] =	ssyncadd.s32 $0xFFFFFF80  }
0x19: {  	_ =	swait.ge [sflag:s14], $0x80  }
0x1a: {  	[sflag:s14] =	ssyncset.done $0x0  }
0x1b: {  	[sflag:s14] =	ssyncadd.s32 $0xFFFFFF80  }
0x1c: {  	v5 =	vmov s25;
	[tilespmem:s15], [sflag:$0x1] =	stream.indirect.gather [hbm4b:s5+s12], $0x4, s25, s12, $0xb8;
	[tilespmem:$0xB10] =	vst v63  }
0x1d: {  	v5 =	vshll.u32 v5, $0x1  }
0x1e: {  	v5 =	vor.u32 v0, v5;
	[tilespmem:s16], [sflag:$0x2] =	stream.indirect.gather [hbm4b:s7+s12], $0x4, s12, s12, $0xb8;
	[tilespmem:$0xB10] =	vst v63  }
0x1f: {  	v5 =	vand.u32 $0x3F8, v5;
	_ =	swait.ge [sflag:s13], $0x200  }
0x20: {  	v5 =	vor.u32 v1, v5;
	[sflag:s13] =	ssyncset.done $0x0  }
0x21: {  	[sflag:s13] =	ssyncadd.s32 $0xFFFFFE00  }
0x22: {  	_ =	swait.ge [sflag:s14], $0x200  }
0x23: {  	[sflag:s14] =	ssyncset.done $0x0  }
0x24: {  	[sflag:s14] =	ssyncadd.s32 $0xFFFFFE00  }
0x25: {  	v6 =	vld.idx.msk [tilespmem:v5+s16+$0x0], $0xffff  }
0x26: {  	v5 =	vld.idx.msk [tilespmem:v5+s15+$0x0], $0xffff;
	_ =	sdelay $0x4  }
0x27: {  	s30 =	simm.s32 $0x10;
	v5 =	vadd.f32 v6, v5  }
0x28: {  	v6 =	vmov s30  }
0x29: {  	v6 =	vshll.u32 v6, $0x1;
	v5 =	vmul.f32 $1.767766920e-01, v5  }
0x2a: {  	v6 =	vor.u32 v0, v6  }
0x2b: {  	v6 =	vand.u32 $0x3F8, v6;
	v7 =	vmul.f32 $2.000000030e-01, v5  }
0x2c: {  	v6 =	vor.u32 v1, v6;
	vm0 =	vge.f32 v5, $0.0e+00  }
0x2d: {  	v5 =	vsel vm0, v5, v7  }
0x2e: {  	v5 =	vsub.f32 $0.0e+00, v5  }
0x2f: {  	s23 =	simm.s32 $0x900  }
0x30: {  	[tilespmem:s23+$0x0] =	vst v5  }
0x31: {  	v7 =	vld.idx.msk [tilespmem:v6+s16+$0x0], $0xffff  }
0x32: {  	v6 =	vld.idx.msk [tilespmem:v6+s15+$0x0], $0xffff;
	_ =	sdelay $0x4  }
0x33: {  	s31 =	simm.s32 $0x20;
	v7 =	vadd.f32 v7, v6  }
0x34: {  	v6 =	vmov s31  }
0x35: {  	s24 =	simm.s32 $0x30;
	v4 =	vmax.f32 v4, v5;
	v6 =	vshll.u32 v6, $0x1;
	v5 =	vmul.f32 $1.767766920e-01, v7  }
.LBB2_3:
0x36: {  	p0 =	sne.s32 s24, $0x1F0;
	v6 =	vor.u32 v0, v6  }
0x37: {  	v6 =	vand.u32 $0x3F8, v6;
	v7 =	vmul.f32 $2.000000030e-01, v5  }
0x38: {  	vm0 =	vge.f32 v5, $0.0e+00;
	v6 =	vor.u32 v1, v6  }
0x39: {  	v5 =	vsel vm0, v5, v7  }
0x3a: {  	v5 =	vsub.f32 $0.0e+00, v5  }
0x3b: {  	s23 =	sadd.s32 $0x10, s23  }
0x3c: {  	[tilespmem:s23+$0x0] =	vst v5;
	v4 =	vmax.f32 v4, v5  }
0x3d: {  	v5 =	vld.idx.msk [tilespmem:v6+s16+$0x0], $0xffff  }
0x3e: {  	v6 =	vld.idx.msk [tilespmem:v6+s15+$0x0], $0xffff;
	_ =	sdelay $0x3  }
.Ltmp0:
0x3f: {  	(pc) =	sbr.rel @p0 .LBB2_3-.Ltmp0, $4  }
0x40: {  	_ = 	snop  }
0x41: {  	v5 =	vadd.f32 v5, v6  }
0x42: {  	v6 =	vmov s24  }
0x43: {  	s24 =	sadd.s32 $0x10, s24;
	v6 =	vshll.u32 v6, $0x1;
	v5 =	vmul.f32 $1.767766920e-01, v5  }
0x44: {  	v6 =	vor.u32 v0, v6  }
0x45: {  	v6 =	vand.u32 $0x3F8, v6;
	v7 =	vmul.f32 $2.000000030e-01, v5  }
0x46: {  	vm0 =	vge.f32 v5, $0.0e+00;
	v6 =	vor.u32 v1, v6  }
0x47: {  	v5 =	vsel vm0, v5, v7  }
0x48: {  	v5 =	vsub.f32 $0.0e+00, v5  }
0x49: {  	s23 =	sadd.s32 $0x10, s23  }
0x4a: {  	[tilespmem:s23+$0x0] =	vst v5  }
0x4b: {  	v7 =	vld.idx.msk [tilespmem:v6+s16+$0x0], $0xffff  }
0x4c: {  	v6 =	vld.idx.msk [tilespmem:v6+s15+$0x0], $0xffff;
	_ =	sdelay $0x4  }
0x4d: {  	v6 =	vadd.f32 v7, v6;
	_ =	sdelay $0x1  }
0x4e: {  	v6 =	vmul.f32 $1.767766920e-01, v6;
	_ =	sdelay $0x1  }
0x4f: {  	v7 =	vmul.f32 $2.000000030e-01, v6  }
0x50: {  	vm15 =	vge.f32 v6, $0.0e+00  }
0x51: {  	v6 =	vsel vm15, v6, v7  }
0x52: {  	s21 =	sadd.s32 $0x1, s21;
	v6 =	vsub.f32 $0.0e+00, v6  }
0x53: {  	s22 =	sshll.u32 s22, $0x6;
	p0 =	sne.s32 s21, s9;
	s23 =	sadd.s32 $0x10, s23  }
.Ltmp1:
0x54: {  	s22 =	sadd.s32 s8, s22;
	[tilespmem:s23+$0x0] =	vst v6;
	(pc) =	sbr.rel @p0 .LBB2_2-.Ltmp1, $4  }
0x55: {  	[hbm4b:s22+s1] =	stream.linear.scatter [tilespmem:s17], [sflag:$0x3], $0x200, $0x38;
	[tilespmem:$0xB10] =	vst v63  }
0x56: {  	_ =	swait.ge [sflag:s18], $0x200  }
0x57: {  	v4 =	vmax.f32 v4, v5;
	[sflag:s18] =	ssyncset.done $0x0  }
0x58: {  	v4 =	vmax.f32 v4, v6;
	[sflag:s18] =	ssyncadd.s32 $0xFFFFFE00  }
0x59: {  	_ =	sdelay $0x2  }
0x5a: {  	[tilespmem:$0xB00] =	vst v4  }
0x5b: {  	v5 =	vld.idx.msk [tilespmem:v2+s19+$0x0], $0xffff;
	_ =	sdelay $0x4  }
0x5c: {  	v4 =	vmax.f32 v4, v5  }
0x5d: {  	[tilespmem:$0xB00] =	vst v4  }
0x5e: {  	v5 =	vld.idx.msk [tilespmem:v3+s19+$0x0], $0xffff;
	_ =	sdelay $0x3  }
0x5f: {  	s20 =	sadd.s32 $0x1, s20  }
0x60: {  	p0 =	sne.s32 s20, s11;
	v4 =	vmax.f32 v4, v5  }
.Ltmp2:
0x61: {  	[tilespmem:$0xB00] =	vst v4;
	(pc) =	sbr.rel @p0 .LBB2_1-.Ltmp2, $4  }
0x62: {  	[hbm4b:s10+s1] =	stream.linear.scatter [tilespmem:s19], [sflag:$0x3], $0x10, $0x38;
	[tilespmem:$0xB10] =	vst v63  }
0x63: {  	_ =	swait.ge [sflag:s18], $0x10  }
0x64: {  	[sflag:s18] =	ssyncset.done $0x0  }
0x65: {  	[sflag:s18] =	ssyncadd.s32 $0xFFFFFFF0  }
0x66: {  	_ =	sfence.sel $0x180000  }
0x67: {  	[bflag:$0x0] =	sbarrier.arrive $0xFFFF  }
0x68: {  	p0 =	sne.s32 s2, $0x0;
	_ =	strace $0x90000047  }
0x69: {  	s0 =	sadd.s32 @!p0 $0x100000, s0;
	[bflag:$0x2] =	sbarrier.arrive $0xFFFF  }
0x6a: {  	[sflag:s0] =	ssyncadd.tile.s32 @!p0 $0x1;
	_ =	shalt  }
.Lfunc_end2:
_tile_overlayer_lowered:
.L_overlay_start_2:
0x6b: {  	(tag) =	ssettag $0x2  }
0x6c: {  	s0 =	rddreg [dreg:$0x0];
	s2 =	stileid.u32  }
0x6d: {  	s1 =	rddreg [dreg:$0x1];
	p0 =	sne.s32 s2, $0x0  }
0x6e: {  	s3 =	rddreg [dreg:$0x2];
	[bflag:$0x3] =	sbarrier.arrive $0xFFFF;
	s2 =	simm.s32 @!p0 $0x1C03  }
0x6f: {  	[timem:s3], [sflag:s2] =	dma.local @!p0 [hbm:s0], s1  }
0x70: {  	s0 =	simm.s32 @!p0 $0x3  }
0x71: {  	_ =	swait.ge @!p0 [sflag:s0], s1  }
0x72: {  	s1 =	ssub.s32 @!p0 $0x0, s1;
	[sflag:s0] =	ssyncset.done @!p0 $0x0  }
0x73: {  	[sflag:s0] =	ssyncadd.s32 @!p0 s1  }
0x74: {  	[bflag:$0x3] =	sbarrier.arrive $0xFFFF  }
0x75: {  	_ =	shalt  }

// kernel: kernel.14.cloned.1.call-start
scs
__scs_entry_jumppad:
0x0: {  	(pc) =	sbr.rel $0x88, $3  }
0x1: {  	(tag) =	ssettag $0x0;
	lr =	simm.s32 $0x1  }
0x2: {  	[smem:$0x3F8D] =	sst lr;
	_ =	strace $0xD0000000  }
0x3: {  	_ = 	snop  }
0x4: {  	_ = 	snop  }
0x5: {  	_ = 	snop  }
0x6: {  	_ = 	snop  }
0x7: {  	_ = 	snop  }
__scs_overlays_trampoline_lowered:
0x8: {  	[smem:$0x3F9C] =	sst s0  }
0x9: {  	[smem:$0x3F9D] =	sst s1  }
0xa: {  	[smem:$0x3F9E] =	sst s2  }
0xb: {  	[smem:$0x3F9F] =	sst s3  }
0xc: {  	[smem:$0x3FA0] =	sst s4  }
0xd: {  	[smem:$0x3FA1] =	sst s5  }
0xe: {  	[smem:$0x3FA2] =	sst s6  }
0xf: {  	[smem:$0x3FA3] =	sst s7  }
0x10: {  	[smem:$0x3FA4] =	sst s8  }
0x11: {  	[smem:$0x3FA5] =	sst s9;
	s0 =	simm.s32 @!p0 $0x0  }
0x12: {  	s1 =	sld [smem:$0x3F8B];
	s0 =	simm.s32 @p0 $0x1  }
0x13: {  	[smem:$0x3FA6] =	sst s0;
	s0 =	simm.s32 @!p1 $0x0  }
0x14: {  	s2 =	sld [smem:$0x3F8A];
	s0 =	simm.s32 @p1 $0x1  }
0x15: {  	[smem:$0x3FA7] =	sst s0;
	s0 =	simm.s32 @!p2 $0x0  }
0x16: {  	s3 =	sld [smem:$0x3FDB];
	s0 =	simm.s32 @p2 $0x1  }
0x17: {  	s4 =	simm.s32 $0x1BF5;
	[smem:$0x3FA9] =	sst s0  }
0x18: {  	s0 =	sld [smem:$0x3F8C];
	_ =	swait.ge [sflag:s4], $0x0  }
0x19: {  	s7 =	sld [smem:$0x3F8D]  }
0x1a: {  	s8 =	sadd.s32 $0xFFFFE003, lr  }
0x1b: {  	s9 =	sadd.s32 $0xFFFFFEF7, lr;
	s5 =	simm.s32 $0xFFFFFFFF;
	p2 =	slt.u32 s8, $0xFFFFF086  }
0x1c: {  	p1 =	slt.u32 s9, $0xF7A;
	s5 =	simm.s32 @!p2 $0x0  }
0x1d: {  	s5 =	simm.s32 @p1 $0x1;
	p0 =	seq.s32 s7, s2  }
0x1e: {  	s7 =	smul.u32 @!p0 $0xF7A, s2;
	p2 =	seq.s32 @!p0 s5, $0x0  }
0x1f: {  	s9 =	smul.u32 $0xF7A, s1;
	s8 =	simm.s32 @!p0 $0x1BF5;
	p2 =	por !p2, p0  }
0x20: {  	[sflag:s8] =	ssyncset.s32 @!p0 $0xFFFFF086;
	s6 =	sadd.s32 @!p0 s3, s7;
	s7 =	simm.s32 @!p0 $0x108  }
0x21: {  	s3 =	sadd.s32 s3, s9;
	s6 =	sadd.s32 @!p0 $0x88, s6;
	s7 =	simm.s32 @p2 $0x1082  }
0x22: {  	[simem:s7], [sflag:s8] =	dma.local @!p0 [hbm:s6], $0xF7A  }
0x23: {  	s9 =	sor.u32 $0xD0000000, s2;
	s6 =	simm.s32 $0x108;
	_ =	swait.ge @!p0 [sflag:s8], $0x0  }
0x24: {  	s3 =	sadd.s32 $0x88, s3;
	s6 =	simm.s32 @!p1 $0x1082;
	[sflag:s4] =	ssyncset.s32 $0xFFFFF086  }
0x25: {  	[simem:s6], [sflag:s4] =	dma.local [hbm:s3], $0xF7A  }
0x26: {  	[smem:$0x3F8D] =	sst s1;
	(tag) =	ssettag s2;
	_ =	strace s9  }
0x27: {  	s1 =	sld [smem:$0x3F9D]  }
0x28: {  	s2 =	sld [smem:$0x3F9E]  }
0x29: {  	s4 =	sld [smem:$0x3FA0]  }
0x2a: {  	p0 =	seq.s32 s5, $0x0;
	s5 =	sld [smem:$0x3FA1]  }
0x2b: {  	s6 =	sld [smem:$0x3FA2]  }
0x2c: {  	s7 =	sld [smem:$0x3FA3]  }
0x2d: {  	s3 =	simm.s32 $0x108;
	s8 =	sld [smem:$0x3FA4]  }
0x2e: {  	s3 =	simm.s32 @!p0 $0x1082;
	s9 =	sld [smem:$0x3FA5]  }
0x2f: {  	lr =	sadd.s32 s0, s3;
	s0 =	sld [smem:$0x3F9C]  }
0x30: {  	s3 =	sld [smem:$0x3F9F]  }
0x31: {  	[smem:$0x3FA8] =	sst s10  }
0x32: {  	s10 =	sld [smem:$0x3FA6];
	_ =	sdelay $0x3  }
0x33: {  	p0 =	seq.s32 s10, $0x1;
	s10 =	sld [smem:$0x3FA8];
	_ =	sdelay $0x3  }
0x34: {  	[smem:$0x3FA8] =	sst s10  }
0x35: {  	s10 =	sld [smem:$0x3FA7];
	_ =	sdelay $0x3  }
0x36: {  	p1 =	seq.s32 s10, $0x1;
	s10 =	sld [smem:$0x3FA8];
	_ =	sdelay $0x3  }
0x37: {  	[smem:$0x3FA8] =	sst s10  }
0x38: {  	s10 =	sld [smem:$0x3FA9]  }
0x39: {  	_ = 	snop;
	(pc) =	sbr.ind lr, $3  }
0x3a: {  	_ = 	snop  }
0x3b: {  	_ = 	snop  }
0x3c: {  	p2 =	seq.s32 s10, $0x1;
	s10 =	sld [smem:$0x3FA8]  }
0x3d: {  	_ =	shalt  }
0x3e: {  	_ =	shalt  }
0x3f: {  	_ =	shalt  }
0x40: {  	_ =	shalt  }
0x41: {  	_ =	shalt  }
0x42: {  	_ =	shalt  }
0x43: {  	_ =	shalt  }
0x44: {  	_ =	shalt  }
0x45: {  	_ =	shalt  }
0x46: {  	_ =	shalt  }
0x47: {  	_ =	shalt  }
0x48: {  	_ =	shalt  }
0x49: {  	_ =	shalt  }
0x4a: {  	_ =	shalt  }
0x4b: {  	_ =	shalt  }
0x4c: {  	_ =	shalt  }
0x4d: {  	_ =	shalt  }
0x4e: {  	_ =	shalt  }
0x4f: {  	_ =	shalt  }
0x50: {  	_ =	shalt  }
0x51: {  	_ =	shalt  }
0x52: {  	_ =	shalt  }
0x53: {  	_ =	shalt  }
0x54: {  	_ =	shalt  }
0x55: {  	_ =	shalt  }
0x56: {  	_ =	shalt  }
0x57: {  	_ =	shalt  }
0x58: {  	_ =	shalt  }
0x59: {  	_ =	shalt  }
0x5a: {  	_ =	shalt  }
0x5b: {  	_ =	shalt  }
0x5c: {  	_ =	shalt  }
0x5d: {  	_ =	shalt  }
0x5e: {  	_ =	shalt  }
0x5f: {  	_ =	shalt  }
0x60: {  	_ =	shalt  }
0x61: {  	_ =	shalt  }
0x62: {  	_ =	shalt  }
0x63: {  	_ =	shalt  }
0x64: {  	_ =	shalt  }
0x65: {  	_ =	shalt  }
0x66: {  	_ =	shalt  }
0x67: {  	_ =	shalt  }
0x68: {  	_ =	shalt  }
0x69: {  	_ =	shalt  }
0x6a: {  	_ =	shalt  }
0x6b: {  	_ =	shalt  }
0x6c: {  	_ =	shalt  }
0x6d: {  	_ =	shalt  }
0x6e: {  	_ =	shalt  }
0x6f: {  	_ =	shalt  }
0x70: {  	_ =	shalt  }
0x71: {  	_ =	shalt  }
0x72: {  	_ =	shalt  }
0x73: {  	_ =	shalt  }
0x74: {  	_ =	shalt  }
0x75: {  	_ =	shalt  }
0x76: {  	_ =	shalt  }
0x77: {  	_ =	shalt  }
0x78: {  	_ =	shalt  }
0x79: {  	_ =	shalt  }
0x7a: {  	_ =	shalt  }
0x7b: {  	_ =	shalt  }
0x7c: {  	_ =	shalt  }
0x7d: {  	_ =	shalt  }
0x7e: {  	_ =	shalt  }
0x7f: {  	_ =	shalt  }
0x80: {  	_ =	shalt  }
0x81: {  	_ =	shalt  }
0x82: {  	_ =	shalt  }
0x83: {  	_ =	shalt  }
0x84: {  	_ =	shalt  }
0x85: {  	_ =	shalt  }
0x86: {  	_ =	shalt  }
0x87: {  	_ =	shalt  }
.Lfunc_end0:
.L_simem_size_0:
called_computation.1_lowered:
.L_overlay_start_0:
0x88: {  	s2 =	sld [smem:$0x3FD9]  }
0x89: {  	s3 =	sld [smem:$0x3FFE];
	_ =	sdelay $0x1  }
0x8a: {  	s1 =	srdreg.scid  }
0x8b: {  	s0 =	sand.u32 $0x1, s1  }
0x8c: {  	s17 =	sshll.u32 s0, $0xA;
	s2 =	sadd.s32 s3, s2  }
0x8d: {  	s2 =	sadd.s32 s2, s17  }
0x8e: {  	[smem:$0x3FB4] =	sst s2  }
0x8f: {  	_ = 	snop  }
0x90: {  	s2 =	sld [smem:$0x3FD0];
	(tm) =	ssettm $0x1  }
0x91: {  	s18 =	sld [smem:$0x3FFB];
	_ =	sdelay $0x3  }
0x92: {  	_ =	strace s18  }
0x93: {  	s3 =	sld [smem:$0x3FFC];
	_ =	sdelay $0x3  }
0x94: {  	_ =	strace s3  }
0x95: {  	s3 =	sld [smem:$0x3FFD];
	_ =	sdelay $0x3  }
0x96: {  	_ =	strace s3  }
0x97: {  	_ =	strace $0x8FFFFFFF  }
0x98: {  	s19 =	sld [smem:$0x3FDB];
	_ =	sdelay $0x1  }
0x99: {  	s4 =	simm.s32 $_scs_section_size  }
0x9a: {  	s5 =	simm.s32 $_size__tile_overlayer_lowered;
	s6 =	simm.s32 $_tile_overlayer_lowered  }
0x9b: {  	s22 =	simm.s32 $0x1BFF;
	s21 =	sshll.u32 s6, $0x1;
	s3 =	sadd.s32 s4, s19  }
0x9c: {  	s7 =	simm.s32 $0x0;
	s20 =	sshll.u32 s5, $0x1;
	s5 =	sadd.s32 s21, s3  }
0x9d: {  	[timem:s7], [sflag:s22] =	dma.local [hbm:s5], s20  }
0x9e: {  	_ =	swait.ge [sflag:s22], s20  }
0x9f: {  	s4 =	ssub.s32 $0x0, s20;
	[sflag:s22] =	ssyncset.done $0x0  }
0xa0: {  	[sflag:s22] =	ssyncadd.s32 s4;
	_ =	sdelay $0x1  }
0xa1: {  	s23 =	simm.s32 $0x1B8B  }
0xa2: {  	_ =	swait.ge [sflag:s23], $0x1  }
0xa3: {  	[sflag:s23] =	ssyncset.done $0x0  }
0xa4: {  	s25 =	simm.s32 $0x1B8E;
	s24 =	sld [smem:$0x3FFE];
	[sflag:s23] =	ssyncadd.s32 $0xFFFFFFFF  }
0xa5: {  	s26 =	simm.s32 $execute0_lowered;
	[smem:$0x3FD2] =	sst s25  }
0xa6: {  	s5 =	sshll.u32 s26, $0x1;
	_ =	strace $0x80000049;
	[dreg:$0x1] =	wrdreg $0xFFFFFFFF  }
0xa7: {  	s28 =	simm.s32 $_size_execute0_lowered;
	s3 =	sadd.s32 s3, s5;
	[dreg:$0x0] =	wrdreg $0x0  }
0xa8: {  	s5 =	sshll.u32 s28, $0x1;
	[dreg:$0x2] =	wrdreg s3  }
0xa9: {  	[dreg:$0x3] =	wrdreg s5  }
0xaa: {  	[dreg:$0x4] =	wrdreg $0xC0  }
0xab: {  	_ =	task [dreg:s7], $0x5FFFF  }
0xac: {  	[dreg:$0x1] =	wrdreg $0xFFFFFFFF  }
0xad: {  	[dreg:$0x0] =	wrdreg $0x60  }
0xae: {  	[dreg:$0x2] =	wrdreg s24  }
0xaf: {  	[dreg:$0x3] =	wrdreg s2  }
0xb0: {  	[dreg:$0x4] =	wrdreg $0x47000  }
0xb1: {  	[dreg:$0x5] =	wrdreg $0x9  }
0xb2: {  	_ =	task.clear_ibuf [dreg:s7], $0x6FFFF;
	_ =	strace $0x90000049  }
0xb3: {  	s29 =	simm.s32 $0x9;
	_ =	strace $0x8000004B  }
0xb4: {  	_ =	swait.ge [sflag:s29], $0x1  }
0xb5: {  	[sflag:s29] =	ssyncadd.s32 $0xFFFFFFFF  }
0xb6: {  	_ =	strace $0x9000004B  }
0xb7: {  	_ =	sfence  }
0xb8: {  	s30 =	sld [smem:$0x0];
	_ =	sdelay $0x2  }
0xb9: {  	s31 =	sshll.u32 s1, $0xD;
	s1 =	sshrl.u32 s1, $0x2  }
0xba: {  	s3 =	sand.u32 $0x4000, s31;
	s1 =	sadd.s32 s1, s30  }
0xbb: {  	s0 =	sor.u32 s3, s0;
	s1 =	sshll.u32 s1, $0x11  }
0xbc: {  	s0 =	sor.u32 s1, s0  }
0xbd: {  	s0 =	sadd.s32 $0x8F2B, s0  }
0xbe: {  	[sflag:s0] =	ssyncadd.remote.s32 $0x1  }
0xbf: {  	_ =	sfence.sel $0xFFFF  }
0xc0: {  	[dreg:$0x0] =	wrdreg $0xFFFFFFFF;
	(pc) =	sbr.abs _section_cstart, $3  }
0xc1: {  	[dreg:$0x1] =	wrdreg $0xFFFFFFFF  }
0xc2: {  	_ =	task.clear_ibuf [dreg:s7], $0x2FFFF;
	_ =	strace $0x9FFFFFFF  }
0xc3: {  	(tm) =	ssettm $0x7FFFFFFF  }
tec
execute0_lowered:
.L_overlay_start_1:
0x0: {  	(tag) =	ssettag $0x1  }
0x1: {  	s0 =	rddreg [dreg:$0x0]  }
0x2: {  	s1 =	rddreg [dreg:$0x1]  }
0x3: {  	s2 =	rddreg [dreg:$0x2];
	s3 =	simm.s32 $0x0;
	s23 =	srdreg.scid  }
0x4: {  	s8 =	stileid.u32;
	s12 =	simm.s32 $0x28;
	s28 =	simm.s32 $0x600  }
0x5: {  	s29 =	simm.s32 $0x680;
	s30 =	simm.s32 $0x2;
	s31 =	simm.s32 $0x80  }
0x6: {  	[smem:$0x7FF] =	sst s3;
	s4 =	sadd.s32 $0x1BA00, s0;
	s5 =	sadd.s32 $0x371600, s0  }
0x7: {  	s6 =	sand.u32 $0x1, s23;
	s7 =	sadd.s32 $0x5A00, s0;
	s9 =	sadd.s32 $0xAA00, s0  }
0x8: {  	s10 =	sadd.s32 $0x2F400, s0;
	s0 =	sadd.s32 $0x42E00, s0;
	s25 =	smul.u32 $0x13880, s8  }
0x9: {  	s11 =	sshll.u32 s8, $0x1;
	p0 =	seq.s32 s8, $0x0;
	_ =	strace $0x8000004A  }
0xa: {  	[dreg:$0x4] =	wrdreg s5;
	s3 =	ssub.s32 $0x2, s6;
	s12 =	simm.s32 @!p0 $0x27  }
0xb: {  	s18 =	smul.u32 $0x138800, s6;
	s24 =	sshrl.u32 s3, $0x1;
	s15 =	sadd.s32 s25, s2  }
0xc: {  	s26 =	sadd.s32 $0x4000, s25;
	s13 =	sadd.s32 $0x8000, s25;
	s14 =	sadd.s32 $0xC000, s25  }
0xd: {  	s19 =	sadd.s32 $0x10000, s25;
	s3 =	ssub.s32 s3, s24;
	s20 =	sadd.s32 s26, s2  }
0xe: {  	s21 =	sadd.s32 s13, s2;
	s22 =	sadd.s32 s14, s2;
	s5 =	sadd.s32 s25, s18  }
0xf: {  	s8 =	sadd.s32 s18, s26;
	s23 =	sadd.s32 s19, s2;
	s16 =	sadd.s32 s18, s13  }
0x10: {  	s17 =	sadd.s32 s18, s14;
	s19 =	sadd.s32 s18, s19;
	s18 =	simm.s32 $0x0  }
0x11: {  	[dreg:$0x5] =	wrdreg s15;
	s5 =	sshrl.u32 s5, $0x3;
	s8 =	sshrl.u32 s8, $0x3  }
0x12: {  	s24 =	sshrl.u32 s17, $0x3;
	s25 =	sshrl.u32 s19, $0x3;
	[dreg:$0x6] =	wrdreg s20  }
0x13: {  	s26 =	smax.u32 s3, $0x1;
	s3 =	simm.s32 $0x4;
	[dreg:$0x7] =	wrdreg s21  }
0x14: {  	s5 =	sadd.s32 s0, s5;
	s8 =	sadd.s32 s0, s8;
	[dreg:$0xd] =	wrdreg s26  }
0x15: {  	s26 =	simm.s32 $0x200;
	[dreg:$0x8] =	wrdreg s5;
	s5 =	sshrl.u32 s16, $0x3  }
0x16: {  	[dreg:$0x9] =	wrdreg s8;
	s8 =	simm.s32 $0x400;
	s5 =	sadd.s32 s0, s5  }
0x17: {  	[dreg:$0xa] =	wrdreg s5;
	s5 =	sadd.s32 s0, s24;
	s0 =	sadd.s32 s0, s25  }
0x18: {  	s24 =	simm.s32 $0x5;
	s25 =	simm.s32 $0x700;
	[dreg:$0xb] =	wrdreg s5  }
0x19: {  	v0 =	vimm.f32 $0.0e+00;
	[dreg:$0xc] =	wrdreg s0;
	s0 =	simm.s32 $0x1;
	s5 =	simm.s32 $0x3  }
.LBB2_1:
0x1a: {  	s13 =	simm.s32 $0x0;
	s14 =	rddreg [dreg:$0x4]  }
0x1b: {  	[tilespmem:s13], [sflag:$0x5] =	stream.linear.gather [hbm4b:s14+s13], $0x200, $0x38;
	[tilespmem:$0x17F80] =	vst v63  }
0x1c: {  	_ =	swait.ge [sflag:s24], $0x200  }
0x1d: {  	[sflag:s24] =	ssyncset.done $0x0  }
0x1e: {  	[sflag:s24] =	ssyncadd.s32 $0xFFFFFE00  }
0x1f: {  	v23 =	vld [tilespmem:$0x0]  }
0x20: {  	v24 =	vld [tilespmem:$0x10]  }
0x21: {  	v25 =	vld [tilespmem:$0x20]  }
0x22: {  	v26 =	vld [tilespmem:$0x30]  }
0x23: {  	v27 =	vld [tilespmem:$0x40]  }
0x24: {  	v28 =	vld [tilespmem:$0x50]  }
0x25: {  	v29 =	vld [tilespmem:$0x60]  }
0x26: {  	v30 =	vld [tilespmem:$0x70]  }
0x27: {  	v31 =	vld [tilespmem:$0x80]  }
0x28: {  	v32 =	vld [tilespmem:$0x90]  }
0x29: {  	v21 =	vld [tilespmem:$0xA0]  }
0x2a: {  	v22 =	vld [tilespmem:$0xB0]  }
0x2b: {  	v20 =	vld [tilespmem:$0xC0]  }
0x2c: {  	v19 =	vld [tilespmem:$0xD0]  }
0x2d: {  	v18 =	vld [tilespmem:$0xE0]  }
0x2e: {  	v17 =	vld [tilespmem:$0xF0]  }
0x2f: {  	v16 =	vld [tilespmem:$0x100]  }
0x30: {  	v15 =	vld [tilespmem:$0x110]  }
0x31: {  	v14 =	vld [tilespmem:$0x120]  }
0x32: {  	v13 =	vld [tilespmem:$0x130]  }
0x33: {  	v12 =	vld [tilespmem:$0x140]  }
0x34: {  	v11 =	vld [tilespmem:$0x150]  }
0x35: {  	v10 =	vld [tilespmem:$0x160]  }
0x36: {  	v9 =	vld [tilespmem:$0x170]  }
0x37: {  	v8 =	vld [tilespmem:$0x180]  }
0x38: {  	v7 =	vld [tilespmem:$0x190]  }
0x39: {  	v6 =	vld [tilespmem:$0x1A0]  }
0x3a: {  	v5 =	vld [tilespmem:$0x1B0]  }
0x3b: {  	v4 =	vld [tilespmem:$0x1C0]  }
0x3c: {  	v3 =	vld [tilespmem:$0x1D0]  }
0x3d: {  	v2 =	vld [tilespmem:$0x1E0]  }
0x3e: {  	s19 =	simm.s32 $0x10;
	s13 =	sand.u32 $0x3FF0, s13;
	v1 =	vld [tilespmem:$0x1F0]  }
.LBB2_2:
0x3f: {  	p0 =	sne.s32 s19, $0x3FF0;
	[tilespmem:s13+$0x700] =	vst v0;
	s13 =	smov.u32 s19;
	s19 =	sadd.s32 $0x10, s19  }
.Ltmp0:
0x40: {  	(pc) =	sbr.rel @p0 .LBB2_2-.Ltmp0, $2  }
0x41: {  	_ =	sdelay $0x2  }
0x42: {  	s13 =	sand.u32 $0x3FF0, s13  }
0x43: {  	v23 =	vmax.f32 v23, $-3.399999950e+38  }
0x44: {  	v23 =	vmax.f32 v23, v24  }
0x45: {  	v23 =	vmax.f32 v23, v25  }
0x46: {  	v23 =	vmax.f32 v23, v26  }
0x47: {  	v23 =	vmax.f32 v23, v27  }
0x48: {  	v23 =	vmax.f32 v23, v28  }
0x49: {  	v23 =	vmax.f32 v23, v29  }
0x4a: {  	v23 =	vmax.f32 v23, v30  }
0x4b: {  	v23 =	vmax.f32 v23, v31  }
0x4c: {  	v23 =	vmax.f32 v23, v32  }
0x4d: {  	[tilespmem:s13+$0x700] =	vst v0;
	v21 =	vmax.f32 v23, v21  }
0x4e: {  	[spmem:s15] =	stream.linear.scatter [tilespmem:s25], [sflag:$0x5], $0x4000, $0x38;
	v21 =	vmax.f32 v21, v22;
	[tilespmem:$0x17F80] =	vst v63  }
0x4f: {  	_ =	swait.ge [sflag:s24], $0x4000;
	v20 =	vmax.f32 v21, v20  }
0x50: {  	[sflag:s24] =	ssyncset.done $0x0;
	v19 =	vmax.f32 v20, v19  }
0x51: {  	[sflag:s24] =	ssyncadd.s32 $0xFFFFC000;
	v18 =	vmax.f32 v19, v18  }
0x52: {  	[spmem:s20] =	stream.linear.scatter [tilespmem:s25], [sflag:$0x5], $0x4000, $0x38;
	v17 =	vmax.f32 v18, v17;
	[tilespmem:$0x17F80] =	vst v63  }
0x53: {  	_ =	swait.ge [sflag:s24], $0x4000;
	v16 =	vmax.f32 v17, v16  }
0x54: {  	[sflag:s24] =	ssyncset.done $0x0;
	v15 =	vmax.f32 v16, v15  }
0x55: {  	[sflag:s24] =	ssyncadd.s32 $0xFFFFC000;
	v14 =	vmax.f32 v15, v14  }
0x56: {  	[spmem:s21] =	stream.linear.scatter [tilespmem:s25], [sflag:$0x5], $0x4000, $0x38;
	v13 =	vmax.f32 v14, v13;
	[tilespmem:$0x17F80] =	vst v63  }
0x57: {  	_ =	swait.ge [sflag:s24], $0x4000;
	v12 =	vmax.f32 v13, v12  }
0x58: {  	[sflag:s24] =	ssyncset.done $0x0;
	v11 =	vmax.f32 v12, v11  }
0x59: {  	[sflag:s24] =	ssyncadd.s32 $0xFFFFC000;
	v10 =	vmax.f32 v11, v10  }
0x5a: {  	[spmem:s22] =	stream.linear.scatter [tilespmem:s25], [sflag:$0x5], $0x4000, $0x38;
	v9 =	vmax.f32 v10, v9;
	[tilespmem:$0x17F80] =	vst v63  }
0x5b: {  	_ =	swait.ge [sflag:s24], $0x4000;
	v8 =	vmax.f32 v9, v8  }
0x5c: {  	[sflag:s24] =	ssyncset.done $0x0;
	v7 =	vmax.f32 v8, v7  }
0x5d: {  	[sflag:s24] =	ssyncadd.s32 $0xFFFFC000;
	v6 =	vmax.f32 v7, v6  }
0x5e: {  	[spmem:s23] =	stream.linear.scatter [tilespmem:s25], [sflag:$0x5], $0x3880, $0x38;
	v5 =	vmax.f32 v6, v5;
	[tilespmem:$0x17F80] =	vst v63  }
0x5f: {  	_ =	swait.ge [sflag:s24], $0x3880;
	v4 =	vmax.f32 v5, v4  }
0x60: {  	[sflag:s24] =	ssyncset.done $0x0;
	v3 =	vmax.f32 v4, v3  }
0x61: {  	s17 =	smov.u32 s22;
	s16 =	smov.u32 s23;
	[sflag:s24] =	ssyncadd.s32 $0xFFFFC780;
	v2 =	vmax.f32 v3, v2  }
0x62: {  	s19 =	simm.s32 $0x0;
	s20 =	simm.s32 $0x0;
	[bflag:$0x0] =	sbarrier.arrive $0xFFFF;
	v1 =	vmax.f32 v2, v1  }
.LBB2_4:
0x63: {  	s13 =	sshll.u32 s20, $0x5  }
0x64: {  	s13 =	sor.u32 s13, s11  }
0x65: {  	s13 =	sor.u32 s6, s13  }
0x66: {  	s21 =	sshll.u32 s13, $0x6  }
0x67: {  	s13 =	sshll.u32 s13, $0x4;
	s14 =	sadd.s32 s4, s21  }
0x68: {  	[tilespmem:s26], [sflag:$0x1] =	stream.linear.gather [hbm4b:s14+s19], $0x200, $0x38;
	[tilespmem:$0x17F80] =	vst v63  }
0x69: {  	s23 =	sadd.s32 s7, s13  }
0x6a: {  	[tilespmem:s28], [sflag:$0x2] =	stream.linear.gather [hbm4b:s23+s19], $0x80, $0x38;
	[tilespmem:$0x17F80] =	vst v63  }
0x6b: {  	s13 =	sadd.s32 s9, s13  }
0x6c: {  	[tilespmem:s29], [sflag:$0x3] =	stream.linear.gather [hbm4b:s13+s19], $0x80, $0x38;
	[tilespmem:$0x17F80] =	vst v63  }
0x6d: {  	_ =	swait.ge [sflag:s30], $0x80  }
0x6e: {  	[sflag:s30] =	ssyncset.done $0x0  }
0x6f: {  	[sflag:s30] =	ssyncadd.s32 $0xFFFFFF80  }
0x70: {  	[tilespmem:s25], [sflag:$0x4] =	stream.indirect.gather [hbm4b:s1+s31], $0x80, s28, s31, $0xb8;
	[tilespmem:$0x17F80] =	vst v63  }
0x71: {  	_ =	swait.ge [sflag:s0], $0x200  }
0x72: {  	[sflag:s0] =	ssyncset.done $0x0  }
0x73: {  	[sflag:s0] =	ssyncadd.s32 $0xFFFFFE00  }
0x74: {  	v2 =	vld [tilespmem:$0x200]  }
0x75: {  	v3 =	vld [tilespmem:$0x210]  }
0x76: {  	v4 =	vld [tilespmem:$0x220]  }
0x77: {  	v5 =	vld [tilespmem:$0x230]  }
0x78: {  	v6 =	vld [tilespmem:$0x240]  }
0x79: {  	v7 =	vld [tilespmem:$0x250];
	v2 =	vsub.f32 v2, v1  }
0x7a: {  	v8 =	vld [tilespmem:$0x260];
	v3 =	vsub.f32 v3, v1  }
0x7b: {  	v9 =	vld [tilespmem:$0x270];
	v4 =	vsub.f32 v4, v1;
	v2 =	vmul.f32 $1.442695020e+00, v2  }
0x7c: {  	v10 =	vld [tilespmem:$0x280];
	v5 =	vsub.f32 v5, v1;
	v3 =	vmul.f32 $1.442695020e+00, v3  }
0x7d: {  	v22 =	vld [tilespmem:$0x290];
	(erf) = vpow2.f32 v2;
	v2 =	vmul.f32 $1.442695020e+00, v4;
	v4 =	vsub.f32 v6, v1  }
0x7e: {  	v23 =	vld [tilespmem:$0x2A0];
	(erf) = vpow2.f32 v3;
	v3 =	vmul.f32 $1.442695020e+00, v5;
	v5 =	vsub.f32 v7, v1  }
0x7f: {  	v24 =	vld [tilespmem:$0x2B0];
	(erf) = vpow2.f32 v2;
	v2 =	vmul.f32 $1.442695020e+00, v4;
	v4 =	vsub.f32 v8, v1  }
0x80: {  	v25 =	vld [tilespmem:$0x2C0];
	(erf) = vpow2.f32 v3;
	v3 =	vmul.f32 $1.442695020e+00, v5;
	v5 =	vsub.f32 v9, v1  }
0x81: {  	v26 =	vld [tilespmem:$0x2D0];
	(erf) = vpow2.f32 v2;
	v2 =	vmul.f32 $1.442695020e+00, v4;
	v4 =	vsub.f32 v10, v1  }
0x82: {  	v27 =	vld [tilespmem:$0x2E0];
	(erf) = vpow2.f32 v3;
	v3 =	vmul.f32 $1.442695020e+00, v5;
	v5 =	vsub.f32 v22, v1  }
0x83: {  	v28 =	vld [tilespmem:$0x2F0];
	(erf) = vpow2.f32 v2;
	v2 =	vmul.f32 $1.442695020e+00, v4;
	v4 =	vsub.f32 v23, v1  }
0x84: {  	v29 =	vld [tilespmem:$0x300];
	(erf) = vpow2.f32 v3;
	v3 =	vmul.f32 $1.442695020e+00, v5;
	v5 =	vsub.f32 v24, v1  }
0x85: {  	v30 =	vld [tilespmem:$0x310];
	(erf) = vpow2.f32 v2;
	v2 =	vmul.f32 $1.442695020e+00, v4;
	v4 =	vsub.f32 v25, v1  }
0x86: {  	v31 =	vld [tilespmem:$0x320];
	v11 =	vpop (erf);
	(erf) = vpow2.f32 v3;
	v3 =	vmul.f32 $1.442695020e+00, v5;
	v5 =	vsub.f32 v26, v1  }
0x87: {  	v33 =	vld [tilespmem:$0x330];
	v32 =	vpop (erf);
	(erf) = vpow2.f32 v2;
	v2 =	vmul.f32 $1.442695020e+00, v4;
	v4 =	vsub.f32 v27, v1  }
0x88: {  	v35 =	vld [tilespmem:$0x340];
	v34 =	vpop (erf);
	(erf) = vpow2.f32 v3;
	v3 =	vmul.f32 $1.442695020e+00, v5;
	v5 =	vsub.f32 v28, v1  }
0x89: {  	v37 =	vld [tilespmem:$0x350];
	[tilespmem:$0x400] =	vst v11;
	v36 =	vpop (erf);
	(erf) = vpow2.f32 v2;
	v2 =	vmul.f32 $1.442695020e+00, v4;
	v4 =	vsub.f32 v29, v1  }
0x8a: {  	v39 =	vld [tilespmem:$0x360];
	[tilespmem:$0x410] =	vst v32;
	v38 =	vpop (erf);
	(erf) = vpow2.f32 v3;
	v3 =	vmul.f32 $1.442695020e+00, v5;
	v5 =	vsub.f32 v30, v1  }
0x8b: {  	v41 =	vld [tilespmem:$0x370];
	[tilespmem:$0x420] =	vst v34;
	v40 =	vpop (erf);
	(erf) = vpow2.f32 v2;
	v2 =	vmul.f32 $1.442695020e+00, v4;
	v4 =	vsub.f32 v31, v1  }
0x8c: {  	v43 =	vld [tilespmem:$0x380];
	[tilespmem:$0x430] =	vst v36;
	v42 =	vpop (erf);
	(erf) = vpow2.f32 v3;
	v3 =	vmul.f32 $1.442695020e+00, v5;
	v5 =	vsub.f32 v33, v1  }
0x8d: {  	v45 =	vld [tilespmem:$0x390];
	[tilespmem:$0x440] =	vst v38;
	v44 =	vpop (erf);
	(erf) = vpow2.f32 v2;
	v2 =	vmul.f32 $1.442695020e+00, v4;
	v4 =	vsub.f32 v35, v1  }
0x8e: {  	v47 =	vld [tilespmem:$0x3A0];
	[tilespmem:$0x450] =	vst v40;
	v46 =	vpop (erf);
	(erf) = vpow2.f32 v3;
	v3 =	vmul.f32 $1.442695020e+00, v5;
	v5 =	vsub.f32 v37, v1  }
0x8f: {  	v49 =	vld [tilespmem:$0x3B0];
	[tilespmem:$0x460] =	vst v42;
	v48 =	vpop (erf);
	(erf) = vpow2.f32 v2;
	v2 =	vmul.f32 $1.442695020e+00, v4;
	v4 =	vsub.f32 v39, v1  }
0x90: {  	v51 =	vld [tilespmem:$0x3C0];
	[tilespmem:$0x470] =	vst v44;
	v50 =	vpop (erf);
	(erf) = vpow2.f32 v3;
	v3 =	vmul.f32 $1.442695020e+00, v5;
	v5 =	vsub.f32 v41, v1  }
0x91: {  	v53 =	vld [tilespmem:$0x3D0];
	[tilespmem:$0x480] =	vst v46;
	v52 =	vpop (erf);
	(erf) = vpow2.f32 v2;
	v2 =	vmul.f32 $1.442695020e+00, v4;
	v4 =	vsub.f32 v43, v1  }
0x92: {  	v55 =	vld [tilespmem:$0x3E0];
	[tilespmem:$0x490] =	vst v48;
	v54 =	vpop (erf);
	(erf) = vpow2.f32 v3;
	v3 =	vmul.f32 $1.442695020e+00, v5;
	v5 =	vsub.f32 v45, v1  }
0x93: {  	[tilespmem:$0x4A0] =	vst v50;
	v56 =	vpop (erf);
	(erf) = vpow2.f32 v2;
	v2 =	vmul.f32 $1.442695020e+00, v4;
	v4 =	vsub.f32 v47, v1  }
0x94: {  	v57 =	vld [tilespmem:$0x3F0];
	[tilespmem:$0x4B0] =	vst v52;
	v58 =	vpop (erf);
	(erf) = vpow2.f32 v3;
	v3 =	vmul.f32 $1.442695020e+00, v5;
	v5 =	vsub.f32 v49, v1  }
0x95: {  	[tilespmem:$0x4C0] =	vst v54;
	v59 =	vpop (erf);
	(erf) = vpow2.f32 v2;
	v2 =	vmul.f32 $1.442695020e+00, v4;
	v4 =	vsub.f32 v51, v1  }
0x96: {  	[tilespmem:$0x4D0] =	vst v56;
	v60 =	vpop (erf);
	(erf) = vpow2.f32 v3;
	v3 =	vmul.f32 $1.442695020e+00, v5;
	v5 =	vsub.f32 v53, v1  }
0x97: {  	[tilespmem:$0x4E0] =	vst v58;
	v61 =	vpop (erf);
	(erf) = vpow2.f32 v2;
	v2 =	vmul.f32 $1.442695020e+00, v4;
	v4 =	vsub.f32 v55, v1  }
0x98: {  	[tilespmem:$0x4F0] =	vst v59  }
0x99: {  	[tilespmem:$0x500] =	vst v60;
	v62 =	vpop (erf);
	(erf) = vpow2.f32 v3;
	v3 =	vmul.f32 $1.442695020e+00, v5;
	v5 =	vsub.f32 v57, v1  }
0x9a: {  	[tilespmem:$0x510] =	vst v61;
	v63 =	vpop (erf);
	(erf) = vpow2.f32 v2;
	v2 =	vmul.f32 $1.442695020e+00, v4  }
0x9b: {  	[tilespmem:$0x520] =	vst v62;
	v4 =	vpop (erf);
	(erf) = vpow2.f32 v3;
	v3 =	vmul.f32 $1.442695020e+00, v5  }
0x9c: {  	[tilespmem:$0x530] =	vst v63  }
0x9d: {  	[tilespmem:$0x540] =	vst v4;
	v4 =	vpop (erf);
	(erf) = vpow2.f32 v2  }
0x9e: {  	[tilespmem:$0x550] =	vst v4;
	v2 =	vpop (erf);
	(erf) = vpow2.f32 v3  }
0x9f: {  	[tilespmem:$0x560] =	vst v2;
	v3 =	vpop (erf)  }
0xa0: {  	v2 =	vpop (erf);
	[tilespmem:$0x570] =	vst v3  }
0xa1: {  	v3 =	vpop (erf);
	[tilespmem:$0x580] =	vst v2  }
0xa2: {  	v2 =	vpop (erf);
	[tilespmem:$0x590] =	vst v3  }
0xa3: {  	v3 =	vpop (erf);
	[tilespmem:$0x5A0] =	vst v2  }
0xa4: {  	v2 =	vpop (erf);
	[tilespmem:$0x5B0] =	vst v3  }
0xa5: {  	v3 =	vpop (erf);
	[tilespmem:$0x5C0] =	vst v2  }
0xa6: {  	v2 =	vpop (erf);
	[tilespmem:$0x5D0] =	vst v3  }
0xa7: {  	[tilespmem:$0x5E0] =	vst v2;
	v2 =	vpop (erf)  }
0xa8: {  	s15 =	sand.u32 $0x7, s19;
	s14 =	sadd.s32 s10, s21;
	s21 =	simm.s32 $0x0;
	[tilespmem:$0x5F0] =	vst v2  }
0xa9: {  	[hbm4b:s14+s19] =	stream.linear.scatter [tilespmem:s8], [sflag:$0x5], $0x200, $0x38;
	[tilespmem:$0x17F80] =	vst v63  }
0xaa: {  	s22 =	sshrl.u32 s15, $0x1;
	s14 =	sand.u32 $0x7FFFFFFC, s21  }
0xab: {  	_ =	swait.ge [sflag:s24], $0x200;
	s14 =	sor.u32 s22, s14  }
0xac: {  	[sflag:s24] =	ssyncset.done $0x0;
	v2 =	vmov s14  }
0xad: {  	[sflag:s24] =	ssyncadd.s32 $0xFFFFFE00  }
0xae: {  	_ =	swait.ge [sflag:s3], $0x4000  }
0xaf: {  	s23 =	simm.s32 $0x0;
	[sflag:s3] =	ssyncset.done $0x0  }
0xb0: {  	s13 =	sshll.u32 s15, $0x4;
	s14 =	sand.u32 $0x3FFFFF80, s23;
	[sflag:s3] =	ssyncadd.s32 $0xFFFFC000  }
0xb1: {  	s21 =	simm.s32 $0x1;
	s22 =	sor.u32 s13, s14;
	v2 =	vld.idx.msk [tilespmem:v2+s8+$0x0], $0xffff  }
0xb2: {  	s23 =	sand.u32 $0x7, s21;
	s14 =	simm.s32 $0x0;
	s13 =	simm.s32 $0x2;
	v3 =	vld [tilespmem:s22+$0x700]  }
.LBB2_5:
0xb3: {  	p0 =	sne.s32 s13, $0x3FF;
	s14 =	sand.u32 $0x7FFFFFFC, s14;
	s15 =	sshrl.u32 s23, $0x1  }
0xb4: {  	s14 =	sor.u32 s15, s14  }
0xb5: {  	v4 =	vmov s14;
	_ =	sdelay $0x1  }
.Ltmp1:
0xb6: {  	v2 =	vmul.f32 v3, v2;
	(pc) =	sbr.rel @p0 .LBB2_5-.Ltmp1, $4  }
0xb7: {  	s14 =	sshll.u32 s21, $0x4;
	s21 =	smov.u32 s13  }
0xb8: {  	s15 =	sshll.u32 s23, $0x4;
	s14 =	sand.u32 $0x3FFFFF80, s14;
	[tilespmem:s22+$0x700] =	vst v2  }
0xb9: {  	s22 =	sor.u32 s15, s14;
	v2 =	vld.idx.msk [tilespmem:v4+s8+$0x0], $0xffff  }
0xba: {  	s13 =	sadd.s32 $0x1, s13;
	s23 =	sand.u32 $0x7, s21;
	s14 =	sshrl.u32 s21, $0x1;
	v3 =	vld [tilespmem:s22+$0x700]  }
0xbb: {  	s13 =	sand.u32 $0x7FFFFFFC, s14;
	s15 =	sshrl.u32 s23, $0x1  }
0xbc: {  	s13 =	sor.u32 s15, s13  }
0xbd: {  	v4 =	vmov s13;
	_ =	sdelay $0x1  }
0xbe: {  	v2 =	vmul.f32 v3, v2  }
0xbf: {  	s21 =	sshll.u32 s21, $0x4  }
0xc0: {  	s23 =	sshll.u32 s23, $0x4;
	s13 =	sand.u32 $0x3FFFFF80, s21;
	[tilespmem:s22+$0x700] =	vst v2  }
0xc1: {  	s13 =	sor.u32 s23, s13;
	v2 =	vld.idx.msk [tilespmem:v4+s8+$0x0], $0xffff  }
0xc2: {  	v3 =	vld [tilespmem:s13+$0x700];
	_ =	sdelay $0x4  }
0xc3: {  	v2 =	vmul.f32 v3, v2;
	_ =	sdelay $0x1  }
0xc4: {  	[tilespmem:s13+$0x700] =	vst v2  }
0xc5: {  	s20 =	sadd.s32 $0x1, s20;
	_ =	swait.ge [sflag:s5], $0x80  }
0xc6: {  	p0 =	sne.s32 s20, s12;
	[sflag:s5] =	ssyncset.done $0x0  }
.Ltmp2:
0xc7: {  	[sflag:s5] =	ssyncadd.s32 $0xFFFFFF80;
	(pc) =	sbr.rel @p0 .LBB2_4-.Ltmp2, $4  }
0xc8: {  	[spmem:s2] =	stream.indirect.scatter.add.f32 [tilespmem:s25], [sflag:$0x5], $0x80, s29, s31, $0xb8;
	[tilespmem:$0x17F80] =	vst v63  }
0xc9: {  	_ =	swait.ge [sflag:s24], $0x4000  }
0xca: {  	[sflag:s24] =	ssyncset.done $0x0  }
0xcb: {  	[sflag:s24] =	ssyncadd.s32 $0xFFFFC000  }
0xcc: {  	s13 =	stileid.u32;
	[bflag:$0x0] =	sbarrier.arrive $0xFFFF  }
0xcd: {  	s13 =	sshll.u32 s13, $0x6;
	s15 =	rddreg [dreg:$0x5]  }
0xce: {  	s19 =	rddreg [dreg:$0x8];
	s13 =	sor.u32 $0x1C05, s13;
	s14 =	sshrl.u32 s15, $0x3  }
0xcf: {  	[hbm:s19], [sflag:s13] =	dma.local [spmem:s14], $0x800  }
0xd0: {  	_ =	swait.ge [sflag:s24], $0x800  }
0xd1: {  	[sflag:s24] =	ssyncset.done $0x0;
	s20 =	rddreg [dreg:$0x6]  }
0xd2: {  	s21 =	rddreg [dreg:$0x9];
	[sflag:s24] =	ssyncadd.s32 $0xFFFFF800;
	s19 =	sshrl.u32 s20, $0x3  }
0xd3: {  	[hbm:s21], [sflag:s13] =	dma.local [spmem:s19], $0x800  }
0xd4: {  	_ =	swait.ge [sflag:s24], $0x800  }
0xd5: {  	[sflag:s24] =	ssyncset.done $0x0;
	s21 =	rddreg [dreg:$0x7]  }
0xd6: {  	s23 =	rddreg [dreg:$0xa];
	[sflag:s24] =	ssyncadd.s32 $0xFFFFF800;
	s22 =	sshrl.u32 s21, $0x3  }
0xd7: {  	[hbm:s23], [sflag:s13] =	dma.local [spmem:s22], $0x800  }
0xd8: {  	_ =	swait.ge [sflag:s24], $0x800  }
0xd9: {  	[sflag:s24] =	ssyncset.done $0x0  }
0xda: {  	s19 =	sshrl.u32 s17, $0x3;
	s23 =	rddreg [dreg:$0xb];
	[sflag:s24] =	ssyncadd.s32 $0xFFFFF800  }
0xdb: {  	[hbm:s23], [sflag:s13] =	dma.local [spmem:s19], $0x800  }
0xdc: {  	_ =	swait.ge [sflag:s24], $0x800  }
0xdd: {  	s22 =	smov.u32 s17;
	s23 =	smov.u32 s16;
	[sflag:s24] =	ssyncset.done $0x0  }
0xde: {  	s16 =	sshrl.u32 s16, $0x3;
	s17 =	rddreg [dreg:$0xc];
	[sflag:s24] =	ssyncadd.s32 $0xFFFFF800  }
0xdf: {  	[hbm:s17], [sflag:s13] =	dma.local [spmem:s16], $0x710  }
0xe0: {  	_ =	swait.ge [sflag:s24], $0x710  }
0xe1: {  	s18 =	sadd.s32 $0x1, s18;
	s19 =	rddreg [dreg:$0xd]  }
0xe2: {  	p0 =	sne.s32 s18, s19  }
.Ltmp3:
0xe3: {  	_ = 	snop;
	(pc) =	sbr.rel @p0 .LBB2_1-.Ltmp3, $3  }
0xe4: {  	_ =	sdelay $0x1  }
0xe5: {  	[sflag:s24] =	ssyncset.done $0x0  }
0xe6: {  	[sflag:s24] =	ssyncadd.s32 $0xFFFFF8F0  }
0xe7: {  	_ =	sfence.sel $0x180000  }
0xe8: {  	[bflag:$0x0] =	sbarrier.arrive $0xFFFF  }
0xe9: {  	_ =	strace $0x9000004A  }
0xea: {  	s0 =	stileid.u32;
	[bflag:$0x2] =	sbarrier.arrive $0xFFFF  }
0xeb: {  	p0 =	sne.s32 s0, $0x0;
	s0 =	rddreg [dreg:$0x3]  }
0xec: {  	s0 =	sadd.s32 @!p0 $0x100000, s0  }
0xed: {  	[sflag:s0] =	ssyncadd.tile.s32 @!p0 $0x1;
	_ =	shalt  }
.Lfunc_end2:
_tile_overlayer_lowered:
.L_overlay_start_2:
0xee: {  	(tag) =	ssettag $0x2  }
0xef: {  	s0 =	rddreg [dreg:$0x0];
	s2 =	stileid.u32  }
0xf0: {  	s1 =	rddreg [dreg:$0x1];
	p0 =	sne.s32 s2, $0x0  }
0xf1: {  	s3 =	rddreg [dreg:$0x2];
	[bflag:$0x3] =	sbarrier.arrive $0xFFFF;
	s2 =	simm.s32 @!p0 $0x1C05  }
0xf2: {  	[timem:s3], [sflag:s2] =	dma.local @!p0 [hbm:s0], s1  }
0xf3: {  	s0 =	simm.s32 @!p0 $0x5  }
0xf4: {  	_ =	swait.ge @!p0 [sflag:s0], s1  }
0xf5: {  	s1 =	ssub.s32 @!p0 $0x0, s1;
	[sflag:s0] =	ssyncset.done @!p0 $0x0  }
0xf6: {  	[sflag:s0] =	ssyncadd.s32 @!p0 s1  }
0xf7: {  	[bflag:$0x3] =	sbarrier.arrive $0xFFFF  }
0xf8: {  	_ =	shalt  }

// kernel: kernel.17.cloned.1.call-start
scs
__scs_entry_jumppad:
0x0: {  	(pc) =	sbr.rel $0x88, $3  }
0x1: {  	(tag) =	ssettag $0x0;
	lr =	simm.s32 $0x1  }
0x2: {  	[smem:$0x3F8D] =	sst lr;
	_ =	strace $0xD0000000  }
0x3: {  	_ = 	snop  }
0x4: {  	_ = 	snop  }
0x5: {  	_ = 	snop  }
0x6: {  	_ = 	snop  }
0x7: {  	_ = 	snop  }
__scs_overlays_trampoline_lowered:
0x8: {  	[smem:$0x3F9C] =	sst s0  }
0x9: {  	[smem:$0x3F9D] =	sst s1  }
0xa: {  	[smem:$0x3F9E] =	sst s2  }
0xb: {  	[smem:$0x3F9F] =	sst s3  }
0xc: {  	[smem:$0x3FA0] =	sst s4  }
0xd: {  	[smem:$0x3FA1] =	sst s5  }
0xe: {  	[smem:$0x3FA2] =	sst s6  }
0xf: {  	[smem:$0x3FA3] =	sst s7  }
0x10: {  	[smem:$0x3FA4] =	sst s8  }
0x11: {  	[smem:$0x3FA5] =	sst s9;
	s0 =	simm.s32 @!p0 $0x0  }
0x12: {  	s1 =	sld [smem:$0x3F8B];
	s0 =	simm.s32 @p0 $0x1  }
0x13: {  	[smem:$0x3FA6] =	sst s0;
	s0 =	simm.s32 @!p1 $0x0  }
0x14: {  	s2 =	sld [smem:$0x3F8A];
	s0 =	simm.s32 @p1 $0x1  }
0x15: {  	[smem:$0x3FA7] =	sst s0;
	s0 =	simm.s32 @!p2 $0x0  }
0x16: {  	s3 =	sld [smem:$0x3FDB];
	s0 =	simm.s32 @p2 $0x1  }
0x17: {  	s4 =	simm.s32 $0x1BF5;
	[smem:$0x3FA9] =	sst s0  }
0x18: {  	s0 =	sld [smem:$0x3F8C];
	_ =	swait.ge [sflag:s4], $0x0  }
0x19: {  	s7 =	sld [smem:$0x3F8D]  }
0x1a: {  	s8 =	sadd.s32 $0xFFFFE003, lr  }
0x1b: {  	s9 =	sadd.s32 $0xFFFFFEF7, lr;
	s5 =	simm.s32 $0xFFFFFFFF;
	p2 =	slt.u32 s8, $0xFFFFF086  }
0x1c: {  	p1 =	slt.u32 s9, $0xF7A;
	s5 =	simm.s32 @!p2 $0x0  }
0x1d: {  	s5 =	simm.s32 @p1 $0x1;
	p0 =	seq.s32 s7, s2  }
0x1e: {  	s7 =	smul.u32 @!p0 $0xF7A, s2;
	p2 =	seq.s32 @!p0 s5, $0x0  }
0x1f: {  	s9 =	smul.u32 $0xF7A, s1;
	s8 =	simm.s32 @!p0 $0x1BF5;
	p2 =	por !p2, p0  }
0x20: {  	[sflag:s8] =	ssyncset.s32 @!p0 $0xFFFFF086;
	s6 =	sadd.s32 @!p0 s3, s7;
	s7 =	simm.s32 @!p0 $0x108  }
0x21: {  	s3 =	sadd.s32 s3, s9;
	s6 =	sadd.s32 @!p0 $0x88, s6;
	s7 =	simm.s32 @p2 $0x1082  }
0x22: {  	[simem:s7], [sflag:s8] =	dma.local @!p0 [hbm:s6], $0xF7A  }
0x23: {  	s9 =	sor.u32 $0xD0000000, s2;
	s6 =	simm.s32 $0x108;
	_ =	swait.ge @!p0 [sflag:s8], $0x0  }
0x24: {  	s3 =	sadd.s32 $0x88, s3;
	s6 =	simm.s32 @!p1 $0x1082;
	[sflag:s4] =	ssyncset.s32 $0xFFFFF086  }
0x25: {  	[simem:s6], [sflag:s4] =	dma.local [hbm:s3], $0xF7A  }
0x26: {  	[smem:$0x3F8D] =	sst s1;
	(tag) =	ssettag s2;
	_ =	strace s9  }
0x27: {  	s1 =	sld [smem:$0x3F9D]  }
0x28: {  	s2 =	sld [smem:$0x3F9E]  }
0x29: {  	s4 =	sld [smem:$0x3FA0]  }
0x2a: {  	p0 =	seq.s32 s5, $0x0;
	s5 =	sld [smem:$0x3FA1]  }
0x2b: {  	s6 =	sld [smem:$0x3FA2]  }
0x2c: {  	s7 =	sld [smem:$0x3FA3]  }
0x2d: {  	s3 =	simm.s32 $0x108;
	s8 =	sld [smem:$0x3FA4]  }
0x2e: {  	s3 =	simm.s32 @!p0 $0x1082;
	s9 =	sld [smem:$0x3FA5]  }
0x2f: {  	lr =	sadd.s32 s0, s3;
	s0 =	sld [smem:$0x3F9C]  }
0x30: {  	s3 =	sld [smem:$0x3F9F]  }
0x31: {  	[smem:$0x3FA8] =	sst s10  }
0x32: {  	s10 =	sld [smem:$0x3FA6];
	_ =	sdelay $0x3  }
0x33: {  	p0 =	seq.s32 s10, $0x1;
	s10 =	sld [smem:$0x3FA8];
	_ =	sdelay $0x3  }
0x34: {  	[smem:$0x3FA8] =	sst s10  }
0x35: {  	s10 =	sld [smem:$0x3FA7];
	_ =	sdelay $0x3  }
0x36: {  	p1 =	seq.s32 s10, $0x1;
	s10 =	sld [smem:$0x3FA8];
	_ =	sdelay $0x3  }
0x37: {  	[smem:$0x3FA8] =	sst s10  }
0x38: {  	s10 =	sld [smem:$0x3FA9]  }
0x39: {  	_ = 	snop;
	(pc) =	sbr.ind lr, $3  }
0x3a: {  	_ = 	snop  }
0x3b: {  	_ = 	snop  }
0x3c: {  	p2 =	seq.s32 s10, $0x1;
	s10 =	sld [smem:$0x3FA8]  }
0x3d: {  	_ =	shalt  }
0x3e: {  	_ =	shalt  }
0x3f: {  	_ =	shalt  }
0x40: {  	_ =	shalt  }
0x41: {  	_ =	shalt  }
0x42: {  	_ =	shalt  }
0x43: {  	_ =	shalt  }
0x44: {  	_ =	shalt  }
0x45: {  	_ =	shalt  }
0x46: {  	_ =	shalt  }
0x47: {  	_ =	shalt  }
0x48: {  	_ =	shalt  }
0x49: {  	_ =	shalt  }
0x4a: {  	_ =	shalt  }
0x4b: {  	_ =	shalt  }
0x4c: {  	_ =	shalt  }
0x4d: {  	_ =	shalt  }
0x4e: {  	_ =	shalt  }
0x4f: {  	_ =	shalt  }
0x50: {  	_ =	shalt  }
0x51: {  	_ =	shalt  }
0x52: {  	_ =	shalt  }
0x53: {  	_ =	shalt  }
0x54: {  	_ =	shalt  }
0x55: {  	_ =	shalt  }
0x56: {  	_ =	shalt  }
0x57: {  	_ =	shalt  }
0x58: {  	_ =	shalt  }
0x59: {  	_ =	shalt  }
0x5a: {  	_ =	shalt  }
0x5b: {  	_ =	shalt  }
0x5c: {  	_ =	shalt  }
0x5d: {  	_ =	shalt  }
0x5e: {  	_ =	shalt  }
0x5f: {  	_ =	shalt  }
0x60: {  	_ =	shalt  }
0x61: {  	_ =	shalt  }
0x62: {  	_ =	shalt  }
0x63: {  	_ =	shalt  }
0x64: {  	_ =	shalt  }
0x65: {  	_ =	shalt  }
0x66: {  	_ =	shalt  }
0x67: {  	_ =	shalt  }
0x68: {  	_ =	shalt  }
0x69: {  	_ =	shalt  }
0x6a: {  	_ =	shalt  }
0x6b: {  	_ =	shalt  }
0x6c: {  	_ =	shalt  }
0x6d: {  	_ =	shalt  }
0x6e: {  	_ =	shalt  }
0x6f: {  	_ =	shalt  }
0x70: {  	_ =	shalt  }
0x71: {  	_ =	shalt  }
0x72: {  	_ =	shalt  }
0x73: {  	_ =	shalt  }
0x74: {  	_ =	shalt  }
0x75: {  	_ =	shalt  }
0x76: {  	_ =	shalt  }
0x77: {  	_ =	shalt  }
0x78: {  	_ =	shalt  }
0x79: {  	_ =	shalt  }
0x7a: {  	_ =	shalt  }
0x7b: {  	_ =	shalt  }
0x7c: {  	_ =	shalt  }
0x7d: {  	_ =	shalt  }
0x7e: {  	_ =	shalt  }
0x7f: {  	_ =	shalt  }
0x80: {  	_ =	shalt  }
0x81: {  	_ =	shalt  }
0x82: {  	_ =	shalt  }
0x83: {  	_ =	shalt  }
0x84: {  	_ =	shalt  }
0x85: {  	_ =	shalt  }
0x86: {  	_ =	shalt  }
0x87: {  	_ =	shalt  }
.Lfunc_end0:
.L_simem_size_0:
called_computation.2_lowered:
.L_overlay_start_0:
0x88: {  	s2 =	sld [smem:$0x3FD9]  }
0x89: {  	s3 =	sld [smem:$0x3FFE];
	_ =	sdelay $0x1  }
0x8a: {  	s1 =	srdreg.scid  }
0x8b: {  	s0 =	sand.u32 $0x1, s1  }
0x8c: {  	s17 =	sshll.u32 s0, $0xA;
	s2 =	sadd.s32 s3, s2  }
0x8d: {  	s2 =	sadd.s32 s2, s17  }
0x8e: {  	[smem:$0x3FB4] =	sst s2  }
0x8f: {  	_ = 	snop  }
0x90: {  	s2 =	sld [smem:$0x3FC6];
	(tm) =	ssettm $0x1  }
0x91: {  	s18 =	sld [smem:$0x3FFB];
	_ =	sdelay $0x3  }
0x92: {  	_ =	strace s18  }
0x93: {  	s3 =	sld [smem:$0x3FFC];
	_ =	sdelay $0x3  }
0x94: {  	_ =	strace s3  }
0x95: {  	s3 =	sld [smem:$0x3FFD];
	_ =	sdelay $0x3  }
0x96: {  	_ =	strace s3  }
0x97: {  	_ =	strace $0x8FFFFFFF  }
0x98: {  	s19 =	sld [smem:$0x3FDB];
	_ =	sdelay $0x1  }
0x99: {  	s4 =	simm.s32 $_scs_section_size  }
0x9a: {  	s5 =	simm.s32 $_size__tile_overlayer_lowered;
	s6 =	simm.s32 $_tile_overlayer_lowered  }
0x9b: {  	s22 =	simm.s32 $0x1BFF;
	s21 =	sshll.u32 s6, $0x1;
	s3 =	sadd.s32 s4, s19  }
0x9c: {  	s7 =	simm.s32 $0x0;
	s20 =	sshll.u32 s5, $0x1;
	s5 =	sadd.s32 s21, s3  }
0x9d: {  	[timem:s7], [sflag:s22] =	dma.local [hbm:s5], s20  }
0x9e: {  	_ =	swait.ge [sflag:s22], s20  }
0x9f: {  	s4 =	ssub.s32 $0x0, s20;
	[sflag:s22] =	ssyncset.done $0x0  }
0xa0: {  	[sflag:s22] =	ssyncadd.s32 s4;
	_ =	sdelay $0x1  }
0xa1: {  	s23 =	simm.s32 $0x1B8B  }
0xa2: {  	_ =	swait.ge [sflag:s23], $0x1  }
0xa3: {  	[sflag:s23] =	ssyncset.done $0x0  }
0xa4: {  	s25 =	simm.s32 $0x1B8E;
	s24 =	sld [smem:$0x3FFE];
	[sflag:s23] =	ssyncadd.s32 $0xFFFFFFFF  }
0xa5: {  	s26 =	simm.s32 $execute0_lowered;
	[smem:$0x3FD2] =	sst s25  }
0xa6: {  	s5 =	sshll.u32 s26, $0x1;
	_ =	strace $0x8000004C;
	[dreg:$0x1] =	wrdreg $0xFFFFFFFF  }
0xa7: {  	s28 =	simm.s32 $_size_execute0_lowered;
	s3 =	sadd.s32 s3, s5;
	[dreg:$0x0] =	wrdreg $0x0  }
0xa8: {  	s5 =	sshll.u32 s28, $0x1;
	[dreg:$0x2] =	wrdreg s3  }
0xa9: {  	[dreg:$0x3] =	wrdreg s5  }
0xaa: {  	[dreg:$0x4] =	wrdreg $0xC0  }
0xab: {  	_ =	task [dreg:s7], $0x5FFFF  }
0xac: {  	[dreg:$0x1] =	wrdreg $0xFFFFFFFF  }
0xad: {  	[dreg:$0x0] =	wrdreg $0x60  }
0xae: {  	[dreg:$0x2] =	wrdreg s24  }
0xaf: {  	[dreg:$0x3] =	wrdreg s2  }
0xb0: {  	[dreg:$0x4] =	wrdreg $0x43800  }
0xb1: {  	[dreg:$0x5] =	wrdreg $0x9  }
0xb2: {  	_ =	task.clear_ibuf [dreg:s7], $0x6FFFF;
	_ =	strace $0x9000004C  }
0xb3: {  	s29 =	simm.s32 $0x9;
	_ =	strace $0x8000004E  }
0xb4: {  	_ =	swait.ge [sflag:s29], $0x1  }
0xb5: {  	[sflag:s29] =	ssyncadd.s32 $0xFFFFFFFF  }
0xb6: {  	_ =	strace $0x9000004E  }
0xb7: {  	_ =	sfence  }
0xb8: {  	s30 =	sld [smem:$0x0];
	_ =	sdelay $0x2  }
0xb9: {  	s31 =	sshll.u32 s1, $0xD;
	s1 =	sshrl.u32 s1, $0x2  }
0xba: {  	s3 =	sand.u32 $0x4000, s31;
	s1 =	sadd.s32 s1, s30  }
0xbb: {  	s0 =	sor.u32 s3, s0;
	s1 =	sshll.u32 s1, $0x11  }
0xbc: {  	s0 =	sor.u32 s1, s0  }
0xbd: {  	s0 =	sadd.s32 $0x8F2B, s0  }
0xbe: {  	[sflag:s0] =	ssyncadd.remote.s32 $0x1  }
0xbf: {  	_ =	sfence.sel $0xFFFF  }
0xc0: {  	[dreg:$0x0] =	wrdreg $0xFFFFFFFF;
	(pc) =	sbr.abs _section_cstart, $3  }
0xc1: {  	[dreg:$0x1] =	wrdreg $0xFFFFFFFF  }
0xc2: {  	_ =	task.clear_ibuf [dreg:s7], $0x2FFFF;
	_ =	strace $0x9FFFFFFF  }
0xc3: {  	(tm) =	ssettm $0x7FFFFFFF  }
tec
execute0_lowered:
.L_overlay_start_1:
0x0: {  	(tag) =	ssettag $0x1  }
0x1: {  	s0 =	rddreg [dreg:$0x0]  }
0x2: {  	s1 =	rddreg [dreg:$0x1]  }
0x3: {  	s2 =	rddreg [dreg:$0x2];
	s3 =	simm.s32 $0x0  }
0x4: {  	s4 =	srdreg.scid;
	s28 =	simm.s32 $0x280;
	s29 =	simm.s32 $0x1  }
0x5: {  	s31 =	simm.s32 $0x3;
	[smem:$0x7FF] =	sst s3;
	s14 =	sand.u32 $0x1, s4  }
0x6: {  	s5 =	sadd.s32 $0x2F400, s0;
	s4 =	stileid.u32;
	s6 =	sadd.s32 $0xAA00, s0  }
0x7: {  	s7 =	sadd.s32 $0xFA00, s0;
	s0 =	sadd.s32 $0x91000, s0;
	s15 =	smul.u32 $0x13880, s4  }
0x8: {  	_ =	strace $0x8000004D;
	s8 =	ssub.s32 $0x2, s14;
	s20 =	smul.u32 $0x138800, s14  }
0x9: {  	p0 =	slt.u32 s4, $0x2;
	s30 =	smul.u32 $0xC8, s14;
	s9 =	sshrl.u32 s8, $0x1  }
0xa: {  	s14 =	sshll.u32 s14, $0x1;
	s16 =	ssub.s32 s8, s9;
	s8 =	simm.s32 $0x4F  }
0xb: {  	s17 =	sadd.s32 $0x4000, s15;
	s12 =	sadd.s32 s15, s2;
	s18 =	sadd.s32 $0x8000, s15  }
0xc: {  	s19 =	sadd.s32 $0xC000, s15;
	s21 =	sadd.s32 $0x10000, s15;
	s15 =	sadd.s32 s15, s20  }
0xd: {  	v0 =	vmov s30;
	s30 =	simm.s32 $0x4;
	s8 =	simm.s32 @!p0 $0x4E;
	[dreg:$0x4] =	wrdreg s12  }
0xe: {  	s13 =	sadd.s32 s17, s2;
	s11 =	sadd.s32 s18, s2;
	s12 =	sadd.s32 s19, s2  }
0xf: {  	s17 =	sadd.s32 s20, s17;
	s15 =	sshrl.u32 s15, $0x3;
	s18 =	sadd.s32 s20, s18  }
0x10: {  	s22 =	sadd.s32 s20, s19;
	s23 =	sadd.s32 s20, s21;
	s26 =	smax.u32 s16, $0x1  }
0x11: {  	[dreg:$0x5] =	wrdreg s13;
	s13 =	sadd.s32 s21, s2;
	s17 =	sshrl.u32 s17, $0x3  }
0x12: {  	s15 =	sadd.s32 s0, s15;
	[dreg:$0xb] =	wrdreg s26;
	s21 =	simm.s32 $0x380  }
0x13: {  	s26 =	simm.s32 $0x80;
	[dreg:$0x6] =	wrdreg s15;
	s17 =	sadd.s32 s0, s17  }
0x14: {  	s15 =	sshrl.u32 s18, $0x3;
	s18 =	sshrl.u32 s23, $0x3;
	s23 =	simm.s32 $0x200  }
0x15: {  	[dreg:$0x7] =	wrdreg s17;
	s17 =	sshrl.u32 s22, $0x3;
	s24 =	sadd.s32 s0, s15  }
0x16: {  	s22 =	simm.s32 $0x5;
	[dreg:$0x8] =	wrdreg s24;
	s25 =	sadd.s32 s0, s17  }
0x17: {  	s0 =	sadd.s32 s0, s18;
	s24 =	simm.s32 $0x300;
	[dreg:$0x9] =	wrdreg s25  }
0x18: {  	v1 =	vimm.f32 $0.0e+00;
	[dreg:$0xa] =	wrdreg s0;
	s25 =	simm.s32 $0x2;
	s0 =	simm.s32 $0x0  }
.LBB2_1:
0x19: {  	s15 =	simm.s32 $0x10;
	s16 =	sand.u32 $0x3FF0, s3  }
.LBB2_2:
0x1a: {  	p0 =	sne.s32 s15, $0x3FF0;
	[tilespmem:s16+$0x380] =	vst v1;
	s16 =	smov.u32 s15;
	s15 =	sadd.s32 $0x10, s15  }
.Ltmp0:
0x1b: {  	(pc) =	sbr.rel @p0 .LBB2_2-.Ltmp0, $2  }
0x1c: {  	_ =	sdelay $0x2  }
0x1d: {  	s16 =	sand.u32 $0x3FF0, s16  }
0x1e: {  	[tilespmem:s16+$0x380] =	vst v1;
	s9 =	rddreg [dreg:$0x4]  }
0x1f: {  	[spmem:s9] =	stream.linear.scatter [tilespmem:s21], [sflag:$0x5], $0x4000, $0x38;
	[tilespmem:$0x17C00] =	vst v63  }
0x20: {  	_ =	swait.ge [sflag:s22], $0x4000  }
0x21: {  	[sflag:s22] =	ssyncset.done $0x0  }
0x22: {  	s20 =	rddreg [dreg:$0x5];
	[sflag:s22] =	ssyncadd.s32 $0xFFFFC000  }
0x23: {  	[spmem:s20] =	stream.linear.scatter [tilespmem:s21], [sflag:$0x5], $0x4000, $0x38;
	[tilespmem:$0x17C00] =	vst v63  }
0x24: {  	_ =	swait.ge [sflag:s22], $0x4000  }
0x25: {  	[sflag:s22] =	ssyncset.done $0x0  }
0x26: {  	[sflag:s22] =	ssyncadd.s32 $0xFFFFC000  }
0x27: {  	[spmem:s11] =	stream.linear.scatter [tilespmem:s21], [sflag:$0x5], $0x4000, $0x38;
	[tilespmem:$0x17C00] =	vst v63  }
0x28: {  	_ =	swait.ge [sflag:s22], $0x4000  }
0x29: {  	[sflag:s22] =	ssyncset.done $0x0  }
0x2a: {  	[sflag:s22] =	ssyncadd.s32 $0xFFFFC000  }
0x2b: {  	[spmem:s12] =	stream.linear.scatter [tilespmem:s21], [sflag:$0x5], $0x4000, $0x38;
	[tilespmem:$0x17C00] =	vst v63  }
0x2c: {  	_ =	swait.ge [sflag:s22], $0x4000  }
0x2d: {  	[sflag:s22] =	ssyncset.done $0x0  }
0x2e: {  	[sflag:s22] =	ssyncadd.s32 $0xFFFFC000  }
0x2f: {  	[spmem:s13] =	stream.linear.scatter [tilespmem:s21], [sflag:$0x5], $0x3880, $0x38;
	[tilespmem:$0x17C00] =	vst v63  }
0x30: {  	_ =	swait.ge [sflag:s22], $0x3880  }
0x31: {  	[sflag:s22] =	ssyncset.done $0x0  }
0x32: {  	[sflag:s22] =	ssyncadd.s32 $0xFFFFC780  }
0x33: {  	s15 =	simm.s32 $0x0;
	s16 =	simm.s32 $0x0;
	[bflag:$0x0] =	sbarrier.arrive $0xFFFF  }
.LBB2_4:
0x34: {  	s17 =	sshll.u32 s16, $0x4  }
0x35: {  	s17 =	sor.u32 s4, s17  }
0x36: {  	s18 =	sshll.u32 s17, $0x6  }
0x37: {  	s17 =	sshll.u32 s17, $0x4;
	s18 =	sadd.s32 s5, s18  }
0x38: {  	[tilespmem:s15], [sflag:$0x1] =	stream.linear.gather [hbm4b:s18+s15], $0x200, $0x38;
	[tilespmem:$0x17C00] =	vst v63  }
0x39: {  	s20 =	sadd.s32 s1, s17  }
0x3a: {  	[tilespmem:s23], [sflag:$0x2] =	stream.linear.gather [hbm4b:s20+s15], $0x80, $0x38;
	[tilespmem:$0x17C00] =	vst v63  }
0x3b: {  	s17 =	sadd.s32 s6, s17  }
0x3c: {  	[tilespmem:s24], [sflag:$0x3] =	stream.linear.gather [hbm4b:s17+s15], $0x80, $0x38;
	[tilespmem:$0x17C00] =	vst v63  }
0x3d: {  	_ =	swait.ge [sflag:s25], $0x80  }
0x3e: {  	[sflag:s25] =	ssyncset.done $0x0  }
0x3f: {  	[sflag:s25] =	ssyncadd.s32 $0xFFFFFF80  }
0x40: {  	v2 =	vld [tilespmem:$0x200]  }
0x41: {  	v3 =	vld [tilespmem:$0x210]  }
0x42: {  	v4 =	vld [tilespmem:$0x220]  }
0x43: {  	v5 =	vld [tilespmem:$0x230]  }
0x44: {  	v6 =	vld [tilespmem:$0x240]  }
0x45: {  	v7 =	vld [tilespmem:$0x250];
	v2 =	vadd.s32 v0, v2  }
0x46: {  	[tilespmem:$0x280] =	vst v2;
	v2 =	vadd.s32 v0, v3;
	v3 =	vld [tilespmem:$0x260]  }
0x47: {  	v63 =	vld [tilespmem:$0x270];
	[tilespmem:$0x290] =	vst v2;
	v2 =	vadd.s32 v0, v4  }
0x48: {  	[tilespmem:$0x2A0] =	vst v2;
	v2 =	vadd.s32 v0, v5  }
0x49: {  	[tilespmem:$0x2B0] =	vst v2;
	v2 =	vadd.s32 v0, v6  }
0x4a: {  	[tilespmem:$0x2C0] =	vst v2;
	v2 =	vadd.s32 v0, v7  }
0x4b: {  	s9 =	simm.s32 $0x0;
	[tilespmem:$0x2D0] =	vst v2;
	v2 =	vadd.s32 v0, v3  }
0x4c: {  	s10 =	sand.u32 $0x7, s15;
	s17 =	sand.u32 $0x7FFFFFFC, s9;
	[tilespmem:$0x2E0] =	vst v2;
	v2 =	vadd.s32 v0, v63  }
0x4d: {  	s19 =	sshrl.u32 s10, $0x2;
	s17 =	sor.u32 s14, s17;
	[tilespmem:$0x2F0] =	vst v2  }
0x4e: {  	[tilespmem:s21], [sflag:$0x4] =	stream.indirect.gather [hbm4b:s7+s26], $0x80, s28, s26, $0xb8;
	[tilespmem:$0x17C00] =	vst v63  }
0x4f: {  	s17 =	sor.u32 s19, s17;
	_ =	swait.ge [sflag:s29], $0x200  }
0x50: {  	v2 =	vmov s17;
	[sflag:s29] =	ssyncset.done $0x0  }
0x51: {  	[sflag:s29] =	ssyncadd.s32 $0xFFFFFE00  }
0x52: {  	_ =	swait.ge [sflag:s30], $0x4000  }
0x53: {  	s18 =	sshll.u32 s10, $0x4;
	s20 =	simm.s32 $0x0;
	[sflag:s30] =	ssyncset.done $0x0  }
0x54: {  	s9 =	sand.u32 $0x3FFFFF80, s20;
	s20 =	simm.s32 $0x0;
	[sflag:s30] =	ssyncadd.s32 $0xFFFFC000  }
0x55: {  	s18 =	sor.u32 s18, s9;
	s19 =	simm.s32 $0x2;
	s17 =	simm.s32 $0x1;
	v2 =	vld.idx.msk [tilespmem:v2+s3+$0x0], $0xffff  }
.LBB2_5:
0x56: {  	p0 =	sne.s32 s19, $0x3FF;
	s9 =	sand.u32 $0x7, s17;
	s20 =	sand.u32 $0x7FFFFFFC, s20;
	v3 =	vld [tilespmem:s18+$0x380]  }
0x57: {  	s20 =	sor.u32 s14, s20;
	s10 =	sshrl.u32 s9, $0x2  }
0x58: {  	s10 =	sor.u32 s10, s20  }
0x59: {  	v4 =	vmov s10  }
.Ltmp1:
0x5a: {  	(pc) =	sbr.rel @p0 .LBB2_5-.Ltmp1, $4  }
0x5b: {  	v2 =	vmul.f32 v3, v2  }
0x5c: {  	s10 =	sshll.u32 s17, $0x4;
	s17 =	smov.u32 s19  }
0x5d: {  	s9 =	sshll.u32 s9, $0x4;
	s10 =	sand.u32 $0x3FFFFF80, s10;
	[tilespmem:s18+$0x380] =	vst v2  }
0x5e: {  	s19 =	sadd.s32 $0x1, s19;
	s20 =	sshrl.u32 s17, $0x1;
	s18 =	sor.u32 s9, s10;
	v2 =	vld.idx.msk [tilespmem:v4+s3+$0x0], $0xffff  }
0x5f: {  	s9 =	sand.u32 $0x7, s17;
	s10 =	sand.u32 $0x7FFFFFFC, s20;
	v3 =	vld [tilespmem:s18+$0x380]  }
0x60: {  	s10 =	sor.u32 s14, s10;
	s19 =	sshrl.u32 s9, $0x2  }
0x61: {  	s10 =	sor.u32 s19, s10  }
0x62: {  	v4 =	vmov s10;
	_ =	sdelay $0x1  }
0x63: {  	v2 =	vmul.f32 v3, v2  }
0x64: {  	s20 =	sshll.u32 s17, $0x4  }
0x65: {  	s9 =	sshll.u32 s9, $0x4;
	s10 =	sand.u32 $0x3FFFFF80, s20;
	[tilespmem:s18+$0x380] =	vst v2  }
0x66: {  	s9 =	sor.u32 s9, s10;
	v2 =	vld.idx.msk [tilespmem:v4+s3+$0x0], $0xffff  }
0x67: {  	v3 =	vld [tilespmem:s9+$0x380];
	_ =	sdelay $0x4  }
0x68: {  	v2 =	vmul.f32 v3, v2;
	_ =	sdelay $0x1  }
0x69: {  	[tilespmem:s9+$0x380] =	vst v2  }
0x6a: {  	s16 =	sadd.s32 $0x1, s16;
	_ =	swait.ge [sflag:s31], $0x80  }
0x6b: {  	p0 =	sne.s32 s16, s8;
	[sflag:s31] =	ssyncset.done $0x0  }
.Ltmp2:
0x6c: {  	[sflag:s31] =	ssyncadd.s32 $0xFFFFFF80;
	(pc) =	sbr.rel @p0 .LBB2_4-.Ltmp2, $4  }
0x6d: {  	[spmem:s2] =	stream.indirect.scatter.add.f32 [tilespmem:s21], [sflag:$0x5], $0x80, s24, s26, $0xb8;
	[tilespmem:$0x17C00] =	vst v63  }
0x6e: {  	_ =	swait.ge [sflag:s22], $0x4000  }
0x6f: {  	[sflag:s22] =	ssyncset.done $0x0  }
0x70: {  	[sflag:s22] =	ssyncadd.s32 $0xFFFFC000  }
0x71: {  	[bflag:$0x0] =	sbarrier.arrive $0xFFFF  }
0x72: {  	s9 =	sshll.u32 s4, $0x6;
	s10 =	rddreg [dreg:$0x4]  }
0x73: {  	s9 =	sor.u32 $0x1C05, s9;
	s15 =	rddreg [dreg:$0x6];
	s10 =	sshrl.u32 s10, $0x3  }
0x74: {  	[hbm:s15], [sflag:s9] =	dma.local [spmem:s10], $0x800  }
0x75: {  	_ =	swait.ge [sflag:s22], $0x800  }
0x76: {  	[sflag:s22] =	ssyncset.done $0x0;
	s17 =	rddreg [dreg:$0x5]  }
0x77: {  	s18 =	rddreg [dreg:$0x7];
	[sflag:s22] =	ssyncadd.s32 $0xFFFFF800;
	s10 =	sshrl.u32 s17, $0x3  }
0x78: {  	[hbm:s18], [sflag:s9] =	dma.local [spmem:s10], $0x800  }
0x79: {  	_ =	swait.ge [sflag:s22], $0x800  }
0x7a: {  	[sflag:s22] =	ssyncset.done $0x0  }
0x7b: {  	s19 =	sshrl.u32 s11, $0x3;
	s20 =	rddreg [dreg:$0x8];
	[sflag:s22] =	ssyncadd.s32 $0xFFFFF800  }
0x7c: {  	[hbm:s20], [sflag:s9] =	dma.local [spmem:s19], $0x800  }
0x7d: {  	_ =	swait.ge [sflag:s22], $0x800  }
0x7e: {  	[sflag:s22] =	ssyncset.done $0x0  }
0x7f: {  	s16 =	sshrl.u32 s12, $0x3;
	s17 =	rddreg [dreg:$0x9];
	[sflag:s22] =	ssyncadd.s32 $0xFFFFF800  }
0x80: {  	[hbm:s17], [sflag:s9] =	dma.local [spmem:s16], $0x800  }
0x81: {  	_ =	swait.ge [sflag:s22], $0x800  }
0x82: {  	[sflag:s22] =	ssyncset.done $0x0  }
0x83: {  	s18 =	sshrl.u32 s13, $0x3;
	s19 =	rddreg [dreg:$0xa];
	[sflag:s22] =	ssyncadd.s32 $0xFFFFF800  }
0x84: {  	[hbm:s19], [sflag:s9] =	dma.local [spmem:s18], $0x710  }
0x85: {  	_ =	swait.ge [sflag:s22], $0x710  }
0x86: {  	s0 =	sadd.s32 $0x1, s0;
	s20 =	rddreg [dreg:$0xb]  }
0x87: {  	p0 =	sne.s32 s0, s20  }
.Ltmp3:
0x88: {  	_ = 	snop;
	(pc) =	sbr.rel @p0 .LBB2_1-.Ltmp3, $3  }
0x89: {  	_ =	sdelay $0x1  }
0x8a: {  	[sflag:s22] =	ssyncset.done $0x0  }
0x8b: {  	[sflag:s22] =	ssyncadd.s32 $0xFFFFF8F0  }
0x8c: {  	_ =	sfence.sel $0x180000  }
0x8d: {  	[bflag:$0x0] =	sbarrier.arrive $0xFFFF  }
0x8e: {  	_ =	strace $0x9000004D  }
0x8f: {  	[bflag:$0x2] =	sbarrier.arrive $0xFFFF  }
0x90: {  	p0 =	sne.s32 s4, $0x0;
	s0 =	rddreg [dreg:$0x3]  }
0x91: {  	s0 =	sadd.s32 @!p0 $0x100000, s0  }
0x92: {  	[sflag:s0] =	ssyncadd.tile.s32 @!p0 $0x1;
	_ =	shalt  }
.Lfunc_end2:
_tile_overlayer_lowered:
.L_overlay_start_2:
0x93: {  	(tag) =	ssettag $0x2  }
0x94: {  	s0 =	rddreg [dreg:$0x0];
	s2 =	stileid.u32  }
0x95: {  	s1 =	rddreg [dreg:$0x1];
	p0 =	sne.s32 s2, $0x0  }
0x96: {  	s3 =	rddreg [dreg:$0x2];
	[bflag:$0x3] =	sbarrier.arrive $0xFFFF;
	s2 =	simm.s32 @!p0 $0x1C05  }
0x97: {  	[timem:s3], [sflag:s2] =	dma.local @!p0 [hbm:s0], s1  }
0x98: {  	s0 =	simm.s32 @!p0 $0x5  }
0x99: {  	_ =	swait.ge @!p0 [sflag:s0], s1  }
0x9a: {  	s1 =	ssub.s32 @!p0 $0x0, s1;
	[sflag:s0] =	ssyncset.done @!p0 $0x0  }
0x9b: {  	[sflag:s0] =	ssyncadd.s32 @!p0 s1  }
0x9c: {  	[bflag:$0x3] =	sbarrier.arrive $0xFFFF  }
0x9d: {  	_ =	shalt  }

// kernel: kernel.20.cloned.1.call-start
scs
__scs_entry_jumppad:
0x0: {  	(pc) =	sbr.rel $0x88, $3  }
0x1: {  	(tag) =	ssettag $0x0;
	lr =	simm.s32 $0x1  }
0x2: {  	[smem:$0x3F8D] =	sst lr;
	_ =	strace $0xD0000000  }
0x3: {  	_ = 	snop  }
0x4: {  	_ = 	snop  }
0x5: {  	_ = 	snop  }
0x6: {  	_ = 	snop  }
0x7: {  	_ = 	snop  }
__scs_overlays_trampoline_lowered:
0x8: {  	[smem:$0x3F9C] =	sst s0  }
0x9: {  	[smem:$0x3F9D] =	sst s1  }
0xa: {  	[smem:$0x3F9E] =	sst s2  }
0xb: {  	[smem:$0x3F9F] =	sst s3  }
0xc: {  	[smem:$0x3FA0] =	sst s4  }
0xd: {  	[smem:$0x3FA1] =	sst s5  }
0xe: {  	[smem:$0x3FA2] =	sst s6  }
0xf: {  	[smem:$0x3FA3] =	sst s7  }
0x10: {  	[smem:$0x3FA4] =	sst s8  }
0x11: {  	[smem:$0x3FA5] =	sst s9;
	s0 =	simm.s32 @!p0 $0x0  }
0x12: {  	s1 =	sld [smem:$0x3F8B];
	s0 =	simm.s32 @p0 $0x1  }
0x13: {  	[smem:$0x3FA6] =	sst s0;
	s0 =	simm.s32 @!p1 $0x0  }
0x14: {  	s2 =	sld [smem:$0x3F8A];
	s0 =	simm.s32 @p1 $0x1  }
0x15: {  	[smem:$0x3FA7] =	sst s0;
	s0 =	simm.s32 @!p2 $0x0  }
0x16: {  	s3 =	sld [smem:$0x3FDB];
	s0 =	simm.s32 @p2 $0x1  }
0x17: {  	s4 =	simm.s32 $0x1BF5;
	[smem:$0x3FA9] =	sst s0  }
0x18: {  	s0 =	sld [smem:$0x3F8C];
	_ =	swait.ge [sflag:s4], $0x0  }
0x19: {  	s7 =	sld [smem:$0x3F8D]  }
0x1a: {  	s8 =	sadd.s32 $0xFFFFE003, lr  }
0x1b: {  	s9 =	sadd.s32 $0xFFFFFEF7, lr;
	s5 =	simm.s32 $0xFFFFFFFF;
	p2 =	slt.u32 s8, $0xFFFFF086  }
0x1c: {  	p1 =	slt.u32 s9, $0xF7A;
	s5 =	simm.s32 @!p2 $0x0  }
0x1d: {  	s5 =	simm.s32 @p1 $0x1;
	p0 =	seq.s32 s7, s2  }
0x1e: {  	s7 =	smul.u32 @!p0 $0xF7A, s2;
	p2 =	seq.s32 @!p0 s5, $0x0  }
0x1f: {  	s9 =	smul.u32 $0xF7A, s1;
	s8 =	simm.s32 @!p0 $0x1BF5;
	p2 =	por !p2, p0  }
0x20: {  	[sflag:s8] =	ssyncset.s32 @!p0 $0xFFFFF086;
	s6 =	sadd.s32 @!p0 s3, s7;
	s7 =	simm.s32 @!p0 $0x108  }
0x21: {  	s3 =	sadd.s32 s3, s9;
	s6 =	sadd.s32 @!p0 $0x88, s6;
	s7 =	simm.s32 @p2 $0x1082  }
0x22: {  	[simem:s7], [sflag:s8] =	dma.local @!p0 [hbm:s6], $0xF7A  }
0x23: {  	s9 =	sor.u32 $0xD0000000, s2;
	s6 =	simm.s32 $0x108;
	_ =	swait.ge @!p0 [sflag:s8], $0x0  }
0x24: {  	s3 =	sadd.s32 $0x88, s3;
	s6 =	simm.s32 @!p1 $0x1082;
	[sflag:s4] =	ssyncset.s32 $0xFFFFF086  }
0x25: {  	[simem:s6], [sflag:s4] =	dma.local [hbm:s3], $0xF7A  }
0x26: {  	[smem:$0x3F8D] =	sst s1;
	(tag) =	ssettag s2;
	_ =	strace s9  }
0x27: {  	s1 =	sld [smem:$0x3F9D]  }
0x28: {  	s2 =	sld [smem:$0x3F9E]  }
0x29: {  	s4 =	sld [smem:$0x3FA0]  }
0x2a: {  	p0 =	seq.s32 s5, $0x0;
	s5 =	sld [smem:$0x3FA1]  }
0x2b: {  	s6 =	sld [smem:$0x3FA2]  }
0x2c: {  	s7 =	sld [smem:$0x3FA3]  }
0x2d: {  	s3 =	simm.s32 $0x108;
	s8 =	sld [smem:$0x3FA4]  }
0x2e: {  	s3 =	simm.s32 @!p0 $0x1082;
	s9 =	sld [smem:$0x3FA5]  }
0x2f: {  	lr =	sadd.s32 s0, s3;
	s0 =	sld [smem:$0x3F9C]  }
0x30: {  	s3 =	sld [smem:$0x3F9F]  }
0x31: {  	[smem:$0x3FA8] =	sst s10  }
0x32: {  	s10 =	sld [smem:$0x3FA6];
	_ =	sdelay $0x3  }
0x33: {  	p0 =	seq.s32 s10, $0x1;
	s10 =	sld [smem:$0x3FA8];
	_ =	sdelay $0x3  }
0x34: {  	[smem:$0x3FA8] =	sst s10  }
0x35: {  	s10 =	sld [smem:$0x3FA7];
	_ =	sdelay $0x3  }
0x36: {  	p1 =	seq.s32 s10, $0x1;
	s10 =	sld [smem:$0x3FA8];
	_ =	sdelay $0x3  }
0x37: {  	[smem:$0x3FA8] =	sst s10  }
0x38: {  	s10 =	sld [smem:$0x3FA9]  }
0x39: {  	_ = 	snop;
	(pc) =	sbr.ind lr, $3  }
0x3a: {  	_ = 	snop  }
0x3b: {  	_ = 	snop  }
0x3c: {  	p2 =	seq.s32 s10, $0x1;
	s10 =	sld [smem:$0x3FA8]  }
0x3d: {  	_ =	shalt  }
0x3e: {  	_ =	shalt  }
0x3f: {  	_ =	shalt  }
0x40: {  	_ =	shalt  }
0x41: {  	_ =	shalt  }
0x42: {  	_ =	shalt  }
0x43: {  	_ =	shalt  }
0x44: {  	_ =	shalt  }
0x45: {  	_ =	shalt  }
0x46: {  	_ =	shalt  }
0x47: {  	_ =	shalt  }
0x48: {  	_ =	shalt  }
0x49: {  	_ =	shalt  }
0x4a: {  	_ =	shalt  }
0x4b: {  	_ =	shalt  }
0x4c: {  	_ =	shalt  }
0x4d: {  	_ =	shalt  }
0x4e: {  	_ =	shalt  }
0x4f: {  	_ =	shalt  }
0x50: {  	_ =	shalt  }
0x51: {  	_ =	shalt  }
0x52: {  	_ =	shalt  }
0x53: {  	_ =	shalt  }
0x54: {  	_ =	shalt  }
0x55: {  	_ =	shalt  }
0x56: {  	_ =	shalt  }
0x57: {  	_ =	shalt  }
0x58: {  	_ =	shalt  }
0x59: {  	_ =	shalt  }
0x5a: {  	_ =	shalt  }
0x5b: {  	_ =	shalt  }
0x5c: {  	_ =	shalt  }
0x5d: {  	_ =	shalt  }
0x5e: {  	_ =	shalt  }
0x5f: {  	_ =	shalt  }
0x60: {  	_ =	shalt  }
0x61: {  	_ =	shalt  }
0x62: {  	_ =	shalt  }
0x63: {  	_ =	shalt  }
0x64: {  	_ =	shalt  }
0x65: {  	_ =	shalt  }
0x66: {  	_ =	shalt  }
0x67: {  	_ =	shalt  }
0x68: {  	_ =	shalt  }
0x69: {  	_ =	shalt  }
0x6a: {  	_ =	shalt  }
0x6b: {  	_ =	shalt  }
0x6c: {  	_ =	shalt  }
0x6d: {  	_ =	shalt  }
0x6e: {  	_ =	shalt  }
0x6f: {  	_ =	shalt  }
0x70: {  	_ =	shalt  }
0x71: {  	_ =	shalt  }
0x72: {  	_ =	shalt  }
0x73: {  	_ =	shalt  }
0x74: {  	_ =	shalt  }
0x75: {  	_ =	shalt  }
0x76: {  	_ =	shalt  }
0x77: {  	_ =	shalt  }
0x78: {  	_ =	shalt  }
0x79: {  	_ =	shalt  }
0x7a: {  	_ =	shalt  }
0x7b: {  	_ =	shalt  }
0x7c: {  	_ =	shalt  }
0x7d: {  	_ =	shalt  }
0x7e: {  	_ =	shalt  }
0x7f: {  	_ =	shalt  }
0x80: {  	_ =	shalt  }
0x81: {  	_ =	shalt  }
0x82: {  	_ =	shalt  }
0x83: {  	_ =	shalt  }
0x84: {  	_ =	shalt  }
0x85: {  	_ =	shalt  }
0x86: {  	_ =	shalt  }
0x87: {  	_ =	shalt  }
.Lfunc_end0:
.L_simem_size_0:
called_computation.3_lowered:
.L_overlay_start_0:
0x88: {  	s2 =	sld [smem:$0x3FD9]  }
0x89: {  	s3 =	sld [smem:$0x3FFE];
	_ =	sdelay $0x1  }
0x8a: {  	s1 =	srdreg.scid  }
0x8b: {  	s0 =	sand.u32 $0x1, s1  }
0x8c: {  	s17 =	sshll.u32 s0, $0xA;
	s2 =	sadd.s32 s3, s2  }
0x8d: {  	s2 =	sadd.s32 s2, s17  }
0x8e: {  	[smem:$0x3FB4] =	sst s2  }
0x8f: {  	_ = 	snop  }
0x90: {  	(tm) =	ssettm $0x1  }
0x91: {  	s18 =	sld [smem:$0x3FFB];
	_ =	sdelay $0x3  }
0x92: {  	_ =	strace s18  }
0x93: {  	s2 =	sld [smem:$0x3FFC];
	_ =	sdelay $0x3  }
0x94: {  	_ =	strace s2  }
0x95: {  	s2 =	sld [smem:$0x3FFD];
	_ =	sdelay $0x3  }
0x96: {  	_ =	strace s2  }
0x97: {  	_ =	strace $0x8FFFFFFF  }
0x98: {  	s19 =	sld [smem:$0x3FDB];
	_ =	sdelay $0x1  }
0x99: {  	s20 =	simm.s32 $_scs_section_size  }
0x9a: {  	s4 =	simm.s32 $_size__tile_overlayer_lowered;
	s5 =	simm.s32 $_tile_overlayer_lowered  }
0x9b: {  	s6 =	simm.s32 $0x1BFF;
	s21 =	sshll.u32 s5, $0x1;
	s3 =	sadd.s32 s20, s19  }
0x9c: {  	s22 =	simm.s32 $0x0;
	s4 =	sshll.u32 s4, $0x1;
	s5 =	sadd.s32 s21, s3  }
0x9d: {  	[timem:s22], [sflag:s6] =	dma.local [hbm:s5], s4  }
0x9e: {  	_ =	swait.ge [sflag:s6], s4  }
0x9f: {  	s4 =	ssub.s32 $0x0, s4;
	[sflag:s6] =	ssyncset.done $0x0  }
0xa0: {  	[sflag:s6] =	ssyncadd.s32 s4;
	_ =	sdelay $0x1  }
0xa1: {  	s23 =	simm.s32 $0x1B8B  }
0xa2: {  	_ =	swait.ge [sflag:s23], $0x1  }
0xa3: {  	[sflag:s23] =	ssyncset.done $0x0  }
0xa4: {  	[sflag:s23] =	ssyncadd.s32 $0xFFFFFFFF  }
0xa5: {  	s4 =	sld [smem:$0x0]  }
0xa6: {  	s5 =	sand.u32 $0xFFFFFFFE, s1  }
0xa7: {  	p0 =	sne.s32 s1, s5  }
0xa8: {  	s5 =	sshll.u32 @p0 s5, $0xE  }
0xa9: {  	s5 =	sadd.s32 @p0 $0x11B8D, s5;
	s6 =	sshll.u32 @p0 s4, $0x11  }
0xaa: {  	s5 =	sor.u32 @p0 s6, s5  }
0xab: {  	[sflag:s5] =	ssyncadd.remote.s32 @p0 $0x1;
	_ =	sdelay $0x1  }
0xac: {  	s5 =	simm.s32 @p0 $0x1B8D  }
0xad: {  	_ =	swait.eq @p0 [sflag:s5], $0x1  }
0xae: {  	[sflag:s5] =	ssyncadd.s32 @p0 $0xFFFFFFFF  }
0xaf: {  	s6 =	sshll.u32 @!p0 s1, $0xE  }
0xb0: {  	s6 =	sor.u32 @!p0 $0x4000, s6;
	s5 =	simm.s32 @!p0 $0x1B8D  }
0xb1: {  	s4 =	sshll.u32 @!p0 s4, $0x11;
	s6 =	sadd.s32 @!p0 $0x11B8D, s6;
	_ =	swait.eq @!p0 [sflag:s5], $0x1  }
0xb2: {  	s4 =	sor.u32 @!p0 s4, s6;
	[sflag:s5] =	ssyncadd.s32 @!p0 $0xFFFFFFFF  }
0xb3: {  	s25 =	simm.s32 $0x1B8E;
	s24 =	sld [smem:$0x3FFE];
	[sflag:s4] =	ssyncadd.remote.s32 @!p0 $0x1  }
0xb4: {  	s26 =	simm.s32 $execute0_lowered;
	[smem:$0x3FD2] =	sst s25  }
0xb5: {  	s5 =	sshll.u32 s26, $0x1;
	_ =	strace $0x8000004F;
	[dreg:$0x1] =	wrdreg $0xFFFFFFFF  }
0xb6: {  	s28 =	simm.s32 $_size_execute0_lowered;
	s3 =	sadd.s32 s3, s5;
	[dreg:$0x0] =	wrdreg $0x0  }
0xb7: {  	s5 =	sshll.u32 s28, $0x1;
	[dreg:$0x2] =	wrdreg s3  }
0xb8: {  	[dreg:$0x3] =	wrdreg s5  }
0xb9: {  	[dreg:$0x4] =	wrdreg $0xC0  }
0xba: {  	_ =	task [dreg:s22], $0x5FFFF  }
0xbb: {  	[dreg:$0x1] =	wrdreg $0xFFFFFFFF  }
0xbc: {  	[dreg:$0x0] =	wrdreg $0x60  }
0xbd: {  	[dreg:$0x2] =	wrdreg s24  }
0xbe: {  	[dreg:$0x3] =	wrdreg $0x42800  }
0xbf: {  	[dreg:$0x4] =	wrdreg $0xA  }
0xc0: {  	_ =	task.clear_ibuf [dreg:s22], $0x5FFFF;
	_ =	strace $0x9000004F  }
0xc1: {  	s29 =	simm.s32 $0xA;
	_ =	strace $0x80000051  }
0xc2: {  	_ =	swait.ge [sflag:s29], $0x1  }
0xc3: {  	[sflag:s29] =	ssyncadd.s32 $0xFFFFFFFF  }
0xc4: {  	_ =	strace $0x90000051  }
0xc5: {  	_ =	sfence  }
0xc6: {  	s30 =	sld [smem:$0x0];
	_ =	sdelay $0x2  }
0xc7: {  	s31 =	sshll.u32 s1, $0xD;
	s1 =	sshrl.u32 s1, $0x2  }
0xc8: {  	s4 =	sand.u32 $0x4000, s31;
	s1 =	sadd.s32 s1, s30  }
0xc9: {  	s0 =	sor.u32 s4, s0;
	s1 =	sshll.u32 s1, $0x11  }
0xca: {  	s0 =	sor.u32 s1, s0  }
0xcb: {  	s0 =	sadd.s32 $0x8F2B, s0  }
0xcc: {  	[sflag:s0] =	ssyncadd.remote.s32 $0x1  }
0xcd: {  	_ =	sfence.sel $0xFFFF  }
0xce: {  	[dreg:$0x0] =	wrdreg $0xFFFFFFFF;
	(pc) =	sbr.abs _section_cstart, $3  }
0xcf: {  	[dreg:$0x1] =	wrdreg $0xFFFFFFFF  }
0xd0: {  	_ =	task.clear_ibuf [dreg:s22], $0x2FFFF;
	_ =	strace $0x9FFFFFFF  }
0xd1: {  	(tm) =	ssettm $0x7FFFFFFF  }
tec
execute0_lowered:
.L_overlay_start_1:
0x0: {  	(tag) =	ssettag $0x1  }
0x1: {  	v0 =	vimm.s32 $0x3210  }
0x2: {  	v1 =	vimm.s32 $0x383;
	vm14 =	vcmask $0x300;
	vm13 =	vcmask $0x704  }
0x3: {  	vm0 =	vcmask $0xF00;
	vm12 =	vcmask $0xB08;
	v2 =	vimm.s32 $0x83828180  }
0x4: {  	vm11 =	vcmask $0xF0C;
	vm10 =	vcmask $0x1310;
	vm9 =	vcmask $0x1714  }
0x5: {  	vm8 =	vcmask $0x1B18;
	vm15 =	vcmask $0x1F10;
	vm7 =	vcmask $0x1F1C  }
0x6: {  	vm6 =	vcmask $0x2320;
	vm5 =	vcmask $0x2724;
	vm4 =	vcmask $0x2B28  }
0x7: {  	vm3 =	vcmask $0x2F2C;
	vm2 =	vcmask $0x3330;
	vm1 =	vcmask $0x3B38  }
0x8: {  	v4 =	vimm.s32 $0x783;
	v5 =	vimm.s32 $0x983;
	v6 =	vimm.s32 $0xB83  }
0x9: {  	v7 =	vimm.s32 $0xD83;
	v8 =	vimm.s32 $0xF83;
	v9 =	vimm.s32 $0x1183  }
0xa: {  	v10 =	vimm.s32 $0x1383;
	v11 =	vimm.s32 $0x1583;
	v12 =	vimm.s32 $0x1783  }
0xb: {  	v13 =	vimm.s32 $0x1983;
	v14 =	vimm.s32 $0x1B83;
	v15 =	vimm.s32 $0x1D83  }
0xc: {  	v16 =	vimm.s32 $0x1F83;
	v17 =	vimm.s32 $0x2183;
	v18 =	vimm.s32 $0x2383  }
0xd: {  	v19 =	vimm.s32 $0x2583;
	v20 =	vimm.s32 $0x2783;
	v21 =	vimm.s32 $0x2983  }
0xe: {  	v22 =	vimm.s32 $0x2B83;
	v23 =	vimm.s32 $0x2D83;
	v24 =	vimm.s32 $0x2F83  }
0xf: {  	v25 =	vimm.s32 $0x3183;
	v26 =	vimm.s32 $0x3383;
	v27 =	vimm.s32 $0x3583  }
0x10: {  	v28 =	vimm.s32 $0x3783;
	v29 =	vimm.s32 $0x3983;
	v30 =	vimm.s32 $0x3B83  }
0x11: {  	v31 =	vimm.s32 $0x3D83;
	v32 =	vimm.s32 $0x3F83;
	v0 =	vunpack.c.l.s4.s8 v0  }
0x12: {  	v1 =	vsel vm14, $0x200, v1;
	v2 =	vunpack.c.0.s8.s32 v2;
	v4 =	vsel vm14, $0x600, v4  }
0x13: {  	v5 =	vsel vm14, $0x800, v5;
	v6 =	vsel vm14, $0xA00, v6;
	v7 =	vsel vm14, $0xC00, v7  }
0x14: {  	v8 =	vsel vm14, $0xE00, v8;
	v9 =	vsel vm14, $0x1000, v9;
	v10 =	vsel vm14, $0x1200, v10  }
0x15: {  	v11 =	vsel vm14, $0x1400, v11;
	v12 =	vsel vm14, $0x1600, v12;
	v13 =	vsel vm14, $0x1800, v13  }
0x16: {  	v14 =	vsel vm14, $0x1A00, v14;
	v15 =	vsel vm14, $0x1C00, v15;
	v16 =	vsel vm14, $0x1E00, v16  }
0x17: {  	v17 =	vsel vm14, $0x2000, v17;
	v18 =	vsel vm14, $0x2200, v18;
	v19 =	vsel vm14, $0x2400, v19  }
0x18: {  	v20 =	vsel vm14, $0x2600, v20;
	v21 =	vsel vm14, $0x2800, v21;
	v22 =	vsel vm14, $0x2A00, v22  }
0x19: {  	v23 =	vsel vm14, $0x2C00, v23;
	v24 =	vsel vm14, $0x2E00, v24;
	v25 =	vsel vm14, $0x3000, v25  }
0x1a: {  	v26 =	vsel vm14, $0x3200, v26;
	v27 =	vsel vm14, $0x3400, v27;
	v28 =	vsel vm14, $0x3600, v28  }
0x1b: {  	v29 =	vsel vm14, $0x3800, v29;
	v30 =	vsel vm14, $0x3A00, v30;
	v31 =	vsel vm14, $0x3C00, v31  }
0x1c: {  	v32 =	vsel vm14, $0x3E00, v32;
	v1 =	vsel vm13, $0x201, v1;
	v4 =	vsel vm13, $0x601, v4  }
0x1d: {  	v5 =	vsel vm13, $0x801, v5;
	v6 =	vsel vm13, $0xA01, v6;
	v7 =	vsel vm13, $0xC01, v7  }
0x1e: {  	v8 =	vsel vm13, $0xE01, v8;
	v9 =	vsel vm13, $0x1001, v9;
	v10 =	vsel vm13, $0x1201, v10  }
0x1f: {  	v11 =	vsel vm13, $0x1401, v11;
	v12 =	vsel vm13, $0x1601, v12;
	v13 =	vsel vm13, $0x1801, v13  }
0x20: {  	v14 =	vsel vm13, $0x1A01, v14;
	v15 =	vsel vm13, $0x1C01, v15;
	v16 =	vsel vm13, $0x1E01, v16  }
0x21: {  	v17 =	vsel vm13, $0x2001, v17;
	v18 =	vsel vm13, $0x2201, v18;
	v19 =	vsel vm13, $0x2401, v19  }
0x22: {  	v20 =	vsel vm13, $0x2601, v20;
	v21 =	vsel vm13, $0x2801, v21;
	v22 =	vsel vm13, $0x2A01, v22  }
0x23: {  	v23 =	vsel vm13, $0x2C01, v23;
	v24 =	vsel vm13, $0x2E01, v24;
	v25 =	vsel vm13, $0x3001, v25  }
0x24: {  	v26 =	vsel vm13, $0x3201, v26;
	v27 =	vsel vm13, $0x3401, v27;
	v28 =	vsel vm13, $0x3601, v28  }
0x25: {  	v29 =	vsel vm13, $0x3801, v29;
	v30 =	vsel vm13, $0x3A01, v30;
	v31 =	vsel vm13, $0x3C01, v31  }
0x26: {  	v32 =	vsel vm13, $0x3E01, v32;
	v0 =	vunpack.c.0.s8.s32 v0;
	v1 =	vsel vm12, $0x202, v1  }
0x27: {  	v2 =	vand.u32 $0xFF, v2;
	v4 =	vsel vm12, $0x602, v4;
	v5 =	vsel vm12, $0x802, v5  }
0x28: {  	v6 =	vsel vm12, $0xA02, v6;
	v7 =	vsel vm12, $0xC02, v7;
	v8 =	vsel vm12, $0xE02, v8  }
0x29: {  	v9 =	vsel vm12, $0x1002, v9;
	v10 =	vsel vm12, $0x1202, v10;
	v11 =	vsel vm12, $0x1402, v11  }
0x2a: {  	v12 =	vsel vm12, $0x1602, v12;
	v13 =	vsel vm12, $0x1802, v13;
	v14 =	vsel vm12, $0x1A02, v14  }
0x2b: {  	v15 =	vsel vm12, $0x1C02, v15;
	v16 =	vsel vm12, $0x1E02, v16;
	v17 =	vsel vm12, $0x2002, v17  }
0x2c: {  	v18 =	vsel vm12, $0x2202, v18;
	v19 =	vsel vm12, $0x2402, v19;
	v20 =	vsel vm12, $0x2602, v20  }
0x2d: {  	v21 =	vsel vm12, $0x2802, v21;
	v22 =	vsel vm12, $0x2A02, v22;
	v23 =	vsel vm12, $0x2C02, v23  }
0x2e: {  	v24 =	vsel vm12, $0x2E02, v24;
	v25 =	vsel vm12, $0x3002, v25;
	v26 =	vsel vm12, $0x3202, v26  }
0x2f: {  	v27 =	vsel vm12, $0x3402, v27;
	v28 =	vsel vm12, $0x3602, v28;
	v29 =	vsel vm12, $0x3802, v29  }
0x30: {  	v30 =	vsel vm12, $0x3A02, v30;
	v31 =	vsel vm12, $0x3C02, v31;
	v32 =	vsel vm12, $0x3E02, v32  }
0x31: {  	v1 =	vsel vm11, $0x203, v1;
	v4 =	vsel vm11, $0x603, v4;
	v5 =	vsel vm11, $0x803, v5  }
0x32: {  	v6 =	vsel vm11, $0xA03, v6;
	v7 =	vsel vm11, $0xC03, v7;
	v8 =	vsel vm11, $0xE03, v8  }
0x33: {  	v9 =	vsel vm11, $0x1003, v9;
	v10 =	vsel vm11, $0x1203, v10;
	v11 =	vsel vm11, $0x1403, v11  }
0x34: {  	v12 =	vsel vm11, $0x1603, v12;
	v13 =	vsel vm11, $0x1803, v13;
	v14 =	vsel vm11, $0x1A03, v14  }
0x35: {  	v15 =	vsel vm11, $0x1C03, v15;
	v16 =	vsel vm11, $0x1E03, v16;
	v17 =	vsel vm11, $0x2003, v17  }
0x36: {  	v18 =	vsel vm11, $0x2203, v18;
	v19 =	vsel vm11, $0x2403, v19;
	v20 =	vsel vm11, $0x2603, v20  }
0x37: {  	v21 =	vsel vm11, $0x2803, v21;
	v22 =	vsel vm11, $0x2A03, v22;
	v23 =	vsel vm11, $0x2C03, v23  }
0x38: {  	v24 =	vsel vm11, $0x2E03, v24;
	v25 =	vsel vm11, $0x3003, v25;
	v26 =	vsel vm11, $0x3203, v26  }
0x39: {  	v27 =	vsel vm11, $0x3403, v27;
	v28 =	vsel vm11, $0x3603, v28;
	v29 =	vsel vm11, $0x3803, v29  }
0x3a: {  	v30 =	vsel vm11, $0x3A03, v30;
	v31 =	vsel vm11, $0x3C03, v31;
	v32 =	vsel vm11, $0x3E03, v32  }
0x3b: {  	v0 =	vnsel vm0, $0x183, v0;
	v1 =	vsel vm10, $0x280, v1;
	v4 =	vsel vm10, $0x680, v4  }
0x3c: {  	v5 =	vsel vm10, $0x880, v5;
	v6 =	vsel vm10, $0xA80, v6;
	v7 =	vsel vm10, $0xC80, v7  }
0x3d: {  	v8 =	vsel vm10, $0xE80, v8;
	v9 =	vsel vm10, $0x1080, v9;
	v10 =	vsel vm10, $0x1280, v10  }
0x3e: {  	v11 =	vsel vm10, $0x1480, v11;
	v12 =	vsel vm10, $0x1680, v12;
	v13 =	vsel vm10, $0x1880, v13  }
0x3f: {  	v14 =	vsel vm10, $0x1A80, v14;
	v15 =	vsel vm10, $0x1C80, v15;
	v16 =	vsel vm10, $0x1E80, v16  }
0x40: {  	v17 =	vsel vm10, $0x2080, v17;
	v18 =	vsel vm10, $0x2280, v18;
	v19 =	vsel vm10, $0x2480, v19  }
0x41: {  	v20 =	vsel vm10, $0x2680, v20;
	v21 =	vsel vm10, $0x2880, v21;
	v22 =	vsel vm10, $0x2A80, v22  }
0x42: {  	v23 =	vsel vm10, $0x2C80, v23;
	v24 =	vsel vm10, $0x2E80, v24;
	v25 =	vsel vm10, $0x3080, v25  }
0x43: {  	v26 =	vsel vm10, $0x3280, v26;
	v27 =	vsel vm10, $0x3480, v27;
	v28 =	vsel vm10, $0x3680, v28  }
0x44: {  	v29 =	vsel vm10, $0x3880, v29;
	v30 =	vsel vm10, $0x3A80, v30;
	v31 =	vsel vm10, $0x3C80, v31  }
0x45: {  	v32 =	vsel vm10, $0x3E80, v32;
	v1 =	vsel vm9, $0x281, v1;
	v0 =	vsel vm15, v2, v0  }
0x46: {  	vm15 =	vcmask $0x3734;
	v4 =	vsel vm9, $0x681, v4;
	v5 =	vsel vm9, $0x881, v5  }
0x47: {  	v6 =	vsel vm9, $0xA81, v6;
	v7 =	vsel vm9, $0xC81, v7;
	v8 =	vsel vm9, $0xE81, v8  }
0x48: {  	v9 =	vsel vm9, $0x1081, v9;
	v10 =	vsel vm9, $0x1281, v10;
	v11 =	vsel vm9, $0x1481, v11  }
0x49: {  	v12 =	vsel vm9, $0x1681, v12;
	v13 =	vsel vm9, $0x1881, v13;
	v14 =	vsel vm9, $0x1A81, v14  }
0x4a: {  	v15 =	vsel vm9, $0x1C81, v15;
	v16 =	vsel vm9, $0x1E81, v16;
	v17 =	vsel vm9, $0x2081, v17  }
0x4b: {  	v18 =	vsel vm9, $0x2281, v18;
	v19 =	vsel vm9, $0x2481, v19;
	v20 =	vsel vm9, $0x2681, v20  }
0x4c: {  	v21 =	vsel vm9, $0x2881, v21;
	v22 =	vsel vm9, $0x2A81, v22;
	v23 =	vsel vm9, $0x2C81, v23  }
0x4d: {  	v24 =	vsel vm9, $0x2E81, v24;
	v25 =	vsel vm9, $0x3081, v25;
	v26 =	vsel vm9, $0x3281, v26  }
0x4e: {  	v27 =	vsel vm9, $0x3481, v27;
	v28 =	vsel vm9, $0x3681, v28;
	v29 =	vsel vm9, $0x3881, v29  }
0x4f: {  	v30 =	vsel vm9, $0x3A81, v30;
	v31 =	vsel vm9, $0x3C81, v31;
	v32 =	vsel vm9, $0x3E81, v32  }
0x50: {  	v1 =	vsel vm8, $0x282, v1;
	v0 =	vsel vm6, $0x100, v0;
	v4 =	vsel vm8, $0x682, v4  }
0x51: {  	v5 =	vsel vm8, $0x882, v5;
	v6 =	vsel vm8, $0xA82, v6;
	v7 =	vsel vm8, $0xC82, v7  }
0x52: {  	v8 =	vsel vm8, $0xE82, v8;
	v9 =	vsel vm8, $0x1082, v9;
	v10 =	vsel vm8, $0x1282, v10  }
0x53: {  	v11 =	vsel vm8, $0x1482, v11;
	v12 =	vsel vm8, $0x1682, v12;
	v13 =	vsel vm8, $0x1882, v13  }
0x54: {  	v14 =	vsel vm8, $0x1A82, v14;
	v15 =	vsel vm8, $0x1C82, v15;
	v16 =	vsel vm8, $0x1E82, v16  }
0x55: {  	v17 =	vsel vm8, $0x2082, v17;
	v18 =	vsel vm8, $0x2282, v18;
	v19 =	vsel vm8, $0x2482, v19  }
0x56: {  	v20 =	vsel vm8, $0x2682, v20;
	v21 =	vsel vm8, $0x2882, v21;
	v22 =	vsel vm8, $0x2A82, v22  }
0x57: {  	v23 =	vsel vm8, $0x2C82, v23;
	v24 =	vsel vm8, $0x2E82, v24;
	v25 =	vsel vm8, $0x3082, v25  }
0x58: {  	v26 =	vsel vm8, $0x3282, v26;
	v27 =	vsel vm8, $0x3482, v27;
	v28 =	vsel vm8, $0x3682, v28  }
0x59: {  	v29 =	vsel vm8, $0x3882, v29;
	v30 =	vsel vm8, $0x3A82, v30;
	v31 =	vsel vm8, $0x3C82, v31  }
0x5a: {  	v32 =	vsel vm8, $0x3E82, v32;
	v1 =	vsel vm7, $0x283, v1;
	v0 =	vsel vm5, $0x101, v0  }
0x5b: {  	v4 =	vsel vm7, $0x683, v4;
	v5 =	vsel vm7, $0x883, v5;
	v6 =	vsel vm7, $0xA83, v6  }
0x5c: {  	v7 =	vsel vm7, $0xC83, v7;
	v8 =	vsel vm7, $0xE83, v8;
	v9 =	vsel vm7, $0x1083, v9  }
0x5d: {  	v10 =	vsel vm7, $0x1283, v10;
	v11 =	vsel vm7, $0x1483, v11;
	v12 =	vsel vm7, $0x1683, v12  }
0x5e: {  	v13 =	vsel vm7, $0x1883, v13;
	v14 =	vsel vm7, $0x1A83, v14;
	v15 =	vsel vm7, $0x1C83, v15  }
0x5f: {  	v16 =	vsel vm7, $0x1E83, v16;
	v17 =	vsel vm7, $0x2083, v17;
	v18 =	vsel vm7, $0x2283, v18  }
0x60: {  	v19 =	vsel vm7, $0x2483, v19;
	v20 =	vsel vm7, $0x2683, v20;
	v21 =	vsel vm7, $0x2883, v21  }
0x61: {  	v22 =	vsel vm7, $0x2A83, v22;
	v23 =	vsel vm7, $0x2C83, v23;
	v24 =	vsel vm7, $0x2E83, v24  }
0x62: {  	v25 =	vsel vm7, $0x3083, v25;
	v26 =	vsel vm7, $0x3283, v26;
	v27 =	vsel vm7, $0x3483, v27  }
0x63: {  	v28 =	vsel vm7, $0x3683, v28;
	v29 =	vsel vm7, $0x3883, v29;
	v30 =	vsel vm7, $0x3A83, v30  }
0x64: {  	v31 =	vsel vm7, $0x3C83, v31;
	v32 =	vsel vm7, $0x3E83, v32;
	v1 =	vsel vm6, $0x300, v1  }
0x65: {  	v0 =	vsel vm4, $0x102, v0;
	v4 =	vsel vm6, $0x700, v4;
	v5 =	vsel vm6, $0x900, v5  }
0x66: {  	v6 =	vsel vm6, $0xB00, v6;
	v7 =	vsel vm6, $0xD00, v7;
	v8 =	vsel vm6, $0xF00, v8  }
0x67: {  	v9 =	vsel vm6, $0x1100, v9;
	v10 =	vsel vm6, $0x1300, v10;
	v11 =	vsel vm6, $0x1500, v11  }
0x68: {  	v12 =	vsel vm6, $0x1700, v12;
	v13 =	vsel vm6, $0x1900, v13;
	v14 =	vsel vm6, $0x1B00, v14  }
0x69: {  	v15 =	vsel vm6, $0x1D00, v15;
	v16 =	vsel vm6, $0x1F00, v16;
	v17 =	vsel vm6, $0x2100, v17  }
0x6a: {  	v18 =	vsel vm6, $0x2300, v18;
	v19 =	vsel vm6, $0x2500, v19;
	v20 =	vsel vm6, $0x2700, v20  }
0x6b: {  	v21 =	vsel vm6, $0x2900, v21;
	v22 =	vsel vm6, $0x2B00, v22;
	v23 =	vsel vm6, $0x2D00, v23  }
0x6c: {  	v24 =	vsel vm6, $0x2F00, v24;
	v25 =	vsel vm6, $0x3100, v25;
	v26 =	vsel vm6, $0x3300, v26  }
0x6d: {  	v27 =	vsel vm6, $0x3500, v27;
	v28 =	vsel vm6, $0x3700, v28;
	v29 =	vsel vm6, $0x3900, v29  }
0x6e: {  	v30 =	vsel vm6, $0x3B00, v30;
	v31 =	vsel vm6, $0x3D00, v31;
	v32 =	vsel vm6, $0x3F00, v32  }
0x6f: {  	v1 =	vsel vm5, $0x301, v1;
	v0 =	vsel vm3, $0x103, v0;
	v4 =	vsel vm5, $0x701, v4  }
0x70: {  	v5 =	vsel vm5, $0x901, v5;
	v6 =	vsel vm5, $0xB01, v6;
	v7 =	vsel vm5, $0xD01, v7  }
0x71: {  	v8 =	vsel vm5, $0xF01, v8;
	v9 =	vsel vm5, $0x1101, v9;
	v10 =	vsel vm5, $0x1301, v10  }
0x72: {  	v11 =	vsel vm5, $0x1501, v11;
	v12 =	vsel vm5, $0x1701, v12;
	v13 =	vsel vm5, $0x1901, v13  }
0x73: {  	v14 =	vsel vm5, $0x1B01, v14;
	v15 =	vsel vm5, $0x1D01, v15;
	v16 =	vsel vm5, $0x1F01, v16  }
0x74: {  	v17 =	vsel vm5, $0x2101, v17;
	v18 =	vsel vm5, $0x2301, v18;
	v19 =	vsel vm5, $0x2501, v19  }
0x75: {  	v20 =	vsel vm5, $0x2701, v20;
	v21 =	vsel vm5, $0x2901, v21;
	v22 =	vsel vm5, $0x2B01, v22  }
0x76: {  	v23 =	vsel vm5, $0x2D01, v23;
	v24 =	vsel vm5, $0x2F01, v24;
	v25 =	vsel vm5, $0x3101, v25  }
0x77: {  	v26 =	vsel vm5, $0x3301, v26;
	v27 =	vsel vm5, $0x3501, v27;
	v28 =	vsel vm5, $0x3701, v28  }
0x78: {  	v29 =	vsel vm5, $0x3901, v29;
	v30 =	vsel vm5, $0x3B01, v30;
	v31 =	vsel vm5, $0x3D01, v31  }
0x79: {  	v32 =	vsel vm5, $0x3F01, v32;
	v1 =	vsel vm4, $0x302, v1;
	v0 =	vsel vm2, $0x180, v0  }
0x7a: {  	v4 =	vsel vm4, $0x702, v4;
	v5 =	vsel vm4, $0x902, v5;
	v6 =	vsel vm4, $0xB02, v6  }
0x7b: {  	v7 =	vsel vm4, $0xD02, v7;
	v8 =	vsel vm4, $0xF02, v8;
	v9 =	vsel vm4, $0x1102, v9  }
0x7c: {  	v10 =	vsel vm4, $0x1302, v10;
	v11 =	vsel vm4, $0x1502, v11;
	v12 =	vsel vm4, $0x1702, v12  }
0x7d: {  	v13 =	vsel vm4, $0x1902, v13;
	v14 =	vsel vm4, $0x1B02, v14;
	v15 =	vsel vm4, $0x1D02, v15  }
0x7e: {  	v16 =	vsel vm4, $0x1F02, v16;
	v17 =	vsel vm4, $0x2102, v17;
	v18 =	vsel vm4, $0x2302, v18  }
0x7f: {  	v19 =	vsel vm4, $0x2502, v19;
	v20 =	vsel vm4, $0x2702, v20;
	v21 =	vsel vm4, $0x2902, v21  }
0x80: {  	v22 =	vsel vm4, $0x2B02, v22;
	v23 =	vsel vm4, $0x2D02, v23;
	v24 =	vsel vm4, $0x2F02, v24  }
0x81: {  	v25 =	vsel vm4, $0x3102, v25;
	v26 =	vsel vm4, $0x3302, v26;
	v27 =	vsel vm4, $0x3502, v27  }
0x82: {  	v28 =	vsel vm4, $0x3702, v28;
	v29 =	vsel vm4, $0x3902, v29;
	v30 =	vsel vm4, $0x3B02, v30  }
0x83: {  	v31 =	vsel vm4, $0x3D02, v31;
	v32 =	vsel vm4, $0x3F02, v32;
	v1 =	vsel vm3, $0x303, v1  }
0x84: {  	v2 =	vsel vm15, $0x181, v0;
	v0 =	vimm.f32 $0.0e+00;
	v4 =	vsel vm3, $0x703, v4  }
0x85: {  	v5 =	vsel vm3, $0x903, v5;
	v6 =	vsel vm3, $0xB03, v6;
	v7 =	vsel vm3, $0xD03, v7  }
0x86: {  	v8 =	vsel vm3, $0xF03, v8;
	v9 =	vsel vm3, $0x1103, v9;
	v10 =	vsel vm3, $0x1303, v10  }
0x87: {  	v11 =	vsel vm3, $0x1503, v11;
	v12 =	vsel vm3, $0x1703, v12;
	v13 =	vsel vm3, $0x1903, v13  }
0x88: {  	v14 =	vsel vm3, $0x1B03, v14;
	v15 =	vsel vm3, $0x1D03, v15;
	v16 =	vsel vm3, $0x1F03, v16  }
0x89: {  	v17 =	vsel vm3, $0x2103, v17;
	v18 =	vsel vm3, $0x2303, v18;
	v19 =	vsel vm3, $0x2503, v19  }
0x8a: {  	v20 =	vsel vm3, $0x2703, v20;
	v21 =	vsel vm3, $0x2903, v21;
	v22 =	vsel vm3, $0x2B03, v22  }
0x8b: {  	v23 =	vsel vm3, $0x2D03, v23;
	v24 =	vsel vm3, $0x2F03, v24;
	v25 =	vsel vm3, $0x3103, v25  }
0x8c: {  	v26 =	vsel vm3, $0x3303, v26;
	v27 =	vsel vm3, $0x3503, v27;
	v28 =	vsel vm3, $0x3703, v28  }
0x8d: {  	v29 =	vsel vm3, $0x3903, v29;
	v30 =	vsel vm3, $0x3B03, v30;
	v31 =	vsel vm3, $0x3D03, v31  }
0x8e: {  	v32 =	vsel vm3, $0x3F03, v32;
	v1 =	vsel vm2, $0x380, v1;
	v4 =	vsel vm2, $0x780, v4  }
0x8f: {  	v5 =	vsel vm2, $0x980, v5;
	v6 =	vsel vm2, $0xB80, v6;
	v7 =	vsel vm2, $0xD80, v7  }
0x90: {  	v8 =	vsel vm2, $0xF80, v8;
	v9 =	vsel vm2, $0x1180, v9;
	v10 =	vsel vm2, $0x1380, v10  }
0x91: {  	v11 =	vsel vm2, $0x1580, v11;
	v12 =	vsel vm2, $0x1780, v12;
	v13 =	vsel vm2, $0x1980, v13  }
0x92: {  	v14 =	vsel vm2, $0x1B80, v14;
	v15 =	vsel vm2, $0x1D80, v15;
	v16 =	vsel vm2, $0x1F80, v16  }
0x93: {  	v17 =	vsel vm2, $0x2180, v17;
	v18 =	vsel vm2, $0x2380, v18;
	v19 =	vsel vm2, $0x2580, v19  }
0x94: {  	v20 =	vsel vm2, $0x2780, v20;
	v21 =	vsel vm2, $0x2980, v21;
	v22 =	vsel vm2, $0x2B80, v22  }
0x95: {  	v23 =	vsel vm2, $0x2D80, v23;
	v24 =	vsel vm2, $0x2F80, v24;
	v25 =	vsel vm2, $0x3180, v25  }
0x96: {  	v26 =	vsel vm2, $0x3380, v26;
	v27 =	vsel vm2, $0x3580, v27;
	v28 =	vsel vm2, $0x3780, v28  }
0x97: {  	v29 =	vsel vm2, $0x3980, v29;
	v30 =	vsel vm2, $0x3B80, v30;
	v31 =	vsel vm2, $0x3D80, v31  }
0x98: {  	v32 =	vsel vm2, $0x3F80, v32;
	v3 =	vsel vm15, $0x381, v1;
	v1 =	vsel vm1, $0x182, v2  }
0x99: {  	v4 =	vsel vm15, $0x781, v4;
	v5 =	vsel vm15, $0x981, v5;
	v6 =	vsel vm15, $0xB81, v6  }
0x9a: {  	v7 =	vsel vm15, $0xD81, v7;
	v8 =	vsel vm15, $0xF81, v8;
	v9 =	vsel vm15, $0x1181, v9  }
0x9b: {  	v10 =	vsel vm15, $0x1381, v10;
	v11 =	vsel vm15, $0x1581, v11;
	v12 =	vsel vm15, $0x1781, v12  }
0x9c: {  	s5 =	rddreg [dreg:$0x0];
	v13 =	vsel vm15, $0x1981, v13;
	v14 =	vsel vm15, $0x1B81, v14;
	v15 =	vsel vm15, $0x1D81, v15  }
0x9d: {  	s1 =	rddreg [dreg:$0x1];
	v16 =	vsel vm15, $0x1F81, v16;
	v17 =	vsel vm15, $0x2181, v17;
	v18 =	vsel vm15, $0x2381, v18  }
0x9e: {  	s0 =	rddreg [dreg:$0x2];
	v19 =	vsel vm15, $0x2581, v19;
	v20 =	vsel vm15, $0x2781, v20;
	v21 =	vsel vm15, $0x2981, v21  }
0x9f: {  	s2 =	simm.s32 $0x0;
	s4 =	srdreg.scid;
	s3 =	stileid.u32;
	v22 =	vsel vm15, $0x2B81, v22;
	v23 =	vsel vm15, $0x2D81, v23;
	v24 =	vsel vm15, $0x2F81, v24  }
0xa0: {  	s22 =	simm.s32 $0x2;
	s23 =	simm.s32 $0x80;
	[smem:$0x7FF] =	sst s2;
	v25 =	vsel vm15, $0x3181, v25;
	v26 =	vsel vm15, $0x3381, v26;
	v27 =	vsel vm15, $0x3581, v27  }
0xa1: {  	s15 =	sand.u32 $0x1, s4;
	s24 =	sshll.u32 s3, $0x7;
	s6 =	sshll.u32 s3, $0x5;
	v28 =	vsel vm15, $0x3781, v28;
	v29 =	vsel vm15, $0x3981, v29;
	v30 =	vsel vm15, $0x3B81, v30  }
0xa2: {  	p0 =	seq.s32 s3, $0x0;
	s4 =	simm.s32 $0x28;
	s9 =	smul.u32 $0x13880, s3;
	v31 =	vsel vm15, $0x3D81, v31;
	v2 =	vsel vm1, $0x382, v3;
	v3 =	vimm.s32 $0x583  }
0xa3: {  	s14 =	sadd.s32 $0xDF200, s5;
	_ =	strace $0x80000050;
	s7 =	ssub.s32 $0x2, s15;
	v32 =	vsel vm15, $0x3F81, v32;
	v4 =	vsel vm1, $0x782, v4;
	v3 =	vsel vm14, $0x400, v3  }
0xa4: {  	s16 =	sadd.s32 s24, s5;
	s17 =	sadd.s32 s6, s5;
	s4 =	simm.s32 @!p0 $0x27;
	v5 =	vsel vm1, $0x982, v5;
	v6 =	vsel vm1, $0xB82, v6;
	v3 =	vsel vm13, $0x401, v3  }
0xa5: {  	s12 =	smul.u32 $0x138800, s15;
	s29 =	sshll.u32 s15, $0x4;
	s30 =	sshll.u32 s15, $0x6;
	v7 =	vsel vm1, $0xD82, v7;
	v8 =	vsel vm1, $0xF82, v8;
	v3 =	vsel vm12, $0x402, v3  }
0xa6: {  	s24 =	simm.s32 $0x0;
	s25 =	sshrl.u32 s7, $0x1;
	s5 =	sadd.s32 s9, s1;
	v9 =	vsel vm1, $0x1182, v9;
	v10 =	vsel vm1, $0x1382, v10;
	v3 =	vsel vm11, $0x403, v3  }
0xa7: {  	s10 =	sadd.s32 $0x4000, s9;
	s13 =	sadd.s32 $0x8000, s9;
	s19 =	sadd.s32 $0xC000, s9;
	v11 =	vsel vm1, $0x1582, v11;
	v12 =	vsel vm1, $0x1782, v12;
	v3 =	vsel vm10, $0x480, v3  }
0xa8: {  	s20 =	sadd.s32 $0x10000, s9;
	s17 =	sadd.s32 s29, s17;
	s31 =	sadd.s32 s30, s16;
	v13 =	vsel vm1, $0x1982, v13;
	v14 =	vsel vm1, $0x1B82, v14;
	v3 =	vsel vm9, $0x481, v3  }
0xa9: {  	s18 =	ssub.s32 s7, s25;
	s6 =	sadd.s32 s10, s1;
	s7 =	sadd.s32 s13, s1;
	v15 =	vsel vm1, $0x1D82, v15;
	v16 =	vsel vm1, $0x1F82, v16;
	v3 =	vsel vm8, $0x482, v3  }
0xaa: {  	s8 =	sadd.s32 s19, s1;
	s11 =	sadd.s32 s9, s12;
	s21 =	sadd.s32 s12, s10;
	v17 =	vsel vm1, $0x2182, v17;
	v18 =	vsel vm1, $0x2382, v18;
	v3 =	vsel vm7, $0x483, v3  }
0xab: {  	s9 =	sadd.s32 s20, s1;
	s13 =	sadd.s32 s12, s13;
	s19 =	sadd.s32 s12, s19;
	v19 =	vsel vm1, $0x2582, v19;
	v20 =	vsel vm1, $0x2782, v20;
	v3 =	vsel vm6, $0x500, v3  }
0xac: {  	s20 =	sadd.s32 s12, s20;
	s16 =	sadd.s32 $0xAA00, s17;
	s17 =	sadd.s32 $0x2F400, s31;
	v21 =	vsel vm1, $0x2982, v21;
	v22 =	vsel vm1, $0x2B82, v22;
	v3 =	vsel vm5, $0x501, v3  }
0xad: {  	s11 =	sshrl.u32 s11, $0x3;
	s26 =	sshrl.u32 s21, $0x3;
	s13 =	sshrl.u32 s13, $0x3;
	v23 =	vsel vm1, $0x2D82, v23;
	v32 =	vsel vm1, $0x3F82, v32;
	v3 =	vsel vm4, $0x502, v3  }
0xae: {  	s19 =	sshrl.u32 s19, $0x3;
	s28 =	sshrl.u32 s20, $0x3;
	s15 =	smax.u32 s18, $0x1;
	v24 =	vsel vm1, $0x2F82, v24;
	v25 =	vsel vm1, $0x3182, v25;
	v3 =	vsel vm3, $0x503, v3  }
0xaf: {  	s18 =	simm.s32 $0x280;
	s20 =	simm.s32 $0x200;
	s21 =	simm.s32 $0x1;
	v26 =	vsel vm1, $0x3382, v26;
	v27 =	vsel vm1, $0x3582, v27;
	v3 =	vsel vm2, $0x580, v3  }
0xb0: {  	s10 =	sadd.s32 s14, s11;
	s11 =	sadd.s32 s14, s26;
	s12 =	sadd.s32 s14, s13;
	v28 =	vsel vm1, $0x3782, v28;
	v29 =	vsel vm1, $0x3982, v29;
	v3 =	vsel vm15, $0x581, v3  }
0xb1: {  	s13 =	sadd.s32 s14, s19;
	s14 =	sadd.s32 s14, s28;
	s19 =	simm.s32 $0x3;
	v30 =	vsel vm1, $0x3B82, v30;
	v31 =	vsel vm1, $0x3D82, v31;
	v3 =	vsel vm1, $0x582, v3  }
.LBB2_1:
0xb2: {  	s25 =	simm.s32 $0x10;
	s26 =	sand.u32 $0x3FF0, s2  }
.LBB2_2:
0xb3: {  	p0 =	sne.s32 s25, $0x3FF0;
	[tilespmem:s26+$0x280] =	vst v0;
	s26 =	smov.u32 s25;
	s25 =	sadd.s32 $0x10, s25  }
.Ltmp0:
0xb4: {  	(pc) =	sbr.rel @p0 .LBB2_2-.Ltmp0, $2  }
0xb5: {  	_ =	sdelay $0x2  }
0xb6: {  	s26 =	sand.u32 $0x3FF0, s26  }
0xb7: {  	[tilespmem:s26+$0x280] =	vst v0  }
0xb8: {  	[spmem:s5] =	stream.linear.scatter [tilespmem:s18], [sflag:$0x3], $0x4000, $0x38;
	[tilespmem:$0x17B00] =	vst v63  }
0xb9: {  	_ =	swait.ge [sflag:s19], $0x4000  }
0xba: {  	[sflag:s19] =	ssyncset.done $0x0  }
0xbb: {  	[sflag:s19] =	ssyncadd.s32 $0xFFFFC000  }
0xbc: {  	[spmem:s6] =	stream.linear.scatter [tilespmem:s18], [sflag:$0x3], $0x4000, $0x38;
	[tilespmem:$0x17B00] =	vst v63  }
0xbd: {  	_ =	swait.ge [sflag:s19], $0x4000  }
0xbe: {  	[sflag:s19] =	ssyncset.done $0x0  }
0xbf: {  	[sflag:s19] =	ssyncadd.s32 $0xFFFFC000  }
0xc0: {  	[spmem:s7] =	stream.linear.scatter [tilespmem:s18], [sflag:$0x3], $0x4000, $0x38;
	[tilespmem:$0x17B00] =	vst v63  }
0xc1: {  	_ =	swait.ge [sflag:s19], $0x4000  }
0xc2: {  	[sflag:s19] =	ssyncset.done $0x0  }
0xc3: {  	[sflag:s19] =	ssyncadd.s32 $0xFFFFC000  }
0xc4: {  	[spmem:s8] =	stream.linear.scatter [tilespmem:s18], [sflag:$0x3], $0x4000, $0x38;
	[tilespmem:$0x17B00] =	vst v63  }
0xc5: {  	_ =	swait.ge [sflag:s19], $0x4000  }
0xc6: {  	[sflag:s19] =	ssyncset.done $0x0  }
0xc7: {  	[sflag:s19] =	ssyncadd.s32 $0xFFFFC000  }
0xc8: {  	[spmem:s9] =	stream.linear.scatter [tilespmem:s18], [sflag:$0x3], $0x3880, $0x38;
	[tilespmem:$0x17B00] =	vst v63  }
0xc9: {  	_ =	swait.ge [sflag:s19], $0x3880  }
0xca: {  	[sflag:s19] =	ssyncset.done $0x0  }
0xcb: {  	[sflag:s19] =	ssyncadd.s32 $0xFFFFC780  }
0xcc: {  	[bflag:$0x0] =	sbarrier.arrive $0xFFFF  }
0xcd: {  	[tilespmem:s2], [sflag:$0x1] =	stream.linear.gather [hbm4b:s17+s2], $0x200, $0x38;
	[tilespmem:$0x17B00] =	vst v63  }
0xce: {  	_ = 	snop  }
0xcf: {  	[tilespmem:s20], [sflag:$0x2] =	stream.linear.gather [hbm4b:s16+s2], $0x80, $0x38;
	[tilespmem:$0x17B00] =	vst v63  }
0xd0: {  	_ =	swait.ge [sflag:s21], $0x200  }
0xd1: {  	[sflag:s21] =	ssyncset.done $0x0  }
0xd2: {  	[sflag:s21] =	ssyncadd.s32 $0xFFFFFE00  }
0xd3: {  	v33 =	vld [tilespmem:$0x0];
	_ =	sdelay $0x4  }
0xd4: {  	[tilespmem:v1+s18+$0x0] =	vst.idx.msk $0xffff, v33  }
0xd5: {  	v33 =	vld [tilespmem:$0x10];
	_ =	sdelay $0x4  }
0xd6: {  	[tilespmem:v2+s18+$0x0] =	vst.idx.msk $0xffff, v33  }
0xd7: {  	v33 =	vld [tilespmem:$0x20];
	_ =	sdelay $0x4  }
0xd8: {  	[tilespmem:v3+s18+$0x0] =	vst.idx.msk $0xffff, v33  }
0xd9: {  	v33 =	vld [tilespmem:$0x30];
	_ =	sdelay $0x4  }
0xda: {  	[tilespmem:v4+s18+$0x0] =	vst.idx.msk $0xffff, v33  }
0xdb: {  	v33 =	vld [tilespmem:$0x40];
	_ =	sdelay $0x4  }
0xdc: {  	[tilespmem:v5+s18+$0x0] =	vst.idx.msk $0xffff, v33  }
0xdd: {  	v33 =	vld [tilespmem:$0x50];
	_ =	sdelay $0x4  }
0xde: {  	[tilespmem:v6+s18+$0x0] =	vst.idx.msk $0xffff, v33  }
0xdf: {  	v33 =	vld [tilespmem:$0x60];
	_ =	sdelay $0x4  }
0xe0: {  	[tilespmem:v7+s18+$0x0] =	vst.idx.msk $0xffff, v33  }
0xe1: {  	v33 =	vld [tilespmem:$0x70];
	_ =	sdelay $0x4  }
0xe2: {  	[tilespmem:v8+s18+$0x0] =	vst.idx.msk $0xffff, v33  }
0xe3: {  	v33 =	vld [tilespmem:$0x80];
	_ =	sdelay $0x4  }
0xe4: {  	[tilespmem:v9+s18+$0x0] =	vst.idx.msk $0xffff, v33  }
0xe5: {  	v33 =	vld [tilespmem:$0x90];
	_ =	sdelay $0x4  }
0xe6: {  	[tilespmem:v10+s18+$0x0] =	vst.idx.msk $0xffff, v33  }
0xe7: {  	v33 =	vld [tilespmem:$0xA0];
	_ =	sdelay $0x4  }
0xe8: {  	[tilespmem:v11+s18+$0x0] =	vst.idx.msk $0xffff, v33  }
0xe9: {  	v33 =	vld [tilespmem:$0xB0];
	_ =	sdelay $0x4  }
0xea: {  	[tilespmem:v12+s18+$0x0] =	vst.idx.msk $0xffff, v33  }
0xeb: {  	v33 =	vld [tilespmem:$0xC0];
	_ =	sdelay $0x4  }
0xec: {  	[tilespmem:v13+s18+$0x0] =	vst.idx.msk $0xffff, v33  }
0xed: {  	v33 =	vld [tilespmem:$0xD0];
	_ =	sdelay $0x4  }
0xee: {  	[tilespmem:v14+s18+$0x0] =	vst.idx.msk $0xffff, v33  }
0xef: {  	v33 =	vld [tilespmem:$0xE0];
	_ =	sdelay $0x4  }
0xf0: {  	[tilespmem:v15+s18+$0x0] =	vst.idx.msk $0xffff, v33  }
0xf1: {  	v33 =	vld [tilespmem:$0xF0];
	_ =	sdelay $0x4  }
0xf2: {  	[tilespmem:v16+s18+$0x0] =	vst.idx.msk $0xffff, v33  }
0xf3: {  	v33 =	vld [tilespmem:$0x100];
	_ =	sdelay $0x4  }
0xf4: {  	[tilespmem:v17+s18+$0x0] =	vst.idx.msk $0xffff, v33  }
0xf5: {  	v33 =	vld [tilespmem:$0x110];
	_ =	sdelay $0x4  }
0xf6: {  	[tilespmem:v18+s18+$0x0] =	vst.idx.msk $0xffff, v33  }
0xf7: {  	v33 =	vld [tilespmem:$0x120];
	_ =	sdelay $0x4  }
0xf8: {  	[tilespmem:v19+s18+$0x0] =	vst.idx.msk $0xffff, v33  }
0xf9: {  	v33 =	vld [tilespmem:$0x130];
	_ =	sdelay $0x4  }
0xfa: {  	[tilespmem:v20+s18+$0x0] =	vst.idx.msk $0xffff, v33  }
0xfb: {  	v33 =	vld [tilespmem:$0x140];
	_ =	sdelay $0x4  }
0xfc: {  	[tilespmem:v21+s18+$0x0] =	vst.idx.msk $0xffff, v33  }
0xfd: {  	v33 =	vld [tilespmem:$0x150];
	_ =	sdelay $0x4  }
0xfe: {  	[tilespmem:v22+s18+$0x0] =	vst.idx.msk $0xffff, v33  }
0xff: {  	v33 =	vld [tilespmem:$0x160];
	_ =	sdelay $0x4  }
0x100: {  	[tilespmem:v23+s18+$0x0] =	vst.idx.msk $0xffff, v33  }
0x101: {  	v33 =	vld [tilespmem:$0x170];
	_ =	sdelay $0x4  }
0x102: {  	[tilespmem:v24+s18+$0x0] =	vst.idx.msk $0xffff, v33  }
0x103: {  	v33 =	vld [tilespmem:$0x180];
	_ =	sdelay $0x4  }
0x104: {  	[tilespmem:v25+s18+$0x0] =	vst.idx.msk $0xffff, v33  }
0x105: {  	v33 =	vld [tilespmem:$0x190];
	_ =	sdelay $0x4  }
0x106: {  	[tilespmem:v26+s18+$0x0] =	vst.idx.msk $0xffff, v33  }
0x107: {  	v33 =	vld [tilespmem:$0x1A0];
	_ =	sdelay $0x4  }
0x108: {  	[tilespmem:v27+s18+$0x0] =	vst.idx.msk $0xffff, v33  }
0x109: {  	v33 =	vld [tilespmem:$0x1B0];
	_ =	sdelay $0x4  }
0x10a: {  	[tilespmem:v28+s18+$0x0] =	vst.idx.msk $0xffff, v33  }
0x10b: {  	v33 =	vld [tilespmem:$0x1C0];
	_ =	sdelay $0x4  }
0x10c: {  	[tilespmem:v29+s18+$0x0] =	vst.idx.msk $0xffff, v33  }
0x10d: {  	v33 =	vld [tilespmem:$0x1D0];
	_ =	sdelay $0x4  }
0x10e: {  	[tilespmem:v30+s18+$0x0] =	vst.idx.msk $0xffff, v33  }
0x10f: {  	v33 =	vld [tilespmem:$0x1E0];
	_ =	sdelay $0x4  }
0x110: {  	[tilespmem:v31+s18+$0x0] =	vst.idx.msk $0xffff, v33  }
0x111: {  	v33 =	vld [tilespmem:$0x1F0];
	_ =	sdelay $0x4  }
0x112: {  	[tilespmem:v32+s18+$0x0] =	vst.idx.msk $0xffff, v33  }
0x113: {  	_ =	swait.ge [sflag:s22], $0x80  }
0x114: {  	[sflag:s22] =	ssyncset.done $0x0  }
0x115: {  	[sflag:s22] =	ssyncadd.s32 $0xFFFFFF80  }
0x116: {  	[spmem:s1] =	stream.indirect.scatter.add.f32 [tilespmem:s18], [sflag:$0x3], $0x80, s20, s23, $0xb8;
	[tilespmem:$0x17B00] =	vst v63  }
0x117: {  	_ =	swait.ge [sflag:s19], $0x4000  }
0x118: {  	[sflag:s19] =	ssyncset.done $0x0  }
0x119: {  	[sflag:s19] =	ssyncadd.s32 $0xFFFFC000  }
0x11a: {  	[tilespmem:v1+s18+$0x0] =	vst.idx.msk $0xffff, v0  }
0x11b: {  	[tilespmem:v2+s18+$0x0] =	vst.idx.msk $0xffff, v0  }
0x11c: {  	[tilespmem:v3+s18+$0x0] =	vst.idx.msk $0xffff, v0  }
0x11d: {  	[tilespmem:v4+s18+$0x0] =	vst.idx.msk $0xffff, v0  }
0x11e: {  	[tilespmem:v5+s18+$0x0] =	vst.idx.msk $0xffff, v0  }
0x11f: {  	[tilespmem:v6+s18+$0x0] =	vst.idx.msk $0xffff, v0  }
0x120: {  	[tilespmem:v7+s18+$0x0] =	vst.idx.msk $0xffff, v0  }
0x121: {  	[tilespmem:v8+s18+$0x0] =	vst.idx.msk $0xffff, v0  }
0x122: {  	[tilespmem:v9+s18+$0x0] =	vst.idx.msk $0xffff, v0  }
0x123: {  	[tilespmem:v10+s18+$0x0] =	vst.idx.msk $0xffff, v0  }
0x124: {  	[tilespmem:v11+s18+$0x0] =	vst.idx.msk $0xffff, v0  }
0x125: {  	[tilespmem:v12+s18+$0x0] =	vst.idx.msk $0xffff, v0  }
0x126: {  	[tilespmem:v13+s18+$0x0] =	vst.idx.msk $0xffff, v0  }
0x127: {  	[tilespmem:v14+s18+$0x0] =	vst.idx.msk $0xffff, v0  }
0x128: {  	[tilespmem:v15+s18+$0x0] =	vst.idx.msk $0xffff, v0  }
0x129: {  	[tilespmem:v16+s18+$0x0] =	vst.idx.msk $0xffff, v0  }
0x12a: {  	[tilespmem:v17+s18+$0x0] =	vst.idx.msk $0xffff, v0  }
0x12b: {  	[tilespmem:v18+s18+$0x0] =	vst.idx.msk $0xffff, v0  }
0x12c: {  	[tilespmem:v19+s18+$0x0] =	vst.idx.msk $0xffff, v0  }
0x12d: {  	[tilespmem:v20+s18+$0x0] =	vst.idx.msk $0xffff, v0  }
0x12e: {  	[tilespmem:v21+s18+$0x0] =	vst.idx.msk $0xffff, v0  }
0x12f: {  	[tilespmem:v22+s18+$0x0] =	vst.idx.msk $0xffff, v0  }
0x130: {  	[tilespmem:v23+s18+$0x0] =	vst.idx.msk $0xffff, v0  }
0x131: {  	[tilespmem:v24+s18+$0x0] =	vst.idx.msk $0xffff, v0  }
0x132: {  	[tilespmem:v25+s18+$0x0] =	vst.idx.msk $0xffff, v0  }
0x133: {  	p0 =	sne.s32 s4, $0x1;
	[tilespmem:v26+s18+$0x0] =	vst.idx.msk $0xffff, v0  }
.Ltmp1:
0x134: {  	[tilespmem:v27+s18+$0x0] =	vst.idx.msk $0xffff, v0;
	(pc) =	sbr.rel @!p0 .LBB2_5-.Ltmp1, $4  }
0x135: {  	[tilespmem:v28+s18+$0x0] =	vst.idx.msk $0xffff, v0  }
0x136: {  	[tilespmem:v29+s18+$0x0] =	vst.idx.msk $0xffff, v0  }
0x137: {  	[tilespmem:v30+s18+$0x0] =	vst.idx.msk $0xffff, v0  }
0x138: {  	s25 =	sadd.s32 $0xFFFFFFFF, s4;
	s26 =	smov.u32 s16;
	s28 =	smov.u32 s17;
	[tilespmem:v31+s18+$0x0] =	vst.idx.msk $0xffff, v0  }
.LBB2_4:
0x139: {  	p0 =	sne.s32 s25, $0x1;
	[tilespmem:v32+s18+$0x0] =	vst.idx.msk $0xffff, v0;
	s26 =	sadd.s32 $0x200, s26;
	s28 =	sadd.s32 $0x800, s28  }
0x13a: {  	[tilespmem:s2], [sflag:$0x1] =	stream.linear.gather [hbm4b:s28+s2], $0x200, $0x38;
	[tilespmem:$0x17B00] =	vst v63  }
0x13b: {  	s25 =	sadd.s32 $0xFFFFFFFF, s25  }
0x13c: {  	[tilespmem:s20], [sflag:$0x2] =	stream.linear.gather [hbm4b:s26+s2], $0x80, $0x38;
	[tilespmem:$0x17B00] =	vst v63  }
0x13d: {  	_ =	swait.ge [sflag:s21], $0x200  }
0x13e: {  	[sflag:s21] =	ssyncset.done $0x0  }
0x13f: {  	[sflag:s21] =	ssyncadd.s32 $0xFFFFFE00  }
0x140: {  	v33 =	vld [tilespmem:$0x0];
	_ =	sdelay $0x4  }
0x141: {  	[tilespmem:v1+s18+$0x0] =	vst.idx.msk $0xffff, v33  }
0x142: {  	v33 =	vld [tilespmem:$0x10];
	_ =	sdelay $0x4  }
0x143: {  	[tilespmem:v2+s18+$0x0] =	vst.idx.msk $0xffff, v33  }
0x144: {  	v33 =	vld [tilespmem:$0x20];
	_ =	sdelay $0x4  }
0x145: {  	[tilespmem:v3+s18+$0x0] =	vst.idx.msk $0xffff, v33  }
0x146: {  	v33 =	vld [tilespmem:$0x30];
	_ =	sdelay $0x4  }
0x147: {  	[tilespmem:v4+s18+$0x0] =	vst.idx.msk $0xffff, v33  }
0x148: {  	v33 =	vld [tilespmem:$0x40];
	_ =	sdelay $0x4  }
0x149: {  	[tilespmem:v5+s18+$0x0] =	vst.idx.msk $0xffff, v33  }
0x14a: {  	v33 =	vld [tilespmem:$0x50];
	_ =	sdelay $0x4  }
0x14b: {  	[tilespmem:v6+s18+$0x0] =	vst.idx.msk $0xffff, v33  }
0x14c: {  	v33 =	vld [tilespmem:$0x60];
	_ =	sdelay $0x4  }
0x14d: {  	[tilespmem:v7+s18+$0x0] =	vst.idx.msk $0xffff, v33  }
0x14e: {  	v33 =	vld [tilespmem:$0x70];
	_ =	sdelay $0x4  }
0x14f: {  	[tilespmem:v8+s18+$0x0] =	vst.idx.msk $0xffff, v33  }
0x150: {  	v33 =	vld [tilespmem:$0x80];
	_ =	sdelay $0x4  }
0x151: {  	[tilespmem:v9+s18+$0x0] =	vst.idx.msk $0xffff, v33  }
0x152: {  	v33 =	vld [tilespmem:$0x90];
	_ =	sdelay $0x4  }
0x153: {  	[tilespmem:v10+s18+$0x0] =	vst.idx.msk $0xffff, v33  }
0x154: {  	v33 =	vld [tilespmem:$0xA0];
	_ =	sdelay $0x4  }
0x155: {  	[tilespmem:v11+s18+$0x0] =	vst.idx.msk $0xffff, v33  }
0x156: {  	v33 =	vld [tilespmem:$0xB0];
	_ =	sdelay $0x4  }
0x157: {  	[tilespmem:v12+s18+$0x0] =	vst.idx.msk $0xffff, v33  }
0x158: {  	v33 =	vld [tilespmem:$0xC0];
	_ =	sdelay $0x4  }
0x159: {  	[tilespmem:v13+s18+$0x0] =	vst.idx.msk $0xffff, v33  }
0x15a: {  	v33 =	vld [tilespmem:$0xD0];
	_ =	sdelay $0x4  }
0x15b: {  	[tilespmem:v14+s18+$0x0] =	vst.idx.msk $0xffff, v33  }
0x15c: {  	v33 =	vld [tilespmem:$0xE0];
	_ =	sdelay $0x4  }
0x15d: {  	[tilespmem:v15+s18+$0x0] =	vst.idx.msk $0xffff, v33  }
0x15e: {  	v33 =	vld [tilespmem:$0xF0];
	_ =	sdelay $0x4  }
0x15f: {  	[tilespmem:v16+s18+$0x0] =	vst.idx.msk $0xffff, v33  }
0x160: {  	v33 =	vld [tilespmem:$0x100];
	_ =	sdelay $0x4  }
0x161: {  	[tilespmem:v17+s18+$0x0] =	vst.idx.msk $0xffff, v33  }
0x162: {  	v33 =	vld [tilespmem:$0x110];
	_ =	sdelay $0x4  }
0x163: {  	[tilespmem:v18+s18+$0x0] =	vst.idx.msk $0xffff, v33  }
0x164: {  	v33 =	vld [tilespmem:$0x120];
	_ =	sdelay $0x4  }
0x165: {  	[tilespmem:v19+s18+$0x0] =	vst.idx.msk $0xffff, v33  }
0x166: {  	v33 =	vld [tilespmem:$0x130];
	_ =	sdelay $0x4  }
0x167: {  	[tilespmem:v20+s18+$0x0] =	vst.idx.msk $0xffff, v33  }
0x168: {  	v33 =	vld [tilespmem:$0x140];
	_ =	sdelay $0x4  }
0x169: {  	[tilespmem:v21+s18+$0x0] =	vst.idx.msk $0xffff, v33  }
0x16a: {  	v33 =	vld [tilespmem:$0x150];
	_ =	sdelay $0x4  }
0x16b: {  	[tilespmem:v22+s18+$0x0] =	vst.idx.msk $0xffff, v33  }
0x16c: {  	v33 =	vld [tilespmem:$0x160];
	_ =	sdelay $0x4  }
0x16d: {  	[tilespmem:v23+s18+$0x0] =	vst.idx.msk $0xffff, v33  }
0x16e: {  	v33 =	vld [tilespmem:$0x170];
	_ =	sdelay $0x4  }
0x16f: {  	[tilespmem:v24+s18+$0x0] =	vst.idx.msk $0xffff, v33  }
0x170: {  	v33 =	vld [tilespmem:$0x180];
	_ =	sdelay $0x4  }
0x171: {  	[tilespmem:v25+s18+$0x0] =	vst.idx.msk $0xffff, v33  }
0x172: {  	v33 =	vld [tilespmem:$0x190];
	_ =	sdelay $0x4  }
0x173: {  	[tilespmem:v26+s18+$0x0] =	vst.idx.msk $0xffff, v33  }
0x174: {  	v33 =	vld [tilespmem:$0x1A0];
	_ =	sdelay $0x4  }
0x175: {  	[tilespmem:v27+s18+$0x0] =	vst.idx.msk $0xffff, v33  }
0x176: {  	v33 =	vld [tilespmem:$0x1B0];
	_ =	sdelay $0x4  }
0x177: {  	[tilespmem:v28+s18+$0x0] =	vst.idx.msk $0xffff, v33  }
0x178: {  	v33 =	vld [tilespmem:$0x1C0];
	_ =	sdelay $0x4  }
0x179: {  	[tilespmem:v29+s18+$0x0] =	vst.idx.msk $0xffff, v33  }
0x17a: {  	v33 =	vld [tilespmem:$0x1D0];
	_ =	sdelay $0x4  }
0x17b: {  	[tilespmem:v30+s18+$0x0] =	vst.idx.msk $0xffff, v33  }
0x17c: {  	v33 =	vld [tilespmem:$0x1E0];
	_ =	sdelay $0x4  }
0x17d: {  	[tilespmem:v31+s18+$0x0] =	vst.idx.msk $0xffff, v33  }
0x17e: {  	v33 =	vld [tilespmem:$0x1F0];
	_ =	sdelay $0x4  }
0x17f: {  	[tilespmem:v32+s18+$0x0] =	vst.idx.msk $0xffff, v33  }
0x180: {  	_ =	swait.ge [sflag:s22], $0x80  }
0x181: {  	[sflag:s22] =	ssyncset.done $0x0  }
0x182: {  	[sflag:s22] =	ssyncadd.s32 $0xFFFFFF80  }
0x183: {  	[spmem:s1] =	stream.indirect.scatter.add.f32 [tilespmem:s18], [sflag:$0x3], $0x80, s20, s23, $0xb8;
	[tilespmem:$0x17B00] =	vst v63  }
0x184: {  	_ =	swait.ge [sflag:s19], $0x4000  }
0x185: {  	[sflag:s19] =	ssyncset.done $0x0  }
0x186: {  	[sflag:s19] =	ssyncadd.s32 $0xFFFFC000  }
0x187: {  	[tilespmem:v1+s18+$0x0] =	vst.idx.msk $0xffff, v0  }
0x188: {  	[tilespmem:v2+s18+$0x0] =	vst.idx.msk $0xffff, v0  }
0x189: {  	[tilespmem:v3+s18+$0x0] =	vst.idx.msk $0xffff, v0  }
0x18a: {  	[tilespmem:v4+s18+$0x0] =	vst.idx.msk $0xffff, v0  }
0x18b: {  	[tilespmem:v5+s18+$0x0] =	vst.idx.msk $0xffff, v0  }
0x18c: {  	[tilespmem:v6+s18+$0x0] =	vst.idx.msk $0xffff, v0  }
0x18d: {  	[tilespmem:v7+s18+$0x0] =	vst.idx.msk $0xffff, v0  }
0x18e: {  	[tilespmem:v8+s18+$0x0] =	vst.idx.msk $0xffff, v0  }
0x18f: {  	[tilespmem:v9+s18+$0x0] =	vst.idx.msk $0xffff, v0  }
0x190: {  	[tilespmem:v10+s18+$0x0] =	vst.idx.msk $0xffff, v0  }
0x191: {  	[tilespmem:v11+s18+$0x0] =	vst.idx.msk $0xffff, v0  }
0x192: {  	[tilespmem:v12+s18+$0x0] =	vst.idx.msk $0xffff, v0  }
0x193: {  	[tilespmem:v13+s18+$0x0] =	vst.idx.msk $0xffff, v0  }
0x194: {  	[tilespmem:v14+s18+$0x0] =	vst.idx.msk $0xffff, v0  }
0x195: {  	[tilespmem:v15+s18+$0x0] =	vst.idx.msk $0xffff, v0  }
0x196: {  	[tilespmem:v16+s18+$0x0] =	vst.idx.msk $0xffff, v0  }
0x197: {  	[tilespmem:v17+s18+$0x0] =	vst.idx.msk $0xffff, v0  }
0x198: {  	[tilespmem:v18+s18+$0x0] =	vst.idx.msk $0xffff, v0  }
0x199: {  	[tilespmem:v19+s18+$0x0] =	vst.idx.msk $0xffff, v0  }
0x19a: {  	[tilespmem:v20+s18+$0x0] =	vst.idx.msk $0xffff, v0  }
0x19b: {  	[tilespmem:v21+s18+$0x0] =	vst.idx.msk $0xffff, v0  }
0x19c: {  	[tilespmem:v22+s18+$0x0] =	vst.idx.msk $0xffff, v0  }
0x19d: {  	[tilespmem:v23+s18+$0x0] =	vst.idx.msk $0xffff, v0  }
0x19e: {  	[tilespmem:v24+s18+$0x0] =	vst.idx.msk $0xffff, v0  }
0x19f: {  	[tilespmem:v25+s18+$0x0] =	vst.idx.msk $0xffff, v0  }
0x1a0: {  	[tilespmem:v26+s18+$0x0] =	vst.idx.msk $0xffff, v0  }
.Ltmp2:
0x1a1: {  	[tilespmem:v27+s18+$0x0] =	vst.idx.msk $0xffff, v0;
	(pc) =	sbr.rel @p0 .LBB2_4-.Ltmp2, $4  }
0x1a2: {  	[tilespmem:v28+s18+$0x0] =	vst.idx.msk $0xffff, v0  }
0x1a3: {  	[tilespmem:v29+s18+$0x0] =	vst.idx.msk $0xffff, v0  }
0x1a4: {  	[tilespmem:v30+s18+$0x0] =	vst.idx.msk $0xffff, v0  }
0x1a5: {  	[tilespmem:v31+s18+$0x0] =	vst.idx.msk $0xffff, v0  }
.LBB2_5:
0x1a6: {  	_ =	sdelay $0x3  }
0x1a7: {  	[tilespmem:v32+s18+$0x0] =	vst.idx.msk $0xffff, v0;
	s25 =	sshll.u32 s3, $0x6  }
0x1a8: {  	s26 =	sshrl.u32 s5, $0x3;
	[bflag:$0x0] =	sbarrier.arrive $0xFFFF;
	s25 =	sor.u32 $0x1C03, s25  }
0x1a9: {  	[hbm:s10], [sflag:s25] =	dma.local [spmem:s26], $0x800  }
0x1aa: {  	_ =	swait.ge [sflag:s19], $0x800  }
0x1ab: {  	[sflag:s19] =	ssyncset.done $0x0  }
0x1ac: {  	s28 =	sshrl.u32 s6, $0x3;
	[sflag:s19] =	ssyncadd.s32 $0xFFFFF800  }
0x1ad: {  	[hbm:s11], [sflag:s25] =	dma.local [spmem:s28], $0x800  }
0x1ae: {  	_ =	swait.ge [sflag:s19], $0x800  }
0x1af: {  	[sflag:s19] =	ssyncset.done $0x0  }
0x1b0: {  	s29 =	sshrl.u32 s7, $0x3;
	[sflag:s19] =	ssyncadd.s32 $0xFFFFF800  }
0x1b1: {  	[hbm:s12], [sflag:s25] =	dma.local [spmem:s29], $0x800  }
0x1b2: {  	_ =	swait.ge [sflag:s19], $0x800  }
0x1b3: {  	[sflag:s19] =	ssyncset.done $0x0  }
0x1b4: {  	s30 =	sshrl.u32 s8, $0x3;
	[sflag:s19] =	ssyncadd.s32 $0xFFFFF800  }
0x1b5: {  	[hbm:s13], [sflag:s25] =	dma.local [spmem:s30], $0x800  }
0x1b6: {  	s24 =	sadd.s32 $0x1, s24;
	_ =	swait.ge [sflag:s19], $0x800  }
0x1b7: {  	p0 =	sne.s32 s24, s15;
	[sflag:s19] =	ssyncset.done $0x0  }
.Ltmp3:
0x1b8: {  	s31 =	sshrl.u32 s9, $0x3;
	[sflag:s19] =	ssyncadd.s32 $0xFFFFF800;
	(pc) =	sbr.rel @p0 .LBB2_1-.Ltmp3, $4  }
0x1b9: {  	[hbm:s14], [sflag:s25] =	dma.local [spmem:s31], $0x710  }
0x1ba: {  	_ =	swait.ge [sflag:s19], $0x710  }
0x1bb: {  	[sflag:s19] =	ssyncset.done $0x0  }
0x1bc: {  	[sflag:s19] =	ssyncadd.s32 $0xFFFFF8F0  }
0x1bd: {  	_ =	sfence.sel $0x180000  }
0x1be: {  	[bflag:$0x0] =	sbarrier.arrive $0xFFFF  }
0x1bf: {  	p0 =	sne.s32 s3, $0x0;
	_ =	strace $0x90000050  }
0x1c0: {  	s0 =	sadd.s32 @!p0 $0x100000, s0;
	[bflag:$0x2] =	sbarrier.arrive $0xFFFF  }
0x1c1: {  	[sflag:s0] =	ssyncadd.tile.s32 @!p0 $0x1;
	_ =	shalt  }
.Lfunc_end2:
_tile_overlayer_lowered:
.L_overlay_start_2:
0x1c2: {  	(tag) =	ssettag $0x2  }
0x1c3: {  	s0 =	rddreg [dreg:$0x0];
	s2 =	stileid.u32  }
0x1c4: {  	s1 =	rddreg [dreg:$0x1];
	p0 =	sne.s32 s2, $0x0  }
0x1c5: {  	s3 =	rddreg [dreg:$0x2];
	[bflag:$0x3] =	sbarrier.arrive $0xFFFF;
	s2 =	simm.s32 @!p0 $0x1C03  }
0x1c6: {  	[timem:s3], [sflag:s2] =	dma.local @!p0 [hbm:s0], s1  }
0x1c7: {  	s0 =	simm.s32 @!p0 $0x3  }
0x1c8: {  	_ =	swait.ge @!p0 [sflag:s0], s1  }
0x1c9: {  	s1 =	ssub.s32 @!p0 $0x0, s1;
	[sflag:s0] =	ssyncset.done @!p0 $0x0  }
0x1ca: {  	[sflag:s0] =	ssyncadd.s32 @!p0 s1  }
0x1cb: {  	[bflag:$0x3] =	sbarrier.arrive $0xFFFF  }
0x1cc: {  	_ =	shalt  }

</sc_bundles>
